<compile_context>
chip_gen: v7x
topology: tpu7x:2x2x1
jax: 0.10.2.dev20260603
libtpu: 0.0.44.dev20260713+nightly
codegen_flags: <defaults>
</compile_context>

<pallas_src>
import math

import jax
import jax.numpy as jnp
from jax import lax
from jax.experimental import pallas as pl
from jax.experimental.pallas import tpu as pltpu
from jax.experimental.pallas import tpu_sc as plsc

_NUM_LEVELS = 16
_FEATS = 2
_TABLE = 2 ** 19
_MIN_RES = 16
_MAX_RES = 512
_P1 = 1540863
_P2 = 1256879
_P3 = 1957123
_MASK = _TABLE - 1

_growth = math.exp(math.log(_MAX_RES / _MIN_RES) / (_NUM_LEVELS - 1))
_RES = [int(math.floor(_MIN_RES * _growth ** l + 1e-06)) for l in range(_NUM_LEVELS)]

_NC = 2
_NS = 16
_L = 16
_NW = _NC * _NS

_N = 524288
_PPW = _N // _NW
_C = 512
_NCHUNK = _PPW // _C
_G = _C // _L
_TPL = _TABLE * _FEATS
_SLICE = _TPL // _NS


def _body(xs, ys, zs, tab, out, xyz_v, idx_v, w_v, dst_v, outl_v, spm, sem0, sem1, semx, semo0, semo1):
    cid = lax.axis_index("c")
    sid = lax.axis_index("s")
    wid = sid * _NC + cid
    lanes = lax.iota(jnp.int32, _L)
    sems = (sem0, sem1)
    semos = (semo0, semo1)

    def gather_desc(slot, c):
        return pltpu.make_async_copy(
            spm.at[idx_v.at[slot, c]], dst_v.at[slot, c], sems[slot]
        )

    def level_body(lvl, _):
        plsc.subcore_barrier()
        pltpu.sync_copy(
            tab.at[lvl, pl.ds(sid * _SLICE, _SLICE)],
            spm.at[pl.ds(sid * _SLICE, _SLICE)],
        )
        plsc.subcore_barrier()

        lvlvec = jnp.zeros((_L,), jnp.int32) + lvl
        resv = jnp.zeros((_L,), jnp.float32)
        for k in range(_NUM_LEVELS):
            resv = jnp.where(lvlvec == k, jnp.float32(_RES[k]), resv)

        def compute_idx(ci, slot):
            base = wid * _PPW + ci * _C
            d0 = pltpu.make_async_copy(xs.at[pl.ds(base, _C)], xyz_v.at[0], semx)
            d1 = pltpu.make_async_copy(ys.at[pl.ds(base, _C)], xyz_v.at[1], semx)
            d2 = pltpu.make_async_copy(zs.at[pl.ds(base, _C)], xyz_v.at[2], semx)
            d0.start()
            d1.start()
            d2.start()
            d0.wait()
            d1.wait()
            d2.wait()

            def idx_body(g, _):
                pb = g * _L
                x = xyz_v[0, pl.ds(pb, _L)]
                y = xyz_v[1, pl.ds(pb, _L)]
                z = xyz_v[2, pl.ds(pb, _L)]
                px = x * resv
                py = y * resv
                pz = z * resv
                ix = px.astype(jnp.int32)
                iy = py.astype(jnp.int32)
                iz = pz.astype(jnp.int32)
                fx = px - ix.astype(jnp.float32)
                fy = py - iy.astype(jnp.float32)
                fz = pz - iz.astype(jnp.float32)
                hx0 = ix * _P1
                hy0 = iy * _P2
                hz = (iz * _P3, iz * _P3 + _P3)
                hxy = (
                    jnp.bitwise_xor(hx0, hy0),
                    jnp.bitwise_xor(hx0, hy0 + _P2),
                    jnp.bitwise_xor(hx0 + _P1, hy0),
                    jnp.bitwise_xor(hx0 + _P1, hy0 + _P2),
                )
                wx = (1.0 - fx, fx)
                wy = (1.0 - fy, fy)
                wz = (1.0 - fz, fz)
                wxy = (wx[0] * wy[0], wx[0] * wy[1], wx[1] * wy[0], wx[1] * wy[1])
                for c in range(8):
                    oxy, oz = c >> 1, c & 1
                    h = jnp.bitwise_xor(hxy[oxy], hz[oz])
                    e0 = jnp.bitwise_and(h, _MASK) * 2
                    idx_v[slot, oxy * 2 + oz, pl.ds(pb, _L)] = e0
                    idx_v[slot, oxy * 2 + oz, pl.ds(_C + pb, _L)] = e0 + 1
                    w_v[slot, oxy * 2 + oz, pl.ds(pb, _L)] = wxy[oxy] * wz[oz]
                return _

            lax.fori_loop(0, _G, idx_body, None)

        def fire(slot):
            def fire_body(t, _):
                gather_desc(slot, t).start()
                return _

            lax.fori_loop(0, 8, fire_body, None)

        def drain(slot):
            def drain_body(t, _):
                gather_desc(slot, t).wait()
                return _

            lax.fori_loop(0, 8, drain_body, None)

        def out_desc(slot, ci):
            return pltpu.make_async_copy(
                outl_v.at[slot],
                out.at[pl.ds(lvl * 2, 2), pl.ds(wid * _PPW + ci * _C, _C)],
                semos[slot],
            )

        def combine(ci, slot):
            @pl.when(ci >= 2)
            def _wait_prev():
                out_desc(slot, ci - 2).wait()

            def comb_body(g, _):
                pb = g * _L
                acc0 = jnp.zeros((_L,), jnp.float32)
                acc1 = jnp.zeros((_L,), jnp.float32)
                for c in range(8):
                    w = w_v[slot, c, pl.ds(pb, _L)]
                    e0 = dst_v[slot, c, pl.ds(pb, _L)]
                    e1 = dst_v[slot, c, pl.ds(_C + pb, _L)]
                    acc0 = acc0 + w * e0
                    acc1 = acc1 + w * e1
                outl_v[slot, 0, pl.ds(pb, _L)] = acc0
                outl_v[slot, 1, pl.ds(pb, _L)] = acc1
                return _

            lax.fori_loop(0, _G, comb_body, None)
            out_desc(slot, ci).start()

        compute_idx(0, 0)
        fire(0)

        def pair_body(i, _):
            c0 = 2 * i
            compute_idx(c0 + 1, 1)
            drain(0)
            fire(1)
            combine(c0, 0)
            compute_idx(c0 + 2, 0)
            drain(1)
            fire(0)
            combine(c0 + 1, 1)
            return _

        lax.fori_loop(0, _NCHUNK // 2 - 1, pair_body, None)
        compute_idx(_NCHUNK - 1, 1)
        drain(0)
        fire(1)
        combine(_NCHUNK - 2, 0)
        drain(1)
        combine(_NCHUNK - 1, 1)
        out_desc(0, _NCHUNK - 2).wait()
        out_desc(1, _NCHUNK - 1).wait()

        return _

    lax.fori_loop(0, _NUM_LEVELS, level_body, None)


def _transpose_tc(y):
    bt = 4096

    def tbody(src_ref, dst_ref):
        dst_ref[...] = src_ref[...].T

    return pl.pallas_call(
        tbody,
        grid=(_N // bt,),
        in_specs=[pl.BlockSpec((_NUM_LEVELS * _FEATS, bt), lambda i: (0, i))],
        out_specs=pl.BlockSpec((bt, _NUM_LEVELS * _FEATS), lambda i: (i, 0)),
        out_shape=jax.ShapeDtypeStruct((_N, _NUM_LEVELS * _FEATS), jnp.float32),
    )(y)


def kernel(x01, tables):
    tab = tables.reshape(_NUM_LEVELS, _TABLE * _FEATS)
    mesh = plsc.VectorSubcoreMesh(
        core_axis_name="c", subcore_axis_name="s", num_cores=_NC, num_subcores=_NS
    )
    k = pl.kernel(
        _body,
        out_type=jax.ShapeDtypeStruct((_NUM_LEVELS * _FEATS, _N), jnp.float32),
        mesh=mesh,
        compiler_params=pltpu.CompilerParams(
            needs_layout_passes=False, use_tc_tiling_on_sc=False
        ),
        scratch_types=[
            pltpu.VMEM((3, _C), jnp.float32),
            pltpu.VMEM((2, 8, 2 * _C), jnp.int32),
            pltpu.VMEM((2, 8, _C), jnp.float32),
            pltpu.VMEM((2, 8, 2 * _C), jnp.float32),
            pltpu.VMEM((2, 2, _C), jnp.float32),
            pltpu.VMEM_SHARED((_TPL,), jnp.float32),
            pltpu.SemaphoreType.DMA,
            pltpu.SemaphoreType.DMA,
            pltpu.SemaphoreType.DMA,
            pltpu.SemaphoreType.DMA,
            pltpu.SemaphoreType.DMA,
        ],
    )
    return _transpose_tc(k(x01[:, 0], x01[:, 1], x01[:, 2], tab))

# --- scband reference (transcript-rebuilt; emitter-appended) ---
"""Pipeline reference for scband-hash-grid-encoder3-d-16664473109143 (READ-ONLY COPY).

The authoritative reference and input builder live on the scoring server;
editing this copy changes nothing except your own understanding.
"""

import jax, jax.numpy as jnp
import numpy as np
import math

NUM_LEVELS = 16
FEATS = 2
TABLE = 2 ** 19
MIN_RES = 16
MAX_RES = 512
P1 = 1540863
P2 = 1256879
P3 = 1957123
OFFSETS = jnp.array([[0, 0, 0], [0, 0, 1], [0, 1, 0], [0, 1, 1], [1, 0, 0], [1, 0, 1], [1, 1, 0], [1, 1, 1]], dtype=jnp.int32)


def setup_inputs(seed: int = 0) -> dict:
    key = jax.random.key(seed)
    k1, k2 = jax.random.split(key)
    x01 = jax.random.uniform(k1, (524288, 3), dtype=jnp.float32)
    tables = jax.random.uniform(k2, (NUM_LEVELS, TABLE, FEATS), minval=-1e-4, maxval=1e-4, dtype=jnp.float32)
    return {"x01": x01, "tables": tables}


def reference(x01, tables):
    growth = 1.0 if NUM_LEVELS == 1 else math.exp(math.log(MAX_RES / MIN_RES) / (NUM_LEVELS - 1))
    x = jnp.clip(x01, 0.0, 1.0).astype(jnp.float32)
    feats = []
    for lvl in range(NUM_LEVELS):
        res = int(math.floor(MIN_RES * growth ** lvl + 1e-06))
        pos = x * float(res)
        i0 = jnp.floor(pos).astype(jnp.int32)
        f = pos - i0.astype(pos.dtype)
        corners = i0[:, None, :] + OFFSETS[None, :, :]
        fx, fy, fz = f[:, 0:1], f[:, 1:2], f[:, 2:3]
        ox = OFFSETS[:, 0][None, :]
        oy = OFFSETS[:, 1][None, :]
        oz = OFFSETS[:, 2][None, :]
        wx = jnp.where(ox == 0, 1.0 - fx, fx)
        wy = jnp.where(oy == 0, 1.0 - fy, fy)
        wz = jnp.where(oz == 0, 1.0 - fz, fz)
        w = wx * wy * wz
        ix = corners[:, :, 0]
        iy = corners[:, :, 1]
        iz = corners[:, :, 2]
        h = (ix * P1) ^ (iy * P2) ^ (iz * P3)
        idx = jnp.remainder(h, TABLE)
        emb = jnp.take(tables[lvl], idx, axis=0)
        feats.append(jnp.sum(emb * w[:, :, None], axis=1))
    return jnp.concatenate(feats, axis=-1)

if __name__ == "__main__":
    import jax
    _d = setup_inputs()
    print(jax.jit(kernel)(*tuple(_d.values())))

</pallas_src>

<mosaic_0001>
#map = affine_map<(d0, d1) -> (0)>
#map1 = affine_map<(d0, d1) -> (0, 0)>
module attributes {stable_mosaic.version = 14 : i64} {
  func.func @_body(%arg0: i32, %arg1: i32, %arg2: memref<524288xf32, #tpu.memory_space<hbm>>, %arg3: memref<524288xf32, #tpu.memory_space<hbm>>, %arg4: memref<524288xf32, #tpu.memory_space<hbm>>, %arg5: memref<16x1048576xf32, #tpu.memory_space<hbm>>, %arg6: memref<32x524288xf32, #tpu.memory_space<hbm>>, %arg7: memref<3x512xf32, #tpu.memory_space<vmem>>, %arg8: memref<2x8x1024xi32, #tpu.memory_space<vmem>>, %arg9: memref<2x8x512xf32, #tpu.memory_space<vmem>>, %arg10: memref<2x8x1024xf32, #tpu.memory_space<vmem>>, %arg11: memref<2x2x512xf32, #tpu.memory_space<vmem>>, %arg12: memref<1048576xf32, #tpu.memory_space<vmem_shared>>, %arg13: memref<!tpu.dma_semaphore, #tpu.memory_space<semaphore_mem>>, %arg14: memref<!tpu.dma_semaphore, #tpu.memory_space<semaphore_mem>>, %arg15: memref<!tpu.dma_semaphore, #tpu.memory_space<semaphore_mem>>, %arg16: memref<!tpu.dma_semaphore, #tpu.memory_space<semaphore_mem>>, %arg17: memref<!tpu.dma_semaphore, #tpu.memory_space<semaphore_mem>>) attributes {dimension_semantics = [#tpu.dimension_semantics<core_parallel>, #tpu.dimension_semantics<subcore_parallel>], iteration_bounds = array<i64: 2, 16>, scalar_prefetch = 0 : i64, scratch_operands = 11 : i64, tpu.core_type = #tpu.core_type<sc_vector_subcore>, window_params = [{transform_indices = #map}, {transform_indices = #map}, {transform_indices = #map}, {transform_indices = #map1}, {transform_indices = #map1}]} {
    %mul3A = arith.constant 2 : i32
    %mul3A_0 = arith.muli %arg1, %mul3A : i32
    %add3A = arith.addi %mul3A_0, %arg0 : i32
    %iota3A = tpu.iota {dimensions = array<i32: 0>} : vector<16xi32>
    %scan3A = arith.constant 0 : i32
    %scan3A_1 = arith.constant 16 : i32
    %scan3A_2 = arith.addi %scan3A, %scan3A_1 : i32
    %scan3A_3 = arith.constant 1 : i32
    scf.for %scan3A_5 = %scan3A to %scan3A_2 step %scan3A_3  : i32 {
      %barrier3A = arith.constant 0 : index
      tpu.barrier barrier_id(%barrier3A)
      %mul3A_6 = arith.constant 65536 : i32
      %mul3A_7 = arith.muli %arg1, %mul3A_6 : i32
      %mul3A_8 = arith.constant 65536 : i32
      %mul3A_9 = arith.muli %arg1, %mul3A_8 : i32
      "tpu.region"() ({
        %run_scoped3A = tpu.sem_alloc : memref<!tpu.dma_semaphore, #tpu.memory_space<semaphore_mem>>
        %dma_start3A_370 = tpu.memref_slice %arg12[%mul3A_9] : memref<1048576xf32, #tpu.memory_space<vmem_shared>> -> memref<65536xf32, #tpu.memory_space<vmem_shared>>
        %dma_start3A_371 = tpu.memref_slice %arg5[%scan3A_5, %mul3A_7] : memref<16x1048576xf32, #tpu.memory_space<hbm>> -> memref<1x65536xf32, #tpu.memory_space<hbm>>
        %dma_start3A_372 = tpu.memref_squeeze %dma_start3A_371 : memref<1x65536xf32, #tpu.memory_space<hbm>> -> memref<65536xf32, #tpu.memory_space<hbm>>
        tpu.enqueue_dma source(%dma_start3A_372 : memref<65536xf32, #tpu.memory_space<hbm>>) target(%dma_start3A_370 : memref<65536xf32, #tpu.memory_space<vmem_shared>>) target_semaphore(%run_scoped3A : memref<!tpu.dma_semaphore, #tpu.memory_space<semaphore_mem>>)
        %dma_wait3A_373 = tpu.memref_slice %arg12[%mul3A_9] : memref<1048576xf32, #tpu.memory_space<vmem_shared>> -> memref<65536xf32, #tpu.memory_space<vmem_shared>>
        %dma_wait3A_374 = tpu.memref_slice %arg5[%scan3A_5, %mul3A_7] : memref<16x1048576xf32, #tpu.memory_space<hbm>> -> memref<1x65536xf32, #tpu.memory_space<hbm>>
        %dma_wait3A_375 = tpu.memref_squeeze %dma_wait3A_374 : memref<1x65536xf32, #tpu.memory_space<hbm>> -> memref<65536xf32, #tpu.memory_space<hbm>>
        tpu.wait_dma2 semaphore(%run_scoped3A : memref<!tpu.dma_semaphore, #tpu.memory_space<semaphore_mem>>) src(%dma_wait3A_375 : memref<65536xf32, #tpu.memory_space<hbm>>) dst(%dma_wait3A_373 : memref<65536xf32, #tpu.memory_space<vmem_shared>>)
        tpu.yield
      }) : () -> ()
      %barrier3A_10 = arith.constant 0 : index
      tpu.barrier barrier_id(%barrier3A_10)
      %broadcast_in_dim3A = arith.constant 0 : i32
      %broadcast_in_dim3A_11 = vector.broadcast %broadcast_in_dim3A : i32 to vector<16xi32>
      %add3A_12 = vector.broadcast %scan3A_5 : i32 to vector<16xi32>
      %add3A_13 = arith.addi %broadcast_in_dim3A_11, %add3A_12 : vector<16xi32>
      %broadcast_in_dim3A_14 = arith.constant 0.000000e+00 : f32
      %broadcast_in_dim3A_15 = vector.broadcast %broadcast_in_dim3A_14 : f32 to vector<16xf32>
      %eq3A = arith.constant 0 : i32
      %eq3A_16 = vector.broadcast %eq3A : i32 to vector<16xi32>
      %eq3A_17 = arith.cmpi eq, %add3A_13, %eq3A_16 : vector<16xi32>
      %jit3A = arith.constant 1.600000e+01 : f32
      %broadcast_in_dim3A_18 = vector.broadcast %jit3A : f32 to vector<16xf32>
      %select_n3A = arith.select %eq3A_17, %broadcast_in_dim3A_18, %broadcast_in_dim3A_15 : vector<16xi1>, vector<16xf32>
      %eq3A_19 = arith.constant 1 : i32
      %eq3A_20 = vector.broadcast %eq3A_19 : i32 to vector<16xi32>
      %eq3A_21 = arith.cmpi eq, %add3A_13, %eq3A_20 : vector<16xi32>
      %jit3A_22 = arith.constant 2.000000e+01 : f32
      %broadcast_in_dim3A_23 = vector.broadcast %jit3A_22 : f32 to vector<16xf32>
      %select_n3A_24 = arith.select %eq3A_21, %broadcast_in_dim3A_23, %select_n3A : vector<16xi1>, vector<16xf32>
      %eq3A_25 = arith.constant 2 : i32
      %eq3A_26 = vector.broadcast %eq3A_25 : i32 to vector<16xi32>
      %eq3A_27 = arith.cmpi eq, %add3A_13, %eq3A_26 : vector<16xi32>
      %jit3A_28 = arith.constant 2.500000e+01 : f32
      %broadcast_in_dim3A_29 = vector.broadcast %jit3A_28 : f32 to vector<16xf32>
      %select_n3A_30 = arith.select %eq3A_27, %broadcast_in_dim3A_29, %select_n3A_24 : vector<16xi1>, vector<16xf32>
      %eq3A_31 = arith.constant 3 : i32
      %eq3A_32 = vector.broadcast %eq3A_31 : i32 to vector<16xi32>
      %eq3A_33 = arith.cmpi eq, %add3A_13, %eq3A_32 : vector<16xi32>
      %jit3A_34 = arith.constant 3.200000e+01 : f32
      %broadcast_in_dim3A_35 = vector.broadcast %jit3A_34 : f32 to vector<16xf32>
      %select_n3A_36 = arith.select %eq3A_33, %broadcast_in_dim3A_35, %select_n3A_30 : vector<16xi1>, vector<16xf32>
      %eq3A_37 = arith.constant 4 : i32
      %eq3A_38 = vector.broadcast %eq3A_37 : i32 to vector<16xi32>
      %eq3A_39 = arith.cmpi eq, %add3A_13, %eq3A_38 : vector<16xi32>
      %jit3A_40 = arith.constant 4.000000e+01 : f32
      %broadcast_in_dim3A_41 = vector.broadcast %jit3A_40 : f32 to vector<16xf32>
      %select_n3A_42 = arith.select %eq3A_39, %broadcast_in_dim3A_41, %select_n3A_36 : vector<16xi1>, vector<16xf32>
      %eq3A_43 = arith.constant 5 : i32
      %eq3A_44 = vector.broadcast %eq3A_43 : i32 to vector<16xi32>
      %eq3A_45 = arith.cmpi eq, %add3A_13, %eq3A_44 : vector<16xi32>
      %jit3A_46 = arith.constant 5.000000e+01 : f32
      %broadcast_in_dim3A_47 = vector.broadcast %jit3A_46 : f32 to vector<16xf32>
      %select_n3A_48 = arith.select %eq3A_45, %broadcast_in_dim3A_47, %select_n3A_42 : vector<16xi1>, vector<16xf32>
      %eq3A_49 = arith.constant 6 : i32
      %eq3A_50 = vector.broadcast %eq3A_49 : i32 to vector<16xi32>
      %eq3A_51 = arith.cmpi eq, %add3A_13, %eq3A_50 : vector<16xi32>
      %jit3A_52 = arith.constant 6.400000e+01 : f32
      %broadcast_in_dim3A_53 = vector.broadcast %jit3A_52 : f32 to vector<16xf32>
      %select_n3A_54 = arith.select %eq3A_51, %broadcast_in_dim3A_53, %select_n3A_48 : vector<16xi1>, vector<16xf32>
      %eq3A_55 = arith.constant 7 : i32
      %eq3A_56 = vector.broadcast %eq3A_55 : i32 to vector<16xi32>
      %eq3A_57 = arith.cmpi eq, %add3A_13, %eq3A_56 : vector<16xi32>
      %jit3A_58 = arith.constant 8.000000e+01 : f32
      %broadcast_in_dim3A_59 = vector.broadcast %jit3A_58 : f32 to vector<16xf32>
      %select_n3A_60 = arith.select %eq3A_57, %broadcast_in_dim3A_59, %select_n3A_54 : vector<16xi1>, vector<16xf32>
      %eq3A_61 = arith.constant 8 : i32
      %eq3A_62 = vector.broadcast %eq3A_61 : i32 to vector<16xi32>
      %eq3A_63 = arith.cmpi eq, %add3A_13, %eq3A_62 : vector<16xi32>
      %jit3A_64 = arith.constant 1.010000e+02 : f32
      %broadcast_in_dim3A_65 = vector.broadcast %jit3A_64 : f32 to vector<16xf32>
      %select_n3A_66 = arith.select %eq3A_63, %broadcast_in_dim3A_65, %select_n3A_60 : vector<16xi1>, vector<16xf32>
      %eq3A_67 = arith.constant 9 : i32
      %eq3A_68 = vector.broadcast %eq3A_67 : i32 to vector<16xi32>
      %eq3A_69 = arith.cmpi eq, %add3A_13, %eq3A_68 : vector<16xi32>
      %jit3A_70 = arith.constant 1.280000e+02 : f32
      %broadcast_in_dim3A_71 = vector.broadcast %jit3A_70 : f32 to vector<16xf32>
      %select_n3A_72 = arith.select %eq3A_69, %broadcast_in_dim3A_71, %select_n3A_66 : vector<16xi1>, vector<16xf32>
      %eq3A_73 = arith.constant 10 : i32
      %eq3A_74 = vector.broadcast %eq3A_73 : i32 to vector<16xi32>
      %eq3A_75 = arith.cmpi eq, %add3A_13, %eq3A_74 : vector<16xi32>
      %jit3A_76 = arith.constant 1.610000e+02 : f32
      %broadcast_in_dim3A_77 = vector.broadcast %jit3A_76 : f32 to vector<16xf32>
      %select_n3A_78 = arith.select %eq3A_75, %broadcast_in_dim3A_77, %select_n3A_72 : vector<16xi1>, vector<16xf32>
      %eq3A_79 = arith.constant 11 : i32
      %eq3A_80 = vector.broadcast %eq3A_79 : i32 to vector<16xi32>
      %eq3A_81 = arith.cmpi eq, %add3A_13, %eq3A_80 : vector<16xi32>
      %jit3A_82 = arith.constant 2.030000e+02 : f32
      %broadcast_in_dim3A_83 = vector.broadcast %jit3A_82 : f32 to vector<16xf32>
      %select_n3A_84 = arith.select %eq3A_81, %broadcast_in_dim3A_83, %select_n3A_78 : vector<16xi1>, vector<16xf32>
      %eq3A_85 = arith.constant 12 : i32
      %eq3A_86 = vector.broadcast %eq3A_85 : i32 to vector<16xi32>
      %eq3A_87 = arith.cmpi eq, %add3A_13, %eq3A_86 : vector<16xi32>
      %jit3A_88 = arith.constant 2.560000e+02 : f32
      %broadcast_in_dim3A_89 = vector.broadcast %jit3A_88 : f32 to vector<16xf32>
      %select_n3A_90 = arith.select %eq3A_87, %broadcast_in_dim3A_89, %select_n3A_84 : vector<16xi1>, vector<16xf32>
      %eq3A_91 = arith.constant 13 : i32
      %eq3A_92 = vector.broadcast %eq3A_91 : i32 to vector<16xi32>
      %eq3A_93 = arith.cmpi eq, %add3A_13, %eq3A_92 : vector<16xi32>
      %jit3A_94 = arith.constant 3.220000e+02 : f32
      %broadcast_in_dim3A_95 = vector.broadcast %jit3A_94 : f32 to vector<16xf32>
      %select_n3A_96 = arith.select %eq3A_93, %broadcast_in_dim3A_95, %select_n3A_90 : vector<16xi1>, vector<16xf32>
      %eq3A_97 = arith.constant 14 : i32
      %eq3A_98 = vector.broadcast %eq3A_97 : i32 to vector<16xi32>
      %eq3A_99 = arith.cmpi eq, %add3A_13, %eq3A_98 : vector<16xi32>
      %jit3A_100 = arith.constant 4.060000e+02 : f32
      %broadcast_in_dim3A_101 = vector.broadcast %jit3A_100 : f32 to vector<16xf32>
      %select_n3A_102 = arith.select %eq3A_99, %broadcast_in_dim3A_101, %select_n3A_96 : vector<16xi1>, vector<16xf32>
      %eq3A_103 = arith.constant 15 : i32
      %eq3A_104 = vector.broadcast %eq3A_103 : i32 to vector<16xi32>
      %eq3A_105 = arith.cmpi eq, %add3A_13, %eq3A_104 : vector<16xi32>
      %jit3A_106 = arith.constant 5.120000e+02 : f32
      %broadcast_in_dim3A_107 = vector.broadcast %jit3A_106 : f32 to vector<16xf32>
      %select_n3A_108 = arith.select %eq3A_105, %broadcast_in_dim3A_107, %select_n3A_102 : vector<16xi1>, vector<16xf32>
      %mul3A_109 = arith.constant 16384 : i32
      %mul3A_110 = arith.muli %add3A, %mul3A_109 : i32
      %add3A_111 = arith.constant 0 : i32
      %add3A_112 = arith.addi %mul3A_110, %add3A_111 : i32
      %dma_start3A = arith.constant 0 : i32
      %dma_start3A_113 = arith.constant 0 : i32
      %dma_start3A_114 = tpu.memref_slice %arg7[%dma_start3A, %dma_start3A_113] : memref<3x512xf32, #tpu.memory_space<vmem>> -> memref<1x512xf32, #tpu.memory_space<vmem>>
      %dma_start3A_115 = tpu.memref_squeeze %dma_start3A_114 : memref<1x512xf32, #tpu.memory_space<vmem>> -> memref<512xf32, #tpu.memory_space<vmem>>
      %dma_start3A_116 = tpu.memref_slice %arg2[%add3A_112] : memref<524288xf32, #tpu.memory_space<hbm>> -> memref<512xf32, #tpu.memory_space<hbm>>
      %dma_start3A_117 = arith.constant 0 : i32
      %dma_start3A_118 = tpu.memref_slice %arg7[%dma_start3A, %dma_start3A_117] : memref<3x512xf32, #tpu.memory_space<vmem>> -> memref<1x512xf32, #tpu.memory_space<vmem>>
      %dma_start3A_119 = tpu.memref_squeeze %dma_start3A_118 : memref<1x512xf32, #tpu.memory_space<vmem>> -> memref<512xf32, #tpu.memory_space<vmem>>
      %dma_start3A_120 = tpu.memref_slice %arg2[%add3A_112] : memref<524288xf32, #tpu.memory_space<hbm>> -> memref<512xf32, #tpu.memory_space<hbm>>
      tpu.enqueue_dma source(%dma_start3A_120 : memref<512xf32, #tpu.memory_space<hbm>>) target(%dma_start3A_119 : memref<512xf32, #tpu.memory_space<vmem>>) target_semaphore(%arg15 : memref<!tpu.dma_semaphore, #tpu.memory_space<semaphore_mem>>)
      %dma_start3A_121 = arith.constant 1 : i32
      %dma_start3A_122 = arith.constant 0 : i32
      %dma_start3A_123 = tpu.memref_slice %arg7[%dma_start3A_121, %dma_start3A_122] : memref<3x512xf32, #tpu.memory_space<vmem>> -> memref<1x512xf32, #tpu.memory_space<vmem>>
      %dma_start3A_124 = tpu.memref_squeeze %dma_start3A_123 : memref<1x512xf32, #tpu.memory_space<vmem>> -> memref<512xf32, #tpu.memory_space<vmem>>
      %dma_start3A_125 = tpu.memref_slice %arg3[%add3A_112] : memref<524288xf32, #tpu.memory_space<hbm>> -> memref<512xf32, #tpu.memory_space<hbm>>
      %dma_start3A_126 = arith.constant 0 : i32
      %dma_start3A_127 = tpu.memref_slice %arg7[%dma_start3A_121, %dma_start3A_126] : memref<3x512xf32, #tpu.memory_space<vmem>> -> memref<1x512xf32, #tpu.memory_space<vmem>>
      %dma_start3A_128 = tpu.memref_squeeze %dma_start3A_127 : memref<1x512xf32, #tpu.memory_space<vmem>> -> memref<512xf32, #tpu.memory_space<vmem>>
      %dma_start3A_129 = tpu.memref_slice %arg3[%add3A_112] : memref<524288xf32, #tpu.memory_space<hbm>> -> memref<512xf32, #tpu.memory_space<hbm>>
      tpu.enqueue_dma source(%dma_start3A_129 : memref<512xf32, #tpu.memory_space<hbm>>) target(%dma_start3A_128 : memref<512xf32, #tpu.memory_space<vmem>>) target_semaphore(%arg15 : memref<!tpu.dma_semaphore, #tpu.memory_space<semaphore_mem>>)
      %dma_start3A_130 = arith.constant 2 : i32
      %dma_start3A_131 = arith.constant 0 : i32
      %dma_start3A_132 = tpu.memref_slice %arg7[%dma_start3A_130, %dma_start3A_131] : memref<3x512xf32, #tpu.memory_space<vmem>> -> memref<1x512xf32, #tpu.memory_space<vmem>>
      %dma_start3A_133 = tpu.memref_squeeze %dma_start3A_132 : memref<1x512xf32, #tpu.memory_space<vmem>> -> memref<512xf32, #tpu.memory_space<vmem>>
      %dma_start3A_134 = tpu.memref_slice %arg4[%add3A_112] : memref<524288xf32, #tpu.memory_space<hbm>> -> memref<512xf32, #tpu.memory_space<hbm>>
      %dma_start3A_135 = arith.constant 0 : i32
      %dma_start3A_136 = tpu.memref_slice %arg7[%dma_start3A_130, %dma_start3A_135] : memref<3x512xf32, #tpu.memory_space<vmem>> -> memref<1x512xf32, #tpu.memory_space<vmem>>
      %dma_start3A_137 = tpu.memref_squeeze %dma_start3A_136 : memref<1x512xf32, #tpu.memory_space<vmem>> -> memref<512xf32, #tpu.memory_space<vmem>>
      %dma_start3A_138 = tpu.memref_slice %arg4[%add3A_112] : memref<524288xf32, #tpu.memory_space<hbm>> -> memref<512xf32, #tpu.memory_space<hbm>>
      tpu.enqueue_dma source(%dma_start3A_138 : memref<512xf32, #tpu.memory_space<hbm>>) target(%dma_start3A_137 : memref<512xf32, #tpu.memory_space<vmem>>) target_semaphore(%arg15 : memref<!tpu.dma_semaphore, #tpu.memory_space<semaphore_mem>>)
      %dma_wait3A = arith.constant 0 : i32
      %dma_wait3A_139 = arith.constant 0 : i32
      %dma_wait3A_140 = tpu.memref_slice %arg7[%dma_wait3A, %dma_wait3A_139] : memref<3x512xf32, #tpu.memory_space<vmem>> -> memref<1x512xf32, #tpu.memory_space<vmem>>
      %dma_wait3A_141 = tpu.memref_squeeze %dma_wait3A_140 : memref<1x512xf32, #tpu.memory_space<vmem>> -> memref<512xf32, #tpu.memory_space<vmem>>
      %dma_wait3A_142 = tpu.memref_slice %arg2[%add3A_112] : memref<524288xf32, #tpu.memory_space<hbm>> -> memref<512xf32, #tpu.memory_space<hbm>>
      %dma_wait3A_143 = arith.constant 0 : i32
      %dma_wait3A_144 = tpu.memref_slice %arg7[%dma_wait3A, %dma_wait3A_143] : memref<3x512xf32, #tpu.memory_space<vmem>> -> memref<1x512xf32, #tpu.memory_space<vmem>>
      %dma_wait3A_145 = tpu.memref_squeeze %dma_wait3A_144 : memref<1x512xf32, #tpu.memory_space<vmem>> -> memref<512xf32, #tpu.memory_space<vmem>>
      %dma_wait3A_146 = tpu.memref_slice %arg2[%add3A_112] : memref<524288xf32, #tpu.memory_space<hbm>> -> memref<512xf32, #tpu.memory_space<hbm>>
      tpu.wait_dma2 semaphore(%arg15 : memref<!tpu.dma_semaphore, #tpu.memory_space<semaphore_mem>>) src(%dma_wait3A_146 : memref<512xf32, #tpu.memory_space<hbm>>) dst(%dma_wait3A_145 : memref<512xf32, #tpu.memory_space<vmem>>)
      %dma_wait3A_147 = arith.constant 1 : i32
      %dma_wait3A_148 = arith.constant 0 : i32
      %dma_wait3A_149 = tpu.memref_slice %arg7[%dma_wait3A_147, %dma_wait3A_148] : memref<3x512xf32, #tpu.memory_space<vmem>> -> memref<1x512xf32, #tpu.memory_space<vmem>>
      %dma_wait3A_150 = tpu.memref_squeeze %dma_wait3A_149 : memref<1x512xf32, #tpu.memory_space<vmem>> -> memref<512xf32, #tpu.memory_space<vmem>>
      %dma_wait3A_151 = tpu.memref_slice %arg3[%add3A_112] : memref<524288xf32, #tpu.memory_space<hbm>> -> memref<512xf32, #tpu.memory_space<hbm>>
      %dma_wait3A_152 = arith.constant 0 : i32
      %dma_wait3A_153 = tpu.memref_slice %arg7[%dma_wait3A_147, %dma_wait3A_152] : memref<3x512xf32, #tpu.memory_space<vmem>> -> memref<1x512xf32, #tpu.memory_space<vmem>>
      %dma_wait3A_154 = tpu.memref_squeeze %dma_wait3A_153 : memref<1x512xf32, #tpu.memory_space<vmem>> -> memref<512xf32, #tpu.memory_space<vmem>>
      %dma_wait3A_155 = tpu.memref_slice %arg3[%add3A_112] : memref<524288xf32, #tpu.memory_space<hbm>> -> memref<512xf32, #tpu.memory_space<hbm>>
      tpu.wait_dma2 semaphore(%arg15 : memref<!tpu.dma_semaphore, #tpu.memory_space<semaphore_mem>>) src(%dma_wait3A_155 : memref<512xf32, #tpu.memory_space<hbm>>) dst(%dma_wait3A_154 : memref<512xf32, #tpu.memory_space<vmem>>)
      %dma_wait3A_156 = arith.constant 2 : i32
      %dma_wait3A_157 = arith.constant 0 : i32
      %dma_wait3A_158 = tpu.memref_slice %arg7[%dma_wait3A_156, %dma_wait3A_157] : memref<3x512xf32, #tpu.memory_space<vmem>> -> memref<1x512xf32, #tpu.memory_space<vmem>>
      %dma_wait3A_159 = tpu.memref_squeeze %dma_wait3A_158 : memref<1x512xf32, #tpu.memory_space<vmem>> -> memref<512xf32, #tpu.memory_space<vmem>>
      %dma_wait3A_160 = tpu.memref_slice %arg4[%add3A_112] : memref<524288xf32, #tpu.memory_space<hbm>> -> memref<512xf32, #tpu.memory_space<hbm>>
      %dma_wait3A_161 = arith.constant 0 : i32
      %dma_wait3A_162 = tpu.memref_slice %arg7[%dma_wait3A_156, %dma_wait3A_161] : memref<3x512xf32, #tpu.memory_space<vmem>> -> memref<1x512xf32, #tpu.memory_space<vmem>>
      %dma_wait3A_163 = tpu.memref_squeeze %dma_wait3A_162 : memref<1x512xf32, #tpu.memory_space<vmem>> -> memref<512xf32, #tpu.memory_space<vmem>>
      %dma_wait3A_164 = tpu.memref_slice %arg4[%add3A_112] : memref<524288xf32, #tpu.memory_space<hbm>> -> memref<512xf32, #tpu.memory_space<hbm>>
      tpu.wait_dma2 semaphore(%arg15 : memref<!tpu.dma_semaphore, #tpu.memory_space<semaphore_mem>>) src(%dma_wait3A_164 : memref<512xf32, #tpu.memory_space<hbm>>) dst(%dma_wait3A_163 : memref<512xf32, #tpu.memory_space<vmem>>)
      %scan3A_165 = arith.constant 0 : i32
      %scan3A_166 = arith.constant 32 : i32
      %scan3A_167 = arith.addi %scan3A_165, %scan3A_166 : i32
      %scan3A_168 = arith.constant 1 : i32
      scf.for %scan3A_370 = %scan3A_165 to %scan3A_167 step %scan3A_168  : i32 {
        %mul3A_371 = arith.constant 16 : i32
        %mul3A_372 = arith.muli %scan3A_370, %mul3A_371 : i32
        %get3A = arith.constant 0 : i32
        %get3A_373 = arith.index_cast %get3A : i32 to index
        %get3A_374 = arith.index_cast %mul3A_372 : i32 to index
        %get3A_375 = tpu.vector_load %arg7[%get3A_373, %get3A_374] {strides = array<i32>} : memref<3x512xf32, #tpu.memory_space<vmem>>, vector<16xf32>,
        %get3A_376 = arith.constant 1 : i32
        %get3A_377 = arith.index_cast %get3A_376 : i32 to index
        %get3A_378 = arith.index_cast %mul3A_372 : i32 to index
        %get3A_379 = tpu.vector_load %arg7[%get3A_377, %get3A_378] {strides = array<i32>} : memref<3x512xf32, #tpu.memory_space<vmem>>, vector<16xf32>,
        %get3A_380 = arith.constant 2 : i32
        %get3A_381 = arith.index_cast %get3A_380 : i32 to index
        %get3A_382 = arith.index_cast %mul3A_372 : i32 to index
        %get3A_383 = tpu.vector_load %arg7[%get3A_381, %get3A_382] {strides = array<i32>} : memref<3x512xf32, #tpu.memory_space<vmem>>, vector<16xf32>,
        %mul3A_384 = arith.mulf %get3A_375, %select_n3A_108 : vector<16xf32>
        %mul3A_385 = arith.mulf %get3A_379, %select_n3A_108 : vector<16xf32>
        %mul3A_386 = arith.mulf %get3A_383, %select_n3A_108 : vector<16xf32>
        %convert_element_type3A = arith.fptosi %mul3A_384 : vector<16xf32> to vector<16xi32>
        %convert_element_type3A_387 = arith.fptosi %mul3A_385 : vector<16xf32> to vector<16xi32>
        %convert_element_type3A_388 = arith.fptosi %mul3A_386 : vector<16xf32> to vector<16xi32>
        %convert_element_type3A_389 = arith.sitofp %convert_element_type3A : vector<16xi32> to vector<16xf32>
        %sub3A = arith.subf %mul3A_384, %convert_element_type3A_389 : vector<16xf32>
        %convert_element_type3A_390 = arith.sitofp %convert_element_type3A_387 : vector<16xi32> to vector<16xf32>
        %sub3A_391 = arith.subf %mul3A_385, %convert_element_type3A_390 : vector<16xf32>
        %convert_element_type3A_392 = arith.sitofp %convert_element_type3A_388 : vector<16xi32> to vector<16xf32>
        %sub3A_393 = arith.subf %mul3A_386, %convert_element_type3A_392 : vector<16xf32>
        %mul3A_394 = arith.constant 1540863 : i32
        %mul3A_395 = vector.broadcast %mul3A_394 : i32 to vector<16xi32>
        %mul3A_396 = arith.muli %convert_element_type3A, %mul3A_395 : vector<16xi32>
        %mul3A_397 = arith.constant 1256879 : i32
        %mul3A_398 = vector.broadcast %mul3A_397 : i32 to vector<16xi32>
        %mul3A_399 = arith.muli %convert_element_type3A_387, %mul3A_398 : vector<16xi32>
        %mul3A_400 = arith.constant 1957123 : i32
        %mul3A_401 = vector.broadcast %mul3A_400 : i32 to vector<16xi32>
        %mul3A_402 = arith.muli %convert_element_type3A_388, %mul3A_401 : vector<16xi32>
        %mul3A_403 = arith.constant 1957123 : i32
        %mul3A_404 = vector.broadcast %mul3A_403 : i32 to vector<16xi32>
        %mul3A_405 = arith.muli %convert_element_type3A_388, %mul3A_404 : vector<16xi32>
        %add3A_406 = arith.constant 1957123 : i32
        %add3A_407 = vector.broadcast %add3A_406 : i32 to vector<16xi32>
        %add3A_408 = arith.addi %mul3A_405, %add3A_407 : vector<16xi32>
        %xor3A = arith.xori %mul3A_396, %mul3A_399 : vector<16xi32>
        %add3A_409 = arith.constant 1256879 : i32
        %add3A_410 = vector.broadcast %add3A_409 : i32 to vector<16xi32>
        %add3A_411 = arith.addi %mul3A_399, %add3A_410 : vector<16xi32>
        %xor3A_412 = arith.xori %mul3A_396, %add3A_411 : vector<16xi32>
        %add3A_413 = arith.constant 1540863 : i32
        %add3A_414 = vector.broadcast %add3A_413 : i32 to vector<16xi32>
        %add3A_415 = arith.addi %mul3A_396, %add3A_414 : vector<16xi32>
        %xor3A_416 = arith.xori %add3A_415, %mul3A_399 : vector<16xi32>
        %add3A_417 = arith.constant 1540863 : i32
        %add3A_418 = vector.broadcast %add3A_417 : i32 to vector<16xi32>
        %add3A_419 = arith.addi %mul3A_396, %add3A_418 : vector<16xi32>
        %add3A_420 = arith.constant 1256879 : i32
        %add3A_421 = vector.broadcast %add3A_420 : i32 to vector<16xi32>
        %add3A_422 = arith.addi %mul3A_399, %add3A_421 : vector<16xi32>
        %xor3A_423 = arith.xori %add3A_419, %add3A_422 : vector<16xi32>
        %sub3A_424 = arith.constant 1.000000e+00 : f32
        %sub3A_425 = vector.broadcast %sub3A_424 : f32 to vector<16xf32>
        %sub3A_426 = arith.subf %sub3A_425, %sub3A : vector<16xf32>
        %sub3A_427 = arith.constant 1.000000e+00 : f32
        %sub3A_428 = vector.broadcast %sub3A_427 : f32 to vector<16xf32>
        %sub3A_429 = arith.subf %sub3A_428, %sub3A_391 : vector<16xf32>
        %sub3A_430 = arith.constant 1.000000e+00 : f32
        %sub3A_431 = vector.broadcast %sub3A_430 : f32 to vector<16xf32>
        %sub3A_432 = arith.subf %sub3A_431, %sub3A_393 : vector<16xf32>
        %mul3A_433 = arith.mulf %sub3A_426, %sub3A_429 : vector<16xf32>
        %mul3A_434 = arith.mulf %sub3A_426, %sub3A_391 : vector<16xf32>
        %mul3A_435 = arith.mulf %sub3A, %sub3A_429 : vector<16xf32>
        %mul3A_436 = arith.mulf %sub3A, %sub3A_391 : vector<16xf32>
        %xor3A_437 = arith.xori %xor3A, %mul3A_402 : vector<16xi32>
        %and3A = arith.constant 524287 : i32
        %and3A_438 = vector.broadcast %and3A : i32 to vector<16xi32>
        %and3A_439 = arith.andi %xor3A_437, %and3A_438 : vector<16xi32>
        %mul3A_440 = arith.constant 2 : i32
        %mul3A_441 = vector.broadcast %mul3A_440 : i32 to vector<16xi32>
        %mul3A_442 = arith.muli %and3A_439, %mul3A_441 : vector<16xi32>
        %swap3A = arith.constant 0 : i32
        %swap3A_443 = arith.constant 0 : i32
        %swap3A_444 = arith.index_cast %swap3A : i32 to index
        %swap3A_445 = arith.index_cast %swap3A_443 : i32 to index
        %swap3A_446 = arith.index_cast %mul3A_372 : i32 to index
        %swap3A_447 = tpu.vector_load %arg8[%swap3A_444, %swap3A_445, %swap3A_446] {strides = array<i32>} : memref<2x8x1024xi32, #tpu.memory_space<vmem>>, vector<16xi32>,
        tpu.vector_store %arg8[%swap3A_444, %swap3A_445, %swap3A_446], %mul3A_442 {strides = array<i32>} : memref<2x8x1024xi32, #tpu.memory_space<vmem>>, vector<16xi32>,
        %add3A_448 = arith.constant 1 : i32
        %add3A_449 = vector.broadcast %add3A_448 : i32 to vector<16xi32>
        %add3A_450 = arith.addi %mul3A_442, %add3A_449 : vector<16xi32>
        %add3A_451 = arith.constant 512 : i32
        %add3A_452 = arith.addi %add3A_451, %mul3A_372 : i32
        %swap3A_453 = arith.constant 0 : i32
        %swap3A_454 = arith.constant 0 : i32
        %swap3A_455 = arith.index_cast %swap3A_453 : i32 to index
        %swap3A_456 = arith.index_cast %swap3A_454 : i32 to index
        %swap3A_457 = arith.index_cast %add3A_452 : i32 to index
        %swap3A_458 = tpu.vector_load %arg8[%swap3A_455, %swap3A_456, %swap3A_457] {strides = array<i32>} : memref<2x8x1024xi32, #tpu.memory_space<vmem>>, vector<16xi32>,
        tpu.vector_store %arg8[%swap3A_455, %swap3A_456, %swap3A_457], %add3A_450 {strides = array<i32>} : memref<2x8x1024xi32, #tpu.memory_space<vmem>>, vector<16xi32>,
        %mul3A_459 = arith.mulf %mul3A_433, %sub3A_432 : vector<16xf32>
        %swap3A_460 = arith.constant 0 : i32
        %swap3A_461 = arith.constant 0 : i32
        %swap3A_462 = arith.index_cast %swap3A_460 : i32 to index
        %swap3A_463 = arith.index_cast %swap3A_461 : i32 to index
        %swap3A_464 = arith.index_cast %mul3A_372 : i32 to index
        %swap3A_465 = tpu.vector_load %arg9[%swap3A_462, %swap3A_463, %swap3A_464] {strides = array<i32>} : memref<2x8x512xf32, #tpu.memory_space<vmem>>, vector<16xf32>,
        tpu.vector_store %arg9[%swap3A_462, %swap3A_463, %swap3A_464], %mul3A_459 {strides = array<i32>} : memref<2x8x512xf32, #tpu.memory_space<vmem>>, vector<16xf32>,
        %xor3A_466 = arith.xori %xor3A, %add3A_408 : vector<16xi32>
        %and3A_467 = arith.constant 524287 : i32
        %and3A_468 = vector.broadcast %and3A_467 : i32 to vector<16xi32>
        %and3A_469 = arith.andi %xor3A_466, %and3A_468 : vector<16xi32>
        %mul3A_470 = arith.constant 2 : i32
        %mul3A_471 = vector.broadcast %mul3A_470 : i32 to vector<16xi32>
        %mul3A_472 = arith.muli %and3A_469, %mul3A_471 : vector<16xi32>
        %swap3A_473 = arith.constant 0 : i32
        %swap3A_474 = arith.constant 1 : i32
        %swap3A_475 = arith.index_cast %swap3A_473 : i32 to index
        %swap3A_476 = arith.index_cast %swap3A_474 : i32 to index
        %swap3A_477 = arith.index_cast %mul3A_372 : i32 to index
        %swap3A_478 = tpu.vector_load %arg8[%swap3A_475, %swap3A_476, %swap3A_477] {strides = array<i32>} : memref<2x8x1024xi32, #tpu.memory_space<vmem>>, vector<16xi32>,
        tpu.vector_store %arg8[%swap3A_475, %swap3A_476, %swap3A_477], %mul3A_472 {strides = array<i32>} : memref<2x8x1024xi32, #tpu.memory_space<vmem>>, vector<16xi32>,
        %add3A_479 = arith.constant 1 : i32
        %add3A_480 = vector.broadcast %add3A_479 : i32 to vector<16xi32>
        %add3A_481 = arith.addi %mul3A_472, %add3A_480 : vector<16xi32>
        %add3A_482 = arith.constant 512 : i32
        %add3A_483 = arith.addi %add3A_482, %mul3A_372 : i32
        %swap3A_484 = arith.constant 0 : i32
        %swap3A_485 = arith.constant 1 : i32
        %swap3A_486 = arith.index_cast %swap3A_484 : i32 to index
        %swap3A_487 = arith.index_cast %swap3A_485 : i32 to index
        %swap3A_488 = arith.index_cast %add3A_483 : i32 to index
        %swap3A_489 = tpu.vector_load %arg8[%swap3A_486, %swap3A_487, %swap3A_488] {strides = array<i32>} : memref<2x8x1024xi32, #tpu.memory_space<vmem>>, vector<16xi32>,
        tpu.vector_store %arg8[%swap3A_486, %swap3A_487, %swap3A_488], %add3A_481 {strides = array<i32>} : memref<2x8x1024xi32, #tpu.memory_space<vmem>>, vector<16xi32>,
        %mul3A_490 = arith.mulf %mul3A_433, %sub3A_393 : vector<16xf32>
        %swap3A_491 = arith.constant 0 : i32
        %swap3A_492 = arith.constant 1 : i32
        %swap3A_493 = arith.index_cast %swap3A_491 : i32 to index
        %swap3A_494 = arith.index_cast %swap3A_492 : i32 to index
        %swap3A_495 = arith.index_cast %mul3A_372 : i32 to index
        %swap3A_496 = tpu.vector_load %arg9[%swap3A_493, %swap3A_494, %swap3A_495] {strides = array<i32>} : memref<2x8x512xf32, #tpu.memory_space<vmem>>, vector<16xf32>,
        tpu.vector_store %arg9[%swap3A_493, %swap3A_494, %swap3A_495], %mul3A_490 {strides = array<i32>} : memref<2x8x512xf32, #tpu.memory_space<vmem>>, vector<16xf32>,
        %xor3A_497 = arith.xori %xor3A_412, %mul3A_402 : vector<16xi32>
        %and3A_498 = arith.constant 524287 : i32
        %and3A_499 = vector.broadcast %and3A_498 : i32 to vector<16xi32>
        %and3A_500 = arith.andi %xor3A_497, %and3A_499 : vector<16xi32>
        %mul3A_501 = arith.constant 2 : i32
        %mul3A_502 = vector.broadcast %mul3A_501 : i32 to vector<16xi32>
        %mul3A_503 = arith.muli %and3A_500, %mul3A_502 : vector<16xi32>
        %swap3A_504 = arith.constant 0 : i32
        %swap3A_505 = arith.constant 2 : i32
        %swap3A_506 = arith.index_cast %swap3A_504 : i32 to index
        %swap3A_507 = arith.index_cast %swap3A_505 : i32 to index
        %swap3A_508 = arith.index_cast %mul3A_372 : i32 to index
        %swap3A_509 = tpu.vector_load %arg8[%swap3A_506, %swap3A_507, %swap3A_508] {strides = array<i32>} : memref<2x8x1024xi32, #tpu.memory_space<vmem>>, vector<16xi32>,
        tpu.vector_store %arg8[%swap3A_506, %swap3A_507, %swap3A_508], %mul3A_503 {strides = array<i32>} : memref<2x8x1024xi32, #tpu.memory_space<vmem>>, vector<16xi32>,
        %add3A_510 = arith.constant 1 : i32
        %add3A_511 = vector.broadcast %add3A_510 : i32 to vector<16xi32>
        %add3A_512 = arith.addi %mul3A_503, %add3A_511 : vector<16xi32>
        %add3A_513 = arith.constant 512 : i32
        %add3A_514 = arith.addi %add3A_513, %mul3A_372 : i32
        %swap3A_515 = arith.constant 0 : i32
        %swap3A_516 = arith.constant 2 : i32
        %swap3A_517 = arith.index_cast %swap3A_515 : i32 to index
        %swap3A_518 = arith.index_cast %swap3A_516 : i32 to index
        %swap3A_519 = arith.index_cast %add3A_514 : i32 to index
        %swap3A_520 = tpu.vector_load %arg8[%swap3A_517, %swap3A_518, %swap3A_519] {strides = array<i32>} : memref<2x8x1024xi32, #tpu.memory_space<vmem>>, vector<16xi32>,
        tpu.vector_store %arg8[%swap3A_517, %swap3A_518, %swap3A_519], %add3A_512 {strides = array<i32>} : memref<2x8x1024xi32, #tpu.memory_space<vmem>>, vector<16xi32>,
        %mul3A_521 = arith.mulf %mul3A_434, %sub3A_432 : vector<16xf32>
        %swap3A_522 = arith.constant 0 : i32
        %swap3A_523 = arith.constant 2 : i32
        %swap3A_524 = arith.index_cast %swap3A_522 : i32 to index
        %swap3A_525 = arith.index_cast %swap3A_523 : i32 to index
        %swap3A_526 = arith.index_cast %mul3A_372 : i32 to index
        %swap3A_527 = tpu.vector_load %arg9[%swap3A_524, %swap3A_525, %swap3A_526] {strides = array<i32>} : memref<2x8x512xf32, #tpu.memory_space<vmem>>, vector<16xf32>,
        tpu.vector_store %arg9[%swap3A_524, %swap3A_525, %swap3A_526], %mul3A_521 {strides = array<i32>} : memref<2x8x512xf32, #tpu.memory_space<vmem>>, vector<16xf32>,
        %xor3A_528 = arith.xori %xor3A_412, %add3A_408 : vector<16xi32>
        %and3A_529 = arith.constant 524287 : i32
        %and3A_530 = vector.broadcast %and3A_529 : i32 to vector<16xi32>
        %and3A_531 = arith.andi %xor3A_528, %and3A_530 : vector<16xi32>
        %mul3A_532 = arith.constant 2 : i32
        %mul3A_533 = vector.broadcast %mul3A_532 : i32 to vector<16xi32>
        %mul3A_534 = arith.muli %and3A_531, %mul3A_533 : vector<16xi32>
        %swap3A_535 = arith.constant 0 : i32
        %swap3A_536 = arith.constant 3 : i32
        %swap3A_537 = arith.index_cast %swap3A_535 : i32 to index
        %swap3A_538 = arith.index_cast %swap3A_536 : i32 to index
        %swap3A_539 = arith.index_cast %mul3A_372 : i32 to index
        %swap3A_540 = tpu.vector_load %arg8[%swap3A_537, %swap3A_538, %swap3A_539] {strides = array<i32>} : memref<2x8x1024xi32, #tpu.memory_space<vmem>>, vector<16xi32>,
        tpu.vector_store %arg8[%swap3A_537, %swap3A_538, %swap3A_539], %mul3A_534 {strides = array<i32>} : memref<2x8x1024xi32, #tpu.memory_space<vmem>>, vector<16xi32>,
        %add3A_541 = arith.constant 1 : i32
        %add3A_542 = vector.broadcast %add3A_541 : i32 to vector<16xi32>
        %add3A_543 = arith.addi %mul3A_534, %add3A_542 : vector<16xi32>
        %add3A_544 = arith.constant 512 : i32
        %add3A_545 = arith.addi %add3A_544, %mul3A_372 : i32
        %swap3A_546 = arith.constant 0 : i32
        %swap3A_547 = arith.constant 3 : i32
        %swap3A_548 = arith.index_cast %swap3A_546 : i32 to index
        %swap3A_549 = arith.index_cast %swap3A_547 : i32 to index
        %swap3A_550 = arith.index_cast %add3A_545 : i32 to index
        %swap3A_551 = tpu.vector_load %arg8[%swap3A_548, %swap3A_549, %swap3A_550] {strides = array<i32>} : memref<2x8x1024xi32, #tpu.memory_space<vmem>>, vector<16xi32>,
        tpu.vector_store %arg8[%swap3A_548, %swap3A_549, %swap3A_550], %add3A_543 {strides = array<i32>} : memref<2x8x1024xi32, #tpu.memory_space<vmem>>, vector<16xi32>,
        %mul3A_552 = arith.mulf %mul3A_434, %sub3A_393 : vector<16xf32>
        %swap3A_553 = arith.constant 0 : i32
        %swap3A_554 = arith.constant 3 : i32
        %swap3A_555 = arith.index_cast %swap3A_553 : i32 to index
        %swap3A_556 = arith.index_cast %swap3A_554 : i32 to index
        %swap3A_557 = arith.index_cast %mul3A_372 : i32 to index
        %swap3A_558 = tpu.vector_load %arg9[%swap3A_555, %swap3A_556, %swap3A_557] {strides = array<i32>} : memref<2x8x512xf32, #tpu.memory_space<vmem>>, vector<16xf32>,
        tpu.vector_store %arg9[%swap3A_555, %swap3A_556, %swap3A_557], %mul3A_552 {strides = array<i32>} : memref<2x8x512xf32, #tpu.memory_space<vmem>>, vector<16xf32>,
        %xor3A_559 = arith.xori %xor3A_416, %mul3A_402 : vector<16xi32>
        %and3A_560 = arith.constant 524287 : i32
        %and3A_561 = vector.broadcast %and3A_560 : i32 to vector<16xi32>
        %and3A_562 = arith.andi %xor3A_559, %and3A_561 : vector<16xi32>
        %mul3A_563 = arith.constant 2 : i32
        %mul3A_564 = vector.broadcast %mul3A_563 : i32 to vector<16xi32>
        %mul3A_565 = arith.muli %and3A_562, %mul3A_564 : vector<16xi32>
        %swap3A_566 = arith.constant 0 : i32
        %swap3A_567 = arith.constant 4 : i32
        %swap3A_568 = arith.index_cast %swap3A_566 : i32 to index
        %swap3A_569 = arith.index_cast %swap3A_567 : i32 to index
        %swap3A_570 = arith.index_cast %mul3A_372 : i32 to index
        %swap3A_571 = tpu.vector_load %arg8[%swap3A_568, %swap3A_569, %swap3A_570] {strides = array<i32>} : memref<2x8x1024xi32, #tpu.memory_space<vmem>>, vector<16xi32>,
        tpu.vector_store %arg8[%swap3A_568, %swap3A_569, %swap3A_570], %mul3A_565 {strides = array<i32>} : memref<2x8x1024xi32, #tpu.memory_space<vmem>>, vector<16xi32>,
        %add3A_572 = arith.constant 1 : i32
        %add3A_573 = vector.broadcast %add3A_572 : i32 to vector<16xi32>
        %add3A_574 = arith.addi %mul3A_565, %add3A_573 : vector<16xi32>
        %add3A_575 = arith.constant 512 : i32
        %add3A_576 = arith.addi %add3A_575, %mul3A_372 : i32
        %swap3A_577 = arith.constant 0 : i32
        %swap3A_578 = arith.constant 4 : i32
        %swap3A_579 = arith.index_cast %swap3A_577 : i32 to index
        %swap3A_580 = arith.index_cast %swap3A_578 : i32 to index
        %swap3A_581 = arith.index_cast %add3A_576 : i32 to index
        %swap3A_582 = tpu.vector_load %arg8[%swap3A_579, %swap3A_580, %swap3A_581] {strides = array<i32>} : memref<2x8x1024xi32, #tpu.memory_space<vmem>>, vector<16xi32>,
        tpu.vector_store %arg8[%swap3A_579, %swap3A_580, %swap3A_581], %add3A_574 {strides = array<i32>} : memref<2x8x1024xi32, #tpu.memory_space<vmem>>, vector<16xi32>,
        %mul3A_583 = arith.mulf %mul3A_435, %sub3A_432 : vector<16xf32>
        %swap3A_584 = arith.constant 0 : i32
        %swap3A_585 = arith.constant 4 : i32
        %swap3A_586 = arith.index_cast %swap3A_584 : i32 to index
        %swap3A_587 = arith.index_cast %swap3A_585 : i32 to index
        %swap3A_588 = arith.index_cast %mul3A_372 : i32 to index
        %swap3A_589 = tpu.vector_load %arg9[%swap3A_586, %swap3A_587, %swap3A_588] {strides = array<i32>} : memref<2x8x512xf32, #tpu.memory_space<vmem>>, vector<16xf32>,
        tpu.vector_store %arg9[%swap3A_586, %swap3A_587, %swap3A_588], %mul3A_583 {strides = array<i32>} : memref<2x8x512xf32, #tpu.memory_space<vmem>>, vector<16xf32>,
        %xor3A_590 = arith.xori %xor3A_416, %add3A_408 : vector<16xi32>
        %and3A_591 = arith.constant 524287 : i32
        %and3A_592 = vector.broadcast %and3A_591 : i32 to vector<16xi32>
        %and3A_593 = arith.andi %xor3A_590, %and3A_592 : vector<16xi32>
        %mul3A_594 = arith.constant 2 : i32
        %mul3A_595 = vector.broadcast %mul3A_594 : i32 to vector<16xi32>
        %mul3A_596 = arith.muli %and3A_593, %mul3A_595 : vector<16xi32>
        %swap3A_597 = arith.constant 0 : i32
        %swap3A_598 = arith.constant 5 : i32
        %swap3A_599 = arith.index_cast %swap3A_597 : i32 to index
        %swap3A_600 = arith.index_cast %swap3A_598 : i32 to index
        %swap3A_601 = arith.index_cast %mul3A_372 : i32 to index
        %swap3A_602 = tpu.vector_load %arg8[%swap3A_599, %swap3A_600, %swap3A_601] {strides = array<i32>} : memref<2x8x1024xi32, #tpu.memory_space<vmem>>, vector<16xi32>,
        tpu.vector_store %arg8[%swap3A_599, %swap3A_600, %swap3A_601], %mul3A_596 {strides = array<i32>} : memref<2x8x1024xi32, #tpu.memory_space<vmem>>, vector<16xi32>,
        %add3A_603 = arith.constant 1 : i32
        %add3A_604 = vector.broadcast %add3A_603 : i32 to vector<16xi32>
        %add3A_605 = arith.addi %mul3A_596, %add3A_604 : vector<16xi32>
        %add3A_606 = arith.constant 512 : i32
        %add3A_607 = arith.addi %add3A_606, %mul3A_372 : i32
        %swap3A_608 = arith.constant 0 : i32
        %swap3A_609 = arith.constant 5 : i32
        %swap3A_610 = arith.index_cast %swap3A_608 : i32 to index
        %swap3A_611 = arith.index_cast %swap3A_609 : i32 to index
        %swap3A_612 = arith.index_cast %add3A_607 : i32 to index
        %swap3A_613 = tpu.vector_load %arg8[%swap3A_610, %swap3A_611, %swap3A_612] {strides = array<i32>} : memref<2x8x1024xi32, #tpu.memory_space<vmem>>, vector<16xi32>,
        tpu.vector_store %arg8[%swap3A_610, %swap3A_611, %swap3A_612], %add3A_605 {strides = array<i32>} : memref<2x8x1024xi32, #tpu.memory_space<vmem>>, vector<16xi32>,
        %mul3A_614 = arith.mulf %mul3A_435, %sub3A_393 : vector<16xf32>
        %swap3A_615 = arith.constant 0 : i32
        %swap3A_616 = arith.constant 5 : i32
        %swap3A_617 = arith.index_cast %swap3A_615 : i32 to index
        %swap3A_618 = arith.index_cast %swap3A_616 : i32 to index
        %swap3A_619 = arith.index_cast %mul3A_372 : i32 to index
        %swap3A_620 = tpu.vector_load %arg9[%swap3A_617, %swap3A_618, %swap3A_619] {strides = array<i32>} : memref<2x8x512xf32, #tpu.memory_space<vmem>>, vector<16xf32>,
        tpu.vector_store %arg9[%swap3A_617, %swap3A_618, %swap3A_619], %mul3A_614 {strides = array<i32>} : memref<2x8x512xf32, #tpu.memory_space<vmem>>, vector<16xf32>,
        %xor3A_621 = arith.xori %xor3A_423, %mul3A_402 : vector<16xi32>
        %and3A_622 = arith.constant 524287 : i32
        %and3A_623 = vector.broadcast %and3A_622 : i32 to vector<16xi32>
        %and3A_624 = arith.andi %xor3A_621, %and3A_623 : vector<16xi32>
        %mul3A_625 = arith.constant 2 : i32
        %mul3A_626 = vector.broadcast %mul3A_625 : i32 to vector<16xi32>
        %mul3A_627 = arith.muli %and3A_624, %mul3A_626 : vector<16xi32>
        %swap3A_628 = arith.constant 0 : i32
        %swap3A_629 = arith.constant 6 : i32
        %swap3A_630 = arith.index_cast %swap3A_628 : i32 to index
        %swap3A_631 = arith.index_cast %swap3A_629 : i32 to index
        %swap3A_632 = arith.index_cast %mul3A_372 : i32 to index
        %swap3A_633 = tpu.vector_load %arg8[%swap3A_630, %swap3A_631, %swap3A_632] {strides = array<i32>} : memref<2x8x1024xi32, #tpu.memory_space<vmem>>, vector<16xi32>,
        tpu.vector_store %arg8[%swap3A_630, %swap3A_631, %swap3A_632], %mul3A_627 {strides = array<i32>} : memref<2x8x1024xi32, #tpu.memory_space<vmem>>, vector<16xi32>,
        %add3A_634 = arith.constant 1 : i32
        %add3A_635 = vector.broadcast %add3A_634 : i32 to vector<16xi32>
        %add3A_636 = arith.addi %mul3A_627, %add3A_635 : vector<16xi32>
        %add3A_637 = arith.constant 512 : i32
        %add3A_638 = arith.addi %add3A_637, %mul3A_372 : i32
        %swap3A_639 = arith.constant 0 : i32
        %swap3A_640 = arith.constant 6 : i32
        %swap3A_641 = arith.index_cast %swap3A_639 : i32 to index
        %swap3A_642 = arith.index_cast %swap3A_640 : i32 to index
        %swap3A_643 = arith.index_cast %add3A_638 : i32 to index
        %swap3A_644 = tpu.vector_load %arg8[%swap3A_641, %swap3A_642, %swap3A_643] {strides = array<i32>} : memref<2x8x1024xi32, #tpu.memory_space<vmem>>, vector<16xi32>,
        tpu.vector_store %arg8[%swap3A_641, %swap3A_642, %swap3A_643], %add3A_636 {strides = array<i32>} : memref<2x8x1024xi32, #tpu.memory_space<vmem>>, vector<16xi32>,
        %mul3A_645 = arith.mulf %mul3A_436, %sub3A_432 : vector<16xf32>
        %swap3A_646 = arith.constant 0 : i32
        %swap3A_647 = arith.constant 6 : i32
        %swap3A_648 = arith.index_cast %swap3A_646 : i32 to index
        %swap3A_649 = arith.index_cast %swap3A_647 : i32 to index
        %swap3A_650 = arith.index_cast %mul3A_372 : i32 to index
        %swap3A_651 = tpu.vector_load %arg9[%swap3A_648, %swap3A_649, %swap3A_650] {strides = array<i32>} : memref<2x8x512xf32, #tpu.memory_space<vmem>>, vector<16xf32>,
        tpu.vector_store %arg9[%swap3A_648, %swap3A_649, %swap3A_650], %mul3A_645 {strides = array<i32>} : memref<2x8x512xf32, #tpu.memory_space<vmem>>, vector<16xf32>,
        %xor3A_652 = arith.xori %xor3A_423, %add3A_408 : vector<16xi32>
        %and3A_653 = arith.constant 524287 : i32
        %and3A_654 = vector.broadcast %and3A_653 : i32 to vector<16xi32>
        %and3A_655 = arith.andi %xor3A_652, %and3A_654 : vector<16xi32>
        %mul3A_656 = arith.constant 2 : i32
        %mul3A_657 = vector.broadcast %mul3A_656 : i32 to vector<16xi32>
        %mul3A_658 = arith.muli %and3A_655, %mul3A_657 : vector<16xi32>
        %swap3A_659 = arith.constant 0 : i32
        %swap3A_660 = arith.constant 7 : i32
        %swap3A_661 = arith.index_cast %swap3A_659 : i32 to index
        %swap3A_662 = arith.index_cast %swap3A_660 : i32 to index
        %swap3A_663 = arith.index_cast %mul3A_372 : i32 to index
        %swap3A_664 = tpu.vector_load %arg8[%swap3A_661, %swap3A_662, %swap3A_663] {strides = array<i32>} : memref<2x8x1024xi32, #tpu.memory_space<vmem>>, vector<16xi32>,
        tpu.vector_store %arg8[%swap3A_661, %swap3A_662, %swap3A_663], %mul3A_658 {strides = array<i32>} : memref<2x8x1024xi32, #tpu.memory_space<vmem>>, vector<16xi32>,
        %add3A_665 = arith.constant 1 : i32
        %add3A_666 = vector.broadcast %add3A_665 : i32 to vector<16xi32>
        %add3A_667 = arith.addi %mul3A_658, %add3A_666 : vector<16xi32>
        %add3A_668 = arith.constant 512 : i32
        %add3A_669 = arith.addi %add3A_668, %mul3A_372 : i32
        %swap3A_670 = arith.constant 0 : i32
        %swap3A_671 = arith.constant 7 : i32
        %swap3A_672 = arith.index_cast %swap3A_670 : i32 to index
        %swap3A_673 = arith.index_cast %swap3A_671 : i32 to index
        %swap3A_674 = arith.index_cast %add3A_669 : i32 to index
        %swap3A_675 = tpu.vector_load %arg8[%swap3A_672, %swap3A_673, %swap3A_674] {strides = array<i32>} : memref<2x8x1024xi32, #tpu.memory_space<vmem>>, vector<16xi32>,
        tpu.vector_store %arg8[%swap3A_672, %swap3A_673, %swap3A_674], %add3A_667 {strides = array<i32>} : memref<2x8x1024xi32, #tpu.memory_space<vmem>>, vector<16xi32>,
        %mul3A_676 = arith.mulf %mul3A_436, %sub3A_393 : vector<16xf32>
        %swap3A_677 = arith.constant 0 : i32
        %swap3A_678 = arith.constant 7 : i32
        %swap3A_679 = arith.index_cast %swap3A_677 : i32 to index
        %swap3A_680 = arith.index_cast %swap3A_678 : i32 to index
        %swap3A_681 = arith.index_cast %mul3A_372 : i32 to index
        %swap3A_682 = tpu.vector_load %arg9[%swap3A_679, %swap3A_680, %swap3A_681] {strides = array<i32>} : memref<2x8x512xf32, #tpu.memory_space<vmem>>, vector<16xf32>,
        tpu.vector_store %arg9[%swap3A_679, %swap3A_680, %swap3A_681], %mul3A_676 {strides = array<i32>} : memref<2x8x512xf32, #tpu.memory_space<vmem>>, vector<16xf32>,
      }
      %scan3A_169 = arith.constant 32 : i32
      %scan3A_170 = arith.constant 0 : i32
      %scan3A_171 = arith.constant 8 : i32
      %scan3A_172 = arith.addi %scan3A_170, %scan3A_171 : i32
      %scan3A_173 = arith.constant 1 : i32
      scf.for %scan3A_370 = %scan3A_170 to %scan3A_172 step %scan3A_173  : i32 {
        %dma_start3A_371 = arith.constant 0 : i32
        %dma_start3A_372 = arith.constant 0 : i32
        %dma_start3A_373 = arith.constant 0 : i32
        %dma_start3A_374 = tpu.memref_slice %arg10[%dma_start3A_372, %scan3A_370, %dma_start3A_373] : memref<2x8x1024xf32, #tpu.memory_space<vmem>> -> memref<1x1x1024xf32, #tpu.memory_space<vmem>>
        %dma_start3A_375 = tpu.memref_squeeze %dma_start3A_374 : memref<1x1x1024xf32, #tpu.memory_space<vmem>> -> memref<1024xf32, #tpu.memory_space<vmem>>
        %dma_start3A_376 = arith.constant 0 : i32
        %dma_start3A_377 = tpu.memref_slice %arg8[%dma_start3A_371, %scan3A_370, %dma_start3A_376] : memref<2x8x1024xi32, #tpu.memory_space<vmem>> -> memref<1x1x1024xi32, #tpu.memory_space<vmem>>
        %dma_start3A_378 = tpu.memref_squeeze %dma_start3A_377 : memref<1x1x1024xi32, #tpu.memory_space<vmem>> -> memref<1024xi32, #tpu.memory_space<vmem>>
        %dma_start3A_379 = arith.constant 0 : i32
        %dma_start3A_380 = tpu.memref_slice %arg12[%dma_start3A_379] : memref<1048576xf32, #tpu.memory_space<vmem_shared>> -> memref<1048576xf32, #tpu.memory_space<vmem_shared>>
        tpu.enqueue_indirect_dma source(%dma_start3A_380 : memref<1048576xf32, #tpu.memory_space<vmem_shared>>) target(%dma_start3A_375 : memref<1024xf32, #tpu.memory_space<vmem>>) offsets(%dma_start3A_378 : memref<1024xi32, #tpu.memory_space<vmem>>) semaphore(%arg13 : memref<!tpu.dma_semaphore, #tpu.memory_space<semaphore_mem>>)
      }
      %scan3A_174 = arith.constant 8 : i32
      %scan3A_175 = arith.constant 0 : i32
      %scan3A_176 = arith.constant 15 : i32
      %scan3A_177 = arith.addi %scan3A_175, %scan3A_176 : i32
      %scan3A_178 = arith.constant 1 : i32
      scf.for %scan3A_370 = %scan3A_175 to %scan3A_177 step %scan3A_178  : i32 {
        %mul3A_371 = arith.constant 2 : i32
        %mul3A_372 = arith.muli %mul3A_371, %scan3A_370 : i32
        %add3A_373 = arith.constant 1 : i32
        %add3A_374 = arith.addi %mul3A_372, %add3A_373 : i32
        %mul3A_375 = arith.constant 16384 : i32
        %mul3A_376 = arith.muli %add3A, %mul3A_375 : i32
        %mul3A_377 = arith.constant 512 : i32
        %mul3A_378 = arith.muli %add3A_374, %mul3A_377 : i32
        %add3A_379 = arith.addi %mul3A_376, %mul3A_378 : i32
        %dma_start3A_380 = arith.constant 0 : i32
        %dma_start3A_381 = arith.constant 0 : i32
        %dma_start3A_382 = tpu.memref_slice %arg7[%dma_start3A_380, %dma_start3A_381] : memref<3x512xf32, #tpu.memory_space<vmem>> -> memref<1x512xf32, #tpu.memory_space<vmem>>
        %dma_start3A_383 = tpu.memref_squeeze %dma_start3A_382 : memref<1x512xf32, #tpu.memory_space<vmem>> -> memref<512xf32, #tpu.memory_space<vmem>>
        %dma_start3A_384 = tpu.memref_slice %arg2[%add3A_379] : memref<524288xf32, #tpu.memory_space<hbm>> -> memref<512xf32, #tpu.memory_space<hbm>>
        %dma_start3A_385 = arith.constant 0 : i32
        %dma_start3A_386 = tpu.memref_slice %arg7[%dma_start3A_380, %dma_start3A_385] : memref<3x512xf32, #tpu.memory_space<vmem>> -> memref<1x512xf32, #tpu.memory_space<vmem>>
        %dma_start3A_387 = tpu.memref_squeeze %dma_start3A_386 : memref<1x512xf32, #tpu.memory_space<vmem>> -> memref<512xf32, #tpu.memory_space<vmem>>
        %dma_start3A_388 = tpu.memref_slice %arg2[%add3A_379] : memref<524288xf32, #tpu.memory_space<hbm>> -> memref<512xf32, #tpu.memory_space<hbm>>
        tpu.enqueue_dma source(%dma_start3A_388 : memref<512xf32, #tpu.memory_space<hbm>>) target(%dma_start3A_387 : memref<512xf32, #tpu.memory_space<vmem>>) target_semaphore(%arg15 : memref<!tpu.dma_semaphore, #tpu.memory_space<semaphore_mem>>)
        %dma_start3A_389 = arith.constant 1 : i32
        %dma_start3A_390 = arith.constant 0 : i32
        %dma_start3A_391 = tpu.memref_slice %arg7[%dma_start3A_389, %dma_start3A_390] : memref<3x512xf32, #tpu.memory_space<vmem>> -> memref<1x512xf32, #tpu.memory_space<vmem>>
        %dma_start3A_392 = tpu.memref_squeeze %dma_start3A_391 : memref<1x512xf32, #tpu.memory_space<vmem>> -> memref<512xf32, #tpu.memory_space<vmem>>
        %dma_start3A_393 = tpu.memref_slice %arg3[%add3A_379] : memref<524288xf32, #tpu.memory_space<hbm>> -> memref<512xf32, #tpu.memory_space<hbm>>
        %dma_start3A_394 = arith.constant 0 : i32
        %dma_start3A_395 = tpu.memref_slice %arg7[%dma_start3A_389, %dma_start3A_394] : memref<3x512xf32, #tpu.memory_space<vmem>> -> memref<1x512xf32, #tpu.memory_space<vmem>>
        %dma_start3A_396 = tpu.memref_squeeze %dma_start3A_395 : memref<1x512xf32, #tpu.memory_space<vmem>> -> memref<512xf32, #tpu.memory_space<vmem>>
        %dma_start3A_397 = tpu.memref_slice %arg3[%add3A_379] : memref<524288xf32, #tpu.memory_space<hbm>> -> memref<512xf32, #tpu.memory_space<hbm>>
        tpu.enqueue_dma source(%dma_start3A_397 : memref<512xf32, #tpu.memory_space<hbm>>) target(%dma_start3A_396 : memref<512xf32, #tpu.memory_space<vmem>>) target_semaphore(%arg15 : memref<!tpu.dma_semaphore, #tpu.memory_space<semaphore_mem>>)
        %dma_start3A_398 = arith.constant 2 : i32
        %dma_start3A_399 = arith.constant 0 : i32
        %dma_start3A_400 = tpu.memref_slice %arg7[%dma_start3A_398, %dma_start3A_399] : memref<3x512xf32, #tpu.memory_space<vmem>> -> memref<1x512xf32, #tpu.memory_space<vmem>>
        %dma_start3A_401 = tpu.memref_squeeze %dma_start3A_400 : memref<1x512xf32, #tpu.memory_space<vmem>> -> memref<512xf32, #tpu.memory_space<vmem>>
        %dma_start3A_402 = tpu.memref_slice %arg4[%add3A_379] : memref<524288xf32, #tpu.memory_space<hbm>> -> memref<512xf32, #tpu.memory_space<hbm>>
        %dma_start3A_403 = arith.constant 0 : i32
        %dma_start3A_404 = tpu.memref_slice %arg7[%dma_start3A_398, %dma_start3A_403] : memref<3x512xf32, #tpu.memory_space<vmem>> -> memref<1x512xf32, #tpu.memory_space<vmem>>
        %dma_start3A_405 = tpu.memref_squeeze %dma_start3A_404 : memref<1x512xf32, #tpu.memory_space<vmem>> -> memref<512xf32, #tpu.memory_space<vmem>>
        %dma_start3A_406 = tpu.memref_slice %arg4[%add3A_379] : memref<524288xf32, #tpu.memory_space<hbm>> -> memref<512xf32, #tpu.memory_space<hbm>>
        tpu.enqueue_dma source(%dma_start3A_406 : memref<512xf32, #tpu.memory_space<hbm>>) target(%dma_start3A_405 : memref<512xf32, #tpu.memory_space<vmem>>) target_semaphore(%arg15 : memref<!tpu.dma_semaphore, #tpu.memory_space<semaphore_mem>>)
        %dma_wait3A_407 = arith.constant 0 : i32
        %dma_wait3A_408 = arith.constant 0 : i32
        %dma_wait3A_409 = tpu.memref_slice %arg7[%dma_wait3A_407, %dma_wait3A_408] : memref<3x512xf32, #tpu.memory_space<vmem>> -> memref<1x512xf32, #tpu.memory_space<vmem>>
        %dma_wait3A_410 = tpu.memref_squeeze %dma_wait3A_409 : memref<1x512xf32, #tpu.memory_space<vmem>> -> memref<512xf32, #tpu.memory_space<vmem>>
        %dma_wait3A_411 = tpu.memref_slice %arg2[%add3A_379] : memref<524288xf32, #tpu.memory_space<hbm>> -> memref<512xf32, #tpu.memory_space<hbm>>
        %dma_wait3A_412 = arith.constant 0 : i32
        %dma_wait3A_413 = tpu.memref_slice %arg7[%dma_wait3A_407, %dma_wait3A_412] : memref<3x512xf32, #tpu.memory_space<vmem>> -> memref<1x512xf32, #tpu.memory_space<vmem>>
        %dma_wait3A_414 = tpu.memref_squeeze %dma_wait3A_413 : memref<1x512xf32, #tpu.memory_space<vmem>> -> memref<512xf32, #tpu.memory_space<vmem>>
        %dma_wait3A_415 = tpu.memref_slice %arg2[%add3A_379] : memref<524288xf32, #tpu.memory_space<hbm>> -> memref<512xf32, #tpu.memory_space<hbm>>
        tpu.wait_dma2 semaphore(%arg15 : memref<!tpu.dma_semaphore, #tpu.memory_space<semaphore_mem>>) src(%dma_wait3A_415 : memref<512xf32, #tpu.memory_space<hbm>>) dst(%dma_wait3A_414 : memref<512xf32, #tpu.memory_space<vmem>>)
        %dma_wait3A_416 = arith.constant 1 : i32
        %dma_wait3A_417 = arith.constant 0 : i32
        %dma_wait3A_418 = tpu.memref_slice %arg7[%dma_wait3A_416, %dma_wait3A_417] : memref<3x512xf32, #tpu.memory_space<vmem>> -> memref<1x512xf32, #tpu.memory_space<vmem>>
        %dma_wait3A_419 = tpu.memref_squeeze %dma_wait3A_418 : memref<1x512xf32, #tpu.memory_space<vmem>> -> memref<512xf32, #tpu.memory_space<vmem>>
        %dma_wait3A_420 = tpu.memref_slice %arg3[%add3A_379] : memref<524288xf32, #tpu.memory_space<hbm>> -> memref<512xf32, #tpu.memory_space<hbm>>
        %dma_wait3A_421 = arith.constant 0 : i32
        %dma_wait3A_422 = tpu.memref_slice %arg7[%dma_wait3A_416, %dma_wait3A_421] : memref<3x512xf32, #tpu.memory_space<vmem>> -> memref<1x512xf32, #tpu.memory_space<vmem>>
        %dma_wait3A_423 = tpu.memref_squeeze %dma_wait3A_422 : memref<1x512xf32, #tpu.memory_space<vmem>> -> memref<512xf32, #tpu.memory_space<vmem>>
        %dma_wait3A_424 = tpu.memref_slice %arg3[%add3A_379] : memref<524288xf32, #tpu.memory_space<hbm>> -> memref<512xf32, #tpu.memory_space<hbm>>
        tpu.wait_dma2 semaphore(%arg15 : memref<!tpu.dma_semaphore, #tpu.memory_space<semaphore_mem>>) src(%dma_wait3A_424 : memref<512xf32, #tpu.memory_space<hbm>>) dst(%dma_wait3A_423 : memref<512xf32, #tpu.memory_space<vmem>>)
        %dma_wait3A_425 = arith.constant 2 : i32
        %dma_wait3A_426 = arith.constant 0 : i32
        %dma_wait3A_427 = tpu.memref_slice %arg7[%dma_wait3A_425, %dma_wait3A_426] : memref<3x512xf32, #tpu.memory_space<vmem>> -> memref<1x512xf32, #tpu.memory_space<vmem>>
        %dma_wait3A_428 = tpu.memref_squeeze %dma_wait3A_427 : memref<1x512xf32, #tpu.memory_space<vmem>> -> memref<512xf32, #tpu.memory_space<vmem>>
        %dma_wait3A_429 = tpu.memref_slice %arg4[%add3A_379] : memref<524288xf32, #tpu.memory_space<hbm>> -> memref<512xf32, #tpu.memory_space<hbm>>
        %dma_wait3A_430 = arith.constant 0 : i32
        %dma_wait3A_431 = tpu.memref_slice %arg7[%dma_wait3A_425, %dma_wait3A_430] : memref<3x512xf32, #tpu.memory_space<vmem>> -> memref<1x512xf32, #tpu.memory_space<vmem>>
        %dma_wait3A_432 = tpu.memref_squeeze %dma_wait3A_431 : memref<1x512xf32, #tpu.memory_space<vmem>> -> memref<512xf32, #tpu.memory_space<vmem>>
        %dma_wait3A_433 = tpu.memref_slice %arg4[%add3A_379] : memref<524288xf32, #tpu.memory_space<hbm>> -> memref<512xf32, #tpu.memory_space<hbm>>
        tpu.wait_dma2 semaphore(%arg15 : memref<!tpu.dma_semaphore, #tpu.memory_space<semaphore_mem>>) src(%dma_wait3A_433 : memref<512xf32, #tpu.memory_space<hbm>>) dst(%dma_wait3A_432 : memref<512xf32, #tpu.memory_space<vmem>>)
        %scan3A_434 = arith.constant 0 : i32
        %scan3A_435 = arith.constant 32 : i32
        %scan3A_436 = arith.addi %scan3A_434, %scan3A_435 : i32
        %scan3A_437 = arith.constant 1 : i32
        scf.for %scan3A_580 = %scan3A_434 to %scan3A_436 step %scan3A_437  : i32 {
          %mul3A_581 = arith.constant 16 : i32
          %mul3A_582 = arith.muli %scan3A_580, %mul3A_581 : i32
          %get3A = arith.constant 0 : i32
          %get3A_583 = arith.index_cast %get3A : i32 to index
          %get3A_584 = arith.index_cast %mul3A_582 : i32 to index
          %get3A_585 = tpu.vector_load %arg7[%get3A_583, %get3A_584] {strides = array<i32>} : memref<3x512xf32, #tpu.memory_space<vmem>>, vector<16xf32>,
          %get3A_586 = arith.constant 1 : i32
          %get3A_587 = arith.index_cast %get3A_586 : i32 to index
          %get3A_588 = arith.index_cast %mul3A_582 : i32 to index
          %get3A_589 = tpu.vector_load %arg7[%get3A_587, %get3A_588] {strides = array<i32>} : memref<3x512xf32, #tpu.memory_space<vmem>>, vector<16xf32>,
          %get3A_590 = arith.constant 2 : i32
          %get3A_591 = arith.index_cast %get3A_590 : i32 to index
          %get3A_592 = arith.index_cast %mul3A_582 : i32 to index
          %get3A_593 = tpu.vector_load %arg7[%get3A_591, %get3A_592] {strides = array<i32>} : memref<3x512xf32, #tpu.memory_space<vmem>>, vector<16xf32>,
          %mul3A_594 = arith.mulf %get3A_585, %select_n3A_108 : vector<16xf32>
          %mul3A_595 = arith.mulf %get3A_589, %select_n3A_108 : vector<16xf32>
          %mul3A_596 = arith.mulf %get3A_593, %select_n3A_108 : vector<16xf32>
          %convert_element_type3A_597 = arith.fptosi %mul3A_594 : vector<16xf32> to vector<16xi32>
          %convert_element_type3A_598 = arith.fptosi %mul3A_595 : vector<16xf32> to vector<16xi32>
          %convert_element_type3A_599 = arith.fptosi %mul3A_596 : vector<16xf32> to vector<16xi32>
          %convert_element_type3A_600 = arith.sitofp %convert_element_type3A_597 : vector<16xi32> to vector<16xf32>
          %sub3A = arith.subf %mul3A_594, %convert_element_type3A_600 : vector<16xf32>
          %convert_element_type3A_601 = arith.sitofp %convert_element_type3A_598 : vector<16xi32> to vector<16xf32>
          %sub3A_602 = arith.subf %mul3A_595, %convert_element_type3A_601 : vector<16xf32>
          %convert_element_type3A_603 = arith.sitofp %convert_element_type3A_599 : vector<16xi32> to vector<16xf32>
          %sub3A_604 = arith.subf %mul3A_596, %convert_element_type3A_603 : vector<16xf32>
          %mul3A_605 = arith.constant 1540863 : i32
          %mul3A_606 = vector.broadcast %mul3A_605 : i32 to vector<16xi32>
          %mul3A_607 = arith.muli %convert_element_type3A_597, %mul3A_606 : vector<16xi32>
          %mul3A_608 = arith.constant 1256879 : i32
          %mul3A_609 = vector.broadcast %mul3A_608 : i32 to vector<16xi32>
          %mul3A_610 = arith.muli %convert_element_type3A_598, %mul3A_609 : vector<16xi32>
          %mul3A_611 = arith.constant 1957123 : i32
          %mul3A_612 = vector.broadcast %mul3A_611 : i32 to vector<16xi32>
          %mul3A_613 = arith.muli %convert_element_type3A_599, %mul3A_612 : vector<16xi32>
          %mul3A_614 = arith.constant 1957123 : i32
          %mul3A_615 = vector.broadcast %mul3A_614 : i32 to vector<16xi32>
          %mul3A_616 = arith.muli %convert_element_type3A_599, %mul3A_615 : vector<16xi32>
          %add3A_617 = arith.constant 1957123 : i32
          %add3A_618 = vector.broadcast %add3A_617 : i32 to vector<16xi32>
          %add3A_619 = arith.addi %mul3A_616, %add3A_618 : vector<16xi32>
          %xor3A = arith.xori %mul3A_607, %mul3A_610 : vector<16xi32>
          %add3A_620 = arith.constant 1256879 : i32
          %add3A_621 = vector.broadcast %add3A_620 : i32 to vector<16xi32>
          %add3A_622 = arith.addi %mul3A_610, %add3A_621 : vector<16xi32>
          %xor3A_623 = arith.xori %mul3A_607, %add3A_622 : vector<16xi32>
          %add3A_624 = arith.constant 1540863 : i32
          %add3A_625 = vector.broadcast %add3A_624 : i32 to vector<16xi32>
          %add3A_626 = arith.addi %mul3A_607, %add3A_625 : vector<16xi32>
          %xor3A_627 = arith.xori %add3A_626, %mul3A_610 : vector<16xi32>
          %add3A_628 = arith.constant 1540863 : i32
          %add3A_629 = vector.broadcast %add3A_628 : i32 to vector<16xi32>
          %add3A_630 = arith.addi %mul3A_607, %add3A_629 : vector<16xi32>
          %add3A_631 = arith.constant 1256879 : i32
          %add3A_632 = vector.broadcast %add3A_631 : i32 to vector<16xi32>
          %add3A_633 = arith.addi %mul3A_610, %add3A_632 : vector<16xi32>
          %xor3A_634 = arith.xori %add3A_630, %add3A_633 : vector<16xi32>
          %sub3A_635 = arith.constant 1.000000e+00 : f32
          %sub3A_636 = vector.broadcast %sub3A_635 : f32 to vector<16xf32>
          %sub3A_637 = arith.subf %sub3A_636, %sub3A : vector<16xf32>
          %sub3A_638 = arith.constant 1.000000e+00 : f32
          %sub3A_639 = vector.broadcast %sub3A_638 : f32 to vector<16xf32>
          %sub3A_640 = arith.subf %sub3A_639, %sub3A_602 : vector<16xf32>
          %sub3A_641 = arith.constant 1.000000e+00 : f32
          %sub3A_642 = vector.broadcast %sub3A_641 : f32 to vector<16xf32>
          %sub3A_643 = arith.subf %sub3A_642, %sub3A_604 : vector<16xf32>
          %mul3A_644 = arith.mulf %sub3A_637, %sub3A_640 : vector<16xf32>
          %mul3A_645 = arith.mulf %sub3A_637, %sub3A_602 : vector<16xf32>
          %mul3A_646 = arith.mulf %sub3A, %sub3A_640 : vector<16xf32>
          %mul3A_647 = arith.mulf %sub3A, %sub3A_602 : vector<16xf32>
          %xor3A_648 = arith.xori %xor3A, %mul3A_613 : vector<16xi32>
          %and3A = arith.constant 524287 : i32
          %and3A_649 = vector.broadcast %and3A : i32 to vector<16xi32>
          %and3A_650 = arith.andi %xor3A_648, %and3A_649 : vector<16xi32>
          %mul3A_651 = arith.constant 2 : i32
          %mul3A_652 = vector.broadcast %mul3A_651 : i32 to vector<16xi32>
          %mul3A_653 = arith.muli %and3A_650, %mul3A_652 : vector<16xi32>
          %swap3A = arith.constant 1 : i32
          %swap3A_654 = arith.constant 0 : i32
          %swap3A_655 = arith.index_cast %swap3A : i32 to index
          %swap3A_656 = arith.index_cast %swap3A_654 : i32 to index
          %swap3A_657 = arith.index_cast %mul3A_582 : i32 to index
          %swap3A_658 = tpu.vector_load %arg8[%swap3A_655, %swap3A_656, %swap3A_657] {strides = array<i32>} : memref<2x8x1024xi32, #tpu.memory_space<vmem>>, vector<16xi32>,
          tpu.vector_store %arg8[%swap3A_655, %swap3A_656, %swap3A_657], %mul3A_653 {strides = array<i32>} : memref<2x8x1024xi32, #tpu.memory_space<vmem>>, vector<16xi32>,
          %add3A_659 = arith.constant 1 : i32
          %add3A_660 = vector.broadcast %add3A_659 : i32 to vector<16xi32>
          %add3A_661 = arith.addi %mul3A_653, %add3A_660 : vector<16xi32>
          %add3A_662 = arith.constant 512 : i32
          %add3A_663 = arith.addi %add3A_662, %mul3A_582 : i32
          %swap3A_664 = arith.constant 1 : i32
          %swap3A_665 = arith.constant 0 : i32
          %swap3A_666 = arith.index_cast %swap3A_664 : i32 to index
          %swap3A_667 = arith.index_cast %swap3A_665 : i32 to index
          %swap3A_668 = arith.index_cast %add3A_663 : i32 to index
          %swap3A_669 = tpu.vector_load %arg8[%swap3A_666, %swap3A_667, %swap3A_668] {strides = array<i32>} : memref<2x8x1024xi32, #tpu.memory_space<vmem>>, vector<16xi32>,
          tpu.vector_store %arg8[%swap3A_666, %swap3A_667, %swap3A_668], %add3A_661 {strides = array<i32>} : memref<2x8x1024xi32, #tpu.memory_space<vmem>>, vector<16xi32>,
          %mul3A_670 = arith.mulf %mul3A_644, %sub3A_643 : vector<16xf32>
          %swap3A_671 = arith.constant 1 : i32
          %swap3A_672 = arith.constant 0 : i32
          %swap3A_673 = arith.index_cast %swap3A_671 : i32 to index
          %swap3A_674 = arith.index_cast %swap3A_672 : i32 to index
          %swap3A_675 = arith.index_cast %mul3A_582 : i32 to index
          %swap3A_676 = tpu.vector_load %arg9[%swap3A_673, %swap3A_674, %swap3A_675] {strides = array<i32>} : memref<2x8x512xf32, #tpu.memory_space<vmem>>, vector<16xf32>,
          tpu.vector_store %arg9[%swap3A_673, %swap3A_674, %swap3A_675], %mul3A_670 {strides = array<i32>} : memref<2x8x512xf32, #tpu.memory_space<vmem>>, vector<16xf32>,
          %xor3A_677 = arith.xori %xor3A, %add3A_619 : vector<16xi32>
          %and3A_678 = arith.constant 524287 : i32
          %and3A_679 = vector.broadcast %and3A_678 : i32 to vector<16xi32>
          %and3A_680 = arith.andi %xor3A_677, %and3A_679 : vector<16xi32>
          %mul3A_681 = arith.constant 2 : i32
          %mul3A_682 = vector.broadcast %mul3A_681 : i32 to vector<16xi32>
          %mul3A_683 = arith.muli %and3A_680, %mul3A_682 : vector<16xi32>
          %swap3A_684 = arith.constant 1 : i32
          %swap3A_685 = arith.constant 1 : i32
          %swap3A_686 = arith.index_cast %swap3A_684 : i32 to index
          %swap3A_687 = arith.index_cast %swap3A_685 : i32 to index
          %swap3A_688 = arith.index_cast %mul3A_582 : i32 to index
          %swap3A_689 = tpu.vector_load %arg8[%swap3A_686, %swap3A_687, %swap3A_688] {strides = array<i32>} : memref<2x8x1024xi32, #tpu.memory_space<vmem>>, vector<16xi32>,
          tpu.vector_store %arg8[%swap3A_686, %swap3A_687, %swap3A_688], %mul3A_683 {strides = array<i32>} : memref<2x8x1024xi32, #tpu.memory_space<vmem>>, vector<16xi32>,
          %add3A_690 = arith.constant 1 : i32
          %add3A_691 = vector.broadcast %add3A_690 : i32 to vector<16xi32>
          %add3A_692 = arith.addi %mul3A_683, %add3A_691 : vector<16xi32>
          %add3A_693 = arith.constant 512 : i32
          %add3A_694 = arith.addi %add3A_693, %mul3A_582 : i32
          %swap3A_695 = arith.constant 1 : i32
          %swap3A_696 = arith.constant 1 : i32
          %swap3A_697 = arith.index_cast %swap3A_695 : i32 to index
          %swap3A_698 = arith.index_cast %swap3A_696 : i32 to index
          %swap3A_699 = arith.index_cast %add3A_694 : i32 to index
          %swap3A_700 = tpu.vector_load %arg8[%swap3A_697, %swap3A_698, %swap3A_699] {strides = array<i32>} : memref<2x8x1024xi32, #tpu.memory_space<vmem>>, vector<16xi32>,
          tpu.vector_store %arg8[%swap3A_697, %swap3A_698, %swap3A_699], %add3A_692 {strides = array<i32>} : memref<2x8x1024xi32, #tpu.memory_space<vmem>>, vector<16xi32>,
          %mul3A_701 = arith.mulf %mul3A_644, %sub3A_604 : vector<16xf32>
          %swap3A_702 = arith.constant 1 : i32
          %swap3A_703 = arith.constant 1 : i32
          %swap3A_704 = arith.index_cast %swap3A_702 : i32 to index
          %swap3A_705 = arith.index_cast %swap3A_703 : i32 to index
          %swap3A_706 = arith.index_cast %mul3A_582 : i32 to index
          %swap3A_707 = tpu.vector_load %arg9[%swap3A_704, %swap3A_705, %swap3A_706] {strides = array<i32>} : memref<2x8x512xf32, #tpu.memory_space<vmem>>, vector<16xf32>,
          tpu.vector_store %arg9[%swap3A_704, %swap3A_705, %swap3A_706], %mul3A_701 {strides = array<i32>} : memref<2x8x512xf32, #tpu.memory_space<vmem>>, vector<16xf32>,
          %xor3A_708 = arith.xori %xor3A_623, %mul3A_613 : vector<16xi32>
          %and3A_709 = arith.constant 524287 : i32
          %and3A_710 = vector.broadcast %and3A_709 : i32 to vector<16xi32>
          %and3A_711 = arith.andi %xor3A_708, %and3A_710 : vector<16xi32>
          %mul3A_712 = arith.constant 2 : i32
          %mul3A_713 = vector.broadcast %mul3A_712 : i32 to vector<16xi32>
          %mul3A_714 = arith.muli %and3A_711, %mul3A_713 : vector<16xi32>
          %swap3A_715 = arith.constant 1 : i32
          %swap3A_716 = arith.constant 2 : i32
          %swap3A_717 = arith.index_cast %swap3A_715 : i32 to index
          %swap3A_718 = arith.index_cast %swap3A_716 : i32 to index
          %swap3A_719 = arith.index_cast %mul3A_582 : i32 to index
          %swap3A_720 = tpu.vector_load %arg8[%swap3A_717, %swap3A_718, %swap3A_719] {strides = array<i32>} : memref<2x8x1024xi32, #tpu.memory_space<vmem>>, vector<16xi32>,
          tpu.vector_store %arg8[%swap3A_717, %swap3A_718, %swap3A_719], %mul3A_714 {strides = array<i32>} : memref<2x8x1024xi32, #tpu.memory_space<vmem>>, vector<16xi32>,
          %add3A_721 = arith.constant 1 : i32
          %add3A_722 = vector.broadcast %add3A_721 : i32 to vector<16xi32>
          %add3A_723 = arith.addi %mul3A_714, %add3A_722 : vector<16xi32>
          %add3A_724 = arith.constant 512 : i32
          %add3A_725 = arith.addi %add3A_724, %mul3A_582 : i32
          %swap3A_726 = arith.constant 1 : i32
          %swap3A_727 = arith.constant 2 : i32
          %swap3A_728 = arith.index_cast %swap3A_726 : i32 to index
          %swap3A_729 = arith.index_cast %swap3A_727 : i32 to index
          %swap3A_730 = arith.index_cast %add3A_725 : i32 to index
          %swap3A_731 = tpu.vector_load %arg8[%swap3A_728, %swap3A_729, %swap3A_730] {strides = array<i32>} : memref<2x8x1024xi32, #tpu.memory_space<vmem>>, vector<16xi32>,
          tpu.vector_store %arg8[%swap3A_728, %swap3A_729, %swap3A_730], %add3A_723 {strides = array<i32>} : memref<2x8x1024xi32, #tpu.memory_space<vmem>>, vector<16xi32>,
          %mul3A_732 = arith.mulf %mul3A_645, %sub3A_643 : vector<16xf32>
          %swap3A_733 = arith.constant 1 : i32
          %swap3A_734 = arith.constant 2 : i32
          %swap3A_735 = arith.index_cast %swap3A_733 : i32 to index
          %swap3A_736 = arith.index_cast %swap3A_734 : i32 to index
          %swap3A_737 = arith.index_cast %mul3A_582 : i32 to index
          %swap3A_738 = tpu.vector_load %arg9[%swap3A_735, %swap3A_736, %swap3A_737] {strides = array<i32>} : memref<2x8x512xf32, #tpu.memory_space<vmem>>, vector<16xf32>,
          tpu.vector_store %arg9[%swap3A_735, %swap3A_736, %swap3A_737], %mul3A_732 {strides = array<i32>} : memref<2x8x512xf32, #tpu.memory_space<vmem>>, vector<16xf32>,
          %xor3A_739 = arith.xori %xor3A_623, %add3A_619 : vector<16xi32>
          %and3A_740 = arith.constant 524287 : i32
          %and3A_741 = vector.broadcast %and3A_740 : i32 to vector<16xi32>
          %and3A_742 = arith.andi %xor3A_739, %and3A_741 : vector<16xi32>
          %mul3A_743 = arith.constant 2 : i32
          %mul3A_744 = vector.broadcast %mul3A_743 : i32 to vector<16xi32>
          %mul3A_745 = arith.muli %and3A_742, %mul3A_744 : vector<16xi32>
          %swap3A_746 = arith.constant 1 : i32
          %swap3A_747 = arith.constant 3 : i32
          %swap3A_748 = arith.index_cast %swap3A_746 : i32 to index
          %swap3A_749 = arith.index_cast %swap3A_747 : i32 to index
          %swap3A_750 = arith.index_cast %mul3A_582 : i32 to index
          %swap3A_751 = tpu.vector_load %arg8[%swap3A_748, %swap3A_749, %swap3A_750] {strides = array<i32>} : memref<2x8x1024xi32, #tpu.memory_space<vmem>>, vector<16xi32>,
          tpu.vector_store %arg8[%swap3A_748, %swap3A_749, %swap3A_750], %mul3A_745 {strides = array<i32>} : memref<2x8x1024xi32, #tpu.memory_space<vmem>>, vector<16xi32>,
          %add3A_752 = arith.constant 1 : i32
          %add3A_753 = vector.broadcast %add3A_752 : i32 to vector<16xi32>
          %add3A_754 = arith.addi %mul3A_745, %add3A_753 : vector<16xi32>
          %add3A_755 = arith.constant 512 : i32
          %add3A_756 = arith.addi %add3A_755, %mul3A_582 : i32
          %swap3A_757 = arith.constant 1 : i32
          %swap3A_758 = arith.constant 3 : i32
          %swap3A_759 = arith.index_cast %swap3A_757 : i32 to index
          %swap3A_760 = arith.index_cast %swap3A_758 : i32 to index
          %swap3A_761 = arith.index_cast %add3A_756 : i32 to index
          %swap3A_762 = tpu.vector_load %arg8[%swap3A_759, %swap3A_760, %swap3A_761] {strides = array<i32>} : memref<2x8x1024xi32, #tpu.memory_space<vmem>>, vector<16xi32>,
          tpu.vector_store %arg8[%swap3A_759, %swap3A_760, %swap3A_761], %add3A_754 {strides = array<i32>} : memref<2x8x1024xi32, #tpu.memory_space<vmem>>, vector<16xi32>,
          %mul3A_763 = arith.mulf %mul3A_645, %sub3A_604 : vector<16xf32>
          %swap3A_764 = arith.constant 1 : i32
          %swap3A_765 = arith.constant 3 : i32
          %swap3A_766 = arith.index_cast %swap3A_764 : i32 to index
          %swap3A_767 = arith.index_cast %swap3A_765 : i32 to index
          %swap3A_768 = arith.index_cast %mul3A_582 : i32 to index
          %swap3A_769 = tpu.vector_load %arg9[%swap3A_766, %swap3A_767, %swap3A_768] {strides = array<i32>} : memref<2x8x512xf32, #tpu.memory_space<vmem>>, vector<16xf32>,
          tpu.vector_store %arg9[%swap3A_766, %swap3A_767, %swap3A_768], %mul3A_763 {strides = array<i32>} : memref<2x8x512xf32, #tpu.memory_space<vmem>>, vector<16xf32>,
          %xor3A_770 = arith.xori %xor3A_627, %mul3A_613 : vector<16xi32>
          %and3A_771 = arith.constant 524287 : i32
          %and3A_772 = vector.broadcast %and3A_771 : i32 to vector<16xi32>
          %and3A_773 = arith.andi %xor3A_770, %and3A_772 : vector<16xi32>
          %mul3A_774 = arith.constant 2 : i32
          %mul3A_775 = vector.broadcast %mul3A_774 : i32 to vector<16xi32>
          %mul3A_776 = arith.muli %and3A_773, %mul3A_775 : vector<16xi32>
          %swap3A_777 = arith.constant 1 : i32
          %swap3A_778 = arith.constant 4 : i32
          %swap3A_779 = arith.index_cast %swap3A_777 : i32 to index
          %swap3A_780 = arith.index_cast %swap3A_778 : i32 to index
          %swap3A_781 = arith.index_cast %mul3A_582 : i32 to index
          %swap3A_782 = tpu.vector_load %arg8[%swap3A_779, %swap3A_780, %swap3A_781] {strides = array<i32>} : memref<2x8x1024xi32, #tpu.memory_space<vmem>>, vector<16xi32>,
          tpu.vector_store %arg8[%swap3A_779, %swap3A_780, %swap3A_781], %mul3A_776 {strides = array<i32>} : memref<2x8x1024xi32, #tpu.memory_space<vmem>>, vector<16xi32>,
          %add3A_783 = arith.constant 1 : i32
          %add3A_784 = vector.broadcast %add3A_783 : i32 to vector<16xi32>
          %add3A_785 = arith.addi %mul3A_776, %add3A_784 : vector<16xi32>
          %add3A_786 = arith.constant 512 : i32
          %add3A_787 = arith.addi %add3A_786, %mul3A_582 : i32
          %swap3A_788 = arith.constant 1 : i32
          %swap3A_789 = arith.constant 4 : i32
          %swap3A_790 = arith.index_cast %swap3A_788 : i32 to index
          %swap3A_791 = arith.index_cast %swap3A_789 : i32 to index
          %swap3A_792 = arith.index_cast %add3A_787 : i32 to index
          %swap3A_793 = tpu.vector_load %arg8[%swap3A_790, %swap3A_791, %swap3A_792] {strides = array<i32>} : memref<2x8x1024xi32, #tpu.memory_space<vmem>>, vector<16xi32>,
          tpu.vector_store %arg8[%swap3A_790, %swap3A_791, %swap3A_792], %add3A_785 {strides = array<i32>} : memref<2x8x1024xi32, #tpu.memory_space<vmem>>, vector<16xi32>,
          %mul3A_794 = arith.mulf %mul3A_646, %sub3A_643 : vector<16xf32>
          %swap3A_795 = arith.constant 1 : i32
          %swap3A_796 = arith.constant 4 : i32
          %swap3A_797 = arith.index_cast %swap3A_795 : i32 to index
          %swap3A_798 = arith.index_cast %swap3A_796 : i32 to index
          %swap3A_799 = arith.index_cast %mul3A_582 : i32 to index
          %swap3A_800 = tpu.vector_load %arg9[%swap3A_797, %swap3A_798, %swap3A_799] {strides = array<i32>} : memref<2x8x512xf32, #tpu.memory_space<vmem>>, vector<16xf32>,
          tpu.vector_store %arg9[%swap3A_797, %swap3A_798, %swap3A_799], %mul3A_794 {strides = array<i32>} : memref<2x8x512xf32, #tpu.memory_space<vmem>>, vector<16xf32>,
          %xor3A_801 = arith.xori %xor3A_627, %add3A_619 : vector<16xi32>
          %and3A_802 = arith.constant 524287 : i32
          %and3A_803 = vector.broadcast %and3A_802 : i32 to vector<16xi32>
          %and3A_804 = arith.andi %xor3A_801, %and3A_803 : vector<16xi32>
          %mul3A_805 = arith.constant 2 : i32
          %mul3A_806 = vector.broadcast %mul3A_805 : i32 to vector<16xi32>
          %mul3A_807 = arith.muli %and3A_804, %mul3A_806 : vector<16xi32>
          %swap3A_808 = arith.constant 1 : i32
          %swap3A_809 = arith.constant 5 : i32
          %swap3A_810 = arith.index_cast %swap3A_808 : i32 to index
          %swap3A_811 = arith.index_cast %swap3A_809 : i32 to index
          %swap3A_812 = arith.index_cast %mul3A_582 : i32 to index
          %swap3A_813 = tpu.vector_load %arg8[%swap3A_810, %swap3A_811, %swap3A_812] {strides = array<i32>} : memref<2x8x1024xi32, #tpu.memory_space<vmem>>, vector<16xi32>,
          tpu.vector_store %arg8[%swap3A_810, %swap3A_811, %swap3A_812], %mul3A_807 {strides = array<i32>} : memref<2x8x1024xi32, #tpu.memory_space<vmem>>, vector<16xi32>,
          %add3A_814 = arith.constant 1 : i32
          %add3A_815 = vector.broadcast %add3A_814 : i32 to vector<16xi32>
          %add3A_816 = arith.addi %mul3A_807, %add3A_815 : vector<16xi32>
          %add3A_817 = arith.constant 512 : i32
          %add3A_818 = arith.addi %add3A_817, %mul3A_582 : i32
          %swap3A_819 = arith.constant 1 : i32
          %swap3A_820 = arith.constant 5 : i32
          %swap3A_821 = arith.index_cast %swap3A_819 : i32 to index
          %swap3A_822 = arith.index_cast %swap3A_820 : i32 to index
          %swap3A_823 = arith.index_cast %add3A_818 : i32 to index
          %swap3A_824 = tpu.vector_load %arg8[%swap3A_821, %swap3A_822, %swap3A_823] {strides = array<i32>} : memref<2x8x1024xi32, #tpu.memory_space<vmem>>, vector<16xi32>,
          tpu.vector_store %arg8[%swap3A_821, %swap3A_822, %swap3A_823], %add3A_816 {strides = array<i32>} : memref<2x8x1024xi32, #tpu.memory_space<vmem>>, vector<16xi32>,
          %mul3A_825 = arith.mulf %mul3A_646, %sub3A_604 : vector<16xf32>
          %swap3A_826 = arith.constant 1 : i32
          %swap3A_827 = arith.constant 5 : i32
          %swap3A_828 = arith.index_cast %swap3A_826 : i32 to index
          %swap3A_829 = arith.index_cast %swap3A_827 : i32 to index
          %swap3A_830 = arith.index_cast %mul3A_582 : i32 to index
          %swap3A_831 = tpu.vector_load %arg9[%swap3A_828, %swap3A_829, %swap3A_830] {strides = array<i32>} : memref<2x8x512xf32, #tpu.memory_space<vmem>>, vector<16xf32>,
          tpu.vector_store %arg9[%swap3A_828, %swap3A_829, %swap3A_830], %mul3A_825 {strides = array<i32>} : memref<2x8x512xf32, #tpu.memory_space<vmem>>, vector<16xf32>,
          %xor3A_832 = arith.xori %xor3A_634, %mul3A_613 : vector<16xi32>
          %and3A_833 = arith.constant 524287 : i32
          %and3A_834 = vector.broadcast %and3A_833 : i32 to vector<16xi32>
          %and3A_835 = arith.andi %xor3A_832, %and3A_834 : vector<16xi32>
          %mul3A_836 = arith.constant 2 : i32
          %mul3A_837 = vector.broadcast %mul3A_836 : i32 to vector<16xi32>
          %mul3A_838 = arith.muli %and3A_835, %mul3A_837 : vector<16xi32>
          %swap3A_839 = arith.constant 1 : i32
          %swap3A_840 = arith.constant 6 : i32
          %swap3A_841 = arith.index_cast %swap3A_839 : i32 to index
          %swap3A_842 = arith.index_cast %swap3A_840 : i32 to index
          %swap3A_843 = arith.index_cast %mul3A_582 : i32 to index
          %swap3A_844 = tpu.vector_load %arg8[%swap3A_841, %swap3A_842, %swap3A_843] {strides = array<i32>} : memref<2x8x1024xi32, #tpu.memory_space<vmem>>, vector<16xi32>,
          tpu.vector_store %arg8[%swap3A_841, %swap3A_842, %swap3A_843], %mul3A_838 {strides = array<i32>} : memref<2x8x1024xi32, #tpu.memory_space<vmem>>, vector<16xi32>,
          %add3A_845 = arith.constant 1 : i32
          %add3A_846 = vector.broadcast %add3A_845 : i32 to vector<16xi32>
          %add3A_847 = arith.addi %mul3A_838, %add3A_846 : vector<16xi32>
          %add3A_848 = arith.constant 512 : i32
          %add3A_849 = arith.addi %add3A_848, %mul3A_582 : i32
          %swap3A_850 = arith.constant 1 : i32
          %swap3A_851 = arith.constant 6 : i32
          %swap3A_852 = arith.index_cast %swap3A_850 : i32 to index
          %swap3A_853 = arith.index_cast %swap3A_851 : i32 to index
          %swap3A_854 = arith.index_cast %add3A_849 : i32 to index
          %swap3A_855 = tpu.vector_load %arg8[%swap3A_852, %swap3A_853, %swap3A_854] {strides = array<i32>} : memref<2x8x1024xi32, #tpu.memory_space<vmem>>, vector<16xi32>,
          tpu.vector_store %arg8[%swap3A_852, %swap3A_853, %swap3A_854], %add3A_847 {strides = array<i32>} : memref<2x8x1024xi32, #tpu.memory_space<vmem>>, vector<16xi32>,
          %mul3A_856 = arith.mulf %mul3A_647, %sub3A_643 : vector<16xf32>
          %swap3A_857 = arith.constant 1 : i32
          %swap3A_858 = arith.constant 6 : i32
          %swap3A_859 = arith.index_cast %swap3A_857 : i32 to index
          %swap3A_860 = arith.index_cast %swap3A_858 : i32 to index
          %swap3A_861 = arith.index_cast %mul3A_582 : i32 to index
          %swap3A_862 = tpu.vector_load %arg9[%swap3A_859, %swap3A_860, %swap3A_861] {strides = array<i32>} : memref<2x8x512xf32, #tpu.memory_space<vmem>>, vector<16xf32>,
          tpu.vector_store %arg9[%swap3A_859, %swap3A_860, %swap3A_861], %mul3A_856 {strides = array<i32>} : memref<2x8x512xf32, #tpu.memory_space<vmem>>, vector<16xf32>,
          %xor3A_863 = arith.xori %xor3A_634, %add3A_619 : vector<16xi32>
          %and3A_864 = arith.constant 524287 : i32
          %and3A_865 = vector.broadcast %and3A_864 : i32 to vector<16xi32>
          %and3A_866 = arith.andi %xor3A_863, %and3A_865 : vector<16xi32>
          %mul3A_867 = arith.constant 2 : i32
          %mul3A_868 = vector.broadcast %mul3A_867 : i32 to vector<16xi32>
          %mul3A_869 = arith.muli %and3A_866, %mul3A_868 : vector<16xi32>
          %swap3A_870 = arith.constant 1 : i32
          %swap3A_871 = arith.constant 7 : i32
          %swap3A_872 = arith.index_cast %swap3A_870 : i32 to index
          %swap3A_873 = arith.index_cast %swap3A_871 : i32 to index
          %swap3A_874 = arith.index_cast %mul3A_582 : i32 to index
          %swap3A_875 = tpu.vector_load %arg8[%swap3A_872, %swap3A_873, %swap3A_874] {strides = array<i32>} : memref<2x8x1024xi32, #tpu.memory_space<vmem>>, vector<16xi32>,
          tpu.vector_store %arg8[%swap3A_872, %swap3A_873, %swap3A_874], %mul3A_869 {strides = array<i32>} : memref<2x8x1024xi32, #tpu.memory_space<vmem>>, vector<16xi32>,
          %add3A_876 = arith.constant 1 : i32
          %add3A_877 = vector.broadcast %add3A_876 : i32 to vector<16xi32>
          %add3A_878 = arith.addi %mul3A_869, %add3A_877 : vector<16xi32>
          %add3A_879 = arith.constant 512 : i32
          %add3A_880 = arith.addi %add3A_879, %mul3A_582 : i32
          %swap3A_881 = arith.constant 1 : i32
          %swap3A_882 = arith.constant 7 : i32
          %swap3A_883 = arith.index_cast %swap3A_881 : i32 to index
          %swap3A_884 = arith.index_cast %swap3A_882 : i32 to index
          %swap3A_885 = arith.index_cast %add3A_880 : i32 to index
          %swap3A_886 = tpu.vector_load %arg8[%swap3A_883, %swap3A_884, %swap3A_885] {strides = array<i32>} : memref<2x8x1024xi32, #tpu.memory_space<vmem>>, vector<16xi32>,
          tpu.vector_store %arg8[%swap3A_883, %swap3A_884, %swap3A_885], %add3A_878 {strides = array<i32>} : memref<2x8x1024xi32, #tpu.memory_space<vmem>>, vector<16xi32>,
          %mul3A_887 = arith.mulf %mul3A_647, %sub3A_604 : vector<16xf32>
          %swap3A_888 = arith.constant 1 : i32
          %swap3A_889 = arith.constant 7 : i32
          %swap3A_890 = arith.index_cast %swap3A_888 : i32 to index
          %swap3A_891 = arith.index_cast %swap3A_889 : i32 to index
          %swap3A_892 = arith.index_cast %mul3A_582 : i32 to index
          %swap3A_893 = tpu.vector_load %arg9[%swap3A_890, %swap3A_891, %swap3A_892] {strides = array<i32>} : memref<2x8x512xf32, #tpu.memory_space<vmem>>, vector<16xf32>,
          tpu.vector_store %arg9[%swap3A_890, %swap3A_891, %swap3A_892], %mul3A_887 {strides = array<i32>} : memref<2x8x512xf32, #tpu.memory_space<vmem>>, vector<16xf32>,
        }
        %scan3A_438 = arith.constant 32 : i32
        %scan3A_439 = arith.constant 0 : i32
        %scan3A_440 = arith.constant 8 : i32
        %scan3A_441 = arith.addi %scan3A_439, %scan3A_440 : i32
        %scan3A_442 = arith.constant 1 : i32
        scf.for %scan3A_580 = %scan3A_439 to %scan3A_441 step %scan3A_442  : i32 {
          %dma_wait3A_581 = arith.constant 0 : i32
          %dma_wait3A_582 = arith.constant 0 : i32
          %dma_wait3A_583 = arith.constant 0 : i32
          %dma_wait3A_584 = tpu.memref_slice %arg10[%dma_wait3A_582, %scan3A_580, %dma_wait3A_583] : memref<2x8x1024xf32, #tpu.memory_space<vmem>> -> memref<1x1x1024xf32, #tpu.memory_space<vmem>>
          %dma_wait3A_585 = tpu.memref_squeeze %dma_wait3A_584 : memref<1x1x1024xf32, #tpu.memory_space<vmem>> -> memref<1024xf32, #tpu.memory_space<vmem>>
          %dma_wait3A_586 = arith.constant 0 : i32
          %dma_wait3A_587 = tpu.memref_slice %arg8[%dma_wait3A_581, %scan3A_580, %dma_wait3A_586] : memref<2x8x1024xi32, #tpu.memory_space<vmem>> -> memref<1x1x1024xi32, #tpu.memory_space<vmem>>
          %dma_wait3A_588 = tpu.memref_squeeze %dma_wait3A_587 : memref<1x1x1024xi32, #tpu.memory_space<vmem>> -> memref<1024xi32, #tpu.memory_space<vmem>>
          %dma_wait3A_589 = arith.constant 0 : i32
          %dma_wait3A_590 = tpu.memref_slice %arg12[%dma_wait3A_589] : memref<1048576xf32, #tpu.memory_space<vmem_shared>> -> memref<1048576xf32, #tpu.memory_space<vmem_shared>>
          tpu.wait_indirect_dma semaphore(%arg13 : memref<!tpu.dma_semaphore, #tpu.memory_space<semaphore_mem>>) src(%dma_wait3A_590 : memref<1048576xf32, #tpu.memory_space<vmem_shared>>) dst(%dma_wait3A_585 : memref<1024xf32, #tpu.memory_space<vmem>>)
        }
        %scan3A_443 = arith.constant 8 : i32
        %scan3A_444 = arith.constant 0 : i32
        %scan3A_445 = arith.constant 8 : i32
        %scan3A_446 = arith.addi %scan3A_444, %scan3A_445 : i32
        %scan3A_447 = arith.constant 1 : i32
        scf.for %scan3A_580 = %scan3A_444 to %scan3A_446 step %scan3A_447  : i32 {
          %dma_start3A_581 = arith.constant 1 : i32
          %dma_start3A_582 = arith.constant 1 : i32
          %dma_start3A_583 = arith.constant 0 : i32
          %dma_start3A_584 = tpu.memref_slice %arg10[%dma_start3A_582, %scan3A_580, %dma_start3A_583] : memref<2x8x1024xf32, #tpu.memory_space<vmem>> -> memref<1x1x1024xf32, #tpu.memory_space<vmem>>
          %dma_start3A_585 = tpu.memref_squeeze %dma_start3A_584 : memref<1x1x1024xf32, #tpu.memory_space<vmem>> -> memref<1024xf32, #tpu.memory_space<vmem>>
          %dma_start3A_586 = arith.constant 0 : i32
          %dma_start3A_587 = tpu.memref_slice %arg8[%dma_start3A_581, %scan3A_580, %dma_start3A_586] : memref<2x8x1024xi32, #tpu.memory_space<vmem>> -> memref<1x1x1024xi32, #tpu.memory_space<vmem>>
          %dma_start3A_588 = tpu.memref_squeeze %dma_start3A_587 : memref<1x1x1024xi32, #tpu.memory_space<vmem>> -> memref<1024xi32, #tpu.memory_space<vmem>>
          %dma_start3A_589 = arith.constant 0 : i32
          %dma_start3A_590 = tpu.memref_slice %arg12[%dma_start3A_589] : memref<1048576xf32, #tpu.memory_space<vmem_shared>> -> memref<1048576xf32, #tpu.memory_space<vmem_shared>>
          tpu.enqueue_indirect_dma source(%dma_start3A_590 : memref<1048576xf32, #tpu.memory_space<vmem_shared>>) target(%dma_start3A_585 : memref<1024xf32, #tpu.memory_space<vmem>>) offsets(%dma_start3A_588 : memref<1024xi32, #tpu.memory_space<vmem>>) semaphore(%arg14 : memref<!tpu.dma_semaphore, #tpu.memory_space<semaphore_mem>>)
        }
        %scan3A_448 = arith.constant 8 : i32
        %ge3A = arith.constant 2 : i32
        %ge3A_449 = arith.cmpi sge, %mul3A_372, %ge3A : i32
        %convert_element_type3A = arith.extui %ge3A_449 : i1 to i32
        %cond3A = arith.constant 0 : i32
        %cond3A_450 = arith.cmpi ne, %convert_element_type3A, %cond3A : i32
        scf.if %cond3A_450 {
          %sub3A = arith.constant 2 : i32
          %sub3A_580 = arith.subi %mul3A_372, %sub3A : i32
          %mul3A_581 = arith.constant 2 : i32
          %mul3A_582 = arith.muli %scan3A_5, %mul3A_581 : i32
          %mul3A_583 = arith.constant 16384 : i32
          %mul3A_584 = arith.muli %add3A, %mul3A_583 : i32
          %mul3A_585 = arith.constant 512 : i32
          %mul3A_586 = arith.muli %sub3A_580, %mul3A_585 : i32
          %add3A_587 = arith.addi %mul3A_584, %mul3A_586 : i32
          %dma_wait3A_588 = arith.constant 0 : i32
          %dma_wait3A_589 = arith.constant 0 : i32
          %dma_wait3A_590 = arith.constant 0 : i32
          %dma_wait3A_591 = tpu.memref_slice %arg11[%dma_wait3A_588, %dma_wait3A_589, %dma_wait3A_590] : memref<2x2x512xf32, #tpu.memory_space<vmem>> -> memref<1x2x512xf32, #tpu.memory_space<vmem>>
          %dma_wait3A_592 = tpu.memref_squeeze %dma_wait3A_591 : memref<1x2x512xf32, #tpu.memory_space<vmem>> -> memref<2x512xf32, #tpu.memory_space<vmem>>
          %dma_wait3A_593 = tpu.memref_slice %arg6[%mul3A_582, %add3A_587] : memref<32x524288xf32, #tpu.memory_space<hbm>> -> memref<2x512xf32, #tpu.memory_space<hbm>>
          %dma_wait3A_594 = tpu.memref_slice %arg6[%mul3A_582, %add3A_587] : memref<32x524288xf32, #tpu.memory_space<hbm>> -> memref<2x512xf32, #tpu.memory_space<hbm>>
          %dma_wait3A_595 = arith.constant 0 : i32
          %dma_wait3A_596 = arith.constant 0 : i32
          %dma_wait3A_597 = tpu.memref_slice %arg11[%dma_wait3A_588, %dma_wait3A_595, %dma_wait3A_596] : memref<2x2x512xf32, #tpu.memory_space<vmem>> -> memref<1x2x512xf32, #tpu.memory_space<vmem>>
          %dma_wait3A_598 = tpu.memref_squeeze %dma_wait3A_597 : memref<1x2x512xf32, #tpu.memory_space<vmem>> -> memref<2x512xf32, #tpu.memory_space<vmem>>
          tpu.wait_dma2 semaphore(%arg16 : memref<!tpu.dma_semaphore, #tpu.memory_space<semaphore_mem>>) src(%dma_wait3A_598 : memref<2x512xf32, #tpu.memory_space<vmem>>) dst(%dma_wait3A_594 : memref<2x512xf32, #tpu.memory_space<hbm>>)
        } else {
        }
        %scan3A_451 = arith.constant 0 : i32
        %scan3A_452 = arith.constant 32 : i32
        %scan3A_453 = arith.addi %scan3A_451, %scan3A_452 : i32
        %scan3A_454 = arith.constant 1 : i32
        scf.for %scan3A_580 = %scan3A_451 to %scan3A_453 step %scan3A_454  : i32 {
          %mul3A_581 = arith.constant 16 : i32
          %mul3A_582 = arith.muli %scan3A_580, %mul3A_581 : i32
          %broadcast_in_dim3A_583 = arith.constant 0.000000e+00 : f32
          %broadcast_in_dim3A_584 = vector.broadcast %broadcast_in_dim3A_583 : f32 to vector<16xf32>
          %broadcast_in_dim3A_585 = arith.constant 0.000000e+00 : f32
          %broadcast_in_dim3A_586 = vector.broadcast %broadcast_in_dim3A_585 : f32 to vector<16xf32>
          %get3A = arith.constant 0 : i32
          %get3A_587 = arith.constant 0 : i32
          %get3A_588 = arith.index_cast %get3A : i32 to index
          %get3A_589 = arith.index_cast %get3A_587 : i32 to index
          %get3A_590 = arith.index_cast %mul3A_582 : i32 to index
          %get3A_591 = tpu.vector_load %arg9[%get3A_588, %get3A_589, %get3A_590] {strides = array<i32>} : memref<2x8x512xf32, #tpu.memory_space<vmem>>, vector<16xf32>,
          %get3A_592 = arith.constant 0 : i32
          %get3A_593 = arith.constant 0 : i32
          %get3A_594 = arith.index_cast %get3A_592 : i32 to index
          %get3A_595 = arith.index_cast %get3A_593 : i32 to index
          %get3A_596 = arith.index_cast %mul3A_582 : i32 to index
          %get3A_597 = tpu.vector_load %arg10[%get3A_594, %get3A_595, %get3A_596] {strides = array<i32>} : memref<2x8x1024xf32, #tpu.memory_space<vmem>>, vector<16xf32>,
          %add3A_598 = arith.constant 512 : i32
          %add3A_599 = arith.addi %add3A_598, %mul3A_582 : i32
          %get3A_600 = arith.constant 0 : i32
          %get3A_601 = arith.constant 0 : i32
          %get3A_602 = arith.index_cast %get3A_600 : i32 to index
          %get3A_603 = arith.index_cast %get3A_601 : i32 to index
          %get3A_604 = arith.index_cast %add3A_599 : i32 to index
          %get3A_605 = tpu.vector_load %arg10[%get3A_602, %get3A_603, %get3A_604] {strides = array<i32>} : memref<2x8x1024xf32, #tpu.memory_space<vmem>>, vector<16xf32>,
          %mul3A_606 = arith.mulf %get3A_591, %get3A_597 : vector<16xf32>
          %add3A_607 = arith.addf %broadcast_in_dim3A_584, %mul3A_606 : vector<16xf32>
          %mul3A_608 = arith.mulf %get3A_591, %get3A_605 : vector<16xf32>
          %add3A_609 = arith.addf %broadcast_in_dim3A_586, %mul3A_608 : vector<16xf32>
          %get3A_610 = arith.constant 0 : i32
          %get3A_611 = arith.constant 1 : i32
          %get3A_612 = arith.index_cast %get3A_610 : i32 to index
          %get3A_613 = arith.index_cast %get3A_611 : i32 to index
          %get3A_614 = arith.index_cast %mul3A_582 : i32 to index
          %get3A_615 = tpu.vector_load %arg9[%get3A_612, %get3A_613, %get3A_614] {strides = array<i32>} : memref<2x8x512xf32, #tpu.memory_space<vmem>>, vector<16xf32>,
          %get3A_616 = arith.constant 0 : i32
          %get3A_617 = arith.constant 1 : i32
          %get3A_618 = arith.index_cast %get3A_616 : i32 to index
          %get3A_619 = arith.index_cast %get3A_617 : i32 to index
          %get3A_620 = arith.index_cast %mul3A_582 : i32 to index
          %get3A_621 = tpu.vector_load %arg10[%get3A_618, %get3A_619, %get3A_620] {strides = array<i32>} : memref<2x8x1024xf32, #tpu.memory_space<vmem>>, vector<16xf32>,
          %add3A_622 = arith.constant 512 : i32
          %add3A_623 = arith.addi %add3A_622, %mul3A_582 : i32
          %get3A_624 = arith.constant 0 : i32
          %get3A_625 = arith.constant 1 : i32
          %get3A_626 = arith.index_cast %get3A_624 : i32 to index
          %get3A_627 = arith.index_cast %get3A_625 : i32 to index
          %get3A_628 = arith.index_cast %add3A_623 : i32 to index
          %get3A_629 = tpu.vector_load %arg10[%get3A_626, %get3A_627, %get3A_628] {strides = array<i32>} : memref<2x8x1024xf32, #tpu.memory_space<vmem>>, vector<16xf32>,
          %mul3A_630 = arith.mulf %get3A_615, %get3A_621 : vector<16xf32>
          %add3A_631 = arith.addf %add3A_607, %mul3A_630 : vector<16xf32>
          %mul3A_632 = arith.mulf %get3A_615, %get3A_629 : vector<16xf32>
          %add3A_633 = arith.addf %add3A_609, %mul3A_632 : vector<16xf32>
          %get3A_634 = arith.constant 0 : i32
          %get3A_635 = arith.constant 2 : i32
          %get3A_636 = arith.index_cast %get3A_634 : i32 to index
          %get3A_637 = arith.index_cast %get3A_635 : i32 to index
          %get3A_638 = arith.index_cast %mul3A_582 : i32 to index
          %get3A_639 = tpu.vector_load %arg9[%get3A_636, %get3A_637, %get3A_638] {strides = array<i32>} : memref<2x8x512xf32, #tpu.memory_space<vmem>>, vector<16xf32>,
          %get3A_640 = arith.constant 0 : i32
          %get3A_641 = arith.constant 2 : i32
          %get3A_642 = arith.index_cast %get3A_640 : i32 to index
          %get3A_643 = arith.index_cast %get3A_641 : i32 to index
          %get3A_644 = arith.index_cast %mul3A_582 : i32 to index
          %get3A_645 = tpu.vector_load %arg10[%get3A_642, %get3A_643, %get3A_644] {strides = array<i32>} : memref<2x8x1024xf32, #tpu.memory_space<vmem>>, vector<16xf32>,
          %add3A_646 = arith.constant 512 : i32
          %add3A_647 = arith.addi %add3A_646, %mul3A_582 : i32
          %get3A_648 = arith.constant 0 : i32
          %get3A_649 = arith.constant 2 : i32
          %get3A_650 = arith.index_cast %get3A_648 : i32 to index
          %get3A_651 = arith.index_cast %get3A_649 : i32 to index
          %get3A_652 = arith.index_cast %add3A_647 : i32 to index
          %get3A_653 = tpu.vector_load %arg10[%get3A_650, %get3A_651, %get3A_652] {strides = array<i32>} : memref<2x8x1024xf32, #tpu.memory_space<vmem>>, vector<16xf32>,
          %mul3A_654 = arith.mulf %get3A_639, %get3A_645 : vector<16xf32>
          %add3A_655 = arith.addf %add3A_631, %mul3A_654 : vector<16xf32>
          %mul3A_656 = arith.mulf %get3A_639, %get3A_653 : vector<16xf32>
          %add3A_657 = arith.addf %add3A_633, %mul3A_656 : vector<16xf32>
          %get3A_658 = arith.constant 0 : i32
          %get3A_659 = arith.constant 3 : i32
          %get3A_660 = arith.index_cast %get3A_658 : i32 to index
          %get3A_661 = arith.index_cast %get3A_659 : i32 to index
          %get3A_662 = arith.index_cast %mul3A_582 : i32 to index
          %get3A_663 = tpu.vector_load %arg9[%get3A_660, %get3A_661, %get3A_662] {strides = array<i32>} : memref<2x8x512xf32, #tpu.memory_space<vmem>>, vector<16xf32>,
          %get3A_664 = arith.constant 0 : i32
          %get3A_665 = arith.constant 3 : i32
          %get3A_666 = arith.index_cast %get3A_664 : i32 to index
          %get3A_667 = arith.index_cast %get3A_665 : i32 to index
          %get3A_668 = arith.index_cast %mul3A_582 : i32 to index
          %get3A_669 = tpu.vector_load %arg10[%get3A_666, %get3A_667, %get3A_668] {strides = array<i32>} : memref<2x8x1024xf32, #tpu.memory_space<vmem>>, vector<16xf32>,
          %add3A_670 = arith.constant 512 : i32
          %add3A_671 = arith.addi %add3A_670, %mul3A_582 : i32
          %get3A_672 = arith.constant 0 : i32
          %get3A_673 = arith.constant 3 : i32
          %get3A_674 = arith.index_cast %get3A_672 : i32 to index
          %get3A_675 = arith.index_cast %get3A_673 : i32 to index
          %get3A_676 = arith.index_cast %add3A_671 : i32 to index
          %get3A_677 = tpu.vector_load %arg10[%get3A_674, %get3A_675, %get3A_676] {strides = array<i32>} : memref<2x8x1024xf32, #tpu.memory_space<vmem>>, vector<16xf32>,
          %mul3A_678 = arith.mulf %get3A_663, %get3A_669 : vector<16xf32>
          %add3A_679 = arith.addf %add3A_655, %mul3A_678 : vector<16xf32>
          %mul3A_680 = arith.mulf %get3A_663, %get3A_677 : vector<16xf32>
          %add3A_681 = arith.addf %add3A_657, %mul3A_680 : vector<16xf32>
          %get3A_682 = arith.constant 0 : i32
          %get3A_683 = arith.constant 4 : i32
          %get3A_684 = arith.index_cast %get3A_682 : i32 to index
          %get3A_685 = arith.index_cast %get3A_683 : i32 to index
          %get3A_686 = arith.index_cast %mul3A_582 : i32 to index
          %get3A_687 = tpu.vector_load %arg9[%get3A_684, %get3A_685, %get3A_686] {strides = array<i32>} : memref<2x8x512xf32, #tpu.memory_space<vmem>>, vector<16xf32>,
          %get3A_688 = arith.constant 0 : i32
          %get3A_689 = arith.constant 4 : i32
          %get3A_690 = arith.index_cast %get3A_688 : i32 to index
          %get3A_691 = arith.index_cast %get3A_689 : i32 to index
          %get3A_692 = arith.index_cast %mul3A_582 : i32 to index
          %get3A_693 = tpu.vector_load %arg10[%get3A_690, %get3A_691, %get3A_692] {strides = array<i32>} : memref<2x8x1024xf32, #tpu.memory_space<vmem>>, vector<16xf32>,
          %add3A_694 = arith.constant 512 : i32
          %add3A_695 = arith.addi %add3A_694, %mul3A_582 : i32
          %get3A_696 = arith.constant 0 : i32
          %get3A_697 = arith.constant 4 : i32
          %get3A_698 = arith.index_cast %get3A_696 : i32 to index
          %get3A_699 = arith.index_cast %get3A_697 : i32 to index
          %get3A_700 = arith.index_cast %add3A_695 : i32 to index
          %get3A_701 = tpu.vector_load %arg10[%get3A_698, %get3A_699, %get3A_700] {strides = array<i32>} : memref<2x8x1024xf32, #tpu.memory_space<vmem>>, vector<16xf32>,
          %mul3A_702 = arith.mulf %get3A_687, %get3A_693 : vector<16xf32>
          %add3A_703 = arith.addf %add3A_679, %mul3A_702 : vector<16xf32>
          %mul3A_704 = arith.mulf %get3A_687, %get3A_701 : vector<16xf32>
          %add3A_705 = arith.addf %add3A_681, %mul3A_704 : vector<16xf32>
          %get3A_706 = arith.constant 0 : i32
          %get3A_707 = arith.constant 5 : i32
          %get3A_708 = arith.index_cast %get3A_706 : i32 to index
          %get3A_709 = arith.index_cast %get3A_707 : i32 to index
          %get3A_710 = arith.index_cast %mul3A_582 : i32 to index
          %get3A_711 = tpu.vector_load %arg9[%get3A_708, %get3A_709, %get3A_710] {strides = array<i32>} : memref<2x8x512xf32, #tpu.memory_space<vmem>>, vector<16xf32>,
          %get3A_712 = arith.constant 0 : i32
          %get3A_713 = arith.constant 5 : i32
          %get3A_714 = arith.index_cast %get3A_712 : i32 to index
          %get3A_715 = arith.index_cast %get3A_713 : i32 to index
          %get3A_716 = arith.index_cast %mul3A_582 : i32 to index
          %get3A_717 = tpu.vector_load %arg10[%get3A_714, %get3A_715, %get3A_716] {strides = array<i32>} : memref<2x8x1024xf32, #tpu.memory_space<vmem>>, vector<16xf32>,
          %add3A_718 = arith.constant 512 : i32
          %add3A_719 = arith.addi %add3A_718, %mul3A_582 : i32
          %get3A_720 = arith.constant 0 : i32
          %get3A_721 = arith.constant 5 : i32
          %get3A_722 = arith.index_cast %get3A_720 : i32 to index
          %get3A_723 = arith.index_cast %get3A_721 : i32 to index
          %get3A_724 = arith.index_cast %add3A_719 : i32 to index
          %get3A_725 = tpu.vector_load %arg10[%get3A_722, %get3A_723, %get3A_724] {strides = array<i32>} : memref<2x8x1024xf32, #tpu.memory_space<vmem>>, vector<16xf32>,
          %mul3A_726 = arith.mulf %get3A_711, %get3A_717 : vector<16xf32>
          %add3A_727 = arith.addf %add3A_703, %mul3A_726 : vector<16xf32>
          %mul3A_728 = arith.mulf %get3A_711, %get3A_725 : vector<16xf32>
          %add3A_729 = arith.addf %add3A_705, %mul3A_728 : vector<16xf32>
          %get3A_730 = arith.constant 0 : i32
          %get3A_731 = arith.constant 6 : i32
          %get3A_732 = arith.index_cast %get3A_730 : i32 to index
          %get3A_733 = arith.index_cast %get3A_731 : i32 to index
          %get3A_734 = arith.index_cast %mul3A_582 : i32 to index
          %get3A_735 = tpu.vector_load %arg9[%get3A_732, %get3A_733, %get3A_734] {strides = array<i32>} : memref<2x8x512xf32, #tpu.memory_space<vmem>>, vector<16xf32>,
          %get3A_736 = arith.constant 0 : i32
          %get3A_737 = arith.constant 6 : i32
          %get3A_738 = arith.index_cast %get3A_736 : i32 to index
          %get3A_739 = arith.index_cast %get3A_737 : i32 to index
          %get3A_740 = arith.index_cast %mul3A_582 : i32 to index
          %get3A_741 = tpu.vector_load %arg10[%get3A_738, %get3A_739, %get3A_740] {strides = array<i32>} : memref<2x8x1024xf32, #tpu.memory_space<vmem>>, vector<16xf32>,
          %add3A_742 = arith.constant 512 : i32
          %add3A_743 = arith.addi %add3A_742, %mul3A_582 : i32
          %get3A_744 = arith.constant 0 : i32
          %get3A_745 = arith.constant 6 : i32
          %get3A_746 = arith.index_cast %get3A_744 : i32 to index
          %get3A_747 = arith.index_cast %get3A_745 : i32 to index
          %get3A_748 = arith.index_cast %add3A_743 : i32 to index
          %get3A_749 = tpu.vector_load %arg10[%get3A_746, %get3A_747, %get3A_748] {strides = array<i32>} : memref<2x8x1024xf32, #tpu.memory_space<vmem>>, vector<16xf32>,
          %mul3A_750 = arith.mulf %get3A_735, %get3A_741 : vector<16xf32>
          %add3A_751 = arith.addf %add3A_727, %mul3A_750 : vector<16xf32>
          %mul3A_752 = arith.mulf %get3A_735, %get3A_749 : vector<16xf32>
          %add3A_753 = arith.addf %add3A_729, %mul3A_752 : vector<16xf32>
          %get3A_754 = arith.constant 0 : i32
          %get3A_755 = arith.constant 7 : i32
          %get3A_756 = arith.index_cast %get3A_754 : i32 to index
          %get3A_757 = arith.index_cast %get3A_755 : i32 to index
          %get3A_758 = arith.index_cast %mul3A_582 : i32 to index
          %get3A_759 = tpu.vector_load %arg9[%get3A_756, %get3A_757, %get3A_758] {strides = array<i32>} : memref<2x8x512xf32, #tpu.memory_space<vmem>>, vector<16xf32>,
          %get3A_760 = arith.constant 0 : i32
          %get3A_761 = arith.constant 7 : i32
          %get3A_762 = arith.index_cast %get3A_760 : i32 to index
          %get3A_763 = arith.index_cast %get3A_761 : i32 to index
          %get3A_764 = arith.index_cast %mul3A_582 : i32 to index
          %get3A_765 = tpu.vector_load %arg10[%get3A_762, %get3A_763, %get3A_764] {strides = array<i32>} : memref<2x8x1024xf32, #tpu.memory_space<vmem>>, vector<16xf32>,
          %add3A_766 = arith.constant 512 : i32
          %add3A_767 = arith.addi %add3A_766, %mul3A_582 : i32
          %get3A_768 = arith.constant 0 : i32
          %get3A_769 = arith.constant 7 : i32
          %get3A_770 = arith.index_cast %get3A_768 : i32 to index
          %get3A_771 = arith.index_cast %get3A_769 : i32 to index
          %get3A_772 = arith.index_cast %add3A_767 : i32 to index
          %get3A_773 = tpu.vector_load %arg10[%get3A_770, %get3A_771, %get3A_772] {strides = array<i32>} : memref<2x8x1024xf32, #tpu.memory_space<vmem>>, vector<16xf32>,
          %mul3A_774 = arith.mulf %get3A_759, %get3A_765 : vector<16xf32>
          %add3A_775 = arith.addf %add3A_751, %mul3A_774 : vector<16xf32>
          %mul3A_776 = arith.mulf %get3A_759, %get3A_773 : vector<16xf32>
          %add3A_777 = arith.addf %add3A_753, %mul3A_776 : vector<16xf32>
          %swap3A = arith.constant 0 : i32
          %swap3A_778 = arith.constant 0 : i32
          %swap3A_779 = arith.index_cast %swap3A : i32 to index
          %swap3A_780 = arith.index_cast %swap3A_778 : i32 to index
          %swap3A_781 = arith.index_cast %mul3A_582 : i32 to index
          %swap3A_782 = tpu.vector_load %arg11[%swap3A_779, %swap3A_780, %swap3A_781] {strides = array<i32>} : memref<2x2x512xf32, #tpu.memory_space<vmem>>, vector<16xf32>,
          tpu.vector_store %arg11[%swap3A_779, %swap3A_780, %swap3A_781], %add3A_775 {strides = array<i32>} : memref<2x2x512xf32, #tpu.memory_space<vmem>>, vector<16xf32>,
          %swap3A_783 = arith.constant 0 : i32
          %swap3A_784 = arith.constant 1 : i32
          %swap3A_785 = arith.index_cast %swap3A_783 : i32 to index
          %swap3A_786 = arith.index_cast %swap3A_784 : i32 to index
          %swap3A_787 = arith.index_cast %mul3A_582 : i32 to index
          %swap3A_788 = tpu.vector_load %arg11[%swap3A_785, %swap3A_786, %swap3A_787] {strides = array<i32>} : memref<2x2x512xf32, #tpu.memory_space<vmem>>, vector<16xf32>,
          tpu.vector_store %arg11[%swap3A_785, %swap3A_786, %swap3A_787], %add3A_777 {strides = array<i32>} : memref<2x2x512xf32, #tpu.memory_space<vmem>>, vector<16xf32>,
        }
        %scan3A_455 = arith.constant 32 : i32
        %mul3A_456 = arith.constant 2 : i32
        %mul3A_457 = arith.muli %scan3A_5, %mul3A_456 : i32
        %mul3A_458 = arith.constant 16384 : i32
        %mul3A_459 = arith.muli %add3A, %mul3A_458 : i32
        %mul3A_460 = arith.constant 512 : i32
        %mul3A_461 = arith.muli %mul3A_372, %mul3A_460 : i32
        %add3A_462 = arith.addi %mul3A_459, %mul3A_461 : i32
        %dma_start3A_463 = arith.constant 0 : i32
        %dma_start3A_464 = arith.constant 0 : i32
        %dma_start3A_465 = arith.constant 0 : i32
        %dma_start3A_466 = tpu.memref_slice %arg11[%dma_start3A_463, %dma_start3A_464, %dma_start3A_465] : memref<2x2x512xf32, #tpu.memory_space<vmem>> -> memref<1x2x512xf32, #tpu.memory_space<vmem>>
        %dma_start3A_467 = tpu.memref_squeeze %dma_start3A_466 : memref<1x2x512xf32, #tpu.memory_space<vmem>> -> memref<2x512xf32, #tpu.memory_space<vmem>>
        %dma_start3A_468 = tpu.memref_slice %arg6[%mul3A_457, %add3A_462] : memref<32x524288xf32, #tpu.memory_space<hbm>> -> memref<2x512xf32, #tpu.memory_space<hbm>>
        %dma_start3A_469 = tpu.memref_slice %arg6[%mul3A_457, %add3A_462] : memref<32x524288xf32, #tpu.memory_space<hbm>> -> memref<2x512xf32, #tpu.memory_space<hbm>>
        %dma_start3A_470 = arith.constant 0 : i32
        %dma_start3A_471 = arith.constant 0 : i32
        %dma_start3A_472 = tpu.memref_slice %arg11[%dma_start3A_463, %dma_start3A_470, %dma_start3A_471] : memref<2x2x512xf32, #tpu.memory_space<vmem>> -> memref<1x2x512xf32, #tpu.memory_space<vmem>>
        %dma_start3A_473 = tpu.memref_squeeze %dma_start3A_472 : memref<1x2x512xf32, #tpu.memory_space<vmem>> -> memref<2x512xf32, #tpu.memory_space<vmem>>
        tpu.enqueue_dma source(%dma_start3A_473 : memref<2x512xf32, #tpu.memory_space<vmem>>) target(%dma_start3A_469 : memref<2x512xf32, #tpu.memory_space<hbm>>) target_semaphore(%arg16 : memref<!tpu.dma_semaphore, #tpu.memory_space<semaphore_mem>>)
        %add3A_474 = arith.constant 2 : i32
        %add3A_475 = arith.addi %mul3A_372, %add3A_474 : i32
        %mul3A_476 = arith.constant 16384 : i32
        %mul3A_477 = arith.muli %add3A, %mul3A_476 : i32
        %mul3A_478 = arith.constant 512 : i32
        %mul3A_479 = arith.muli %add3A_475, %mul3A_478 : i32
        %add3A_480 = arith.addi %mul3A_477, %mul3A_479 : i32
        %dma_start3A_481 = arith.constant 0 : i32
        %dma_start3A_482 = arith.constant 0 : i32
        %dma_start3A_483 = tpu.memref_slice %arg7[%dma_start3A_481, %dma_start3A_482] : memref<3x512xf32, #tpu.memory_space<vmem>> -> memref<1x512xf32, #tpu.memory_space<vmem>>
        %dma_start3A_484 = tpu.memref_squeeze %dma_start3A_483 : memref<1x512xf32, #tpu.memory_space<vmem>> -> memref<512xf32, #tpu.memory_space<vmem>>
        %dma_start3A_485 = tpu.memref_slice %arg2[%add3A_480] : memref<524288xf32, #tpu.memory_space<hbm>> -> memref<512xf32, #tpu.memory_space<hbm>>
        %dma_start3A_486 = arith.constant 0 : i32
        %dma_start3A_487 = tpu.memref_slice %arg7[%dma_start3A_481, %dma_start3A_486] : memref<3x512xf32, #tpu.memory_space<vmem>> -> memref<1x512xf32, #tpu.memory_space<vmem>>
        %dma_start3A_488 = tpu.memref_squeeze %dma_start3A_487 : memref<1x512xf32, #tpu.memory_space<vmem>> -> memref<512xf32, #tpu.memory_space<vmem>>
        %dma_start3A_489 = tpu.memref_slice %arg2[%add3A_480] : memref<524288xf32, #tpu.memory_space<hbm>> -> memref<512xf32, #tpu.memory_space<hbm>>
        tpu.enqueue_dma source(%dma_start3A_489 : memref<512xf32, #tpu.memory_space<hbm>>) target(%dma_start3A_488 : memref<512xf32, #tpu.memory_space<vmem>>) target_semaphore(%arg15 : memref<!tpu.dma_semaphore, #tpu.memory_space<semaphore_mem>>)
        %dma_start3A_490 = arith.constant 1 : i32
        %dma_start3A_491 = arith.constant 0 : i32
        %dma_start3A_492 = tpu.memref_slice %arg7[%dma_start3A_490, %dma_start3A_491] : memref<3x512xf32, #tpu.memory_space<vmem>> -> memref<1x512xf32, #tpu.memory_space<vmem>>
        %dma_start3A_493 = tpu.memref_squeeze %dma_start3A_492 : memref<1x512xf32, #tpu.memory_space<vmem>> -> memref<512xf32, #tpu.memory_space<vmem>>
        %dma_start3A_494 = tpu.memref_slice %arg3[%add3A_480] : memref<524288xf32, #tpu.memory_space<hbm>> -> memref<512xf32, #tpu.memory_space<hbm>>
        %dma_start3A_495 = arith.constant 0 : i32
        %dma_start3A_496 = tpu.memref_slice %arg7[%dma_start3A_490, %dma_start3A_495] : memref<3x512xf32, #tpu.memory_space<vmem>> -> memref<1x512xf32, #tpu.memory_space<vmem>>
        %dma_start3A_497 = tpu.memref_squeeze %dma_start3A_496 : memref<1x512xf32, #tpu.memory_space<vmem>> -> memref<512xf32, #tpu.memory_space<vmem>>
        %dma_start3A_498 = tpu.memref_slice %arg3[%add3A_480] : memref<524288xf32, #tpu.memory_space<hbm>> -> memref<512xf32, #tpu.memory_space<hbm>>
        tpu.enqueue_dma source(%dma_start3A_498 : memref<512xf32, #tpu.memory_space<hbm>>) target(%dma_start3A_497 : memref<512xf32, #tpu.memory_space<vmem>>) target_semaphore(%arg15 : memref<!tpu.dma_semaphore, #tpu.memory_space<semaphore_mem>>)
        %dma_start3A_499 = arith.constant 2 : i32
        %dma_start3A_500 = arith.constant 0 : i32
        %dma_start3A_501 = tpu.memref_slice %arg7[%dma_start3A_499, %dma_start3A_500] : memref<3x512xf32, #tpu.memory_space<vmem>> -> memref<1x512xf32, #tpu.memory_space<vmem>>
        %dma_start3A_502 = tpu.memref_squeeze %dma_start3A_501 : memref<1x512xf32, #tpu.memory_space<vmem>> -> memref<512xf32, #tpu.memory_space<vmem>>
        %dma_start3A_503 = tpu.memref_slice %arg4[%add3A_480] : memref<524288xf32, #tpu.memory_space<hbm>> -> memref<512xf32, #tpu.memory_space<hbm>>
        %dma_start3A_504 = arith.constant 0 : i32
        %dma_start3A_505 = tpu.memref_slice %arg7[%dma_start3A_499, %dma_start3A_504] : memref<3x512xf32, #tpu.memory_space<vmem>> -> memref<1x512xf32, #tpu.memory_space<vmem>>
        %dma_start3A_506 = tpu.memref_squeeze %dma_start3A_505 : memref<1x512xf32, #tpu.memory_space<vmem>> -> memref<512xf32, #tpu.memory_space<vmem>>
        %dma_start3A_507 = tpu.memref_slice %arg4[%add3A_480] : memref<524288xf32, #tpu.memory_space<hbm>> -> memref<512xf32, #tpu.memory_space<hbm>>
        tpu.enqueue_dma source(%dma_start3A_507 : memref<512xf32, #tpu.memory_space<hbm>>) target(%dma_start3A_506 : memref<512xf32, #tpu.memory_space<vmem>>) target_semaphore(%arg15 : memref<!tpu.dma_semaphore, #tpu.memory_space<semaphore_mem>>)
        %dma_wait3A_508 = arith.constant 0 : i32
        %dma_wait3A_509 = arith.constant 0 : i32
        %dma_wait3A_510 = tpu.memref_slice %arg7[%dma_wait3A_508, %dma_wait3A_509] : memref<3x512xf32, #tpu.memory_space<vmem>> -> memref<1x512xf32, #tpu.memory_space<vmem>>
        %dma_wait3A_511 = tpu.memref_squeeze %dma_wait3A_510 : memref<1x512xf32, #tpu.memory_space<vmem>> -> memref<512xf32, #tpu.memory_space<vmem>>
        %dma_wait3A_512 = tpu.memref_slice %arg2[%add3A_480] : memref<524288xf32, #tpu.memory_space<hbm>> -> memref<512xf32, #tpu.memory_space<hbm>>
        %dma_wait3A_513 = arith.constant 0 : i32
        %dma_wait3A_514 = tpu.memref_slice %arg7[%dma_wait3A_508, %dma_wait3A_513] : memref<3x512xf32, #tpu.memory_space<vmem>> -> memref<1x512xf32, #tpu.memory_space<vmem>>
        %dma_wait3A_515 = tpu.memref_squeeze %dma_wait3A_514 : memref<1x512xf32, #tpu.memory_space<vmem>> -> memref<512xf32, #tpu.memory_space<vmem>>
        %dma_wait3A_516 = tpu.memref_slice %arg2[%add3A_480] : memref<524288xf32, #tpu.memory_space<hbm>> -> memref<512xf32, #tpu.memory_space<hbm>>
        tpu.wait_dma2 semaphore(%arg15 : memref<!tpu.dma_semaphore, #tpu.memory_space<semaphore_mem>>) src(%dma_wait3A_516 : memref<512xf32, #tpu.memory_space<hbm>>) dst(%dma_wait3A_515 : memref<512xf32, #tpu.memory_space<vmem>>)
        %dma_wait3A_517 = arith.constant 1 : i32
        %dma_wait3A_518 = arith.constant 0 : i32
        %dma_wait3A_519 = tpu.memref_slice %arg7[%dma_wait3A_517, %dma_wait3A_518] : memref<3x512xf32, #tpu.memory_space<vmem>> -> memref<1x512xf32, #tpu.memory_space<vmem>>
        %dma_wait3A_520 = tpu.memref_squeeze %dma_wait3A_519 : memref<1x512xf32, #tpu.memory_space<vmem>> -> memref<512xf32, #tpu.memory_space<vmem>>
        %dma_wait3A_521 = tpu.memref_slice %arg3[%add3A_480] : memref<524288xf32, #tpu.memory_space<hbm>> -> memref<512xf32, #tpu.memory_space<hbm>>
        %dma_wait3A_522 = arith.constant 0 : i32
        %dma_wait3A_523 = tpu.memref_slice %arg7[%dma_wait3A_517, %dma_wait3A_522] : memref<3x512xf32, #tpu.memory_space<vmem>> -> memref<1x512xf32, #tpu.memory_space<vmem>>
        %dma_wait3A_524 = tpu.memref_squeeze %dma_wait3A_523 : memref<1x512xf32, #tpu.memory_space<vmem>> -> memref<512xf32, #tpu.memory_space<vmem>>
        %dma_wait3A_525 = tpu.memref_slice %arg3[%add3A_480] : memref<524288xf32, #tpu.memory_space<hbm>> -> memref<512xf32, #tpu.memory_space<hbm>>
        tpu.wait_dma2 semaphore(%arg15 : memref<!tpu.dma_semaphore, #tpu.memory_space<semaphore_mem>>) src(%dma_wait3A_525 : memref<512xf32, #tpu.memory_space<hbm>>) dst(%dma_wait3A_524 : memref<512xf32, #tpu.memory_space<vmem>>)
        %dma_wait3A_526 = arith.constant 2 : i32
        %dma_wait3A_527 = arith.constant 0 : i32
        %dma_wait3A_528 = tpu.memref_slice %arg7[%dma_wait3A_526, %dma_wait3A_527] : memref<3x512xf32, #tpu.memory_space<vmem>> -> memref<1x512xf32, #tpu.memory_space<vmem>>
        %dma_wait3A_529 = tpu.memref_squeeze %dma_wait3A_528 : memref<1x512xf32, #tpu.memory_space<vmem>> -> memref<512xf32, #tpu.memory_space<vmem>>
        %dma_wait3A_530 = tpu.memref_slice %arg4[%add3A_480] : memref<524288xf32, #tpu.memory_space<hbm>> -> memref<512xf32, #tpu.memory_space<hbm>>
        %dma_wait3A_531 = arith.constant 0 : i32
        %dma_wait3A_532 = tpu.memref_slice %arg7[%dma_wait3A_526, %dma_wait3A_531] : memref<3x512xf32, #tpu.memory_space<vmem>> -> memref<1x512xf32, #tpu.memory_space<vmem>>
        %dma_wait3A_533 = tpu.memref_squeeze %dma_wait3A_532 : memref<1x512xf32, #tpu.memory_space<vmem>> -> memref<512xf32, #tpu.memory_space<vmem>>
        %dma_wait3A_534 = tpu.memref_slice %arg4[%add3A_480] : memref<524288xf32, #tpu.memory_space<hbm>> -> memref<512xf32, #tpu.memory_space<hbm>>
        tpu.wait_dma2 semaphore(%arg15 : memref<!tpu.dma_semaphore, #tpu.memory_space<semaphore_mem>>) src(%dma_wait3A_534 : memref<512xf32, #tpu.memory_space<hbm>>) dst(%dma_wait3A_533 : memref<512xf32, #tpu.memory_space<vmem>>)
        %scan3A_535 = arith.constant 0 : i32
        %scan3A_536 = arith.constant 32 : i32
        %scan3A_537 = arith.addi %scan3A_535, %scan3A_536 : i32
        %scan3A_538 = arith.constant 1 : i32
        scf.for %scan3A_580 = %scan3A_535 to %scan3A_537 step %scan3A_538  : i32 {
          %mul3A_581 = arith.constant 16 : i32
          %mul3A_582 = arith.muli %scan3A_580, %mul3A_581 : i32
          %get3A = arith.constant 0 : i32
          %get3A_583 = arith.index_cast %get3A : i32 to index
          %get3A_584 = arith.index_cast %mul3A_582 : i32 to index
          %get3A_585 = tpu.vector_load %arg7[%get3A_583, %get3A_584] {strides = array<i32>} : memref<3x512xf32, #tpu.memory_space<vmem>>, vector<16xf32>,
          %get3A_586 = arith.constant 1 : i32
          %get3A_587 = arith.index_cast %get3A_586 : i32 to index
          %get3A_588 = arith.index_cast %mul3A_582 : i32 to index
          %get3A_589 = tpu.vector_load %arg7[%get3A_587, %get3A_588] {strides = array<i32>} : memref<3x512xf32, #tpu.memory_space<vmem>>, vector<16xf32>,
          %get3A_590 = arith.constant 2 : i32
          %get3A_591 = arith.index_cast %get3A_590 : i32 to index
          %get3A_592 = arith.index_cast %mul3A_582 : i32 to index
          %get3A_593 = tpu.vector_load %arg7[%get3A_591, %get3A_592] {strides = array<i32>} : memref<3x512xf32, #tpu.memory_space<vmem>>, vector<16xf32>,
          %mul3A_594 = arith.mulf %get3A_585, %select_n3A_108 : vector<16xf32>
          %mul3A_595 = arith.mulf %get3A_589, %select_n3A_108 : vector<16xf32>
          %mul3A_596 = arith.mulf %get3A_593, %select_n3A_108 : vector<16xf32>
          %convert_element_type3A_597 = arith.fptosi %mul3A_594 : vector<16xf32> to vector<16xi32>
          %convert_element_type3A_598 = arith.fptosi %mul3A_595 : vector<16xf32> to vector<16xi32>
          %convert_element_type3A_599 = arith.fptosi %mul3A_596 : vector<16xf32> to vector<16xi32>
          %convert_element_type3A_600 = arith.sitofp %convert_element_type3A_597 : vector<16xi32> to vector<16xf32>
          %sub3A = arith.subf %mul3A_594, %convert_element_type3A_600 : vector<16xf32>
          %convert_element_type3A_601 = arith.sitofp %convert_element_type3A_598 : vector<16xi32> to vector<16xf32>
          %sub3A_602 = arith.subf %mul3A_595, %convert_element_type3A_601 : vector<16xf32>
          %convert_element_type3A_603 = arith.sitofp %convert_element_type3A_599 : vector<16xi32> to vector<16xf32>
          %sub3A_604 = arith.subf %mul3A_596, %convert_element_type3A_603 : vector<16xf32>
          %mul3A_605 = arith.constant 1540863 : i32
          %mul3A_606 = vector.broadcast %mul3A_605 : i32 to vector<16xi32>
          %mul3A_607 = arith.muli %convert_element_type3A_597, %mul3A_606 : vector<16xi32>
          %mul3A_608 = arith.constant 1256879 : i32
          %mul3A_609 = vector.broadcast %mul3A_608 : i32 to vector<16xi32>
          %mul3A_610 = arith.muli %convert_element_type3A_598, %mul3A_609 : vector<16xi32>
          %mul3A_611 = arith.constant 1957123 : i32
          %mul3A_612 = vector.broadcast %mul3A_611 : i32 to vector<16xi32>
          %mul3A_613 = arith.muli %convert_element_type3A_599, %mul3A_612 : vector<16xi32>
          %mul3A_614 = arith.constant 1957123 : i32
          %mul3A_615 = vector.broadcast %mul3A_614 : i32 to vector<16xi32>
          %mul3A_616 = arith.muli %convert_element_type3A_599, %mul3A_615 : vector<16xi32>
          %add3A_617 = arith.constant 1957123 : i32
          %add3A_618 = vector.broadcast %add3A_617 : i32 to vector<16xi32>
          %add3A_619 = arith.addi %mul3A_616, %add3A_618 : vector<16xi32>
          %xor3A = arith.xori %mul3A_607, %mul3A_610 : vector<16xi32>
          %add3A_620 = arith.constant 1256879 : i32
          %add3A_621 = vector.broadcast %add3A_620 : i32 to vector<16xi32>
          %add3A_622 = arith.addi %mul3A_610, %add3A_621 : vector<16xi32>
          %xor3A_623 = arith.xori %mul3A_607, %add3A_622 : vector<16xi32>
          %add3A_624 = arith.constant 1540863 : i32
          %add3A_625 = vector.broadcast %add3A_624 : i32 to vector<16xi32>
          %add3A_626 = arith.addi %mul3A_607, %add3A_625 : vector<16xi32>
          %xor3A_627 = arith.xori %add3A_626, %mul3A_610 : vector<16xi32>
          %add3A_628 = arith.constant 1540863 : i32
          %add3A_629 = vector.broadcast %add3A_628 : i32 to vector<16xi32>
          %add3A_630 = arith.addi %mul3A_607, %add3A_629 : vector<16xi32>
          %add3A_631 = arith.constant 1256879 : i32
          %add3A_632 = vector.broadcast %add3A_631 : i32 to vector<16xi32>
          %add3A_633 = arith.addi %mul3A_610, %add3A_632 : vector<16xi32>
          %xor3A_634 = arith.xori %add3A_630, %add3A_633 : vector<16xi32>
          %sub3A_635 = arith.constant 1.000000e+00 : f32
          %sub3A_636 = vector.broadcast %sub3A_635 : f32 to vector<16xf32>
          %sub3A_637 = arith.subf %sub3A_636, %sub3A : vector<16xf32>
          %sub3A_638 = arith.constant 1.000000e+00 : f32
          %sub3A_639 = vector.broadcast %sub3A_638 : f32 to vector<16xf32>
          %sub3A_640 = arith.subf %sub3A_639, %sub3A_602 : vector<16xf32>
          %sub3A_641 = arith.constant 1.000000e+00 : f32
          %sub3A_642 = vector.broadcast %sub3A_641 : f32 to vector<16xf32>
          %sub3A_643 = arith.subf %sub3A_642, %sub3A_604 : vector<16xf32>
          %mul3A_644 = arith.mulf %sub3A_637, %sub3A_640 : vector<16xf32>
          %mul3A_645 = arith.mulf %sub3A_637, %sub3A_602 : vector<16xf32>
          %mul3A_646 = arith.mulf %sub3A, %sub3A_640 : vector<16xf32>
          %mul3A_647 = arith.mulf %sub3A, %sub3A_602 : vector<16xf32>
          %xor3A_648 = arith.xori %xor3A, %mul3A_613 : vector<16xi32>
          %and3A = arith.constant 524287 : i32
          %and3A_649 = vector.broadcast %and3A : i32 to vector<16xi32>
          %and3A_650 = arith.andi %xor3A_648, %and3A_649 : vector<16xi32>
          %mul3A_651 = arith.constant 2 : i32
          %mul3A_652 = vector.broadcast %mul3A_651 : i32 to vector<16xi32>
          %mul3A_653 = arith.muli %and3A_650, %mul3A_652 : vector<16xi32>
          %swap3A = arith.constant 0 : i32
          %swap3A_654 = arith.constant 0 : i32
          %swap3A_655 = arith.index_cast %swap3A : i32 to index
          %swap3A_656 = arith.index_cast %swap3A_654 : i32 to index
          %swap3A_657 = arith.index_cast %mul3A_582 : i32 to index
          %swap3A_658 = tpu.vector_load %arg8[%swap3A_655, %swap3A_656, %swap3A_657] {strides = array<i32>} : memref<2x8x1024xi32, #tpu.memory_space<vmem>>, vector<16xi32>,
          tpu.vector_store %arg8[%swap3A_655, %swap3A_656, %swap3A_657], %mul3A_653 {strides = array<i32>} : memref<2x8x1024xi32, #tpu.memory_space<vmem>>, vector<16xi32>,
          %add3A_659 = arith.constant 1 : i32
          %add3A_660 = vector.broadcast %add3A_659 : i32 to vector<16xi32>
          %add3A_661 = arith.addi %mul3A_653, %add3A_660 : vector<16xi32>
          %add3A_662 = arith.constant 512 : i32
          %add3A_663 = arith.addi %add3A_662, %mul3A_582 : i32
          %swap3A_664 = arith.constant 0 : i32
          %swap3A_665 = arith.constant 0 : i32
          %swap3A_666 = arith.index_cast %swap3A_664 : i32 to index
          %swap3A_667 = arith.index_cast %swap3A_665 : i32 to index
          %swap3A_668 = arith.index_cast %add3A_663 : i32 to index
          %swap3A_669 = tpu.vector_load %arg8[%swap3A_666, %swap3A_667, %swap3A_668] {strides = array<i32>} : memref<2x8x1024xi32, #tpu.memory_space<vmem>>, vector<16xi32>,
          tpu.vector_store %arg8[%swap3A_666, %swap3A_667, %swap3A_668], %add3A_661 {strides = array<i32>} : memref<2x8x1024xi32, #tpu.memory_space<vmem>>, vector<16xi32>,
          %mul3A_670 = arith.mulf %mul3A_644, %sub3A_643 : vector<16xf32>
          %swap3A_671 = arith.constant 0 : i32
          %swap3A_672 = arith.constant 0 : i32
          %swap3A_673 = arith.index_cast %swap3A_671 : i32 to index
          %swap3A_674 = arith.index_cast %swap3A_672 : i32 to index
          %swap3A_675 = arith.index_cast %mul3A_582 : i32 to index
          %swap3A_676 = tpu.vector_load %arg9[%swap3A_673, %swap3A_674, %swap3A_675] {strides = array<i32>} : memref<2x8x512xf32, #tpu.memory_space<vmem>>, vector<16xf32>,
          tpu.vector_store %arg9[%swap3A_673, %swap3A_674, %swap3A_675], %mul3A_670 {strides = array<i32>} : memref<2x8x512xf32, #tpu.memory_space<vmem>>, vector<16xf32>,
          %xor3A_677 = arith.xori %xor3A, %add3A_619 : vector<16xi32>
          %and3A_678 = arith.constant 524287 : i32
          %and3A_679 = vector.broadcast %and3A_678 : i32 to vector<16xi32>
          %and3A_680 = arith.andi %xor3A_677, %and3A_679 : vector<16xi32>
          %mul3A_681 = arith.constant 2 : i32
          %mul3A_682 = vector.broadcast %mul3A_681 : i32 to vector<16xi32>
          %mul3A_683 = arith.muli %and3A_680, %mul3A_682 : vector<16xi32>
          %swap3A_684 = arith.constant 0 : i32
          %swap3A_685 = arith.constant 1 : i32
          %swap3A_686 = arith.index_cast %swap3A_684 : i32 to index
          %swap3A_687 = arith.index_cast %swap3A_685 : i32 to index
          %swap3A_688 = arith.index_cast %mul3A_582 : i32 to index
          %swap3A_689 = tpu.vector_load %arg8[%swap3A_686, %swap3A_687, %swap3A_688] {strides = array<i32>} : memref<2x8x1024xi32, #tpu.memory_space<vmem>>, vector<16xi32>,
          tpu.vector_store %arg8[%swap3A_686, %swap3A_687, %swap3A_688], %mul3A_683 {strides = array<i32>} : memref<2x8x1024xi32, #tpu.memory_space<vmem>>, vector<16xi32>,
          %add3A_690 = arith.constant 1 : i32
          %add3A_691 = vector.broadcast %add3A_690 : i32 to vector<16xi32>
          %add3A_692 = arith.addi %mul3A_683, %add3A_691 : vector<16xi32>
          %add3A_693 = arith.constant 512 : i32
          %add3A_694 = arith.addi %add3A_693, %mul3A_582 : i32
          %swap3A_695 = arith.constant 0 : i32
          %swap3A_696 = arith.constant 1 : i32
          %swap3A_697 = arith.index_cast %swap3A_695 : i32 to index
          %swap3A_698 = arith.index_cast %swap3A_696 : i32 to index
          %swap3A_699 = arith.index_cast %add3A_694 : i32 to index
          %swap3A_700 = tpu.vector_load %arg8[%swap3A_697, %swap3A_698, %swap3A_699] {strides = array<i32>} : memref<2x8x1024xi32, #tpu.memory_space<vmem>>, vector<16xi32>,
          tpu.vector_store %arg8[%swap3A_697, %swap3A_698, %swap3A_699], %add3A_692 {strides = array<i32>} : memref<2x8x1024xi32, #tpu.memory_space<vmem>>, vector<16xi32>,
          %mul3A_701 = arith.mulf %mul3A_644, %sub3A_604 : vector<16xf32>
          %swap3A_702 = arith.constant 0 : i32
          %swap3A_703 = arith.constant 1 : i32
          %swap3A_704 = arith.index_cast %swap3A_702 : i32 to index
          %swap3A_705 = arith.index_cast %swap3A_703 : i32 to index
          %swap3A_706 = arith.index_cast %mul3A_582 : i32 to index
          %swap3A_707 = tpu.vector_load %arg9[%swap3A_704, %swap3A_705, %swap3A_706] {strides = array<i32>} : memref<2x8x512xf32, #tpu.memory_space<vmem>>, vector<16xf32>,
          tpu.vector_store %arg9[%swap3A_704, %swap3A_705, %swap3A_706], %mul3A_701 {strides = array<i32>} : memref<2x8x512xf32, #tpu.memory_space<vmem>>, vector<16xf32>,
          %xor3A_708 = arith.xori %xor3A_623, %mul3A_613 : vector<16xi32>
          %and3A_709 = arith.constant 524287 : i32
          %and3A_710 = vector.broadcast %and3A_709 : i32 to vector<16xi32>
          %and3A_711 = arith.andi %xor3A_708, %and3A_710 : vector<16xi32>
          %mul3A_712 = arith.constant 2 : i32
          %mul3A_713 = vector.broadcast %mul3A_712 : i32 to vector<16xi32>
          %mul3A_714 = arith.muli %and3A_711, %mul3A_713 : vector<16xi32>
          %swap3A_715 = arith.constant 0 : i32
          %swap3A_716 = arith.constant 2 : i32
          %swap3A_717 = arith.index_cast %swap3A_715 : i32 to index
          %swap3A_718 = arith.index_cast %swap3A_716 : i32 to index
          %swap3A_719 = arith.index_cast %mul3A_582 : i32 to index
          %swap3A_720 = tpu.vector_load %arg8[%swap3A_717, %swap3A_718, %swap3A_719] {strides = array<i32>} : memref<2x8x1024xi32, #tpu.memory_space<vmem>>, vector<16xi32>,
          tpu.vector_store %arg8[%swap3A_717, %swap3A_718, %swap3A_719], %mul3A_714 {strides = array<i32>} : memref<2x8x1024xi32, #tpu.memory_space<vmem>>, vector<16xi32>,
          %add3A_721 = arith.constant 1 : i32
          %add3A_722 = vector.broadcast %add3A_721 : i32 to vector<16xi32>
          %add3A_723 = arith.addi %mul3A_714, %add3A_722 : vector<16xi32>
          %add3A_724 = arith.constant 512 : i32
          %add3A_725 = arith.addi %add3A_724, %mul3A_582 : i32
          %swap3A_726 = arith.constant 0 : i32
          %swap3A_727 = arith.constant 2 : i32
          %swap3A_728 = arith.index_cast %swap3A_726 : i32 to index
          %swap3A_729 = arith.index_cast %swap3A_727 : i32 to index
          %swap3A_730 = arith.index_cast %add3A_725 : i32 to index
          %swap3A_731 = tpu.vector_load %arg8[%swap3A_728, %swap3A_729, %swap3A_730] {strides = array<i32>} : memref<2x8x1024xi32, #tpu.memory_space<vmem>>, vector<16xi32>,
          tpu.vector_store %arg8[%swap3A_728, %swap3A_729, %swap3A_730], %add3A_723 {strides = array<i32>} : memref<2x8x1024xi32, #tpu.memory_space<vmem>>, vector<16xi32>,
          %mul3A_732 = arith.mulf %mul3A_645, %sub3A_643 : vector<16xf32>
          %swap3A_733 = arith.constant 0 : i32
          %swap3A_734 = arith.constant 2 : i32
          %swap3A_735 = arith.index_cast %swap3A_733 : i32 to index
          %swap3A_736 = arith.index_cast %swap3A_734 : i32 to index
          %swap3A_737 = arith.index_cast %mul3A_582 : i32 to index
          %swap3A_738 = tpu.vector_load %arg9[%swap3A_735, %swap3A_736, %swap3A_737] {strides = array<i32>} : memref<2x8x512xf32, #tpu.memory_space<vmem>>, vector<16xf32>,
          tpu.vector_store %arg9[%swap3A_735, %swap3A_736, %swap3A_737], %mul3A_732 {strides = array<i32>} : memref<2x8x512xf32, #tpu.memory_space<vmem>>, vector<16xf32>,
          %xor3A_739 = arith.xori %xor3A_623, %add3A_619 : vector<16xi32>
          %and3A_740 = arith.constant 524287 : i32
          %and3A_741 = vector.broadcast %and3A_740 : i32 to vector<16xi32>
          %and3A_742 = arith.andi %xor3A_739, %and3A_741 : vector<16xi32>
          %mul3A_743 = arith.constant 2 : i32
          %mul3A_744 = vector.broadcast %mul3A_743 : i32 to vector<16xi32>
          %mul3A_745 = arith.muli %and3A_742, %mul3A_744 : vector<16xi32>
          %swap3A_746 = arith.constant 0 : i32
          %swap3A_747 = arith.constant 3 : i32
          %swap3A_748 = arith.index_cast %swap3A_746 : i32 to index
          %swap3A_749 = arith.index_cast %swap3A_747 : i32 to index
          %swap3A_750 = arith.index_cast %mul3A_582 : i32 to index
          %swap3A_751 = tpu.vector_load %arg8[%swap3A_748, %swap3A_749, %swap3A_750] {strides = array<i32>} : memref<2x8x1024xi32, #tpu.memory_space<vmem>>, vector<16xi32>,
          tpu.vector_store %arg8[%swap3A_748, %swap3A_749, %swap3A_750], %mul3A_745 {strides = array<i32>} : memref<2x8x1024xi32, #tpu.memory_space<vmem>>, vector<16xi32>,
          %add3A_752 = arith.constant 1 : i32
          %add3A_753 = vector.broadcast %add3A_752 : i32 to vector<16xi32>
          %add3A_754 = arith.addi %mul3A_745, %add3A_753 : vector<16xi32>
          %add3A_755 = arith.constant 512 : i32
          %add3A_756 = arith.addi %add3A_755, %mul3A_582 : i32
          %swap3A_757 = arith.constant 0 : i32
          %swap3A_758 = arith.constant 3 : i32
          %swap3A_759 = arith.index_cast %swap3A_757 : i32 to index
          %swap3A_760 = arith.index_cast %swap3A_758 : i32 to index
          %swap3A_761 = arith.index_cast %add3A_756 : i32 to index
          %swap3A_762 = tpu.vector_load %arg8[%swap3A_759, %swap3A_760, %swap3A_761] {strides = array<i32>} : memref<2x8x1024xi32, #tpu.memory_space<vmem>>, vector<16xi32>,
          tpu.vector_store %arg8[%swap3A_759, %swap3A_760, %swap3A_761], %add3A_754 {strides = array<i32>} : memref<2x8x1024xi32, #tpu.memory_space<vmem>>, vector<16xi32>,
          %mul3A_763 = arith.mulf %mul3A_645, %sub3A_604 : vector<16xf32>
          %swap3A_764 = arith.constant 0 : i32
          %swap3A_765 = arith.constant 3 : i32
          %swap3A_766 = arith.index_cast %swap3A_764 : i32 to index
          %swap3A_767 = arith.index_cast %swap3A_765 : i32 to index
          %swap3A_768 = arith.index_cast %mul3A_582 : i32 to index
          %swap3A_769 = tpu.vector_load %arg9[%swap3A_766, %swap3A_767, %swap3A_768] {strides = array<i32>} : memref<2x8x512xf32, #tpu.memory_space<vmem>>, vector<16xf32>,
          tpu.vector_store %arg9[%swap3A_766, %swap3A_767, %swap3A_768], %mul3A_763 {strides = array<i32>} : memref<2x8x512xf32, #tpu.memory_space<vmem>>, vector<16xf32>,
          %xor3A_770 = arith.xori %xor3A_627, %mul3A_613 : vector<16xi32>
          %and3A_771 = arith.constant 524287 : i32
          %and3A_772 = vector.broadcast %and3A_771 : i32 to vector<16xi32>
          %and3A_773 = arith.andi %xor3A_770, %and3A_772 : vector<16xi32>
          %mul3A_774 = arith.constant 2 : i32
          %mul3A_775 = vector.broadcast %mul3A_774 : i32 to vector<16xi32>
          %mul3A_776 = arith.muli %and3A_773, %mul3A_775 : vector<16xi32>
          %swap3A_777 = arith.constant 0 : i32
          %swap3A_778 = arith.constant 4 : i32
          %swap3A_779 = arith.index_cast %swap3A_777 : i32 to index
          %swap3A_780 = arith.index_cast %swap3A_778 : i32 to index
          %swap3A_781 = arith.index_cast %mul3A_582 : i32 to index
          %swap3A_782 = tpu.vector_load %arg8[%swap3A_779, %swap3A_780, %swap3A_781] {strides = array<i32>} : memref<2x8x1024xi32, #tpu.memory_space<vmem>>, vector<16xi32>,
          tpu.vector_store %arg8[%swap3A_779, %swap3A_780, %swap3A_781], %mul3A_776 {strides = array<i32>} : memref<2x8x1024xi32, #tpu.memory_space<vmem>>, vector<16xi32>,
          %add3A_783 = arith.constant 1 : i32
          %add3A_784 = vector.broadcast %add3A_783 : i32 to vector<16xi32>
          %add3A_785 = arith.addi %mul3A_776, %add3A_784 : vector<16xi32>
          %add3A_786 = arith.constant 512 : i32
          %add3A_787 = arith.addi %add3A_786, %mul3A_582 : i32
          %swap3A_788 = arith.constant 0 : i32
          %swap3A_789 = arith.constant 4 : i32
          %swap3A_790 = arith.index_cast %swap3A_788 : i32 to index
          %swap3A_791 = arith.index_cast %swap3A_789 : i32 to index
          %swap3A_792 = arith.index_cast %add3A_787 : i32 to index
          %swap3A_793 = tpu.vector_load %arg8[%swap3A_790, %swap3A_791, %swap3A_792] {strides = array<i32>} : memref<2x8x1024xi32, #tpu.memory_space<vmem>>, vector<16xi32>,
          tpu.vector_store %arg8[%swap3A_790, %swap3A_791, %swap3A_792], %add3A_785 {strides = array<i32>} : memref<2x8x1024xi32, #tpu.memory_space<vmem>>, vector<16xi32>,
          %mul3A_794 = arith.mulf %mul3A_646, %sub3A_643 : vector<16xf32>
          %swap3A_795 = arith.constant 0 : i32
          %swap3A_796 = arith.constant 4 : i32
          %swap3A_797 = arith.index_cast %swap3A_795 : i32 to index
          %swap3A_798 = arith.index_cast %swap3A_796 : i32 to index
          %swap3A_799 = arith.index_cast %mul3A_582 : i32 to index
          %swap3A_800 = tpu.vector_load %arg9[%swap3A_797, %swap3A_798, %swap3A_799] {strides = array<i32>} : memref<2x8x512xf32, #tpu.memory_space<vmem>>, vector<16xf32>,
          tpu.vector_store %arg9[%swap3A_797, %swap3A_798, %swap3A_799], %mul3A_794 {strides = array<i32>} : memref<2x8x512xf32, #tpu.memory_space<vmem>>, vector<16xf32>,
          %xor3A_801 = arith.xori %xor3A_627, %add3A_619 : vector<16xi32>
          %and3A_802 = arith.constant 524287 : i32
          %and3A_803 = vector.broadcast %and3A_802 : i32 to vector<16xi32>
          %and3A_804 = arith.andi %xor3A_801, %and3A_803 : vector<16xi32>
          %mul3A_805 = arith.constant 2 : i32
          %mul3A_806 = vector.broadcast %mul3A_805 : i32 to vector<16xi32>
          %mul3A_807 = arith.muli %and3A_804, %mul3A_806 : vector<16xi32>
          %swap3A_808 = arith.constant 0 : i32
          %swap3A_809 = arith.constant 5 : i32
          %swap3A_810 = arith.index_cast %swap3A_808 : i32 to index
          %swap3A_811 = arith.index_cast %swap3A_809 : i32 to index
          %swap3A_812 = arith.index_cast %mul3A_582 : i32 to index
          %swap3A_813 = tpu.vector_load %arg8[%swap3A_810, %swap3A_811, %swap3A_812] {strides = array<i32>} : memref<2x8x1024xi32, #tpu.memory_space<vmem>>, vector<16xi32>,
          tpu.vector_store %arg8[%swap3A_810, %swap3A_811, %swap3A_812], %mul3A_807 {strides = array<i32>} : memref<2x8x1024xi32, #tpu.memory_space<vmem>>, vector<16xi32>,
          %add3A_814 = arith.constant 1 : i32
          %add3A_815 = vector.broadcast %add3A_814 : i32 to vector<16xi32>
          %add3A_816 = arith.addi %mul3A_807, %add3A_815 : vector<16xi32>
          %add3A_817 = arith.constant 512 : i32
          %add3A_818 = arith.addi %add3A_817, %mul3A_582 : i32
          %swap3A_819 = arith.constant 0 : i32
          %swap3A_820 = arith.constant 5 : i32
          %swap3A_821 = arith.index_cast %swap3A_819 : i32 to index
          %swap3A_822 = arith.index_cast %swap3A_820 : i32 to index
          %swap3A_823 = arith.index_cast %add3A_818 : i32 to index
          %swap3A_824 = tpu.vector_load %arg8[%swap3A_821, %swap3A_822, %swap3A_823] {strides = array<i32>} : memref<2x8x1024xi32, #tpu.memory_space<vmem>>, vector<16xi32>,
          tpu.vector_store %arg8[%swap3A_821, %swap3A_822, %swap3A_823], %add3A_816 {strides = array<i32>} : memref<2x8x1024xi32, #tpu.memory_space<vmem>>, vector<16xi32>,
          %mul3A_825 = arith.mulf %mul3A_646, %sub3A_604 : vector<16xf32>
          %swap3A_826 = arith.constant 0 : i32
          %swap3A_827 = arith.constant 5 : i32
          %swap3A_828 = arith.index_cast %swap3A_826 : i32 to index
          %swap3A_829 = arith.index_cast %swap3A_827 : i32 to index
          %swap3A_830 = arith.index_cast %mul3A_582 : i32 to index
          %swap3A_831 = tpu.vector_load %arg9[%swap3A_828, %swap3A_829, %swap3A_830] {strides = array<i32>} : memref<2x8x512xf32, #tpu.memory_space<vmem>>, vector<16xf32>,
          tpu.vector_store %arg9[%swap3A_828, %swap3A_829, %swap3A_830], %mul3A_825 {strides = array<i32>} : memref<2x8x512xf32, #tpu.memory_space<vmem>>, vector<16xf32>,
          %xor3A_832 = arith.xori %xor3A_634, %mul3A_613 : vector<16xi32>
          %and3A_833 = arith.constant 524287 : i32
          %and3A_834 = vector.broadcast %and3A_833 : i32 to vector<16xi32>
          %and3A_835 = arith.andi %xor3A_832, %and3A_834 : vector<16xi32>
          %mul3A_836 = arith.constant 2 : i32
          %mul3A_837 = vector.broadcast %mul3A_836 : i32 to vector<16xi32>
          %mul3A_838 = arith.muli %and3A_835, %mul3A_837 : vector<16xi32>
          %swap3A_839 = arith.constant 0 : i32
          %swap3A_840 = arith.constant 6 : i32
          %swap3A_841 = arith.index_cast %swap3A_839 : i32 to index
          %swap3A_842 = arith.index_cast %swap3A_840 : i32 to index
          %swap3A_843 = arith.index_cast %mul3A_582 : i32 to index
          %swap3A_844 = tpu.vector_load %arg8[%swap3A_841, %swap3A_842, %swap3A_843] {strides = array<i32>} : memref<2x8x1024xi32, #tpu.memory_space<vmem>>, vector<16xi32>,
          tpu.vector_store %arg8[%swap3A_841, %swap3A_842, %swap3A_843], %mul3A_838 {strides = array<i32>} : memref<2x8x1024xi32, #tpu.memory_space<vmem>>, vector<16xi32>,
          %add3A_845 = arith.constant 1 : i32
          %add3A_846 = vector.broadcast %add3A_845 : i32 to vector<16xi32>
          %add3A_847 = arith.addi %mul3A_838, %add3A_846 : vector<16xi32>
          %add3A_848 = arith.constant 512 : i32
          %add3A_849 = arith.addi %add3A_848, %mul3A_582 : i32
          %swap3A_850 = arith.constant 0 : i32
          %swap3A_851 = arith.constant 6 : i32
          %swap3A_852 = arith.index_cast %swap3A_850 : i32 to index
          %swap3A_853 = arith.index_cast %swap3A_851 : i32 to index
          %swap3A_854 = arith.index_cast %add3A_849 : i32 to index
          %swap3A_855 = tpu.vector_load %arg8[%swap3A_852, %swap3A_853, %swap3A_854] {strides = array<i32>} : memref<2x8x1024xi32, #tpu.memory_space<vmem>>, vector<16xi32>,
          tpu.vector_store %arg8[%swap3A_852, %swap3A_853, %swap3A_854], %add3A_847 {strides = array<i32>} : memref<2x8x1024xi32, #tpu.memory_space<vmem>>, vector<16xi32>,
          %mul3A_856 = arith.mulf %mul3A_647, %sub3A_643 : vector<16xf32>
          %swap3A_857 = arith.constant 0 : i32
          %swap3A_858 = arith.constant 6 : i32
          %swap3A_859 = arith.index_cast %swap3A_857 : i32 to index
          %swap3A_860 = arith.index_cast %swap3A_858 : i32 to index
          %swap3A_861 = arith.index_cast %mul3A_582 : i32 to index
          %swap3A_862 = tpu.vector_load %arg9[%swap3A_859, %swap3A_860, %swap3A_861] {strides = array<i32>} : memref<2x8x512xf32, #tpu.memory_space<vmem>>, vector<16xf32>,
          tpu.vector_store %arg9[%swap3A_859, %swap3A_860, %swap3A_861], %mul3A_856 {strides = array<i32>} : memref<2x8x512xf32, #tpu.memory_space<vmem>>, vector<16xf32>,
          %xor3A_863 = arith.xori %xor3A_634, %add3A_619 : vector<16xi32>
          %and3A_864 = arith.constant 524287 : i32
          %and3A_865 = vector.broadcast %and3A_864 : i32 to vector<16xi32>
          %and3A_866 = arith.andi %xor3A_863, %and3A_865 : vector<16xi32>
          %mul3A_867 = arith.constant 2 : i32
          %mul3A_868 = vector.broadcast %mul3A_867 : i32 to vector<16xi32>
          %mul3A_869 = arith.muli %and3A_866, %mul3A_868 : vector<16xi32>
          %swap3A_870 = arith.constant 0 : i32
          %swap3A_871 = arith.constant 7 : i32
          %swap3A_872 = arith.index_cast %swap3A_870 : i32 to index
          %swap3A_873 = arith.index_cast %swap3A_871 : i32 to index
          %swap3A_874 = arith.index_cast %mul3A_582 : i32 to index
          %swap3A_875 = tpu.vector_load %arg8[%swap3A_872, %swap3A_873, %swap3A_874] {strides = array<i32>} : memref<2x8x1024xi32, #tpu.memory_space<vmem>>, vector<16xi32>,
          tpu.vector_store %arg8[%swap3A_872, %swap3A_873, %swap3A_874], %mul3A_869 {strides = array<i32>} : memref<2x8x1024xi32, #tpu.memory_space<vmem>>, vector<16xi32>,
          %add3A_876 = arith.constant 1 : i32
          %add3A_877 = vector.broadcast %add3A_876 : i32 to vector<16xi32>
          %add3A_878 = arith.addi %mul3A_869, %add3A_877 : vector<16xi32>
          %add3A_879 = arith.constant 512 : i32
          %add3A_880 = arith.addi %add3A_879, %mul3A_582 : i32
          %swap3A_881 = arith.constant 0 : i32
          %swap3A_882 = arith.constant 7 : i32
          %swap3A_883 = arith.index_cast %swap3A_881 : i32 to index
          %swap3A_884 = arith.index_cast %swap3A_882 : i32 to index
          %swap3A_885 = arith.index_cast %add3A_880 : i32 to index
          %swap3A_886 = tpu.vector_load %arg8[%swap3A_883, %swap3A_884, %swap3A_885] {strides = array<i32>} : memref<2x8x1024xi32, #tpu.memory_space<vmem>>, vector<16xi32>,
          tpu.vector_store %arg8[%swap3A_883, %swap3A_884, %swap3A_885], %add3A_878 {strides = array<i32>} : memref<2x8x1024xi32, #tpu.memory_space<vmem>>, vector<16xi32>,
          %mul3A_887 = arith.mulf %mul3A_647, %sub3A_604 : vector<16xf32>
          %swap3A_888 = arith.constant 0 : i32
          %swap3A_889 = arith.constant 7 : i32
          %swap3A_890 = arith.index_cast %swap3A_888 : i32 to index
          %swap3A_891 = arith.index_cast %swap3A_889 : i32 to index
          %swap3A_892 = arith.index_cast %mul3A_582 : i32 to index
          %swap3A_893 = tpu.vector_load %arg9[%swap3A_890, %swap3A_891, %swap3A_892] {strides = array<i32>} : memref<2x8x512xf32, #tpu.memory_space<vmem>>, vector<16xf32>,
          tpu.vector_store %arg9[%swap3A_890, %swap3A_891, %swap3A_892], %mul3A_887 {strides = array<i32>} : memref<2x8x512xf32, #tpu.memory_space<vmem>>, vector<16xf32>,
        }
        %scan3A_539 = arith.constant 32 : i32
        %scan3A_540 = arith.constant 0 : i32
        %scan3A_541 = arith.constant 8 : i32
        %scan3A_542 = arith.addi %scan3A_540, %scan3A_541 : i32
        %scan3A_543 = arith.constant 1 : i32
        scf.for %scan3A_580 = %scan3A_540 to %scan3A_542 step %scan3A_543  : i32 {
          %dma_wait3A_581 = arith.constant 1 : i32
          %dma_wait3A_582 = arith.constant 1 : i32
          %dma_wait3A_583 = arith.constant 0 : i32
          %dma_wait3A_584 = tpu.memref_slice %arg10[%dma_wait3A_582, %scan3A_580, %dma_wait3A_583] : memref<2x8x1024xf32, #tpu.memory_space<vmem>> -> memref<1x1x1024xf32, #tpu.memory_space<vmem>>
          %dma_wait3A_585 = tpu.memref_squeeze %dma_wait3A_584 : memref<1x1x1024xf32, #tpu.memory_space<vmem>> -> memref<1024xf32, #tpu.memory_space<vmem>>
          %dma_wait3A_586 = arith.constant 0 : i32
          %dma_wait3A_587 = tpu.memref_slice %arg8[%dma_wait3A_581, %scan3A_580, %dma_wait3A_586] : memref<2x8x1024xi32, #tpu.memory_space<vmem>> -> memref<1x1x1024xi32, #tpu.memory_space<vmem>>
          %dma_wait3A_588 = tpu.memref_squeeze %dma_wait3A_587 : memref<1x1x1024xi32, #tpu.memory_space<vmem>> -> memref<1024xi32, #tpu.memory_space<vmem>>
          %dma_wait3A_589 = arith.constant 0 : i32
          %dma_wait3A_590 = tpu.memref_slice %arg12[%dma_wait3A_589] : memref<1048576xf32, #tpu.memory_space<vmem_shared>> -> memref<1048576xf32, #tpu.memory_space<vmem_shared>>
          tpu.wait_indirect_dma semaphore(%arg14 : memref<!tpu.dma_semaphore, #tpu.memory_space<semaphore_mem>>) src(%dma_wait3A_590 : memref<1048576xf32, #tpu.memory_space<vmem_shared>>) dst(%dma_wait3A_585 : memref<1024xf32, #tpu.memory_space<vmem>>)
        }
        %scan3A_544 = arith.constant 8 : i32
        %scan3A_545 = arith.constant 0 : i32
        %scan3A_546 = arith.constant 8 : i32
        %scan3A_547 = arith.addi %scan3A_545, %scan3A_546 : i32
        %scan3A_548 = arith.constant 1 : i32
        scf.for %scan3A_580 = %scan3A_545 to %scan3A_547 step %scan3A_548  : i32 {
          %dma_start3A_581 = arith.constant 0 : i32
          %dma_start3A_582 = arith.constant 0 : i32
          %dma_start3A_583 = arith.constant 0 : i32
          %dma_start3A_584 = tpu.memref_slice %arg10[%dma_start3A_582, %scan3A_580, %dma_start3A_583] : memref<2x8x1024xf32, #tpu.memory_space<vmem>> -> memref<1x1x1024xf32, #tpu.memory_space<vmem>>
          %dma_start3A_585 = tpu.memref_squeeze %dma_start3A_584 : memref<1x1x1024xf32, #tpu.memory_space<vmem>> -> memref<1024xf32, #tpu.memory_space<vmem>>
          %dma_start3A_586 = arith.constant 0 : i32
          %dma_start3A_587 = tpu.memref_slice %arg8[%dma_start3A_581, %scan3A_580, %dma_start3A_586] : memref<2x8x1024xi32, #tpu.memory_space<vmem>> -> memref<1x1x1024xi32, #tpu.memory_space<vmem>>
          %dma_start3A_588 = tpu.memref_squeeze %dma_start3A_587 : memref<1x1x1024xi32, #tpu.memory_space<vmem>> -> memref<1024xi32, #tpu.memory_space<vmem>>
          %dma_start3A_589 = arith.constant 0 : i32
          %dma_start3A_590 = tpu.memref_slice %arg12[%dma_start3A_589] : memref<1048576xf32, #tpu.memory_space<vmem_shared>> -> memref<1048576xf32, #tpu.memory_space<vmem_shared>>
          tpu.enqueue_indirect_dma source(%dma_start3A_590 : memref<1048576xf32, #tpu.memory_space<vmem_shared>>) target(%dma_start3A_585 : memref<1024xf32, #tpu.memory_space<vmem>>) offsets(%dma_start3A_588 : memref<1024xi32, #tpu.memory_space<vmem>>) semaphore(%arg13 : memref<!tpu.dma_semaphore, #tpu.memory_space<semaphore_mem>>)
        }
        %scan3A_549 = arith.constant 8 : i32
        %add3A_550 = arith.constant 1 : i32
        %add3A_551 = arith.addi %mul3A_372, %add3A_550 : i32
        %ge3A_552 = arith.constant 2 : i32
        %ge3A_553 = arith.cmpi sge, %add3A_551, %ge3A_552 : i32
        %convert_element_type3A_554 = arith.extui %ge3A_553 : i1 to i32
        %cond3A_555 = arith.constant 0 : i32
        %cond3A_556 = arith.cmpi ne, %convert_element_type3A_554, %cond3A_555 : i32
        scf.if %cond3A_556 {
          %sub3A = arith.constant 2 : i32
          %sub3A_580 = arith.subi %add3A_551, %sub3A : i32
          %mul3A_581 = arith.constant 2 : i32
          %mul3A_582 = arith.muli %scan3A_5, %mul3A_581 : i32
          %mul3A_583 = arith.constant 16384 : i32
          %mul3A_584 = arith.muli %add3A, %mul3A_583 : i32
          %mul3A_585 = arith.constant 512 : i32
          %mul3A_586 = arith.muli %sub3A_580, %mul3A_585 : i32
          %add3A_587 = arith.addi %mul3A_584, %mul3A_586 : i32
          %dma_wait3A_588 = arith.constant 1 : i32
          %dma_wait3A_589 = arith.constant 0 : i32
          %dma_wait3A_590 = arith.constant 0 : i32
          %dma_wait3A_591 = tpu.memref_slice %arg11[%dma_wait3A_588, %dma_wait3A_589, %dma_wait3A_590] : memref<2x2x512xf32, #tpu.memory_space<vmem>> -> memref<1x2x512xf32, #tpu.memory_space<vmem>>
          %dma_wait3A_592 = tpu.memref_squeeze %dma_wait3A_591 : memref<1x2x512xf32, #tpu.memory_space<vmem>> -> memref<2x512xf32, #tpu.memory_space<vmem>>
          %dma_wait3A_593 = tpu.memref_slice %arg6[%mul3A_582, %add3A_587] : memref<32x524288xf32, #tpu.memory_space<hbm>> -> memref<2x512xf32, #tpu.memory_space<hbm>>
          %dma_wait3A_594 = tpu.memref_slice %arg6[%mul3A_582, %add3A_587] : memref<32x524288xf32, #tpu.memory_space<hbm>> -> memref<2x512xf32, #tpu.memory_space<hbm>>
          %dma_wait3A_595 = arith.constant 0 : i32
          %dma_wait3A_596 = arith.constant 0 : i32
          %dma_wait3A_597 = tpu.memref_slice %arg11[%dma_wait3A_588, %dma_wait3A_595, %dma_wait3A_596] : memref<2x2x512xf32, #tpu.memory_space<vmem>> -> memref<1x2x512xf32, #tpu.memory_space<vmem>>
          %dma_wait3A_598 = tpu.memref_squeeze %dma_wait3A_597 : memref<1x2x512xf32, #tpu.memory_space<vmem>> -> memref<2x512xf32, #tpu.memory_space<vmem>>
          tpu.wait_dma2 semaphore(%arg17 : memref<!tpu.dma_semaphore, #tpu.memory_space<semaphore_mem>>) src(%dma_wait3A_598 : memref<2x512xf32, #tpu.memory_space<vmem>>) dst(%dma_wait3A_594 : memref<2x512xf32, #tpu.memory_space<hbm>>)
        } else {
        }
        %scan3A_557 = arith.constant 0 : i32
        %scan3A_558 = arith.constant 32 : i32
        %scan3A_559 = arith.addi %scan3A_557, %scan3A_558 : i32
        %scan3A_560 = arith.constant 1 : i32
        scf.for %scan3A_580 = %scan3A_557 to %scan3A_559 step %scan3A_560  : i32 {
          %mul3A_581 = arith.constant 16 : i32
          %mul3A_582 = arith.muli %scan3A_580, %mul3A_581 : i32
          %broadcast_in_dim3A_583 = arith.constant 0.000000e+00 : f32
          %broadcast_in_dim3A_584 = vector.broadcast %broadcast_in_dim3A_583 : f32 to vector<16xf32>
          %broadcast_in_dim3A_585 = arith.constant 0.000000e+00 : f32
          %broadcast_in_dim3A_586 = vector.broadcast %broadcast_in_dim3A_585 : f32 to vector<16xf32>
          %get3A = arith.constant 1 : i32
          %get3A_587 = arith.constant 0 : i32
          %get3A_588 = arith.index_cast %get3A : i32 to index
          %get3A_589 = arith.index_cast %get3A_587 : i32 to index
          %get3A_590 = arith.index_cast %mul3A_582 : i32 to index
          %get3A_591 = tpu.vector_load %arg9[%get3A_588, %get3A_589, %get3A_590] {strides = array<i32>} : memref<2x8x512xf32, #tpu.memory_space<vmem>>, vector<16xf32>,
          %get3A_592 = arith.constant 1 : i32
          %get3A_593 = arith.constant 0 : i32
          %get3A_594 = arith.index_cast %get3A_592 : i32 to index
          %get3A_595 = arith.index_cast %get3A_593 : i32 to index
          %get3A_596 = arith.index_cast %mul3A_582 : i32 to index
          %get3A_597 = tpu.vector_load %arg10[%get3A_594, %get3A_595, %get3A_596] {strides = array<i32>} : memref<2x8x1024xf32, #tpu.memory_space<vmem>>, vector<16xf32>,
          %add3A_598 = arith.constant 512 : i32
          %add3A_599 = arith.addi %add3A_598, %mul3A_582 : i32
          %get3A_600 = arith.constant 1 : i32
          %get3A_601 = arith.constant 0 : i32
          %get3A_602 = arith.index_cast %get3A_600 : i32 to index
          %get3A_603 = arith.index_cast %get3A_601 : i32 to index
          %get3A_604 = arith.index_cast %add3A_599 : i32 to index
          %get3A_605 = tpu.vector_load %arg10[%get3A_602, %get3A_603, %get3A_604] {strides = array<i32>} : memref<2x8x1024xf32, #tpu.memory_space<vmem>>, vector<16xf32>,
          %mul3A_606 = arith.mulf %get3A_591, %get3A_597 : vector<16xf32>
          %add3A_607 = arith.addf %broadcast_in_dim3A_584, %mul3A_606 : vector<16xf32>
          %mul3A_608 = arith.mulf %get3A_591, %get3A_605 : vector<16xf32>
          %add3A_609 = arith.addf %broadcast_in_dim3A_586, %mul3A_608 : vector<16xf32>
          %get3A_610 = arith.constant 1 : i32
          %get3A_611 = arith.constant 1 : i32
          %get3A_612 = arith.index_cast %get3A_610 : i32 to index
          %get3A_613 = arith.index_cast %get3A_611 : i32 to index
          %get3A_614 = arith.index_cast %mul3A_582 : i32 to index
          %get3A_615 = tpu.vector_load %arg9[%get3A_612, %get3A_613, %get3A_614] {strides = array<i32>} : memref<2x8x512xf32, #tpu.memory_space<vmem>>, vector<16xf32>,
          %get3A_616 = arith.constant 1 : i32
          %get3A_617 = arith.constant 1 : i32
          %get3A_618 = arith.index_cast %get3A_616 : i32 to index
          %get3A_619 = arith.index_cast %get3A_617 : i32 to index
          %get3A_620 = arith.index_cast %mul3A_582 : i32 to index
          %get3A_621 = tpu.vector_load %arg10[%get3A_618, %get3A_619, %get3A_620] {strides = array<i32>} : memref<2x8x1024xf32, #tpu.memory_space<vmem>>, vector<16xf32>,
          %add3A_622 = arith.constant 512 : i32
          %add3A_623 = arith.addi %add3A_622, %mul3A_582 : i32
          %get3A_624 = arith.constant 1 : i32
          %get3A_625 = arith.constant 1 : i32
          %get3A_626 = arith.index_cast %get3A_624 : i32 to index
          %get3A_627 = arith.index_cast %get3A_625 : i32 to index
          %get3A_628 = arith.index_cast %add3A_623 : i32 to index
          %get3A_629 = tpu.vector_load %arg10[%get3A_626, %get3A_627, %get3A_628] {strides = array<i32>} : memref<2x8x1024xf32, #tpu.memory_space<vmem>>, vector<16xf32>,
          %mul3A_630 = arith.mulf %get3A_615, %get3A_621 : vector<16xf32>
          %add3A_631 = arith.addf %add3A_607, %mul3A_630 : vector<16xf32>
          %mul3A_632 = arith.mulf %get3A_615, %get3A_629 : vector<16xf32>
          %add3A_633 = arith.addf %add3A_609, %mul3A_632 : vector<16xf32>
          %get3A_634 = arith.constant 1 : i32
          %get3A_635 = arith.constant 2 : i32
          %get3A_636 = arith.index_cast %get3A_634 : i32 to index
          %get3A_637 = arith.index_cast %get3A_635 : i32 to index
          %get3A_638 = arith.index_cast %mul3A_582 : i32 to index
          %get3A_639 = tpu.vector_load %arg9[%get3A_636, %get3A_637, %get3A_638] {strides = array<i32>} : memref<2x8x512xf32, #tpu.memory_space<vmem>>, vector<16xf32>,
          %get3A_640 = arith.constant 1 : i32
          %get3A_641 = arith.constant 2 : i32
          %get3A_642 = arith.index_cast %get3A_640 : i32 to index
          %get3A_643 = arith.index_cast %get3A_641 : i32 to index
          %get3A_644 = arith.index_cast %mul3A_582 : i32 to index
          %get3A_645 = tpu.vector_load %arg10[%get3A_642, %get3A_643, %get3A_644] {strides = array<i32>} : memref<2x8x1024xf32, #tpu.memory_space<vmem>>, vector<16xf32>,
          %add3A_646 = arith.constant 512 : i32
          %add3A_647 = arith.addi %add3A_646, %mul3A_582 : i32
          %get3A_648 = arith.constant 1 : i32
          %get3A_649 = arith.constant 2 : i32
          %get3A_650 = arith.index_cast %get3A_648 : i32 to index
          %get3A_651 = arith.index_cast %get3A_649 : i32 to index
          %get3A_652 = arith.index_cast %add3A_647 : i32 to index
          %get3A_653 = tpu.vector_load %arg10[%get3A_650, %get3A_651, %get3A_652] {strides = array<i32>} : memref<2x8x1024xf32, #tpu.memory_space<vmem>>, vector<16xf32>,
          %mul3A_654 = arith.mulf %get3A_639, %get3A_645 : vector<16xf32>
          %add3A_655 = arith.addf %add3A_631, %mul3A_654 : vector<16xf32>
          %mul3A_656 = arith.mulf %get3A_639, %get3A_653 : vector<16xf32>
          %add3A_657 = arith.addf %add3A_633, %mul3A_656 : vector<16xf32>
          %get3A_658 = arith.constant 1 : i32
          %get3A_659 = arith.constant 3 : i32
          %get3A_660 = arith.index_cast %get3A_658 : i32 to index
          %get3A_661 = arith.index_cast %get3A_659 : i32 to index
          %get3A_662 = arith.index_cast %mul3A_582 : i32 to index
          %get3A_663 = tpu.vector_load %arg9[%get3A_660, %get3A_661, %get3A_662] {strides = array<i32>} : memref<2x8x512xf32, #tpu.memory_space<vmem>>, vector<16xf32>,
          %get3A_664 = arith.constant 1 : i32
          %get3A_665 = arith.constant 3 : i32
          %get3A_666 = arith.index_cast %get3A_664 : i32 to index
          %get3A_667 = arith.index_cast %get3A_665 : i32 to index
          %get3A_668 = arith.index_cast %mul3A_582 : i32 to index
          %get3A_669 = tpu.vector_load %arg10[%get3A_666, %get3A_667, %get3A_668] {strides = array<i32>} : memref<2x8x1024xf32, #tpu.memory_space<vmem>>, vector<16xf32>,
          %add3A_670 = arith.constant 512 : i32
          %add3A_671 = arith.addi %add3A_670, %mul3A_582 : i32
          %get3A_672 = arith.constant 1 : i32
          %get3A_673 = arith.constant 3 : i32
          %get3A_674 = arith.index_cast %get3A_672 : i32 to index
          %get3A_675 = arith.index_cast %get3A_673 : i32 to index
          %get3A_676 = arith.index_cast %add3A_671 : i32 to index
          %get3A_677 = tpu.vector_load %arg10[%get3A_674, %get3A_675, %get3A_676] {strides = array<i32>} : memref<2x8x1024xf32, #tpu.memory_space<vmem>>, vector<16xf32>,
          %mul3A_678 = arith.mulf %get3A_663, %get3A_669 : vector<16xf32>
          %add3A_679 = arith.addf %add3A_655, %mul3A_678 : vector<16xf32>
          %mul3A_680 = arith.mulf %get3A_663, %get3A_677 : vector<16xf32>
          %add3A_681 = arith.addf %add3A_657, %mul3A_680 : vector<16xf32>
          %get3A_682 = arith.constant 1 : i32
          %get3A_683 = arith.constant 4 : i32
          %get3A_684 = arith.index_cast %get3A_682 : i32 to index
          %get3A_685 = arith.index_cast %get3A_683 : i32 to index
          %get3A_686 = arith.index_cast %mul3A_582 : i32 to index
          %get3A_687 = tpu.vector_load %arg9[%get3A_684, %get3A_685, %get3A_686] {strides = array<i32>} : memref<2x8x512xf32, #tpu.memory_space<vmem>>, vector<16xf32>,
          %get3A_688 = arith.constant 1 : i32
          %get3A_689 = arith.constant 4 : i32
          %get3A_690 = arith.index_cast %get3A_688 : i32 to index
          %get3A_691 = arith.index_cast %get3A_689 : i32 to index
          %get3A_692 = arith.index_cast %mul3A_582 : i32 to index
          %get3A_693 = tpu.vector_load %arg10[%get3A_690, %get3A_691, %get3A_692] {strides = array<i32>} : memref<2x8x1024xf32, #tpu.memory_space<vmem>>, vector<16xf32>,
          %add3A_694 = arith.constant 512 : i32
          %add3A_695 = arith.addi %add3A_694, %mul3A_582 : i32
          %get3A_696 = arith.constant 1 : i32
          %get3A_697 = arith.constant 4 : i32
          %get3A_698 = arith.index_cast %get3A_696 : i32 to index
          %get3A_699 = arith.index_cast %get3A_697 : i32 to index
          %get3A_700 = arith.index_cast %add3A_695 : i32 to index
          %get3A_701 = tpu.vector_load %arg10[%get3A_698, %get3A_699, %get3A_700] {strides = array<i32>} : memref<2x8x1024xf32, #tpu.memory_space<vmem>>, vector<16xf32>,
          %mul3A_702 = arith.mulf %get3A_687, %get3A_693 : vector<16xf32>
          %add3A_703 = arith.addf %add3A_679, %mul3A_702 : vector<16xf32>
          %mul3A_704 = arith.mulf %get3A_687, %get3A_701 : vector<16xf32>
          %add3A_705 = arith.addf %add3A_681, %mul3A_704 : vector<16xf32>
          %get3A_706 = arith.constant 1 : i32
          %get3A_707 = arith.constant 5 : i32
          %get3A_708 = arith.index_cast %get3A_706 : i32 to index
          %get3A_709 = arith.index_cast %get3A_707 : i32 to index
          %get3A_710 = arith.index_cast %mul3A_582 : i32 to index
          %get3A_711 = tpu.vector_load %arg9[%get3A_708, %get3A_709, %get3A_710] {strides = array<i32>} : memref<2x8x512xf32, #tpu.memory_space<vmem>>, vector<16xf32>,
          %get3A_712 = arith.constant 1 : i32
          %get3A_713 = arith.constant 5 : i32
          %get3A_714 = arith.index_cast %get3A_712 : i32 to index
          %get3A_715 = arith.index_cast %get3A_713 : i32 to index
          %get3A_716 = arith.index_cast %mul3A_582 : i32 to index
          %get3A_717 = tpu.vector_load %arg10[%get3A_714, %get3A_715, %get3A_716] {strides = array<i32>} : memref<2x8x1024xf32, #tpu.memory_space<vmem>>, vector<16xf32>,
          %add3A_718 = arith.constant 512 : i32
          %add3A_719 = arith.addi %add3A_718, %mul3A_582 : i32
          %get3A_720 = arith.constant 1 : i32
          %get3A_721 = arith.constant 5 : i32
          %get3A_722 = arith.index_cast %get3A_720 : i32 to index
          %get3A_723 = arith.index_cast %get3A_721 : i32 to index
          %get3A_724 = arith.index_cast %add3A_719 : i32 to index
          %get3A_725 = tpu.vector_load %arg10[%get3A_722, %get3A_723, %get3A_724] {strides = array<i32>} : memref<2x8x1024xf32, #tpu.memory_space<vmem>>, vector<16xf32>,
          %mul3A_726 = arith.mulf %get3A_711, %get3A_717 : vector<16xf32>
          %add3A_727 = arith.addf %add3A_703, %mul3A_726 : vector<16xf32>
          %mul3A_728 = arith.mulf %get3A_711, %get3A_725 : vector<16xf32>
          %add3A_729 = arith.addf %add3A_705, %mul3A_728 : vector<16xf32>
          %get3A_730 = arith.constant 1 : i32
          %get3A_731 = arith.constant 6 : i32
          %get3A_732 = arith.index_cast %get3A_730 : i32 to index
          %get3A_733 = arith.index_cast %get3A_731 : i32 to index
          %get3A_734 = arith.index_cast %mul3A_582 : i32 to index
          %get3A_735 = tpu.vector_load %arg9[%get3A_732, %get3A_733, %get3A_734] {strides = array<i32>} : memref<2x8x512xf32, #tpu.memory_space<vmem>>, vector<16xf32>,
          %get3A_736 = arith.constant 1 : i32
          %get3A_737 = arith.constant 6 : i32
          %get3A_738 = arith.index_cast %get3A_736 : i32 to index
          %get3A_739 = arith.index_cast %get3A_737 : i32 to index
          %get3A_740 = arith.index_cast %mul3A_582 : i32 to index
          %get3A_741 = tpu.vector_load %arg10[%get3A_738, %get3A_739, %get3A_740] {strides = array<i32>} : memref<2x8x1024xf32, #tpu.memory_space<vmem>>, vector<16xf32>,
          %add3A_742 = arith.constant 512 : i32
          %add3A_743 = arith.addi %add3A_742, %mul3A_582 : i32
          %get3A_744 = arith.constant 1 : i32
          %get3A_745 = arith.constant 6 : i32
          %get3A_746 = arith.index_cast %get3A_744 : i32 to index
          %get3A_747 = arith.index_cast %get3A_745 : i32 to index
          %get3A_748 = arith.index_cast %add3A_743 : i32 to index
          %get3A_749 = tpu.vector_load %arg10[%get3A_746, %get3A_747, %get3A_748] {strides = array<i32>} : memref<2x8x1024xf32, #tpu.memory_space<vmem>>, vector<16xf32>,
          %mul3A_750 = arith.mulf %get3A_735, %get3A_741 : vector<16xf32>
          %add3A_751 = arith.addf %add3A_727, %mul3A_750 : vector<16xf32>
          %mul3A_752 = arith.mulf %get3A_735, %get3A_749 : vector<16xf32>
          %add3A_753 = arith.addf %add3A_729, %mul3A_752 : vector<16xf32>
          %get3A_754 = arith.constant 1 : i32
          %get3A_755 = arith.constant 7 : i32
          %get3A_756 = arith.index_cast %get3A_754 : i32 to index
          %get3A_757 = arith.index_cast %get3A_755 : i32 to index
          %get3A_758 = arith.index_cast %mul3A_582 : i32 to index
          %get3A_759 = tpu.vector_load %arg9[%get3A_756, %get3A_757, %get3A_758] {strides = array<i32>} : memref<2x8x512xf32, #tpu.memory_space<vmem>>, vector<16xf32>,
          %get3A_760 = arith.constant 1 : i32
          %get3A_761 = arith.constant 7 : i32
          %get3A_762 = arith.index_cast %get3A_760 : i32 to index
          %get3A_763 = arith.index_cast %get3A_761 : i32 to index
          %get3A_764 = arith.index_cast %mul3A_582 : i32 to index
          %get3A_765 = tpu.vector_load %arg10[%get3A_762, %get3A_763, %get3A_764] {strides = array<i32>} : memref<2x8x1024xf32, #tpu.memory_space<vmem>>, vector<16xf32>,
          %add3A_766 = arith.constant 512 : i32
          %add3A_767 = arith.addi %add3A_766, %mul3A_582 : i32
          %get3A_768 = arith.constant 1 : i32
          %get3A_769 = arith.constant 7 : i32
          %get3A_770 = arith.index_cast %get3A_768 : i32 to index
          %get3A_771 = arith.index_cast %get3A_769 : i32 to index
          %get3A_772 = arith.index_cast %add3A_767 : i32 to index
          %get3A_773 = tpu.vector_load %arg10[%get3A_770, %get3A_771, %get3A_772] {strides = array<i32>} : memref<2x8x1024xf32, #tpu.memory_space<vmem>>, vector<16xf32>,
          %mul3A_774 = arith.mulf %get3A_759, %get3A_765 : vector<16xf32>
          %add3A_775 = arith.addf %add3A_751, %mul3A_774 : vector<16xf32>
          %mul3A_776 = arith.mulf %get3A_759, %get3A_773 : vector<16xf32>
          %add3A_777 = arith.addf %add3A_753, %mul3A_776 : vector<16xf32>
          %swap3A = arith.constant 1 : i32
          %swap3A_778 = arith.constant 0 : i32
          %swap3A_779 = arith.index_cast %swap3A : i32 to index
          %swap3A_780 = arith.index_cast %swap3A_778 : i32 to index
          %swap3A_781 = arith.index_cast %mul3A_582 : i32 to index
          %swap3A_782 = tpu.vector_load %arg11[%swap3A_779, %swap3A_780, %swap3A_781] {strides = array<i32>} : memref<2x2x512xf32, #tpu.memory_space<vmem>>, vector<16xf32>,
          tpu.vector_store %arg11[%swap3A_779, %swap3A_780, %swap3A_781], %add3A_775 {strides = array<i32>} : memref<2x2x512xf32, #tpu.memory_space<vmem>>, vector<16xf32>,
          %swap3A_783 = arith.constant 1 : i32
          %swap3A_784 = arith.constant 1 : i32
          %swap3A_785 = arith.index_cast %swap3A_783 : i32 to index
          %swap3A_786 = arith.index_cast %swap3A_784 : i32 to index
          %swap3A_787 = arith.index_cast %mul3A_582 : i32 to index
          %swap3A_788 = tpu.vector_load %arg11[%swap3A_785, %swap3A_786, %swap3A_787] {strides = array<i32>} : memref<2x2x512xf32, #tpu.memory_space<vmem>>, vector<16xf32>,
          tpu.vector_store %arg11[%swap3A_785, %swap3A_786, %swap3A_787], %add3A_777 {strides = array<i32>} : memref<2x2x512xf32, #tpu.memory_space<vmem>>, vector<16xf32>,
        }
        %scan3A_561 = arith.constant 32 : i32
        %mul3A_562 = arith.constant 2 : i32
        %mul3A_563 = arith.muli %scan3A_5, %mul3A_562 : i32
        %mul3A_564 = arith.constant 16384 : i32
        %mul3A_565 = arith.muli %add3A, %mul3A_564 : i32
        %mul3A_566 = arith.constant 512 : i32
        %mul3A_567 = arith.muli %add3A_551, %mul3A_566 : i32
        %add3A_568 = arith.addi %mul3A_565, %mul3A_567 : i32
        %dma_start3A_569 = arith.constant 1 : i32
        %dma_start3A_570 = arith.constant 0 : i32
        %dma_start3A_571 = arith.constant 0 : i32
        %dma_start3A_572 = tpu.memref_slice %arg11[%dma_start3A_569, %dma_start3A_570, %dma_start3A_571] : memref<2x2x512xf32, #tpu.memory_space<vmem>> -> memref<1x2x512xf32, #tpu.memory_space<vmem>>
        %dma_start3A_573 = tpu.memref_squeeze %dma_start3A_572 : memref<1x2x512xf32, #tpu.memory_space<vmem>> -> memref<2x512xf32, #tpu.memory_space<vmem>>
        %dma_start3A_574 = tpu.memref_slice %arg6[%mul3A_563, %add3A_568] : memref<32x524288xf32, #tpu.memory_space<hbm>> -> memref<2x512xf32, #tpu.memory_space<hbm>>
        %dma_start3A_575 = tpu.memref_slice %arg6[%mul3A_563, %add3A_568] : memref<32x524288xf32, #tpu.memory_space<hbm>> -> memref<2x512xf32, #tpu.memory_space<hbm>>
        %dma_start3A_576 = arith.constant 0 : i32
        %dma_start3A_577 = arith.constant 0 : i32
        %dma_start3A_578 = tpu.memref_slice %arg11[%dma_start3A_569, %dma_start3A_576, %dma_start3A_577] : memref<2x2x512xf32, #tpu.memory_space<vmem>> -> memref<1x2x512xf32, #tpu.memory_space<vmem>>
        %dma_start3A_579 = tpu.memref_squeeze %dma_start3A_578 : memref<1x2x512xf32, #tpu.memory_space<vmem>> -> memref<2x512xf32, #tpu.memory_space<vmem>>
        tpu.enqueue_dma source(%dma_start3A_579 : memref<2x512xf32, #tpu.memory_space<vmem>>) target(%dma_start3A_575 : memref<2x512xf32, #tpu.memory_space<hbm>>) target_semaphore(%arg17 : memref<!tpu.dma_semaphore, #tpu.memory_space<semaphore_mem>>)
      }
      %scan3A_179 = arith.constant 15 : i32
      %mul3A_180 = arith.constant 16384 : i32
      %mul3A_181 = arith.muli %add3A, %mul3A_180 : i32
      %add3A_182 = arith.constant 15872 : i32
      %add3A_183 = arith.addi %mul3A_181, %add3A_182 : i32
      %dma_start3A_184 = arith.constant 0 : i32
      %dma_start3A_185 = arith.constant 0 : i32
      %dma_start3A_186 = tpu.memref_slice %arg7[%dma_start3A_184, %dma_start3A_185] : memref<3x512xf32, #tpu.memory_space<vmem>> -> memref<1x512xf32, #tpu.memory_space<vmem>>
      %dma_start3A_187 = tpu.memref_squeeze %dma_start3A_186 : memref<1x512xf32, #tpu.memory_space<vmem>> -> memref<512xf32, #tpu.memory_space<vmem>>
      %dma_start3A_188 = tpu.memref_slice %arg2[%add3A_183] : memref<524288xf32, #tpu.memory_space<hbm>> -> memref<512xf32, #tpu.memory_space<hbm>>
      %dma_start3A_189 = arith.constant 0 : i32
      %dma_start3A_190 = tpu.memref_slice %arg7[%dma_start3A_184, %dma_start3A_189] : memref<3x512xf32, #tpu.memory_space<vmem>> -> memref<1x512xf32, #tpu.memory_space<vmem>>
      %dma_start3A_191 = tpu.memref_squeeze %dma_start3A_190 : memref<1x512xf32, #tpu.memory_space<vmem>> -> memref<512xf32, #tpu.memory_space<vmem>>
      %dma_start3A_192 = tpu.memref_slice %arg2[%add3A_183] : memref<524288xf32, #tpu.memory_space<hbm>> -> memref<512xf32, #tpu.memory_space<hbm>>
      tpu.enqueue_dma source(%dma_start3A_192 : memref<512xf32, #tpu.memory_space<hbm>>) target(%dma_start3A_191 : memref<512xf32, #tpu.memory_space<vmem>>) target_semaphore(%arg15 : memref<!tpu.dma_semaphore, #tpu.memory_space<semaphore_mem>>)
      %dma_start3A_193 = arith.constant 1 : i32
      %dma_start3A_194 = arith.constant 0 : i32
      %dma_start3A_195 = tpu.memref_slice %arg7[%dma_start3A_193, %dma_start3A_194] : memref<3x512xf32, #tpu.memory_space<vmem>> -> memref<1x512xf32, #tpu.memory_space<vmem>>
      %dma_start3A_196 = tpu.memref_squeeze %dma_start3A_195 : memref<1x512xf32, #tpu.memory_space<vmem>> -> memref<512xf32, #tpu.memory_space<vmem>>
      %dma_start3A_197 = tpu.memref_slice %arg3[%add3A_183] : memref<524288xf32, #tpu.memory_space<hbm>> -> memref<512xf32, #tpu.memory_space<hbm>>
      %dma_start3A_198 = arith.constant 0 : i32
      %dma_start3A_199 = tpu.memref_slice %arg7[%dma_start3A_193, %dma_start3A_198] : memref<3x512xf32, #tpu.memory_space<vmem>> -> memref<1x512xf32, #tpu.memory_space<vmem>>
      %dma_start3A_200 = tpu.memref_squeeze %dma_start3A_199 : memref<1x512xf32, #tpu.memory_space<vmem>> -> memref<512xf32, #tpu.memory_space<vmem>>
      %dma_start3A_201 = tpu.memref_slice %arg3[%add3A_183] : memref<524288xf32, #tpu.memory_space<hbm>> -> memref<512xf32, #tpu.memory_space<hbm>>
      tpu.enqueue_dma source(%dma_start3A_201 : memref<512xf32, #tpu.memory_space<hbm>>) target(%dma_start3A_200 : memref<512xf32, #tpu.memory_space<vmem>>) target_semaphore(%arg15 : memref<!tpu.dma_semaphore, #tpu.memory_space<semaphore_mem>>)
      %dma_start3A_202 = arith.constant 2 : i32
      %dma_start3A_203 = arith.constant 0 : i32
      %dma_start3A_204 = tpu.memref_slice %arg7[%dma_start3A_202, %dma_start3A_203] : memref<3x512xf32, #tpu.memory_space<vmem>> -> memref<1x512xf32, #tpu.memory_space<vmem>>
      %dma_start3A_205 = tpu.memref_squeeze %dma_start3A_204 : memref<1x512xf32, #tpu.memory_space<vmem>> -> memref<512xf32, #tpu.memory_space<vmem>>
      %dma_start3A_206 = tpu.memref_slice %arg4[%add3A_183] : memref<524288xf32, #tpu.memory_space<hbm>> -> memref<512xf32, #tpu.memory_space<hbm>>
      %dma_start3A_207 = arith.constant 0 : i32
      %dma_start3A_208 = tpu.memref_slice %arg7[%dma_start3A_202, %dma_start3A_207] : memref<3x512xf32, #tpu.memory_space<vmem>> -> memref<1x512xf32, #tpu.memory_space<vmem>>
      %dma_start3A_209 = tpu.memref_squeeze %dma_start3A_208 : memref<1x512xf32, #tpu.memory_space<vmem>> -> memref<512xf32, #tpu.memory_space<vmem>>
      %dma_start3A_210 = tpu.memref_slice %arg4[%add3A_183] : memref<524288xf32, #tpu.memory_space<hbm>> -> memref<512xf32, #tpu.memory_space<hbm>>
      tpu.enqueue_dma source(%dma_start3A_210 : memref<512xf32, #tpu.memory_space<hbm>>) target(%dma_start3A_209 : memref<512xf32, #tpu.memory_space<vmem>>) target_semaphore(%arg15 : memref<!tpu.dma_semaphore, #tpu.memory_space<semaphore_mem>>)
      %dma_wait3A_211 = arith.constant 0 : i32
      %dma_wait3A_212 = arith.constant 0 : i32
      %dma_wait3A_213 = tpu.memref_slice %arg7[%dma_wait3A_211, %dma_wait3A_212] : memref<3x512xf32, #tpu.memory_space<vmem>> -> memref<1x512xf32, #tpu.memory_space<vmem>>
      %dma_wait3A_214 = tpu.memref_squeeze %dma_wait3A_213 : memref<1x512xf32, #tpu.memory_space<vmem>> -> memref<512xf32, #tpu.memory_space<vmem>>
      %dma_wait3A_215 = tpu.memref_slice %arg2[%add3A_183] : memref<524288xf32, #tpu.memory_space<hbm>> -> memref<512xf32, #tpu.memory_space<hbm>>
      %dma_wait3A_216 = arith.constant 0 : i32
      %dma_wait3A_217 = tpu.memref_slice %arg7[%dma_wait3A_211, %dma_wait3A_216] : memref<3x512xf32, #tpu.memory_space<vmem>> -> memref<1x512xf32, #tpu.memory_space<vmem>>
      %dma_wait3A_218 = tpu.memref_squeeze %dma_wait3A_217 : memref<1x512xf32, #tpu.memory_space<vmem>> -> memref<512xf32, #tpu.memory_space<vmem>>
      %dma_wait3A_219 = tpu.memref_slice %arg2[%add3A_183] : memref<524288xf32, #tpu.memory_space<hbm>> -> memref<512xf32, #tpu.memory_space<hbm>>
      tpu.wait_dma2 semaphore(%arg15 : memref<!tpu.dma_semaphore, #tpu.memory_space<semaphore_mem>>) src(%dma_wait3A_219 : memref<512xf32, #tpu.memory_space<hbm>>) dst(%dma_wait3A_218 : memref<512xf32, #tpu.memory_space<vmem>>)
      %dma_wait3A_220 = arith.constant 1 : i32
      %dma_wait3A_221 = arith.constant 0 : i32
      %dma_wait3A_222 = tpu.memref_slice %arg7[%dma_wait3A_220, %dma_wait3A_221] : memref<3x512xf32, #tpu.memory_space<vmem>> -> memref<1x512xf32, #tpu.memory_space<vmem>>
      %dma_wait3A_223 = tpu.memref_squeeze %dma_wait3A_222 : memref<1x512xf32, #tpu.memory_space<vmem>> -> memref<512xf32, #tpu.memory_space<vmem>>
      %dma_wait3A_224 = tpu.memref_slice %arg3[%add3A_183] : memref<524288xf32, #tpu.memory_space<hbm>> -> memref<512xf32, #tpu.memory_space<hbm>>
      %dma_wait3A_225 = arith.constant 0 : i32
      %dma_wait3A_226 = tpu.memref_slice %arg7[%dma_wait3A_220, %dma_wait3A_225] : memref<3x512xf32, #tpu.memory_space<vmem>> -> memref<1x512xf32, #tpu.memory_space<vmem>>
      %dma_wait3A_227 = tpu.memref_squeeze %dma_wait3A_226 : memref<1x512xf32, #tpu.memory_space<vmem>> -> memref<512xf32, #tpu.memory_space<vmem>>
      %dma_wait3A_228 = tpu.memref_slice %arg3[%add3A_183] : memref<524288xf32, #tpu.memory_space<hbm>> -> memref<512xf32, #tpu.memory_space<hbm>>
      tpu.wait_dma2 semaphore(%arg15 : memref<!tpu.dma_semaphore, #tpu.memory_space<semaphore_mem>>) src(%dma_wait3A_228 : memref<512xf32, #tpu.memory_space<hbm>>) dst(%dma_wait3A_227 : memref<512xf32, #tpu.memory_space<vmem>>)
      %dma_wait3A_229 = arith.constant 2 : i32
      %dma_wait3A_230 = arith.constant 0 : i32
      %dma_wait3A_231 = tpu.memref_slice %arg7[%dma_wait3A_229, %dma_wait3A_230] : memref<3x512xf32, #tpu.memory_space<vmem>> -> memref<1x512xf32, #tpu.memory_space<vmem>>
      %dma_wait3A_232 = tpu.memref_squeeze %dma_wait3A_231 : memref<1x512xf32, #tpu.memory_space<vmem>> -> memref<512xf32, #tpu.memory_space<vmem>>
      %dma_wait3A_233 = tpu.memref_slice %arg4[%add3A_183] : memref<524288xf32, #tpu.memory_space<hbm>> -> memref<512xf32, #tpu.memory_space<hbm>>
      %dma_wait3A_234 = arith.constant 0 : i32
      %dma_wait3A_235 = tpu.memref_slice %arg7[%dma_wait3A_229, %dma_wait3A_234] : memref<3x512xf32, #tpu.memory_space<vmem>> -> memref<1x512xf32, #tpu.memory_space<vmem>>
      %dma_wait3A_236 = tpu.memref_squeeze %dma_wait3A_235 : memref<1x512xf32, #tpu.memory_space<vmem>> -> memref<512xf32, #tpu.memory_space<vmem>>
      %dma_wait3A_237 = tpu.memref_slice %arg4[%add3A_183] : memref<524288xf32, #tpu.memory_space<hbm>> -> memref<512xf32, #tpu.memory_space<hbm>>
      tpu.wait_dma2 semaphore(%arg15 : memref<!tpu.dma_semaphore, #tpu.memory_space<semaphore_mem>>) src(%dma_wait3A_237 : memref<512xf32, #tpu.memory_space<hbm>>) dst(%dma_wait3A_236 : memref<512xf32, #tpu.memory_space<vmem>>)
      %scan3A_238 = arith.constant 0 : i32
      %scan3A_239 = arith.constant 32 : i32
      %scan3A_240 = arith.addi %scan3A_238, %scan3A_239 : i32
      %scan3A_241 = arith.constant 1 : i32
      scf.for %scan3A_370 = %scan3A_238 to %scan3A_240 step %scan3A_241  : i32 {
        %mul3A_371 = arith.constant 16 : i32
        %mul3A_372 = arith.muli %scan3A_370, %mul3A_371 : i32
        %get3A = arith.constant 0 : i32
        %get3A_373 = arith.index_cast %get3A : i32 to index
        %get3A_374 = arith.index_cast %mul3A_372 : i32 to index
        %get3A_375 = tpu.vector_load %arg7[%get3A_373, %get3A_374] {strides = array<i32>} : memref<3x512xf32, #tpu.memory_space<vmem>>, vector<16xf32>,
        %get3A_376 = arith.constant 1 : i32
        %get3A_377 = arith.index_cast %get3A_376 : i32 to index
        %get3A_378 = arith.index_cast %mul3A_372 : i32 to index
        %get3A_379 = tpu.vector_load %arg7[%get3A_377, %get3A_378] {strides = array<i32>} : memref<3x512xf32, #tpu.memory_space<vmem>>, vector<16xf32>,
        %get3A_380 = arith.constant 2 : i32
        %get3A_381 = arith.index_cast %get3A_380 : i32 to index
        %get3A_382 = arith.index_cast %mul3A_372 : i32 to index
        %get3A_383 = tpu.vector_load %arg7[%get3A_381, %get3A_382] {strides = array<i32>} : memref<3x512xf32, #tpu.memory_space<vmem>>, vector<16xf32>,
        %mul3A_384 = arith.mulf %get3A_375, %select_n3A_108 : vector<16xf32>
        %mul3A_385 = arith.mulf %get3A_379, %select_n3A_108 : vector<16xf32>
        %mul3A_386 = arith.mulf %get3A_383, %select_n3A_108 : vector<16xf32>
        %convert_element_type3A = arith.fptosi %mul3A_384 : vector<16xf32> to vector<16xi32>
        %convert_element_type3A_387 = arith.fptosi %mul3A_385 : vector<16xf32> to vector<16xi32>
        %convert_element_type3A_388 = arith.fptosi %mul3A_386 : vector<16xf32> to vector<16xi32>
        %convert_element_type3A_389 = arith.sitofp %convert_element_type3A : vector<16xi32> to vector<16xf32>
        %sub3A = arith.subf %mul3A_384, %convert_element_type3A_389 : vector<16xf32>
        %convert_element_type3A_390 = arith.sitofp %convert_element_type3A_387 : vector<16xi32> to vector<16xf32>
        %sub3A_391 = arith.subf %mul3A_385, %convert_element_type3A_390 : vector<16xf32>
        %convert_element_type3A_392 = arith.sitofp %convert_element_type3A_388 : vector<16xi32> to vector<16xf32>
        %sub3A_393 = arith.subf %mul3A_386, %convert_element_type3A_392 : vector<16xf32>
        %mul3A_394 = arith.constant 1540863 : i32
        %mul3A_395 = vector.broadcast %mul3A_394 : i32 to vector<16xi32>
        %mul3A_396 = arith.muli %convert_element_type3A, %mul3A_395 : vector<16xi32>
        %mul3A_397 = arith.constant 1256879 : i32
        %mul3A_398 = vector.broadcast %mul3A_397 : i32 to vector<16xi32>
        %mul3A_399 = arith.muli %convert_element_type3A_387, %mul3A_398 : vector<16xi32>
        %mul3A_400 = arith.constant 1957123 : i32
        %mul3A_401 = vector.broadcast %mul3A_400 : i32 to vector<16xi32>
        %mul3A_402 = arith.muli %convert_element_type3A_388, %mul3A_401 : vector<16xi32>
        %mul3A_403 = arith.constant 1957123 : i32
        %mul3A_404 = vector.broadcast %mul3A_403 : i32 to vector<16xi32>
        %mul3A_405 = arith.muli %convert_element_type3A_388, %mul3A_404 : vector<16xi32>
        %add3A_406 = arith.constant 1957123 : i32
        %add3A_407 = vector.broadcast %add3A_406 : i32 to vector<16xi32>
        %add3A_408 = arith.addi %mul3A_405, %add3A_407 : vector<16xi32>
        %xor3A = arith.xori %mul3A_396, %mul3A_399 : vector<16xi32>
        %add3A_409 = arith.constant 1256879 : i32
        %add3A_410 = vector.broadcast %add3A_409 : i32 to vector<16xi32>
        %add3A_411 = arith.addi %mul3A_399, %add3A_410 : vector<16xi32>
        %xor3A_412 = arith.xori %mul3A_396, %add3A_411 : vector<16xi32>
        %add3A_413 = arith.constant 1540863 : i32
        %add3A_414 = vector.broadcast %add3A_413 : i32 to vector<16xi32>
        %add3A_415 = arith.addi %mul3A_396, %add3A_414 : vector<16xi32>
        %xor3A_416 = arith.xori %add3A_415, %mul3A_399 : vector<16xi32>
        %add3A_417 = arith.constant 1540863 : i32
        %add3A_418 = vector.broadcast %add3A_417 : i32 to vector<16xi32>
        %add3A_419 = arith.addi %mul3A_396, %add3A_418 : vector<16xi32>
        %add3A_420 = arith.constant 1256879 : i32
        %add3A_421 = vector.broadcast %add3A_420 : i32 to vector<16xi32>
        %add3A_422 = arith.addi %mul3A_399, %add3A_421 : vector<16xi32>
        %xor3A_423 = arith.xori %add3A_419, %add3A_422 : vector<16xi32>
        %sub3A_424 = arith.constant 1.000000e+00 : f32
        %sub3A_425 = vector.broadcast %sub3A_424 : f32 to vector<16xf32>
        %sub3A_426 = arith.subf %sub3A_425, %sub3A : vector<16xf32>
        %sub3A_427 = arith.constant 1.000000e+00 : f32
        %sub3A_428 = vector.broadcast %sub3A_427 : f32 to vector<16xf32>
        %sub3A_429 = arith.subf %sub3A_428, %sub3A_391 : vector<16xf32>
        %sub3A_430 = arith.constant 1.000000e+00 : f32
        %sub3A_431 = vector.broadcast %sub3A_430 : f32 to vector<16xf32>
        %sub3A_432 = arith.subf %sub3A_431, %sub3A_393 : vector<16xf32>
        %mul3A_433 = arith.mulf %sub3A_426, %sub3A_429 : vector<16xf32>
        %mul3A_434 = arith.mulf %sub3A_426, %sub3A_391 : vector<16xf32>
        %mul3A_435 = arith.mulf %sub3A, %sub3A_429 : vector<16xf32>
        %mul3A_436 = arith.mulf %sub3A, %sub3A_391 : vector<16xf32>
        %xor3A_437 = arith.xori %xor3A, %mul3A_402 : vector<16xi32>
        %and3A = arith.constant 524287 : i32
        %and3A_438 = vector.broadcast %and3A : i32 to vector<16xi32>
        %and3A_439 = arith.andi %xor3A_437, %and3A_438 : vector<16xi32>
        %mul3A_440 = arith.constant 2 : i32
        %mul3A_441 = vector.broadcast %mul3A_440 : i32 to vector<16xi32>
        %mul3A_442 = arith.muli %and3A_439, %mul3A_441 : vector<16xi32>
        %swap3A = arith.constant 1 : i32
        %swap3A_443 = arith.constant 0 : i32
        %swap3A_444 = arith.index_cast %swap3A : i32 to index
        %swap3A_445 = arith.index_cast %swap3A_443 : i32 to index
        %swap3A_446 = arith.index_cast %mul3A_372 : i32 to index
        %swap3A_447 = tpu.vector_load %arg8[%swap3A_444, %swap3A_445, %swap3A_446] {strides = array<i32>} : memref<2x8x1024xi32, #tpu.memory_space<vmem>>, vector<16xi32>,
        tpu.vector_store %arg8[%swap3A_444, %swap3A_445, %swap3A_446], %mul3A_442 {strides = array<i32>} : memref<2x8x1024xi32, #tpu.memory_space<vmem>>, vector<16xi32>,
        %add3A_448 = arith.constant 1 : i32
        %add3A_449 = vector.broadcast %add3A_448 : i32 to vector<16xi32>
        %add3A_450 = arith.addi %mul3A_442, %add3A_449 : vector<16xi32>
        %add3A_451 = arith.constant 512 : i32
        %add3A_452 = arith.addi %add3A_451, %mul3A_372 : i32
        %swap3A_453 = arith.constant 1 : i32
        %swap3A_454 = arith.constant 0 : i32
        %swap3A_455 = arith.index_cast %swap3A_453 : i32 to index
        %swap3A_456 = arith.index_cast %swap3A_454 : i32 to index
        %swap3A_457 = arith.index_cast %add3A_452 : i32 to index
        %swap3A_458 = tpu.vector_load %arg8[%swap3A_455, %swap3A_456, %swap3A_457] {strides = array<i32>} : memref<2x8x1024xi32, #tpu.memory_space<vmem>>, vector<16xi32>,
        tpu.vector_store %arg8[%swap3A_455, %swap3A_456, %swap3A_457], %add3A_450 {strides = array<i32>} : memref<2x8x1024xi32, #tpu.memory_space<vmem>>, vector<16xi32>,
        %mul3A_459 = arith.mulf %mul3A_433, %sub3A_432 : vector<16xf32>
        %swap3A_460 = arith.constant 1 : i32
        %swap3A_461 = arith.constant 0 : i32
        %swap3A_462 = arith.index_cast %swap3A_460 : i32 to index
        %swap3A_463 = arith.index_cast %swap3A_461 : i32 to index
        %swap3A_464 = arith.index_cast %mul3A_372 : i32 to index
        %swap3A_465 = tpu.vector_load %arg9[%swap3A_462, %swap3A_463, %swap3A_464] {strides = array<i32>} : memref<2x8x512xf32, #tpu.memory_space<vmem>>, vector<16xf32>,
        tpu.vector_store %arg9[%swap3A_462, %swap3A_463, %swap3A_464], %mul3A_459 {strides = array<i32>} : memref<2x8x512xf32, #tpu.memory_space<vmem>>, vector<16xf32>,
        %xor3A_466 = arith.xori %xor3A, %add3A_408 : vector<16xi32>
        %and3A_467 = arith.constant 524287 : i32
        %and3A_468 = vector.broadcast %and3A_467 : i32 to vector<16xi32>
        %and3A_469 = arith.andi %xor3A_466, %and3A_468 : vector<16xi32>
        %mul3A_470 = arith.constant 2 : i32
        %mul3A_471 = vector.broadcast %mul3A_470 : i32 to vector<16xi32>
        %mul3A_472 = arith.muli %and3A_469, %mul3A_471 : vector<16xi32>
        %swap3A_473 = arith.constant 1 : i32
        %swap3A_474 = arith.constant 1 : i32
        %swap3A_475 = arith.index_cast %swap3A_473 : i32 to index
        %swap3A_476 = arith.index_cast %swap3A_474 : i32 to index
        %swap3A_477 = arith.index_cast %mul3A_372 : i32 to index
        %swap3A_478 = tpu.vector_load %arg8[%swap3A_475, %swap3A_476, %swap3A_477] {strides = array<i32>} : memref<2x8x1024xi32, #tpu.memory_space<vmem>>, vector<16xi32>,
        tpu.vector_store %arg8[%swap3A_475, %swap3A_476, %swap3A_477], %mul3A_472 {strides = array<i32>} : memref<2x8x1024xi32, #tpu.memory_space<vmem>>, vector<16xi32>,
        %add3A_479 = arith.constant 1 : i32
        %add3A_480 = vector.broadcast %add3A_479 : i32 to vector<16xi32>
        %add3A_481 = arith.addi %mul3A_472, %add3A_480 : vector<16xi32>
        %add3A_482 = arith.constant 512 : i32
        %add3A_483 = arith.addi %add3A_482, %mul3A_372 : i32
        %swap3A_484 = arith.constant 1 : i32
        %swap3A_485 = arith.constant 1 : i32
        %swap3A_486 = arith.index_cast %swap3A_484 : i32 to index
        %swap3A_487 = arith.index_cast %swap3A_485 : i32 to index
        %swap3A_488 = arith.index_cast %add3A_483 : i32 to index
        %swap3A_489 = tpu.vector_load %arg8[%swap3A_486, %swap3A_487, %swap3A_488] {strides = array<i32>} : memref<2x8x1024xi32, #tpu.memory_space<vmem>>, vector<16xi32>,
        tpu.vector_store %arg8[%swap3A_486, %swap3A_487, %swap3A_488], %add3A_481 {strides = array<i32>} : memref<2x8x1024xi32, #tpu.memory_space<vmem>>, vector<16xi32>,
        %mul3A_490 = arith.mulf %mul3A_433, %sub3A_393 : vector<16xf32>
        %swap3A_491 = arith.constant 1 : i32
        %swap3A_492 = arith.constant 1 : i32
        %swap3A_493 = arith.index_cast %swap3A_491 : i32 to index
        %swap3A_494 = arith.index_cast %swap3A_492 : i32 to index
        %swap3A_495 = arith.index_cast %mul3A_372 : i32 to index
        %swap3A_496 = tpu.vector_load %arg9[%swap3A_493, %swap3A_494, %swap3A_495] {strides = array<i32>} : memref<2x8x512xf32, #tpu.memory_space<vmem>>, vector<16xf32>,
        tpu.vector_store %arg9[%swap3A_493, %swap3A_494, %swap3A_495], %mul3A_490 {strides = array<i32>} : memref<2x8x512xf32, #tpu.memory_space<vmem>>, vector<16xf32>,
        %xor3A_497 = arith.xori %xor3A_412, %mul3A_402 : vector<16xi32>
        %and3A_498 = arith.constant 524287 : i32
        %and3A_499 = vector.broadcast %and3A_498 : i32 to vector<16xi32>
        %and3A_500 = arith.andi %xor3A_497, %and3A_499 : vector<16xi32>
        %mul3A_501 = arith.constant 2 : i32
        %mul3A_502 = vector.broadcast %mul3A_501 : i32 to vector<16xi32>
        %mul3A_503 = arith.muli %and3A_500, %mul3A_502 : vector<16xi32>
        %swap3A_504 = arith.constant 1 : i32
        %swap3A_505 = arith.constant 2 : i32
        %swap3A_506 = arith.index_cast %swap3A_504 : i32 to index
        %swap3A_507 = arith.index_cast %swap3A_505 : i32 to index
        %swap3A_508 = arith.index_cast %mul3A_372 : i32 to index
        %swap3A_509 = tpu.vector_load %arg8[%swap3A_506, %swap3A_507, %swap3A_508] {strides = array<i32>} : memref<2x8x1024xi32, #tpu.memory_space<vmem>>, vector<16xi32>,
        tpu.vector_store %arg8[%swap3A_506, %swap3A_507, %swap3A_508], %mul3A_503 {strides = array<i32>} : memref<2x8x1024xi32, #tpu.memory_space<vmem>>, vector<16xi32>,
        %add3A_510 = arith.constant 1 : i32
        %add3A_511 = vector.broadcast %add3A_510 : i32 to vector<16xi32>
        %add3A_512 = arith.addi %mul3A_503, %add3A_511 : vector<16xi32>
        %add3A_513 = arith.constant 512 : i32
        %add3A_514 = arith.addi %add3A_513, %mul3A_372 : i32
        %swap3A_515 = arith.constant 1 : i32
        %swap3A_516 = arith.constant 2 : i32
        %swap3A_517 = arith.index_cast %swap3A_515 : i32 to index
        %swap3A_518 = arith.index_cast %swap3A_516 : i32 to index
        %swap3A_519 = arith.index_cast %add3A_514 : i32 to index
        %swap3A_520 = tpu.vector_load %arg8[%swap3A_517, %swap3A_518, %swap3A_519] {strides = array<i32>} : memref<2x8x1024xi32, #tpu.memory_space<vmem>>, vector<16xi32>,
        tpu.vector_store %arg8[%swap3A_517, %swap3A_518, %swap3A_519], %add3A_512 {strides = array<i32>} : memref<2x8x1024xi32, #tpu.memory_space<vmem>>, vector<16xi32>,
        %mul3A_521 = arith.mulf %mul3A_434, %sub3A_432 : vector<16xf32>
        %swap3A_522 = arith.constant 1 : i32
        %swap3A_523 = arith.constant 2 : i32
        %swap3A_524 = arith.index_cast %swap3A_522 : i32 to index
        %swap3A_525 = arith.index_cast %swap3A_523 : i32 to index
        %swap3A_526 = arith.index_cast %mul3A_372 : i32 to index
        %swap3A_527 = tpu.vector_load %arg9[%swap3A_524, %swap3A_525, %swap3A_526] {strides = array<i32>} : memref<2x8x512xf32, #tpu.memory_space<vmem>>, vector<16xf32>,
        tpu.vector_store %arg9[%swap3A_524, %swap3A_525, %swap3A_526], %mul3A_521 {strides = array<i32>} : memref<2x8x512xf32, #tpu.memory_space<vmem>>, vector<16xf32>,
        %xor3A_528 = arith.xori %xor3A_412, %add3A_408 : vector<16xi32>
        %and3A_529 = arith.constant 524287 : i32
        %and3A_530 = vector.broadcast %and3A_529 : i32 to vector<16xi32>
        %and3A_531 = arith.andi %xor3A_528, %and3A_530 : vector<16xi32>
        %mul3A_532 = arith.constant 2 : i32
        %mul3A_533 = vector.broadcast %mul3A_532 : i32 to vector<16xi32>
        %mul3A_534 = arith.muli %and3A_531, %mul3A_533 : vector<16xi32>
        %swap3A_535 = arith.constant 1 : i32
        %swap3A_536 = arith.constant 3 : i32
        %swap3A_537 = arith.index_cast %swap3A_535 : i32 to index
        %swap3A_538 = arith.index_cast %swap3A_536 : i32 to index
        %swap3A_539 = arith.index_cast %mul3A_372 : i32 to index
        %swap3A_540 = tpu.vector_load %arg8[%swap3A_537, %swap3A_538, %swap3A_539] {strides = array<i32>} : memref<2x8x1024xi32, #tpu.memory_space<vmem>>, vector<16xi32>,
        tpu.vector_store %arg8[%swap3A_537, %swap3A_538, %swap3A_539], %mul3A_534 {strides = array<i32>} : memref<2x8x1024xi32, #tpu.memory_space<vmem>>, vector<16xi32>,
        %add3A_541 = arith.constant 1 : i32
        %add3A_542 = vector.broadcast %add3A_541 : i32 to vector<16xi32>
        %add3A_543 = arith.addi %mul3A_534, %add3A_542 : vector<16xi32>
        %add3A_544 = arith.constant 512 : i32
        %add3A_545 = arith.addi %add3A_544, %mul3A_372 : i32
        %swap3A_546 = arith.constant 1 : i32
        %swap3A_547 = arith.constant 3 : i32
        %swap3A_548 = arith.index_cast %swap3A_546 : i32 to index
        %swap3A_549 = arith.index_cast %swap3A_547 : i32 to index
        %swap3A_550 = arith.index_cast %add3A_545 : i32 to index
        %swap3A_551 = tpu.vector_load %arg8[%swap3A_548, %swap3A_549, %swap3A_550] {strides = array<i32>} : memref<2x8x1024xi32, #tpu.memory_space<vmem>>, vector<16xi32>,
        tpu.vector_store %arg8[%swap3A_548, %swap3A_549, %swap3A_550], %add3A_543 {strides = array<i32>} : memref<2x8x1024xi32, #tpu.memory_space<vmem>>, vector<16xi32>,
        %mul3A_552 = arith.mulf %mul3A_434, %sub3A_393 : vector<16xf32>
        %swap3A_553 = arith.constant 1 : i32
        %swap3A_554 = arith.constant 3 : i32
        %swap3A_555 = arith.index_cast %swap3A_553 : i32 to index
        %swap3A_556 = arith.index_cast %swap3A_554 : i32 to index
        %swap3A_557 = arith.index_cast %mul3A_372 : i32 to index
        %swap3A_558 = tpu.vector_load %arg9[%swap3A_555, %swap3A_556, %swap3A_557] {strides = array<i32>} : memref<2x8x512xf32, #tpu.memory_space<vmem>>, vector<16xf32>,
        tpu.vector_store %arg9[%swap3A_555, %swap3A_556, %swap3A_557], %mul3A_552 {strides = array<i32>} : memref<2x8x512xf32, #tpu.memory_space<vmem>>, vector<16xf32>,
        %xor3A_559 = arith.xori %xor3A_416, %mul3A_402 : vector<16xi32>
        %and3A_560 = arith.constant 524287 : i32
        %and3A_561 = vector.broadcast %and3A_560 : i32 to vector<16xi32>
        %and3A_562 = arith.andi %xor3A_559, %and3A_561 : vector<16xi32>
        %mul3A_563 = arith.constant 2 : i32
        %mul3A_564 = vector.broadcast %mul3A_563 : i32 to vector<16xi32>
        %mul3A_565 = arith.muli %and3A_562, %mul3A_564 : vector<16xi32>
        %swap3A_566 = arith.constant 1 : i32
        %swap3A_567 = arith.constant 4 : i32
        %swap3A_568 = arith.index_cast %swap3A_566 : i32 to index
        %swap3A_569 = arith.index_cast %swap3A_567 : i32 to index
        %swap3A_570 = arith.index_cast %mul3A_372 : i32 to index
        %swap3A_571 = tpu.vector_load %arg8[%swap3A_568, %swap3A_569, %swap3A_570] {strides = array<i32>} : memref<2x8x1024xi32, #tpu.memory_space<vmem>>, vector<16xi32>,
        tpu.vector_store %arg8[%swap3A_568, %swap3A_569, %swap3A_570], %mul3A_565 {strides = array<i32>} : memref<2x8x1024xi32, #tpu.memory_space<vmem>>, vector<16xi32>,
        %add3A_572 = arith.constant 1 : i32
        %add3A_573 = vector.broadcast %add3A_572 : i32 to vector<16xi32>
        %add3A_574 = arith.addi %mul3A_565, %add3A_573 : vector<16xi32>
        %add3A_575 = arith.constant 512 : i32
        %add3A_576 = arith.addi %add3A_575, %mul3A_372 : i32
        %swap3A_577 = arith.constant 1 : i32
        %swap3A_578 = arith.constant 4 : i32
        %swap3A_579 = arith.index_cast %swap3A_577 : i32 to index
        %swap3A_580 = arith.index_cast %swap3A_578 : i32 to index
        %swap3A_581 = arith.index_cast %add3A_576 : i32 to index
        %swap3A_582 = tpu.vector_load %arg8[%swap3A_579, %swap3A_580, %swap3A_581] {strides = array<i32>} : memref<2x8x1024xi32, #tpu.memory_space<vmem>>, vector<16xi32>,
        tpu.vector_store %arg8[%swap3A_579, %swap3A_580, %swap3A_581], %add3A_574 {strides = array<i32>} : memref<2x8x1024xi32, #tpu.memory_space<vmem>>, vector<16xi32>,
        %mul3A_583 = arith.mulf %mul3A_435, %sub3A_432 : vector<16xf32>
        %swap3A_584 = arith.constant 1 : i32
        %swap3A_585 = arith.constant 4 : i32
        %swap3A_586 = arith.index_cast %swap3A_584 : i32 to index
        %swap3A_587 = arith.index_cast %swap3A_585 : i32 to index
        %swap3A_588 = arith.index_cast %mul3A_372 : i32 to index
        %swap3A_589 = tpu.vector_load %arg9[%swap3A_586, %swap3A_587, %swap3A_588] {strides = array<i32>} : memref<2x8x512xf32, #tpu.memory_space<vmem>>, vector<16xf32>,
        tpu.vector_store %arg9[%swap3A_586, %swap3A_587, %swap3A_588], %mul3A_583 {strides = array<i32>} : memref<2x8x512xf32, #tpu.memory_space<vmem>>, vector<16xf32>,
        %xor3A_590 = arith.xori %xor3A_416, %add3A_408 : vector<16xi32>
        %and3A_591 = arith.constant 524287 : i32
        %and3A_592 = vector.broadcast %and3A_591 : i32 to vector<16xi32>
        %and3A_593 = arith.andi %xor3A_590, %and3A_592 : vector<16xi32>
        %mul3A_594 = arith.constant 2 : i32
        %mul3A_595 = vector.broadcast %mul3A_594 : i32 to vector<16xi32>
        %mul3A_596 = arith.muli %and3A_593, %mul3A_595 : vector<16xi32>
        %swap3A_597 = arith.constant 1 : i32
        %swap3A_598 = arith.constant 5 : i32
        %swap3A_599 = arith.index_cast %swap3A_597 : i32 to index
        %swap3A_600 = arith.index_cast %swap3A_598 : i32 to index
        %swap3A_601 = arith.index_cast %mul3A_372 : i32 to index
        %swap3A_602 = tpu.vector_load %arg8[%swap3A_599, %swap3A_600, %swap3A_601] {strides = array<i32>} : memref<2x8x1024xi32, #tpu.memory_space<vmem>>, vector<16xi32>,
        tpu.vector_store %arg8[%swap3A_599, %swap3A_600, %swap3A_601], %mul3A_596 {strides = array<i32>} : memref<2x8x1024xi32, #tpu.memory_space<vmem>>, vector<16xi32>,
        %add3A_603 = arith.constant 1 : i32
        %add3A_604 = vector.broadcast %add3A_603 : i32 to vector<16xi32>
        %add3A_605 = arith.addi %mul3A_596, %add3A_604 : vector<16xi32>
        %add3A_606 = arith.constant 512 : i32
        %add3A_607 = arith.addi %add3A_606, %mul3A_372 : i32
        %swap3A_608 = arith.constant 1 : i32
        %swap3A_609 = arith.constant 5 : i32
        %swap3A_610 = arith.index_cast %swap3A_608 : i32 to index
        %swap3A_611 = arith.index_cast %swap3A_609 : i32 to index
        %swap3A_612 = arith.index_cast %add3A_607 : i32 to index
        %swap3A_613 = tpu.vector_load %arg8[%swap3A_610, %swap3A_611, %swap3A_612] {strides = array<i32>} : memref<2x8x1024xi32, #tpu.memory_space<vmem>>, vector<16xi32>,
        tpu.vector_store %arg8[%swap3A_610, %swap3A_611, %swap3A_612], %add3A_605 {strides = array<i32>} : memref<2x8x1024xi32, #tpu.memory_space<vmem>>, vector<16xi32>,
        %mul3A_614 = arith.mulf %mul3A_435, %sub3A_393 : vector<16xf32>
        %swap3A_615 = arith.constant 1 : i32
        %swap3A_616 = arith.constant 5 : i32
        %swap3A_617 = arith.index_cast %swap3A_615 : i32 to index
        %swap3A_618 = arith.index_cast %swap3A_616 : i32 to index
        %swap3A_619 = arith.index_cast %mul3A_372 : i32 to index
        %swap3A_620 = tpu.vector_load %arg9[%swap3A_617, %swap3A_618, %swap3A_619] {strides = array<i32>} : memref<2x8x512xf32, #tpu.memory_space<vmem>>, vector<16xf32>,
        tpu.vector_store %arg9[%swap3A_617, %swap3A_618, %swap3A_619], %mul3A_614 {strides = array<i32>} : memref<2x8x512xf32, #tpu.memory_space<vmem>>, vector<16xf32>,
        %xor3A_621 = arith.xori %xor3A_423, %mul3A_402 : vector<16xi32>
        %and3A_622 = arith.constant 524287 : i32
        %and3A_623 = vector.broadcast %and3A_622 : i32 to vector<16xi32>
        %and3A_624 = arith.andi %xor3A_621, %and3A_623 : vector<16xi32>
        %mul3A_625 = arith.constant 2 : i32
        %mul3A_626 = vector.broadcast %mul3A_625 : i32 to vector<16xi32>
        %mul3A_627 = arith.muli %and3A_624, %mul3A_626 : vector<16xi32>
        %swap3A_628 = arith.constant 1 : i32
        %swap3A_629 = arith.constant 6 : i32
        %swap3A_630 = arith.index_cast %swap3A_628 : i32 to index
        %swap3A_631 = arith.index_cast %swap3A_629 : i32 to index
        %swap3A_632 = arith.index_cast %mul3A_372 : i32 to index
        %swap3A_633 = tpu.vector_load %arg8[%swap3A_630, %swap3A_631, %swap3A_632] {strides = array<i32>} : memref<2x8x1024xi32, #tpu.memory_space<vmem>>, vector<16xi32>,
        tpu.vector_store %arg8[%swap3A_630, %swap3A_631, %swap3A_632], %mul3A_627 {strides = array<i32>} : memref<2x8x1024xi32, #tpu.memory_space<vmem>>, vector<16xi32>,
        %add3A_634 = arith.constant 1 : i32
        %add3A_635 = vector.broadcast %add3A_634 : i32 to vector<16xi32>
        %add3A_636 = arith.addi %mul3A_627, %add3A_635 : vector<16xi32>
        %add3A_637 = arith.constant 512 : i32
        %add3A_638 = arith.addi %add3A_637, %mul3A_372 : i32
        %swap3A_639 = arith.constant 1 : i32
        %swap3A_640 = arith.constant 6 : i32
        %swap3A_641 = arith.index_cast %swap3A_639 : i32 to index
        %swap3A_642 = arith.index_cast %swap3A_640 : i32 to index
        %swap3A_643 = arith.index_cast %add3A_638 : i32 to index
        %swap3A_644 = tpu.vector_load %arg8[%swap3A_641, %swap3A_642, %swap3A_643] {strides = array<i32>} : memref<2x8x1024xi32, #tpu.memory_space<vmem>>, vector<16xi32>,
        tpu.vector_store %arg8[%swap3A_641, %swap3A_642, %swap3A_643], %add3A_636 {strides = array<i32>} : memref<2x8x1024xi32, #tpu.memory_space<vmem>>, vector<16xi32>,
        %mul3A_645 = arith.mulf %mul3A_436, %sub3A_432 : vector<16xf32>
        %swap3A_646 = arith.constant 1 : i32
        %swap3A_647 = arith.constant 6 : i32
        %swap3A_648 = arith.index_cast %swap3A_646 : i32 to index
        %swap3A_649 = arith.index_cast %swap3A_647 : i32 to index
        %swap3A_650 = arith.index_cast %mul3A_372 : i32 to index
        %swap3A_651 = tpu.vector_load %arg9[%swap3A_648, %swap3A_649, %swap3A_650] {strides = array<i32>} : memref<2x8x512xf32, #tpu.memory_space<vmem>>, vector<16xf32>,
        tpu.vector_store %arg9[%swap3A_648, %swap3A_649, %swap3A_650], %mul3A_645 {strides = array<i32>} : memref<2x8x512xf32, #tpu.memory_space<vmem>>, vector<16xf32>,
        %xor3A_652 = arith.xori %xor3A_423, %add3A_408 : vector<16xi32>
        %and3A_653 = arith.constant 524287 : i32
        %and3A_654 = vector.broadcast %and3A_653 : i32 to vector<16xi32>
        %and3A_655 = arith.andi %xor3A_652, %and3A_654 : vector<16xi32>
        %mul3A_656 = arith.constant 2 : i32
        %mul3A_657 = vector.broadcast %mul3A_656 : i32 to vector<16xi32>
        %mul3A_658 = arith.muli %and3A_655, %mul3A_657 : vector<16xi32>
        %swap3A_659 = arith.constant 1 : i32
        %swap3A_660 = arith.constant 7 : i32
        %swap3A_661 = arith.index_cast %swap3A_659 : i32 to index
        %swap3A_662 = arith.index_cast %swap3A_660 : i32 to index
        %swap3A_663 = arith.index_cast %mul3A_372 : i32 to index
        %swap3A_664 = tpu.vector_load %arg8[%swap3A_661, %swap3A_662, %swap3A_663] {strides = array<i32>} : memref<2x8x1024xi32, #tpu.memory_space<vmem>>, vector<16xi32>,
        tpu.vector_store %arg8[%swap3A_661, %swap3A_662, %swap3A_663], %mul3A_658 {strides = array<i32>} : memref<2x8x1024xi32, #tpu.memory_space<vmem>>, vector<16xi32>,
        %add3A_665 = arith.constant 1 : i32
        %add3A_666 = vector.broadcast %add3A_665 : i32 to vector<16xi32>
        %add3A_667 = arith.addi %mul3A_658, %add3A_666 : vector<16xi32>
        %add3A_668 = arith.constant 512 : i32
        %add3A_669 = arith.addi %add3A_668, %mul3A_372 : i32
        %swap3A_670 = arith.constant 1 : i32
        %swap3A_671 = arith.constant 7 : i32
        %swap3A_672 = arith.index_cast %swap3A_670 : i32 to index
        %swap3A_673 = arith.index_cast %swap3A_671 : i32 to index
        %swap3A_674 = arith.index_cast %add3A_669 : i32 to index
        %swap3A_675 = tpu.vector_load %arg8[%swap3A_672, %swap3A_673, %swap3A_674] {strides = array<i32>} : memref<2x8x1024xi32, #tpu.memory_space<vmem>>, vector<16xi32>,
        tpu.vector_store %arg8[%swap3A_672, %swap3A_673, %swap3A_674], %add3A_667 {strides = array<i32>} : memref<2x8x1024xi32, #tpu.memory_space<vmem>>, vector<16xi32>,
        %mul3A_676 = arith.mulf %mul3A_436, %sub3A_393 : vector<16xf32>
        %swap3A_677 = arith.constant 1 : i32
        %swap3A_678 = arith.constant 7 : i32
        %swap3A_679 = arith.index_cast %swap3A_677 : i32 to index
        %swap3A_680 = arith.index_cast %swap3A_678 : i32 to index
        %swap3A_681 = arith.index_cast %mul3A_372 : i32 to index
        %swap3A_682 = tpu.vector_load %arg9[%swap3A_679, %swap3A_680, %swap3A_681] {strides = array<i32>} : memref<2x8x512xf32, #tpu.memory_space<vmem>>, vector<16xf32>,
        tpu.vector_store %arg9[%swap3A_679, %swap3A_680, %swap3A_681], %mul3A_676 {strides = array<i32>} : memref<2x8x512xf32, #tpu.memory_space<vmem>>, vector<16xf32>,
      }
      %scan3A_242 = arith.constant 32 : i32
      %scan3A_243 = arith.constant 0 : i32
      %scan3A_244 = arith.constant 8 : i32
      %scan3A_245 = arith.addi %scan3A_243, %scan3A_244 : i32
      %scan3A_246 = arith.constant 1 : i32
      scf.for %scan3A_370 = %scan3A_243 to %scan3A_245 step %scan3A_246  : i32 {
        %dma_wait3A_371 = arith.constant 0 : i32
        %dma_wait3A_372 = arith.constant 0 : i32
        %dma_wait3A_373 = arith.constant 0 : i32
        %dma_wait3A_374 = tpu.memref_slice %arg10[%dma_wait3A_372, %scan3A_370, %dma_wait3A_373] : memref<2x8x1024xf32, #tpu.memory_space<vmem>> -> memref<1x1x1024xf32, #tpu.memory_space<vmem>>
        %dma_wait3A_375 = tpu.memref_squeeze %dma_wait3A_374 : memref<1x1x1024xf32, #tpu.memory_space<vmem>> -> memref<1024xf32, #tpu.memory_space<vmem>>
        %dma_wait3A_376 = arith.constant 0 : i32
        %dma_wait3A_377 = tpu.memref_slice %arg8[%dma_wait3A_371, %scan3A_370, %dma_wait3A_376] : memref<2x8x1024xi32, #tpu.memory_space<vmem>> -> memref<1x1x1024xi32, #tpu.memory_space<vmem>>
        %dma_wait3A_378 = tpu.memref_squeeze %dma_wait3A_377 : memref<1x1x1024xi32, #tpu.memory_space<vmem>> -> memref<1024xi32, #tpu.memory_space<vmem>>
        %dma_wait3A_379 = arith.constant 0 : i32
        %dma_wait3A_380 = tpu.memref_slice %arg12[%dma_wait3A_379] : memref<1048576xf32, #tpu.memory_space<vmem_shared>> -> memref<1048576xf32, #tpu.memory_space<vmem_shared>>
        tpu.wait_indirect_dma semaphore(%arg13 : memref<!tpu.dma_semaphore, #tpu.memory_space<semaphore_mem>>) src(%dma_wait3A_380 : memref<1048576xf32, #tpu.memory_space<vmem_shared>>) dst(%dma_wait3A_375 : memref<1024xf32, #tpu.memory_space<vmem>>)
      }
      %scan3A_247 = arith.constant 8 : i32
      %scan3A_248 = arith.constant 0 : i32
      %scan3A_249 = arith.constant 8 : i32
      %scan3A_250 = arith.addi %scan3A_248, %scan3A_249 : i32
      %scan3A_251 = arith.constant 1 : i32
      scf.for %scan3A_370 = %scan3A_248 to %scan3A_250 step %scan3A_251  : i32 {
        %dma_start3A_371 = arith.constant 1 : i32
        %dma_start3A_372 = arith.constant 1 : i32
        %dma_start3A_373 = arith.constant 0 : i32
        %dma_start3A_374 = tpu.memref_slice %arg10[%dma_start3A_372, %scan3A_370, %dma_start3A_373] : memref<2x8x1024xf32, #tpu.memory_space<vmem>> -> memref<1x1x1024xf32, #tpu.memory_space<vmem>>
        %dma_start3A_375 = tpu.memref_squeeze %dma_start3A_374 : memref<1x1x1024xf32, #tpu.memory_space<vmem>> -> memref<1024xf32, #tpu.memory_space<vmem>>
        %dma_start3A_376 = arith.constant 0 : i32
        %dma_start3A_377 = tpu.memref_slice %arg8[%dma_start3A_371, %scan3A_370, %dma_start3A_376] : memref<2x8x1024xi32, #tpu.memory_space<vmem>> -> memref<1x1x1024xi32, #tpu.memory_space<vmem>>
        %dma_start3A_378 = tpu.memref_squeeze %dma_start3A_377 : memref<1x1x1024xi32, #tpu.memory_space<vmem>> -> memref<1024xi32, #tpu.memory_space<vmem>>
        %dma_start3A_379 = arith.constant 0 : i32
        %dma_start3A_380 = tpu.memref_slice %arg12[%dma_start3A_379] : memref<1048576xf32, #tpu.memory_space<vmem_shared>> -> memref<1048576xf32, #tpu.memory_space<vmem_shared>>
        tpu.enqueue_indirect_dma source(%dma_start3A_380 : memref<1048576xf32, #tpu.memory_space<vmem_shared>>) target(%dma_start3A_375 : memref<1024xf32, #tpu.memory_space<vmem>>) offsets(%dma_start3A_378 : memref<1024xi32, #tpu.memory_space<vmem>>) semaphore(%arg14 : memref<!tpu.dma_semaphore, #tpu.memory_space<semaphore_mem>>)
      }
      %scan3A_252 = arith.constant 8 : i32
      %mul3A_253 = arith.constant 2 : i32
      %mul3A_254 = arith.muli %scan3A_5, %mul3A_253 : i32
      %mul3A_255 = arith.constant 16384 : i32
      %mul3A_256 = arith.muli %add3A, %mul3A_255 : i32
      %add3A_257 = arith.constant 14336 : i32
      %add3A_258 = arith.addi %mul3A_256, %add3A_257 : i32
      %dma_wait3A_259 = arith.constant 0 : i32
      %dma_wait3A_260 = arith.constant 0 : i32
      %dma_wait3A_261 = arith.constant 0 : i32
      %dma_wait3A_262 = tpu.memref_slice %arg11[%dma_wait3A_259, %dma_wait3A_260, %dma_wait3A_261] : memref<2x2x512xf32, #tpu.memory_space<vmem>> -> memref<1x2x512xf32, #tpu.memory_space<vmem>>
      %dma_wait3A_263 = tpu.memref_squeeze %dma_wait3A_262 : memref<1x2x512xf32, #tpu.memory_space<vmem>> -> memref<2x512xf32, #tpu.memory_space<vmem>>
      %dma_wait3A_264 = tpu.memref_slice %arg6[%mul3A_254, %add3A_258] : memref<32x524288xf32, #tpu.memory_space<hbm>> -> memref<2x512xf32, #tpu.memory_space<hbm>>
      %dma_wait3A_265 = tpu.memref_slice %arg6[%mul3A_254, %add3A_258] : memref<32x524288xf32, #tpu.memory_space<hbm>> -> memref<2x512xf32, #tpu.memory_space<hbm>>
      %dma_wait3A_266 = arith.constant 0 : i32
      %dma_wait3A_267 = arith.constant 0 : i32
      %dma_wait3A_268 = tpu.memref_slice %arg11[%dma_wait3A_259, %dma_wait3A_266, %dma_wait3A_267] : memref<2x2x512xf32, #tpu.memory_space<vmem>> -> memref<1x2x512xf32, #tpu.memory_space<vmem>>
      %dma_wait3A_269 = tpu.memref_squeeze %dma_wait3A_268 : memref<1x2x512xf32, #tpu.memory_space<vmem>> -> memref<2x512xf32, #tpu.memory_space<vmem>>
      tpu.wait_dma2 semaphore(%arg16 : memref<!tpu.dma_semaphore, #tpu.memory_space<semaphore_mem>>) src(%dma_wait3A_269 : memref<2x512xf32, #tpu.memory_space<vmem>>) dst(%dma_wait3A_265 : memref<2x512xf32, #tpu.memory_space<hbm>>)
      %scan3A_270 = arith.constant 0 : i32
      %scan3A_271 = arith.constant 32 : i32
      %scan3A_272 = arith.addi %scan3A_270, %scan3A_271 : i32
      %scan3A_273 = arith.constant 1 : i32
      scf.for %scan3A_370 = %scan3A_270 to %scan3A_272 step %scan3A_273  : i32 {
        %mul3A_371 = arith.constant 16 : i32
        %mul3A_372 = arith.muli %scan3A_370, %mul3A_371 : i32
        %broadcast_in_dim3A_373 = arith.constant 0.000000e+00 : f32
        %broadcast_in_dim3A_374 = vector.broadcast %broadcast_in_dim3A_373 : f32 to vector<16xf32>
        %broadcast_in_dim3A_375 = arith.constant 0.000000e+00 : f32
        %broadcast_in_dim3A_376 = vector.broadcast %broadcast_in_dim3A_375 : f32 to vector<16xf32>
        %get3A = arith.constant 0 : i32
        %get3A_377 = arith.constant 0 : i32
        %get3A_378 = arith.index_cast %get3A : i32 to index
        %get3A_379 = arith.index_cast %get3A_377 : i32 to index
        %get3A_380 = arith.index_cast %mul3A_372 : i32 to index
        %get3A_381 = tpu.vector_load %arg9[%get3A_378, %get3A_379, %get3A_380] {strides = array<i32>} : memref<2x8x512xf32, #tpu.memory_space<vmem>>, vector<16xf32>,
        %get3A_382 = arith.constant 0 : i32
        %get3A_383 = arith.constant 0 : i32
        %get3A_384 = arith.index_cast %get3A_382 : i32 to index
        %get3A_385 = arith.index_cast %get3A_383 : i32 to index
        %get3A_386 = arith.index_cast %mul3A_372 : i32 to index
        %get3A_387 = tpu.vector_load %arg10[%get3A_384, %get3A_385, %get3A_386] {strides = array<i32>} : memref<2x8x1024xf32, #tpu.memory_space<vmem>>, vector<16xf32>,
        %add3A_388 = arith.constant 512 : i32
        %add3A_389 = arith.addi %add3A_388, %mul3A_372 : i32
        %get3A_390 = arith.constant 0 : i32
        %get3A_391 = arith.constant 0 : i32
        %get3A_392 = arith.index_cast %get3A_390 : i32 to index
        %get3A_393 = arith.index_cast %get3A_391 : i32 to index
        %get3A_394 = arith.index_cast %add3A_389 : i32 to index
        %get3A_395 = tpu.vector_load %arg10[%get3A_392, %get3A_393, %get3A_394] {strides = array<i32>} : memref<2x8x1024xf32, #tpu.memory_space<vmem>>, vector<16xf32>,
        %mul3A_396 = arith.mulf %get3A_381, %get3A_387 : vector<16xf32>
        %add3A_397 = arith.addf %broadcast_in_dim3A_374, %mul3A_396 : vector<16xf32>
        %mul3A_398 = arith.mulf %get3A_381, %get3A_395 : vector<16xf32>
        %add3A_399 = arith.addf %broadcast_in_dim3A_376, %mul3A_398 : vector<16xf32>
        %get3A_400 = arith.constant 0 : i32
        %get3A_401 = arith.constant 1 : i32
        %get3A_402 = arith.index_cast %get3A_400 : i32 to index
        %get3A_403 = arith.index_cast %get3A_401 : i32 to index
        %get3A_404 = arith.index_cast %mul3A_372 : i32 to index
        %get3A_405 = tpu.vector_load %arg9[%get3A_402, %get3A_403, %get3A_404] {strides = array<i32>} : memref<2x8x512xf32, #tpu.memory_space<vmem>>, vector<16xf32>,
        %get3A_406 = arith.constant 0 : i32
        %get3A_407 = arith.constant 1 : i32
        %get3A_408 = arith.index_cast %get3A_406 : i32 to index
        %get3A_409 = arith.index_cast %get3A_407 : i32 to index
        %get3A_410 = arith.index_cast %mul3A_372 : i32 to index
        %get3A_411 = tpu.vector_load %arg10[%get3A_408, %get3A_409, %get3A_410] {strides = array<i32>} : memref<2x8x1024xf32, #tpu.memory_space<vmem>>, vector<16xf32>,
        %add3A_412 = arith.constant 512 : i32
        %add3A_413 = arith.addi %add3A_412, %mul3A_372 : i32
        %get3A_414 = arith.constant 0 : i32
        %get3A_415 = arith.constant 1 : i32
        %get3A_416 = arith.index_cast %get3A_414 : i32 to index
        %get3A_417 = arith.index_cast %get3A_415 : i32 to index
        %get3A_418 = arith.index_cast %add3A_413 : i32 to index
        %get3A_419 = tpu.vector_load %arg10[%get3A_416, %get3A_417, %get3A_418] {strides = array<i32>} : memref<2x8x1024xf32, #tpu.memory_space<vmem>>, vector<16xf32>,
        %mul3A_420 = arith.mulf %get3A_405, %get3A_411 : vector<16xf32>
        %add3A_421 = arith.addf %add3A_397, %mul3A_420 : vector<16xf32>
        %mul3A_422 = arith.mulf %get3A_405, %get3A_419 : vector<16xf32>
        %add3A_423 = arith.addf %add3A_399, %mul3A_422 : vector<16xf32>
        %get3A_424 = arith.constant 0 : i32
        %get3A_425 = arith.constant 2 : i32
        %get3A_426 = arith.index_cast %get3A_424 : i32 to index
        %get3A_427 = arith.index_cast %get3A_425 : i32 to index
        %get3A_428 = arith.index_cast %mul3A_372 : i32 to index
        %get3A_429 = tpu.vector_load %arg9[%get3A_426, %get3A_427, %get3A_428] {strides = array<i32>} : memref<2x8x512xf32, #tpu.memory_space<vmem>>, vector<16xf32>,
        %get3A_430 = arith.constant 0 : i32
        %get3A_431 = arith.constant 2 : i32
        %get3A_432 = arith.index_cast %get3A_430 : i32 to index
        %get3A_433 = arith.index_cast %get3A_431 : i32 to index
        %get3A_434 = arith.index_cast %mul3A_372 : i32 to index
        %get3A_435 = tpu.vector_load %arg10[%get3A_432, %get3A_433, %get3A_434] {strides = array<i32>} : memref<2x8x1024xf32, #tpu.memory_space<vmem>>, vector<16xf32>,
        %add3A_436 = arith.constant 512 : i32
        %add3A_437 = arith.addi %add3A_436, %mul3A_372 : i32
        %get3A_438 = arith.constant 0 : i32
        %get3A_439 = arith.constant 2 : i32
        %get3A_440 = arith.index_cast %get3A_438 : i32 to index
        %get3A_441 = arith.index_cast %get3A_439 : i32 to index
        %get3A_442 = arith.index_cast %add3A_437 : i32 to index
        %get3A_443 = tpu.vector_load %arg10[%get3A_440, %get3A_441, %get3A_442] {strides = array<i32>} : memref<2x8x1024xf32, #tpu.memory_space<vmem>>, vector<16xf32>,
        %mul3A_444 = arith.mulf %get3A_429, %get3A_435 : vector<16xf32>
        %add3A_445 = arith.addf %add3A_421, %mul3A_444 : vector<16xf32>
        %mul3A_446 = arith.mulf %get3A_429, %get3A_443 : vector<16xf32>
        %add3A_447 = arith.addf %add3A_423, %mul3A_446 : vector<16xf32>
        %get3A_448 = arith.constant 0 : i32
        %get3A_449 = arith.constant 3 : i32
        %get3A_450 = arith.index_cast %get3A_448 : i32 to index
        %get3A_451 = arith.index_cast %get3A_449 : i32 to index
        %get3A_452 = arith.index_cast %mul3A_372 : i32 to index
        %get3A_453 = tpu.vector_load %arg9[%get3A_450, %get3A_451, %get3A_452] {strides = array<i32>} : memref<2x8x512xf32, #tpu.memory_space<vmem>>, vector<16xf32>,
        %get3A_454 = arith.constant 0 : i32
        %get3A_455 = arith.constant 3 : i32
        %get3A_456 = arith.index_cast %get3A_454 : i32 to index
        %get3A_457 = arith.index_cast %get3A_455 : i32 to index
        %get3A_458 = arith.index_cast %mul3A_372 : i32 to index
        %get3A_459 = tpu.vector_load %arg10[%get3A_456, %get3A_457, %get3A_458] {strides = array<i32>} : memref<2x8x1024xf32, #tpu.memory_space<vmem>>, vector<16xf32>,
        %add3A_460 = arith.constant 512 : i32
        %add3A_461 = arith.addi %add3A_460, %mul3A_372 : i32
        %get3A_462 = arith.constant 0 : i32
        %get3A_463 = arith.constant 3 : i32
        %get3A_464 = arith.index_cast %get3A_462 : i32 to index
        %get3A_465 = arith.index_cast %get3A_463 : i32 to index
        %get3A_466 = arith.index_cast %add3A_461 : i32 to index
        %get3A_467 = tpu.vector_load %arg10[%get3A_464, %get3A_465, %get3A_466] {strides = array<i32>} : memref<2x8x1024xf32, #tpu.memory_space<vmem>>, vector<16xf32>,
        %mul3A_468 = arith.mulf %get3A_453, %get3A_459 : vector<16xf32>
        %add3A_469 = arith.addf %add3A_445, %mul3A_468 : vector<16xf32>
        %mul3A_470 = arith.mulf %get3A_453, %get3A_467 : vector<16xf32>
        %add3A_471 = arith.addf %add3A_447, %mul3A_470 : vector<16xf32>
        %get3A_472 = arith.constant 0 : i32
        %get3A_473 = arith.constant 4 : i32
        %get3A_474 = arith.index_cast %get3A_472 : i32 to index
        %get3A_475 = arith.index_cast %get3A_473 : i32 to index
        %get3A_476 = arith.index_cast %mul3A_372 : i32 to index
        %get3A_477 = tpu.vector_load %arg9[%get3A_474, %get3A_475, %get3A_476] {strides = array<i32>} : memref<2x8x512xf32, #tpu.memory_space<vmem>>, vector<16xf32>,
        %get3A_478 = arith.constant 0 : i32
        %get3A_479 = arith.constant 4 : i32
        %get3A_480 = arith.index_cast %get3A_478 : i32 to index
        %get3A_481 = arith.index_cast %get3A_479 : i32 to index
        %get3A_482 = arith.index_cast %mul3A_372 : i32 to index
        %get3A_483 = tpu.vector_load %arg10[%get3A_480, %get3A_481, %get3A_482] {strides = array<i32>} : memref<2x8x1024xf32, #tpu.memory_space<vmem>>, vector<16xf32>,
        %add3A_484 = arith.constant 512 : i32
        %add3A_485 = arith.addi %add3A_484, %mul3A_372 : i32
        %get3A_486 = arith.constant 0 : i32
        %get3A_487 = arith.constant 4 : i32
        %get3A_488 = arith.index_cast %get3A_486 : i32 to index
        %get3A_489 = arith.index_cast %get3A_487 : i32 to index
        %get3A_490 = arith.index_cast %add3A_485 : i32 to index
        %get3A_491 = tpu.vector_load %arg10[%get3A_488, %get3A_489, %get3A_490] {strides = array<i32>} : memref<2x8x1024xf32, #tpu.memory_space<vmem>>, vector<16xf32>,
        %mul3A_492 = arith.mulf %get3A_477, %get3A_483 : vector<16xf32>
        %add3A_493 = arith.addf %add3A_469, %mul3A_492 : vector<16xf32>
        %mul3A_494 = arith.mulf %get3A_477, %get3A_491 : vector<16xf32>
        %add3A_495 = arith.addf %add3A_471, %mul3A_494 : vector<16xf32>
        %get3A_496 = arith.constant 0 : i32
        %get3A_497 = arith.constant 5 : i32
        %get3A_498 = arith.index_cast %get3A_496 : i32 to index
        %get3A_499 = arith.index_cast %get3A_497 : i32 to index
        %get3A_500 = arith.index_cast %mul3A_372 : i32 to index
        %get3A_501 = tpu.vector_load %arg9[%get3A_498, %get3A_499, %get3A_500] {strides = array<i32>} : memref<2x8x512xf32, #tpu.memory_space<vmem>>, vector<16xf32>,
        %get3A_502 = arith.constant 0 : i32
        %get3A_503 = arith.constant 5 : i32
        %get3A_504 = arith.index_cast %get3A_502 : i32 to index
        %get3A_505 = arith.index_cast %get3A_503 : i32 to index
        %get3A_506 = arith.index_cast %mul3A_372 : i32 to index
        %get3A_507 = tpu.vector_load %arg10[%get3A_504, %get3A_505, %get3A_506] {strides = array<i32>} : memref<2x8x1024xf32, #tpu.memory_space<vmem>>, vector<16xf32>,
        %add3A_508 = arith.constant 512 : i32
        %add3A_509 = arith.addi %add3A_508, %mul3A_372 : i32
        %get3A_510 = arith.constant 0 : i32
        %get3A_511 = arith.constant 5 : i32
        %get3A_512 = arith.index_cast %get3A_510 : i32 to index
        %get3A_513 = arith.index_cast %get3A_511 : i32 to index
        %get3A_514 = arith.index_cast %add3A_509 : i32 to index
        %get3A_515 = tpu.vector_load %arg10[%get3A_512, %get3A_513, %get3A_514] {strides = array<i32>} : memref<2x8x1024xf32, #tpu.memory_space<vmem>>, vector<16xf32>,
        %mul3A_516 = arith.mulf %get3A_501, %get3A_507 : vector<16xf32>
        %add3A_517 = arith.addf %add3A_493, %mul3A_516 : vector<16xf32>
        %mul3A_518 = arith.mulf %get3A_501, %get3A_515 : vector<16xf32>
        %add3A_519 = arith.addf %add3A_495, %mul3A_518 : vector<16xf32>
        %get3A_520 = arith.constant 0 : i32
        %get3A_521 = arith.constant 6 : i32
        %get3A_522 = arith.index_cast %get3A_520 : i32 to index
        %get3A_523 = arith.index_cast %get3A_521 : i32 to index
        %get3A_524 = arith.index_cast %mul3A_372 : i32 to index
        %get3A_525 = tpu.vector_load %arg9[%get3A_522, %get3A_523, %get3A_524] {strides = array<i32>} : memref<2x8x512xf32, #tpu.memory_space<vmem>>, vector<16xf32>,
        %get3A_526 = arith.constant 0 : i32
        %get3A_527 = arith.constant 6 : i32
        %get3A_528 = arith.index_cast %get3A_526 : i32 to index
        %get3A_529 = arith.index_cast %get3A_527 : i32 to index
        %get3A_530 = arith.index_cast %mul3A_372 : i32 to index
        %get3A_531 = tpu.vector_load %arg10[%get3A_528, %get3A_529, %get3A_530] {strides = array<i32>} : memref<2x8x1024xf32, #tpu.memory_space<vmem>>, vector<16xf32>,
        %add3A_532 = arith.constant 512 : i32
        %add3A_533 = arith.addi %add3A_532, %mul3A_372 : i32
        %get3A_534 = arith.constant 0 : i32
        %get3A_535 = arith.constant 6 : i32
        %get3A_536 = arith.index_cast %get3A_534 : i32 to index
        %get3A_537 = arith.index_cast %get3A_535 : i32 to index
        %get3A_538 = arith.index_cast %add3A_533 : i32 to index
        %get3A_539 = tpu.vector_load %arg10[%get3A_536, %get3A_537, %get3A_538] {strides = array<i32>} : memref<2x8x1024xf32, #tpu.memory_space<vmem>>, vector<16xf32>,
        %mul3A_540 = arith.mulf %get3A_525, %get3A_531 : vector<16xf32>
        %add3A_541 = arith.addf %add3A_517, %mul3A_540 : vector<16xf32>
        %mul3A_542 = arith.mulf %get3A_525, %get3A_539 : vector<16xf32>
        %add3A_543 = arith.addf %add3A_519, %mul3A_542 : vector<16xf32>
        %get3A_544 = arith.constant 0 : i32
        %get3A_545 = arith.constant 7 : i32
        %get3A_546 = arith.index_cast %get3A_544 : i32 to index
        %get3A_547 = arith.index_cast %get3A_545 : i32 to index
        %get3A_548 = arith.index_cast %mul3A_372 : i32 to index
        %get3A_549 = tpu.vector_load %arg9[%get3A_546, %get3A_547, %get3A_548] {strides = array<i32>} : memref<2x8x512xf32, #tpu.memory_space<vmem>>, vector<16xf32>,
        %get3A_550 = arith.constant 0 : i32
        %get3A_551 = arith.constant 7 : i32
        %get3A_552 = arith.index_cast %get3A_550 : i32 to index
        %get3A_553 = arith.index_cast %get3A_551 : i32 to index
        %get3A_554 = arith.index_cast %mul3A_372 : i32 to index
        %get3A_555 = tpu.vector_load %arg10[%get3A_552, %get3A_553, %get3A_554] {strides = array<i32>} : memref<2x8x1024xf32, #tpu.memory_space<vmem>>, vector<16xf32>,
        %add3A_556 = arith.constant 512 : i32
        %add3A_557 = arith.addi %add3A_556, %mul3A_372 : i32
        %get3A_558 = arith.constant 0 : i32
        %get3A_559 = arith.constant 7 : i32
        %get3A_560 = arith.index_cast %get3A_558 : i32 to index
        %get3A_561 = arith.index_cast %get3A_559 : i32 to index
        %get3A_562 = arith.index_cast %add3A_557 : i32 to index
        %get3A_563 = tpu.vector_load %arg10[%get3A_560, %get3A_561, %get3A_562] {strides = array<i32>} : memref<2x8x1024xf32, #tpu.memory_space<vmem>>, vector<16xf32>,
        %mul3A_564 = arith.mulf %get3A_549, %get3A_555 : vector<16xf32>
        %add3A_565 = arith.addf %add3A_541, %mul3A_564 : vector<16xf32>
        %mul3A_566 = arith.mulf %get3A_549, %get3A_563 : vector<16xf32>
        %add3A_567 = arith.addf %add3A_543, %mul3A_566 : vector<16xf32>
        %swap3A = arith.constant 0 : i32
        %swap3A_568 = arith.constant 0 : i32
        %swap3A_569 = arith.index_cast %swap3A : i32 to index
        %swap3A_570 = arith.index_cast %swap3A_568 : i32 to index
        %swap3A_571 = arith.index_cast %mul3A_372 : i32 to index
        %swap3A_572 = tpu.vector_load %arg11[%swap3A_569, %swap3A_570, %swap3A_571] {strides = array<i32>} : memref<2x2x512xf32, #tpu.memory_space<vmem>>, vector<16xf32>,
        tpu.vector_store %arg11[%swap3A_569, %swap3A_570, %swap3A_571], %add3A_565 {strides = array<i32>} : memref<2x2x512xf32, #tpu.memory_space<vmem>>, vector<16xf32>,
        %swap3A_573 = arith.constant 0 : i32
        %swap3A_574 = arith.constant 1 : i32
        %swap3A_575 = arith.index_cast %swap3A_573 : i32 to index
        %swap3A_576 = arith.index_cast %swap3A_574 : i32 to index
        %swap3A_577 = arith.index_cast %mul3A_372 : i32 to index
        %swap3A_578 = tpu.vector_load %arg11[%swap3A_575, %swap3A_576, %swap3A_577] {strides = array<i32>} : memref<2x2x512xf32, #tpu.memory_space<vmem>>, vector<16xf32>,
        tpu.vector_store %arg11[%swap3A_575, %swap3A_576, %swap3A_577], %add3A_567 {strides = array<i32>} : memref<2x2x512xf32, #tpu.memory_space<vmem>>, vector<16xf32>,
      }
      %scan3A_274 = arith.constant 32 : i32
      %mul3A_275 = arith.constant 2 : i32
      %mul3A_276 = arith.muli %scan3A_5, %mul3A_275 : i32
      %mul3A_277 = arith.constant 16384 : i32
      %mul3A_278 = arith.muli %add3A, %mul3A_277 : i32
      %add3A_279 = arith.constant 15360 : i32
      %add3A_280 = arith.addi %mul3A_278, %add3A_279 : i32
      %dma_start3A_281 = arith.constant 0 : i32
      %dma_start3A_282 = arith.constant 0 : i32
      %dma_start3A_283 = arith.constant 0 : i32
      %dma_start3A_284 = tpu.memref_slice %arg11[%dma_start3A_281, %dma_start3A_282, %dma_start3A_283] : memref<2x2x512xf32, #tpu.memory_space<vmem>> -> memref<1x2x512xf32, #tpu.memory_space<vmem>>
      %dma_start3A_285 = tpu.memref_squeeze %dma_start3A_284 : memref<1x2x512xf32, #tpu.memory_space<vmem>> -> memref<2x512xf32, #tpu.memory_space<vmem>>
      %dma_start3A_286 = tpu.memref_slice %arg6[%mul3A_276, %add3A_280] : memref<32x524288xf32, #tpu.memory_space<hbm>> -> memref<2x512xf32, #tpu.memory_space<hbm>>
      %dma_start3A_287 = tpu.memref_slice %arg6[%mul3A_276, %add3A_280] : memref<32x524288xf32, #tpu.memory_space<hbm>> -> memref<2x512xf32, #tpu.memory_space<hbm>>
      %dma_start3A_288 = arith.constant 0 : i32
      %dma_start3A_289 = arith.constant 0 : i32
      %dma_start3A_290 = tpu.memref_slice %arg11[%dma_start3A_281, %dma_start3A_288, %dma_start3A_289] : memref<2x2x512xf32, #tpu.memory_space<vmem>> -> memref<1x2x512xf32, #tpu.memory_space<vmem>>
      %dma_start3A_291 = tpu.memref_squeeze %dma_start3A_290 : memref<1x2x512xf32, #tpu.memory_space<vmem>> -> memref<2x512xf32, #tpu.memory_space<vmem>>
      tpu.enqueue_dma source(%dma_start3A_291 : memref<2x512xf32, #tpu.memory_space<vmem>>) target(%dma_start3A_287 : memref<2x512xf32, #tpu.memory_space<hbm>>) target_semaphore(%arg16 : memref<!tpu.dma_semaphore, #tpu.memory_space<semaphore_mem>>)
      %scan3A_292 = arith.constant 0 : i32
      %scan3A_293 = arith.constant 8 : i32
      %scan3A_294 = arith.addi %scan3A_292, %scan3A_293 : i32
      %scan3A_295 = arith.constant 1 : i32
      scf.for %scan3A_370 = %scan3A_292 to %scan3A_294 step %scan3A_295  : i32 {
        %dma_wait3A_371 = arith.constant 1 : i32
        %dma_wait3A_372 = arith.constant 1 : i32
        %dma_wait3A_373 = arith.constant 0 : i32
        %dma_wait3A_374 = tpu.memref_slice %arg10[%dma_wait3A_372, %scan3A_370, %dma_wait3A_373] : memref<2x8x1024xf32, #tpu.memory_space<vmem>> -> memref<1x1x1024xf32, #tpu.memory_space<vmem>>
        %dma_wait3A_375 = tpu.memref_squeeze %dma_wait3A_374 : memref<1x1x1024xf32, #tpu.memory_space<vmem>> -> memref<1024xf32, #tpu.memory_space<vmem>>
        %dma_wait3A_376 = arith.constant 0 : i32
        %dma_wait3A_377 = tpu.memref_slice %arg8[%dma_wait3A_371, %scan3A_370, %dma_wait3A_376] : memref<2x8x1024xi32, #tpu.memory_space<vmem>> -> memref<1x1x1024xi32, #tpu.memory_space<vmem>>
        %dma_wait3A_378 = tpu.memref_squeeze %dma_wait3A_377 : memref<1x1x1024xi32, #tpu.memory_space<vmem>> -> memref<1024xi32, #tpu.memory_space<vmem>>
        %dma_wait3A_379 = arith.constant 0 : i32
        %dma_wait3A_380 = tpu.memref_slice %arg12[%dma_wait3A_379] : memref<1048576xf32, #tpu.memory_space<vmem_shared>> -> memref<1048576xf32, #tpu.memory_space<vmem_shared>>
        tpu.wait_indirect_dma semaphore(%arg14 : memref<!tpu.dma_semaphore, #tpu.memory_space<semaphore_mem>>) src(%dma_wait3A_380 : memref<1048576xf32, #tpu.memory_space<vmem_shared>>) dst(%dma_wait3A_375 : memref<1024xf32, #tpu.memory_space<vmem>>)
      }
      %scan3A_296 = arith.constant 8 : i32
      %mul3A_297 = arith.constant 2 : i32
      %mul3A_298 = arith.muli %scan3A_5, %mul3A_297 : i32
      %mul3A_299 = arith.constant 16384 : i32
      %mul3A_300 = arith.muli %add3A, %mul3A_299 : i32
      %add3A_301 = arith.constant 14848 : i32
      %add3A_302 = arith.addi %mul3A_300, %add3A_301 : i32
      %dma_wait3A_303 = arith.constant 1 : i32
      %dma_wait3A_304 = arith.constant 0 : i32
      %dma_wait3A_305 = arith.constant 0 : i32
      %dma_wait3A_306 = tpu.memref_slice %arg11[%dma_wait3A_303, %dma_wait3A_304, %dma_wait3A_305] : memref<2x2x512xf32, #tpu.memory_space<vmem>> -> memref<1x2x512xf32, #tpu.memory_space<vmem>>
      %dma_wait3A_307 = tpu.memref_squeeze %dma_wait3A_306 : memref<1x2x512xf32, #tpu.memory_space<vmem>> -> memref<2x512xf32, #tpu.memory_space<vmem>>
      %dma_wait3A_308 = tpu.memref_slice %arg6[%mul3A_298, %add3A_302] : memref<32x524288xf32, #tpu.memory_space<hbm>> -> memref<2x512xf32, #tpu.memory_space<hbm>>
      %dma_wait3A_309 = tpu.memref_slice %arg6[%mul3A_298, %add3A_302] : memref<32x524288xf32, #tpu.memory_space<hbm>> -> memref<2x512xf32, #tpu.memory_space<hbm>>
      %dma_wait3A_310 = arith.constant 0 : i32
      %dma_wait3A_311 = arith.constant 0 : i32
      %dma_wait3A_312 = tpu.memref_slice %arg11[%dma_wait3A_303, %dma_wait3A_310, %dma_wait3A_311] : memref<2x2x512xf32, #tpu.memory_space<vmem>> -> memref<1x2x512xf32, #tpu.memory_space<vmem>>
      %dma_wait3A_313 = tpu.memref_squeeze %dma_wait3A_312 : memref<1x2x512xf32, #tpu.memory_space<vmem>> -> memref<2x512xf32, #tpu.memory_space<vmem>>
      tpu.wait_dma2 semaphore(%arg17 : memref<!tpu.dma_semaphore, #tpu.memory_space<semaphore_mem>>) src(%dma_wait3A_313 : memref<2x512xf32, #tpu.memory_space<vmem>>) dst(%dma_wait3A_309 : memref<2x512xf32, #tpu.memory_space<hbm>>)
      %scan3A_314 = arith.constant 0 : i32
      %scan3A_315 = arith.constant 32 : i32
      %scan3A_316 = arith.addi %scan3A_314, %scan3A_315 : i32
      %scan3A_317 = arith.constant 1 : i32
      scf.for %scan3A_370 = %scan3A_314 to %scan3A_316 step %scan3A_317  : i32 {
        %mul3A_371 = arith.constant 16 : i32
        %mul3A_372 = arith.muli %scan3A_370, %mul3A_371 : i32
        %broadcast_in_dim3A_373 = arith.constant 0.000000e+00 : f32
        %broadcast_in_dim3A_374 = vector.broadcast %broadcast_in_dim3A_373 : f32 to vector<16xf32>
        %broadcast_in_dim3A_375 = arith.constant 0.000000e+00 : f32
        %broadcast_in_dim3A_376 = vector.broadcast %broadcast_in_dim3A_375 : f32 to vector<16xf32>
        %get3A = arith.constant 1 : i32
        %get3A_377 = arith.constant 0 : i32
        %get3A_378 = arith.index_cast %get3A : i32 to index
        %get3A_379 = arith.index_cast %get3A_377 : i32 to index
        %get3A_380 = arith.index_cast %mul3A_372 : i32 to index
        %get3A_381 = tpu.vector_load %arg9[%get3A_378, %get3A_379, %get3A_380] {strides = array<i32>} : memref<2x8x512xf32, #tpu.memory_space<vmem>>, vector<16xf32>,
        %get3A_382 = arith.constant 1 : i32
        %get3A_383 = arith.constant 0 : i32
        %get3A_384 = arith.index_cast %get3A_382 : i32 to index
        %get3A_385 = arith.index_cast %get3A_383 : i32 to index
        %get3A_386 = arith.index_cast %mul3A_372 : i32 to index
        %get3A_387 = tpu.vector_load %arg10[%get3A_384, %get3A_385, %get3A_386] {strides = array<i32>} : memref<2x8x1024xf32, #tpu.memory_space<vmem>>, vector<16xf32>,
        %add3A_388 = arith.constant 512 : i32
        %add3A_389 = arith.addi %add3A_388, %mul3A_372 : i32
        %get3A_390 = arith.constant 1 : i32
        %get3A_391 = arith.constant 0 : i32
        %get3A_392 = arith.index_cast %get3A_390 : i32 to index
        %get3A_393 = arith.index_cast %get3A_391 : i32 to index
        %get3A_394 = arith.index_cast %add3A_389 : i32 to index
        %get3A_395 = tpu.vector_load %arg10[%get3A_392, %get3A_393, %get3A_394] {strides = array<i32>} : memref<2x8x1024xf32, #tpu.memory_space<vmem>>, vector<16xf32>,
        %mul3A_396 = arith.mulf %get3A_381, %get3A_387 : vector<16xf32>
        %add3A_397 = arith.addf %broadcast_in_dim3A_374, %mul3A_396 : vector<16xf32>
        %mul3A_398 = arith.mulf %get3A_381, %get3A_395 : vector<16xf32>
        %add3A_399 = arith.addf %broadcast_in_dim3A_376, %mul3A_398 : vector<16xf32>
        %get3A_400 = arith.constant 1 : i32
        %get3A_401 = arith.constant 1 : i32
        %get3A_402 = arith.index_cast %get3A_400 : i32 to index
        %get3A_403 = arith.index_cast %get3A_401 : i32 to index
        %get3A_404 = arith.index_cast %mul3A_372 : i32 to index
        %get3A_405 = tpu.vector_load %arg9[%get3A_402, %get3A_403, %get3A_404] {strides = array<i32>} : memref<2x8x512xf32, #tpu.memory_space<vmem>>, vector<16xf32>,
        %get3A_406 = arith.constant 1 : i32
        %get3A_407 = arith.constant 1 : i32
        %get3A_408 = arith.index_cast %get3A_406 : i32 to index
        %get3A_409 = arith.index_cast %get3A_407 : i32 to index
        %get3A_410 = arith.index_cast %mul3A_372 : i32 to index
        %get3A_411 = tpu.vector_load %arg10[%get3A_408, %get3A_409, %get3A_410] {strides = array<i32>} : memref<2x8x1024xf32, #tpu.memory_space<vmem>>, vector<16xf32>,
        %add3A_412 = arith.constant 512 : i32
        %add3A_413 = arith.addi %add3A_412, %mul3A_372 : i32
        %get3A_414 = arith.constant 1 : i32
        %get3A_415 = arith.constant 1 : i32
        %get3A_416 = arith.index_cast %get3A_414 : i32 to index
        %get3A_417 = arith.index_cast %get3A_415 : i32 to index
        %get3A_418 = arith.index_cast %add3A_413 : i32 to index
        %get3A_419 = tpu.vector_load %arg10[%get3A_416, %get3A_417, %get3A_418] {strides = array<i32>} : memref<2x8x1024xf32, #tpu.memory_space<vmem>>, vector<16xf32>,
        %mul3A_420 = arith.mulf %get3A_405, %get3A_411 : vector<16xf32>
        %add3A_421 = arith.addf %add3A_397, %mul3A_420 : vector<16xf32>
        %mul3A_422 = arith.mulf %get3A_405, %get3A_419 : vector<16xf32>
        %add3A_423 = arith.addf %add3A_399, %mul3A_422 : vector<16xf32>
        %get3A_424 = arith.constant 1 : i32
        %get3A_425 = arith.constant 2 : i32
        %get3A_426 = arith.index_cast %get3A_424 : i32 to index
        %get3A_427 = arith.index_cast %get3A_425 : i32 to index
        %get3A_428 = arith.index_cast %mul3A_372 : i32 to index
        %get3A_429 = tpu.vector_load %arg9[%get3A_426, %get3A_427, %get3A_428] {strides = array<i32>} : memref<2x8x512xf32, #tpu.memory_space<vmem>>, vector<16xf32>,
        %get3A_430 = arith.constant 1 : i32
        %get3A_431 = arith.constant 2 : i32
        %get3A_432 = arith.index_cast %get3A_430 : i32 to index
        %get3A_433 = arith.index_cast %get3A_431 : i32 to index
        %get3A_434 = arith.index_cast %mul3A_372 : i32 to index
        %get3A_435 = tpu.vector_load %arg10[%get3A_432, %get3A_433, %get3A_434] {strides = array<i32>} : memref<2x8x1024xf32, #tpu.memory_space<vmem>>, vector<16xf32>,
        %add3A_436 = arith.constant 512 : i32
        %add3A_437 = arith.addi %add3A_436, %mul3A_372 : i32
        %get3A_438 = arith.constant 1 : i32
        %get3A_439 = arith.constant 2 : i32
        %get3A_440 = arith.index_cast %get3A_438 : i32 to index
        %get3A_441 = arith.index_cast %get3A_439 : i32 to index
        %get3A_442 = arith.index_cast %add3A_437 : i32 to index
        %get3A_443 = tpu.vector_load %arg10[%get3A_440, %get3A_441, %get3A_442] {strides = array<i32>} : memref<2x8x1024xf32, #tpu.memory_space<vmem>>, vector<16xf32>,
        %mul3A_444 = arith.mulf %get3A_429, %get3A_435 : vector<16xf32>
        %add3A_445 = arith.addf %add3A_421, %mul3A_444 : vector<16xf32>
        %mul3A_446 = arith.mulf %get3A_429, %get3A_443 : vector<16xf32>
        %add3A_447 = arith.addf %add3A_423, %mul3A_446 : vector<16xf32>
        %get3A_448 = arith.constant 1 : i32
        %get3A_449 = arith.constant 3 : i32
        %get3A_450 = arith.index_cast %get3A_448 : i32 to index
        %get3A_451 = arith.index_cast %get3A_449 : i32 to index
        %get3A_452 = arith.index_cast %mul3A_372 : i32 to index
        %get3A_453 = tpu.vector_load %arg9[%get3A_450, %get3A_451, %get3A_452] {strides = array<i32>} : memref<2x8x512xf32, #tpu.memory_space<vmem>>, vector<16xf32>,
        %get3A_454 = arith.constant 1 : i32
        %get3A_455 = arith.constant 3 : i32
        %get3A_456 = arith.index_cast %get3A_454 : i32 to index
        %get3A_457 = arith.index_cast %get3A_455 : i32 to index
        %get3A_458 = arith.index_cast %mul3A_372 : i32 to index
        %get3A_459 = tpu.vector_load %arg10[%get3A_456, %get3A_457, %get3A_458] {strides = array<i32>} : memref<2x8x1024xf32, #tpu.memory_space<vmem>>, vector<16xf32>,
        %add3A_460 = arith.constant 512 : i32
        %add3A_461 = arith.addi %add3A_460, %mul3A_372 : i32
        %get3A_462 = arith.constant 1 : i32
        %get3A_463 = arith.constant 3 : i32
        %get3A_464 = arith.index_cast %get3A_462 : i32 to index
        %get3A_465 = arith.index_cast %get3A_463 : i32 to index
        %get3A_466 = arith.index_cast %add3A_461 : i32 to index
        %get3A_467 = tpu.vector_load %arg10[%get3A_464, %get3A_465, %get3A_466] {strides = array<i32>} : memref<2x8x1024xf32, #tpu.memory_space<vmem>>, vector<16xf32>,
        %mul3A_468 = arith.mulf %get3A_453, %get3A_459 : vector<16xf32>
        %add3A_469 = arith.addf %add3A_445, %mul3A_468 : vector<16xf32>
        %mul3A_470 = arith.mulf %get3A_453, %get3A_467 : vector<16xf32>
        %add3A_471 = arith.addf %add3A_447, %mul3A_470 : vector<16xf32>
        %get3A_472 = arith.constant 1 : i32
        %get3A_473 = arith.constant 4 : i32
        %get3A_474 = arith.index_cast %get3A_472 : i32 to index
        %get3A_475 = arith.index_cast %get3A_473 : i32 to index
        %get3A_476 = arith.index_cast %mul3A_372 : i32 to index
        %get3A_477 = tpu.vector_load %arg9[%get3A_474, %get3A_475, %get3A_476] {strides = array<i32>} : memref<2x8x512xf32, #tpu.memory_space<vmem>>, vector<16xf32>,
        %get3A_478 = arith.constant 1 : i32
        %get3A_479 = arith.constant 4 : i32
        %get3A_480 = arith.index_cast %get3A_478 : i32 to index
        %get3A_481 = arith.index_cast %get3A_479 : i32 to index
        %get3A_482 = arith.index_cast %mul3A_372 : i32 to index
        %get3A_483 = tpu.vector_load %arg10[%get3A_480, %get3A_481, %get3A_482] {strides = array<i32>} : memref<2x8x1024xf32, #tpu.memory_space<vmem>>, vector<16xf32>,
        %add3A_484 = arith.constant 512 : i32
        %add3A_485 = arith.addi %add3A_484, %mul3A_372 : i32
        %get3A_486 = arith.constant 1 : i32
        %get3A_487 = arith.constant 4 : i32
        %get3A_488 = arith.index_cast %get3A_486 : i32 to index
        %get3A_489 = arith.index_cast %get3A_487 : i32 to index
        %get3A_490 = arith.index_cast %add3A_485 : i32 to index
        %get3A_491 = tpu.vector_load %arg10[%get3A_488, %get3A_489, %get3A_490] {strides = array<i32>} : memref<2x8x1024xf32, #tpu.memory_space<vmem>>, vector<16xf32>,
        %mul3A_492 = arith.mulf %get3A_477, %get3A_483 : vector<16xf32>
        %add3A_493 = arith.addf %add3A_469, %mul3A_492 : vector<16xf32>
        %mul3A_494 = arith.mulf %get3A_477, %get3A_491 : vector<16xf32>
        %add3A_495 = arith.addf %add3A_471, %mul3A_494 : vector<16xf32>
        %get3A_496 = arith.constant 1 : i32
        %get3A_497 = arith.constant 5 : i32
        %get3A_498 = arith.index_cast %get3A_496 : i32 to index
        %get3A_499 = arith.index_cast %get3A_497 : i32 to index
        %get3A_500 = arith.index_cast %mul3A_372 : i32 to index
        %get3A_501 = tpu.vector_load %arg9[%get3A_498, %get3A_499, %get3A_500] {strides = array<i32>} : memref<2x8x512xf32, #tpu.memory_space<vmem>>, vector<16xf32>,
        %get3A_502 = arith.constant 1 : i32
        %get3A_503 = arith.constant 5 : i32
        %get3A_504 = arith.index_cast %get3A_502 : i32 to index
        %get3A_505 = arith.index_cast %get3A_503 : i32 to index
        %get3A_506 = arith.index_cast %mul3A_372 : i32 to index
        %get3A_507 = tpu.vector_load %arg10[%get3A_504, %get3A_505, %get3A_506] {strides = array<i32>} : memref<2x8x1024xf32, #tpu.memory_space<vmem>>, vector<16xf32>,
        %add3A_508 = arith.constant 512 : i32
        %add3A_509 = arith.addi %add3A_508, %mul3A_372 : i32
        %get3A_510 = arith.constant 1 : i32
        %get3A_511 = arith.constant 5 : i32
        %get3A_512 = arith.index_cast %get3A_510 : i32 to index
        %get3A_513 = arith.index_cast %get3A_511 : i32 to index
        %get3A_514 = arith.index_cast %add3A_509 : i32 to index
        %get3A_515 = tpu.vector_load %arg10[%get3A_512, %get3A_513, %get3A_514] {strides = array<i32>} : memref<2x8x1024xf32, #tpu.memory_space<vmem>>, vector<16xf32>,
        %mul3A_516 = arith.mulf %get3A_501, %get3A_507 : vector<16xf32>
        %add3A_517 = arith.addf %add3A_493, %mul3A_516 : vector<16xf32>
        %mul3A_518 = arith.mulf %get3A_501, %get3A_515 : vector<16xf32>
        %add3A_519 = arith.addf %add3A_495, %mul3A_518 : vector<16xf32>
        %get3A_520 = arith.constant 1 : i32
        %get3A_521 = arith.constant 6 : i32
        %get3A_522 = arith.index_cast %get3A_520 : i32 to index
        %get3A_523 = arith.index_cast %get3A_521 : i32 to index
        %get3A_524 = arith.index_cast %mul3A_372 : i32 to index
        %get3A_525 = tpu.vector_load %arg9[%get3A_522, %get3A_523, %get3A_524] {strides = array<i32>} : memref<2x8x512xf32, #tpu.memory_space<vmem>>, vector<16xf32>,
        %get3A_526 = arith.constant 1 : i32
        %get3A_527 = arith.constant 6 : i32
        %get3A_528 = arith.index_cast %get3A_526 : i32 to index
        %get3A_529 = arith.index_cast %get3A_527 : i32 to index
        %get3A_530 = arith.index_cast %mul3A_372 : i32 to index
        %get3A_531 = tpu.vector_load %arg10[%get3A_528, %get3A_529, %get3A_530] {strides = array<i32>} : memref<2x8x1024xf32, #tpu.memory_space<vmem>>, vector<16xf32>,
        %add3A_532 = arith.constant 512 : i32
        %add3A_533 = arith.addi %add3A_532, %mul3A_372 : i32
        %get3A_534 = arith.constant 1 : i32
        %get3A_535 = arith.constant 6 : i32
        %get3A_536 = arith.index_cast %get3A_534 : i32 to index
        %get3A_537 = arith.index_cast %get3A_535 : i32 to index
        %get3A_538 = arith.index_cast %add3A_533 : i32 to index
        %get3A_539 = tpu.vector_load %arg10[%get3A_536, %get3A_537, %get3A_538] {strides = array<i32>} : memref<2x8x1024xf32, #tpu.memory_space<vmem>>, vector<16xf32>,
        %mul3A_540 = arith.mulf %get3A_525, %get3A_531 : vector<16xf32>
        %add3A_541 = arith.addf %add3A_517, %mul3A_540 : vector<16xf32>
        %mul3A_542 = arith.mulf %get3A_525, %get3A_539 : vector<16xf32>
        %add3A_543 = arith.addf %add3A_519, %mul3A_542 : vector<16xf32>
        %get3A_544 = arith.constant 1 : i32
        %get3A_545 = arith.constant 7 : i32
        %get3A_546 = arith.index_cast %get3A_544 : i32 to index
        %get3A_547 = arith.index_cast %get3A_545 : i32 to index
        %get3A_548 = arith.index_cast %mul3A_372 : i32 to index
        %get3A_549 = tpu.vector_load %arg9[%get3A_546, %get3A_547, %get3A_548] {strides = array<i32>} : memref<2x8x512xf32, #tpu.memory_space<vmem>>, vector<16xf32>,
        %get3A_550 = arith.constant 1 : i32
        %get3A_551 = arith.constant 7 : i32
        %get3A_552 = arith.index_cast %get3A_550 : i32 to index
        %get3A_553 = arith.index_cast %get3A_551 : i32 to index
        %get3A_554 = arith.index_cast %mul3A_372 : i32 to index
        %get3A_555 = tpu.vector_load %arg10[%get3A_552, %get3A_553, %get3A_554] {strides = array<i32>} : memref<2x8x1024xf32, #tpu.memory_space<vmem>>, vector<16xf32>,
        %add3A_556 = arith.constant 512 : i32
        %add3A_557 = arith.addi %add3A_556, %mul3A_372 : i32
        %get3A_558 = arith.constant 1 : i32
        %get3A_559 = arith.constant 7 : i32
        %get3A_560 = arith.index_cast %get3A_558 : i32 to index
        %get3A_561 = arith.index_cast %get3A_559 : i32 to index
        %get3A_562 = arith.index_cast %add3A_557 : i32 to index
        %get3A_563 = tpu.vector_load %arg10[%get3A_560, %get3A_561, %get3A_562] {strides = array<i32>} : memref<2x8x1024xf32, #tpu.memory_space<vmem>>, vector<16xf32>,
        %mul3A_564 = arith.mulf %get3A_549, %get3A_555 : vector<16xf32>
        %add3A_565 = arith.addf %add3A_541, %mul3A_564 : vector<16xf32>
        %mul3A_566 = arith.mulf %get3A_549, %get3A_563 : vector<16xf32>
        %add3A_567 = arith.addf %add3A_543, %mul3A_566 : vector<16xf32>
        %swap3A = arith.constant 1 : i32
        %swap3A_568 = arith.constant 0 : i32
        %swap3A_569 = arith.index_cast %swap3A : i32 to index
        %swap3A_570 = arith.index_cast %swap3A_568 : i32 to index
        %swap3A_571 = arith.index_cast %mul3A_372 : i32 to index
        %swap3A_572 = tpu.vector_load %arg11[%swap3A_569, %swap3A_570, %swap3A_571] {strides = array<i32>} : memref<2x2x512xf32, #tpu.memory_space<vmem>>, vector<16xf32>,
        tpu.vector_store %arg11[%swap3A_569, %swap3A_570, %swap3A_571], %add3A_565 {strides = array<i32>} : memref<2x2x512xf32, #tpu.memory_space<vmem>>, vector<16xf32>,
        %swap3A_573 = arith.constant 1 : i32
        %swap3A_574 = arith.constant 1 : i32
        %swap3A_575 = arith.index_cast %swap3A_573 : i32 to index
        %swap3A_576 = arith.index_cast %swap3A_574 : i32 to index
        %swap3A_577 = arith.index_cast %mul3A_372 : i32 to index
        %swap3A_578 = tpu.vector_load %arg11[%swap3A_575, %swap3A_576, %swap3A_577] {strides = array<i32>} : memref<2x2x512xf32, #tpu.memory_space<vmem>>, vector<16xf32>,
        tpu.vector_store %arg11[%swap3A_575, %swap3A_576, %swap3A_577], %add3A_567 {strides = array<i32>} : memref<2x2x512xf32, #tpu.memory_space<vmem>>, vector<16xf32>,
      }
      %scan3A_318 = arith.constant 32 : i32
      %mul3A_319 = arith.constant 2 : i32
      %mul3A_320 = arith.muli %scan3A_5, %mul3A_319 : i32
      %mul3A_321 = arith.constant 16384 : i32
      %mul3A_322 = arith.muli %add3A, %mul3A_321 : i32
      %add3A_323 = arith.constant 15872 : i32
      %add3A_324 = arith.addi %mul3A_322, %add3A_323 : i32
      %dma_start3A_325 = arith.constant 1 : i32
      %dma_start3A_326 = arith.constant 0 : i32
      %dma_start3A_327 = arith.constant 0 : i32
      %dma_start3A_328 = tpu.memref_slice %arg11[%dma_start3A_325, %dma_start3A_326, %dma_start3A_327] : memref<2x2x512xf32, #tpu.memory_space<vmem>> -> memref<1x2x512xf32, #tpu.memory_space<vmem>>
      %dma_start3A_329 = tpu.memref_squeeze %dma_start3A_328 : memref<1x2x512xf32, #tpu.memory_space<vmem>> -> memref<2x512xf32, #tpu.memory_space<vmem>>
      %dma_start3A_330 = tpu.memref_slice %arg6[%mul3A_320, %add3A_324] : memref<32x524288xf32, #tpu.memory_space<hbm>> -> memref<2x512xf32, #tpu.memory_space<hbm>>
      %dma_start3A_331 = tpu.memref_slice %arg6[%mul3A_320, %add3A_324] : memref<32x524288xf32, #tpu.memory_space<hbm>> -> memref<2x512xf32, #tpu.memory_space<hbm>>
      %dma_start3A_332 = arith.constant 0 : i32
      %dma_start3A_333 = arith.constant 0 : i32
      %dma_start3A_334 = tpu.memref_slice %arg11[%dma_start3A_325, %dma_start3A_332, %dma_start3A_333] : memref<2x2x512xf32, #tpu.memory_space<vmem>> -> memref<1x2x512xf32, #tpu.memory_space<vmem>>
      %dma_start3A_335 = tpu.memref_squeeze %dma_start3A_334 : memref<1x2x512xf32, #tpu.memory_space<vmem>> -> memref<2x512xf32, #tpu.memory_space<vmem>>
      tpu.enqueue_dma source(%dma_start3A_335 : memref<2x512xf32, #tpu.memory_space<vmem>>) target(%dma_start3A_331 : memref<2x512xf32, #tpu.memory_space<hbm>>) target_semaphore(%arg17 : memref<!tpu.dma_semaphore, #tpu.memory_space<semaphore_mem>>)
      %mul3A_336 = arith.constant 2 : i32
      %mul3A_337 = arith.muli %scan3A_5, %mul3A_336 : i32
      %mul3A_338 = arith.constant 16384 : i32
      %mul3A_339 = arith.muli %add3A, %mul3A_338 : i32
      %add3A_340 = arith.constant 15360 : i32
      %add3A_341 = arith.addi %mul3A_339, %add3A_340 : i32
      %dma_wait3A_342 = arith.constant 0 : i32
      %dma_wait3A_343 = arith.constant 0 : i32
      %dma_wait3A_344 = arith.constant 0 : i32
      %dma_wait3A_345 = tpu.memref_slice %arg11[%dma_wait3A_342, %dma_wait3A_343, %dma_wait3A_344] : memref<2x2x512xf32, #tpu.memory_space<vmem>> -> memref<1x2x512xf32, #tpu.memory_space<vmem>>
      %dma_wait3A_346 = tpu.memref_squeeze %dma_wait3A_345 : memref<1x2x512xf32, #tpu.memory_space<vmem>> -> memref<2x512xf32, #tpu.memory_space<vmem>>
      %dma_wait3A_347 = tpu.memref_slice %arg6[%mul3A_337, %add3A_341] : memref<32x524288xf32, #tpu.memory_space<hbm>> -> memref<2x512xf32, #tpu.memory_space<hbm>>
      %dma_wait3A_348 = tpu.memref_slice %arg6[%mul3A_337, %add3A_341] : memref<32x524288xf32, #tpu.memory_space<hbm>> -> memref<2x512xf32, #tpu.memory_space<hbm>>
      %dma_wait3A_349 = arith.constant 0 : i32
      %dma_wait3A_350 = arith.constant 0 : i32
      %dma_wait3A_351 = tpu.memref_slice %arg11[%dma_wait3A_342, %dma_wait3A_349, %dma_wait3A_350] : memref<2x2x512xf32, #tpu.memory_space<vmem>> -> memref<1x2x512xf32, #tpu.memory_space<vmem>>
      %dma_wait3A_352 = tpu.memref_squeeze %dma_wait3A_351 : memref<1x2x512xf32, #tpu.memory_space<vmem>> -> memref<2x512xf32, #tpu.memory_space<vmem>>
      tpu.wait_dma2 semaphore(%arg16 : memref<!tpu.dma_semaphore, #tpu.memory_space<semaphore_mem>>) src(%dma_wait3A_352 : memref<2x512xf32, #tpu.memory_space<vmem>>) dst(%dma_wait3A_348 : memref<2x512xf32, #tpu.memory_space<hbm>>)
      %mul3A_353 = arith.constant 2 : i32
      %mul3A_354 = arith.muli %scan3A_5, %mul3A_353 : i32
      %mul3A_355 = arith.constant 16384 : i32
      %mul3A_356 = arith.muli %add3A, %mul3A_355 : i32
      %add3A_357 = arith.constant 15872 : i32
      %add3A_358 = arith.addi %mul3A_356, %add3A_357 : i32
      %dma_wait3A_359 = arith.constant 1 : i32
      %dma_wait3A_360 = arith.constant 0 : i32
      %dma_wait3A_361 = arith.constant 0 : i32
      %dma_wait3A_362 = tpu.memref_slice %arg11[%dma_wait3A_359, %dma_wait3A_360, %dma_wait3A_361] : memref<2x2x512xf32, #tpu.memory_space<vmem>> -> memref<1x2x512xf32, #tpu.memory_space<vmem>>
      %dma_wait3A_363 = tpu.memref_squeeze %dma_wait3A_362 : memref<1x2x512xf32, #tpu.memory_space<vmem>> -> memref<2x512xf32, #tpu.memory_space<vmem>>
      %dma_wait3A_364 = tpu.memref_slice %arg6[%mul3A_354, %add3A_358] : memref<32x524288xf32, #tpu.memory_space<hbm>> -> memref<2x512xf32, #tpu.memory_space<hbm>>
      %dma_wait3A_365 = tpu.memref_slice %arg6[%mul3A_354, %add3A_358] : memref<32x524288xf32, #tpu.memory_space<hbm>> -> memref<2x512xf32, #tpu.memory_space<hbm>>
      %dma_wait3A_366 = arith.constant 0 : i32
      %dma_wait3A_367 = arith.constant 0 : i32
      %dma_wait3A_368 = tpu.memref_slice %arg11[%dma_wait3A_359, %dma_wait3A_366, %dma_wait3A_367] : memref<2x2x512xf32, #tpu.memory_space<vmem>> -> memref<1x2x512xf32, #tpu.memory_space<vmem>>
      %dma_wait3A_369 = tpu.memref_squeeze %dma_wait3A_368 : memref<1x2x512xf32, #tpu.memory_space<vmem>> -> memref<2x512xf32, #tpu.memory_space<vmem>>
      tpu.wait_dma2 semaphore(%arg17 : memref<!tpu.dma_semaphore, #tpu.memory_space<semaphore_mem>>) src(%dma_wait3A_369 : memref<2x512xf32, #tpu.memory_space<vmem>>) dst(%dma_wait3A_365 : memref<2x512xf32, #tpu.memory_space<hbm>>)
    }
    %scan3A_4 = arith.constant 16 : i32
    return
  }
}

module attributes {stable_mosaic.version = 14 : i64} {
  func.func @tbody(%arg0: i32, %arg1: memref<32x4096xf32, #tpu.memory_space<vmem>>, %arg2: memref<4096x32xf32, #tpu.memory_space<vmem>>) attributes {dimension_semantics = [#tpu.dimension_semantics<arbitrary>], iteration_bounds = array<i64: 128>, scalar_prefetch = 0 : i64, scratch_operands = 0 : i64, tpu.core_type = #tpu.core_type<tc>, window_params = [{transform_indices = @transform_0, window_bounds = array<i64: 32, 4096>}, {transform_indices = @transform_1, window_bounds = array<i64: 4096, 32>}]} {
    %get3A = arith.constant 0 : index
    %get3A_0 = arith.constant 0 : index
    %get3A_1 = vector.load %arg1[%get3A, %get3A_0] : memref<32x4096xf32, #tpu.memory_space<vmem>>, vector<32x4096xf32>
    %transpose3A = tpu.transpose %get3A_1, [1, 0] : vector<32x4096xf32> -> vector<4096x32xf32>
    %swap3A = arith.constant 0 : index
    %swap3A_2 = arith.constant 0 : index
    %swap3A_3 = vector.load %arg2[%swap3A, %swap3A_2] : memref<4096x32xf32, #tpu.memory_space<vmem>>, vector<4096x32xf32>
    tpu.vector_store %arg2[%swap3A, %swap3A_2], %transpose3A {strides = array<i32>} : memref<4096x32xf32, #tpu.memory_space<vmem>>, vector<4096x32xf32>,
    return
  }
  func.func @transform_0(%arg0: i32) -> (i32, i32) {
    %c0_i32 = arith.constant 0 : i32
    %c0_i32_0 = arith.constant 0 : i32
    return %c0_i32, %arg0 : i32, i32
  }
  func.func @transform_1(%arg0: i32) -> (i32, i32) {
    %c0_i32 = arith.constant 0 : i32
    %c0_i32_0 = arith.constant 0 : i32
    return %arg0, %c0_i32 : i32, i32
  }
}

</mosaic_0001>

<sc_bundles>
// kernel: kernel.4.cloned.1.call-start
scs
__scs_entry_jumppad:
0x0: {  	(pc) =	sbr.rel $0x88, $3  }
0x1: {  	(tag) =	ssettag $0x0;
	lr =	simm.s32 $0x1  }
0x2: {  	[smem:$0x3F9F] =	sst lr;
	_ =	strace $0xD0000000  }
0x3: {  	_ = 	snop  }
0x4: {  	_ = 	snop  }
0x5: {  	_ = 	snop  }
0x6: {  	_ = 	snop  }
0x7: {  	_ = 	snop  }
__scs_overlays_trampoline_lowered:
0x8: {  	[smem:$0x3FAE] =	sst s0  }
0x9: {  	[smem:$0x3FAF] =	sst s1  }
0xa: {  	[smem:$0x3FB0] =	sst s2  }
0xb: {  	[smem:$0x3FB1] =	sst s3  }
0xc: {  	[smem:$0x3FB2] =	sst s4  }
0xd: {  	[smem:$0x3FB3] =	sst s5  }
0xe: {  	[smem:$0x3FB4] =	sst s6  }
0xf: {  	[smem:$0x3FB5] =	sst s7  }
0x10: {  	[smem:$0x3FB6] =	sst s8  }
0x11: {  	[smem:$0x3FB7] =	sst s9;
	s0 =	simm.s32 @!p0 $0x0  }
0x12: {  	s1 =	sld [smem:$0x3F9D];
	s0 =	simm.s32 @p0 $0x1  }
0x13: {  	[smem:$0x3FB8] =	sst s0;
	s0 =	simm.s32 @!p1 $0x0  }
0x14: {  	s2 =	sld [smem:$0x3F9C];
	s0 =	simm.s32 @p1 $0x1  }
0x15: {  	[smem:$0x3FB9] =	sst s0;
	s0 =	simm.s32 @!p2 $0x0  }
0x16: {  	s3 =	sld [smem:$0x3FDB];
	s0 =	simm.s32 @p2 $0x1  }
0x17: {  	s4 =	simm.s32 $0x1BF5;
	[smem:$0x3FBB] =	sst s0  }
0x18: {  	s0 =	sld [smem:$0x3F9E];
	_ =	swait.ge [sflag:s4], $0x0  }
0x19: {  	s7 =	sld [smem:$0x3F9F]  }
0x1a: {  	s8 =	sadd.s32 $0xFFFFE003, lr  }
0x1b: {  	s9 =	sadd.s32 $0xFFFFFEF7, lr;
	s5 =	simm.s32 $0xFFFFFFFF;
	p2 =	slt.u32 s8, $0xFFFFF086  }
0x1c: {  	p1 =	slt.u32 s9, $0xF7A;
	s5 =	simm.s32 @!p2 $0x0  }
0x1d: {  	s5 =	simm.s32 @p1 $0x1;
	p0 =	seq.s32 s7, s2  }
0x1e: {  	s7 =	smul.u32 @!p0 $0xF7A, s2;
	p2 =	seq.s32 @!p0 s5, $0x0  }
0x1f: {  	s9 =	smul.u32 $0xF7A, s1;
	s8 =	simm.s32 @!p0 $0x1BF5;
	p2 =	por !p2, p0  }
0x20: {  	[sflag:s8] =	ssyncset.s32 @!p0 $0xFFFFF086;
	s6 =	sadd.s32 @!p0 s3, s7;
	s7 =	simm.s32 @!p0 $0x108  }
0x21: {  	s3 =	sadd.s32 s3, s9;
	s6 =	sadd.s32 @!p0 $0x88, s6;
	s7 =	simm.s32 @p2 $0x1082  }
0x22: {  	[simem:s7], [sflag:s8] =	dma.local @!p0 [hbm:s6], $0xF7A  }
0x23: {  	s9 =	sor.u32 $0xD0000000, s2;
	s6 =	simm.s32 $0x108;
	_ =	swait.ge @!p0 [sflag:s8], $0x0  }
0x24: {  	s3 =	sadd.s32 $0x88, s3;
	s6 =	simm.s32 @!p1 $0x1082;
	[sflag:s4] =	ssyncset.s32 $0xFFFFF086  }
0x25: {  	[simem:s6], [sflag:s4] =	dma.local [hbm:s3], $0xF7A  }
0x26: {  	[smem:$0x3F9F] =	sst s1;
	(tag) =	ssettag s2;
	_ =	strace s9  }
0x27: {  	s1 =	sld [smem:$0x3FAF]  }
0x28: {  	s2 =	sld [smem:$0x3FB0]  }
0x29: {  	s4 =	sld [smem:$0x3FB2]  }
0x2a: {  	p0 =	seq.s32 s5, $0x0;
	s5 =	sld [smem:$0x3FB3]  }
0x2b: {  	s6 =	sld [smem:$0x3FB4]  }
0x2c: {  	s7 =	sld [smem:$0x3FB5]  }
0x2d: {  	s3 =	simm.s32 $0x108;
	s8 =	sld [smem:$0x3FB6]  }
0x2e: {  	s3 =	simm.s32 @!p0 $0x1082;
	s9 =	sld [smem:$0x3FB7]  }
0x2f: {  	lr =	sadd.s32 s0, s3;
	s0 =	sld [smem:$0x3FAE]  }
0x30: {  	s3 =	sld [smem:$0x3FB1]  }
0x31: {  	[smem:$0x3FBA] =	sst s10  }
0x32: {  	s10 =	sld [smem:$0x3FB8];
	_ =	sdelay $0x3  }
0x33: {  	p0 =	seq.s32 s10, $0x1;
	s10 =	sld [smem:$0x3FBA];
	_ =	sdelay $0x3  }
0x34: {  	[smem:$0x3FBA] =	sst s10  }
0x35: {  	s10 =	sld [smem:$0x3FB9];
	_ =	sdelay $0x3  }
0x36: {  	p1 =	seq.s32 s10, $0x1;
	s10 =	sld [smem:$0x3FBA];
	_ =	sdelay $0x3  }
0x37: {  	[smem:$0x3FBA] =	sst s10  }
0x38: {  	s10 =	sld [smem:$0x3FBB]  }
0x39: {  	_ = 	snop;
	(pc) =	sbr.ind lr, $3  }
0x3a: {  	_ = 	snop  }
0x3b: {  	_ = 	snop  }
0x3c: {  	p2 =	seq.s32 s10, $0x1;
	s10 =	sld [smem:$0x3FBA]  }
0x3d: {  	_ =	shalt  }
0x3e: {  	_ =	shalt  }
0x3f: {  	_ =	shalt  }
0x40: {  	_ =	shalt  }
0x41: {  	_ =	shalt  }
0x42: {  	_ =	shalt  }
0x43: {  	_ =	shalt  }
0x44: {  	_ =	shalt  }
0x45: {  	_ =	shalt  }
0x46: {  	_ =	shalt  }
0x47: {  	_ =	shalt  }
0x48: {  	_ =	shalt  }
0x49: {  	_ =	shalt  }
0x4a: {  	_ =	shalt  }
0x4b: {  	_ =	shalt  }
0x4c: {  	_ =	shalt  }
0x4d: {  	_ =	shalt  }
0x4e: {  	_ =	shalt  }
0x4f: {  	_ =	shalt  }
0x50: {  	_ =	shalt  }
0x51: {  	_ =	shalt  }
0x52: {  	_ =	shalt  }
0x53: {  	_ =	shalt  }
0x54: {  	_ =	shalt  }
0x55: {  	_ =	shalt  }
0x56: {  	_ =	shalt  }
0x57: {  	_ =	shalt  }
0x58: {  	_ =	shalt  }
0x59: {  	_ =	shalt  }
0x5a: {  	_ =	shalt  }
0x5b: {  	_ =	shalt  }
0x5c: {  	_ =	shalt  }
0x5d: {  	_ =	shalt  }
0x5e: {  	_ =	shalt  }
0x5f: {  	_ =	shalt  }
0x60: {  	_ =	shalt  }
0x61: {  	_ =	shalt  }
0x62: {  	_ =	shalt  }
0x63: {  	_ =	shalt  }
0x64: {  	_ =	shalt  }
0x65: {  	_ =	shalt  }
0x66: {  	_ =	shalt  }
0x67: {  	_ =	shalt  }
0x68: {  	_ =	shalt  }
0x69: {  	_ =	shalt  }
0x6a: {  	_ =	shalt  }
0x6b: {  	_ =	shalt  }
0x6c: {  	_ =	shalt  }
0x6d: {  	_ =	shalt  }
0x6e: {  	_ =	shalt  }
0x6f: {  	_ =	shalt  }
0x70: {  	_ =	shalt  }
0x71: {  	_ =	shalt  }
0x72: {  	_ =	shalt  }
0x73: {  	_ =	shalt  }
0x74: {  	_ =	shalt  }
0x75: {  	_ =	shalt  }
0x76: {  	_ =	shalt  }
0x77: {  	_ =	shalt  }
0x78: {  	_ =	shalt  }
0x79: {  	_ =	shalt  }
0x7a: {  	_ =	shalt  }
0x7b: {  	_ =	shalt  }
0x7c: {  	_ =	shalt  }
0x7d: {  	_ =	shalt  }
0x7e: {  	_ =	shalt  }
0x7f: {  	_ =	shalt  }
0x80: {  	_ =	shalt  }
0x81: {  	_ =	shalt  }
0x82: {  	_ =	shalt  }
0x83: {  	_ =	shalt  }
0x84: {  	_ =	shalt  }
0x85: {  	_ =	shalt  }
0x86: {  	_ =	shalt  }
0x87: {  	_ =	shalt  }
.Lfunc_end0:
.L_simem_size_0:
called_computation.2_lowered:
.L_overlay_start_0:
0x88: {  	s2 =	sld [smem:$0x3FD9]  }
0x89: {  	s3 =	sld [smem:$0x3FFE];
	_ =	sdelay $0x1  }
0x8a: {  	s1 =	srdreg.scid  }
0x8b: {  	s0 =	sand.u32 $0x1, s1  }
0x8c: {  	s17 =	sshll.u32 s0, $0xA;
	s2 =	sadd.s32 s3, s2  }
0x8d: {  	s2 =	sadd.s32 s2, s17  }
0x8e: {  	[smem:$0x3FC6] =	sst s2  }
0x8f: {  	_ = 	snop  }
0x90: {  	s2 =	sld [smem:$0x3FD0];
	(tm) =	ssettm $0x1  }
0x91: {  	s18 =	sld [smem:$0x3FFB];
	_ =	sdelay $0x3  }
0x92: {  	_ =	strace s18  }
0x93: {  	s3 =	sld [smem:$0x3FFC];
	_ =	sdelay $0x3  }
0x94: {  	_ =	strace s3  }
0x95: {  	s3 =	sld [smem:$0x3FFD];
	_ =	sdelay $0x3  }
0x96: {  	_ =	strace s3  }
0x97: {  	_ =	strace $0x8FFFFFFF  }
0x98: {  	s19 =	sld [smem:$0x3FDB];
	_ =	sdelay $0x1  }
0x99: {  	s4 =	simm.s32 $_scs_section_size  }
0x9a: {  	s5 =	simm.s32 $_size__tile_overlayer_lowered;
	s6 =	simm.s32 $_tile_overlayer_lowered  }
0x9b: {  	s22 =	simm.s32 $0x1BFF;
	s21 =	sshll.u32 s6, $0x1;
	s3 =	sadd.s32 s4, s19  }
0x9c: {  	s7 =	simm.s32 $0x0;
	s20 =	sshll.u32 s5, $0x1;
	s5 =	sadd.s32 s21, s3  }
0x9d: {  	[timem:s7], [sflag:s22] =	dma.local [hbm:s5], s20  }
0x9e: {  	_ =	swait.ge [sflag:s22], s20  }
0x9f: {  	s4 =	ssub.s32 $0x0, s20;
	[sflag:s22] =	ssyncset.done $0x0  }
0xa0: {  	[sflag:s22] =	ssyncadd.s32 s4;
	_ =	sdelay $0x1  }
0xa1: {  	s23 =	simm.s32 $0x1B8B  }
0xa2: {  	_ =	swait.ge [sflag:s23], $0x1  }
0xa3: {  	[sflag:s23] =	ssyncset.done $0x0  }
0xa4: {  	s25 =	simm.s32 $0x1B8E;
	s24 =	sld [smem:$0x3FFE];
	[sflag:s23] =	ssyncadd.s32 $0xFFFFFFFF  }
0xa5: {  	s26 =	simm.s32 $execute0_lowered;
	[smem:$0x3FD2] =	sst s25  }
0xa6: {  	s5 =	sshll.u32 s26, $0x1;
	_ =	strace $0x8000004C;
	[dreg:$0x1] =	wrdreg $0xFFFFFFFF  }
0xa7: {  	s28 =	simm.s32 $_size_execute0_lowered;
	s3 =	sadd.s32 s3, s5;
	[dreg:$0x0] =	wrdreg $0x0  }
0xa8: {  	s5 =	sshll.u32 s28, $0x1;
	[dreg:$0x2] =	wrdreg s3  }
0xa9: {  	[dreg:$0x3] =	wrdreg s5  }
0xaa: {  	[dreg:$0x4] =	wrdreg $0xC0  }
0xab: {  	_ =	task [dreg:s7], $0x5FFFF  }
0xac: {  	[dreg:$0x1] =	wrdreg $0xFFFFFFFF  }
0xad: {  	[dreg:$0x0] =	wrdreg $0x60  }
0xae: {  	[dreg:$0x2] =	wrdreg s24  }
0xaf: {  	[dreg:$0x3] =	wrdreg s2  }
0xb0: {  	[dreg:$0x4] =	wrdreg $0xAE000  }
0xb1: {  	[dreg:$0x5] =	wrdreg $0x9  }
0xb2: {  	_ =	task.clear_ibuf [dreg:s7], $0x6FFFF;
	_ =	strace $0x9000004C  }
0xb3: {  	s29 =	simm.s32 $0x9;
	_ =	strace $0x8000004E  }
0xb4: {  	_ =	swait.ge [sflag:s29], $0x1  }
0xb5: {  	[sflag:s29] =	ssyncadd.s32 $0xFFFFFFFF  }
0xb6: {  	_ =	strace $0x9000004E  }
0xb7: {  	_ =	sfence  }
0xb8: {  	s30 =	sld [smem:$0x0];
	_ =	sdelay $0x2  }
0xb9: {  	s31 =	sshll.u32 s1, $0xD;
	s1 =	sshrl.u32 s1, $0x2  }
0xba: {  	s3 =	sand.u32 $0x4000, s31;
	s1 =	sadd.s32 s1, s30  }
0xbb: {  	s0 =	sor.u32 s3, s0;
	s1 =	sshll.u32 s1, $0x11  }
0xbc: {  	s0 =	sor.u32 s1, s0  }
0xbd: {  	s0 =	sadd.s32 $0x8F2B, s0  }
0xbe: {  	[sflag:s0] =	ssyncadd.remote.s32 $0x1  }
0xbf: {  	_ =	sfence.sel $0xFFFF  }
0xc0: {  	[dreg:$0x0] =	wrdreg $0xFFFFFFFF;
	(pc) =	sbr.abs _section_cstart, $3  }
0xc1: {  	[dreg:$0x1] =	wrdreg $0xFFFFFFFF  }
0xc2: {  	_ =	task.clear_ibuf [dreg:s7], $0x2FFFF;
	_ =	strace $0x9FFFFFFF  }
0xc3: {  	(tm) =	ssettm $0x7FFFFFFF  }
tec
execute0_lowered:
.L_overlay_start_1:
0x0: {  	(tag) =	ssettag $0x1  }
0x1: {  	s0 =	rddreg [dreg:$0x0]  }
0x2: {  	s2 =	rddreg [dreg:$0x2];
	s18 =	simm.s32 $0x0;
	s1 =	srdreg.scid  }
0x3: {  	s9 =	stileid.u32;
	s19 =	simm.s32 $0x3A00;
	s12 =	simm.s32 $0xA200  }
0x4: {  	s14 =	simm.s32 $0x80000;
	s13 =	simm.s32 $0xA600;
	s16 =	simm.s32 $0x2  }
0x5: {  	s17 =	simm.s32 $0xAA00;
	[smem:$0x7FF] =	sst s18;
	s4 =	sadd.s32 $0x21000, s0  }
0x6: {  	s6 =	sadd.s32 $0x11000, s0;
	s7 =	sadd.s32 $0x1000, s0;
	s8 =	sadd.s32 $0x31000, s0  }
0x7: {  	s21 =	sand.u32 $0x1, s1;
	s3 =	sshll.u32 s9, $0xF;
	s10 =	sshll.u32 s9, $0x10  }
0x8: {  	s30 =	sshll.u32 s9, $0x6;
	s9 =	simm.s32 $0x9E00;
	_ =	strace $0x8000004D  }
0x9: {  	s1 =	ssub.s32 $0x2, s21;
	s0 =	sshll.u32 s21, $0xE;
	[dreg:$0x5] =	wrdreg s10  }
0xa: {  	s23 =	sadd.s32 s10, s2;
	s10 =	simm.s32 $0x1;
	s11 =	sor.u32 s0, s3  }
0xb: {  	s5 =	sshrl.u32 s1, $0x1;
	s31 =	sshrl.u32 s23, $0x3;
	[dreg:$0x6] =	wrdreg s11  }
0xc: {  	s3 =	sshrl.u32 s11, $0x3;
	s26 =	sor.u32 $0x3E00, s11;
	[dreg:$0x10] =	wrdreg s31  }
0xd: {  	s22 =	ssub.s32 s1, s5;
	s24 =	sadd.s32 s4, s3;
	[dreg:$0x9] =	wrdreg s26  }
0xe: {  	s15 =	sor.u32 $0x400, s11;
	s25 =	sadd.s32 s6, s3;
	[dreg:$0x7] =	wrdreg s24  }
0xf: {  	s20 =	sor.u32 $0x200, s11;
	s3 =	sadd.s32 s7, s3;
	[dreg:$0x8] =	wrdreg s25  }
0x10: {  	s28 =	sshrl.u32 s26, $0x3;
	s0 =	smax.u32 s22, $0x1;
	[dreg:$0xa] =	wrdreg s3  }
0x11: {  	s1 =	simm.s32 $0x3E00;
	s5 =	sadd.s32 s4, s28;
	[dreg:$0xe] =	wrdreg s0  }
0x12: {  	s11 =	simm.s32 $0x4200;
	s29 =	sadd.s32 s6, s28;
	[dreg:$0xb] =	wrdreg s5  }
0x13: {  	s26 =	simm.s32 $0x3;
	s3 =	sadd.s32 s7, s28;
	[dreg:$0xc] =	wrdreg s29  }
0x14: {  	s0 =	sor.u32 $0x1C06, s30;
	s24 =	simm.s32 $0x200;
	[dreg:$0xd] =	wrdreg s3  }
0x15: {  	v0 =	vimm.f32 $0.0e+00;
	s25 =	simm.s32 $0x400;
	[dreg:$0xf] =	wrdreg s0;
	s3 =	simm.s32 $0x9A00  }
.LBB2_1:
0x16: {  	[dreg:$0x4] =	wrdreg s18;
	s23 =	simm.s32 $0x0  }
.LBB2_2:
0x17: {  	s18 =	sshll.u32 s23, $0x14;
	s0 =	rddreg [dreg:$0x5];
	[bflag:$0x0] =	sbarrier.arrive $0xFFFF  }
0x18: {  	s0 =	sor.u32 s0, s18;
	s5 =	rddreg [dreg:$0x1]  }
0x19: {  	s31 =	rddreg [dreg:$0xf];
	s0 =	sshrl.u32 s0, $0x3  }
0x1a: {  	s22 =	simm.s32 $0x6;
	s21 =	rddreg [dreg:$0x10];
	s0 =	sadd.s32 s5, s0  }
0x1b: {  	[spmem:s21], [sflag:s31] =	dma.local [hbm:s0], $0x2000  }
0x1c: {  	_ =	swait.ge [sflag:s22], $0x2000  }
0x1d: {  	[sflag:s22] =	ssyncset.done $0x0  }
0x1e: {  	[sflag:s22] =	ssyncadd.s32 $0xFFFFE000  }
0x1f: {  	[bflag:$0x0] =	sbarrier.arrive $0xFFFF  }
0x20: {  	s29 =	rddreg [dreg:$0x7]  }
0x21: {  	s28 =	simm.s32 $0x0;
	v1 =	vmov s23;
	[dreg:$0x11] =	wrdreg s23  }
0x22: {  	vm0 =	veq.s32 v1, $0x0;
	[tilespmem:s28], [sflag:$0x3] =	stream.linear.gather [hbm4b:s29+s28], $0x200, $0x38;
	[tilespmem:$0x1AE00] =	vst v63  }
0x23: {  	vm13 =	veq.s32 v1, $0x1;
	v2 =	vsel vm0, $0x41800000, v0;
	s30 =	rddreg [dreg:$0x8]  }
0x24: {  	vm14 =	veq.s32 v1, $0x2;
	v2 =	vsel vm13, $0x41A00000, v2;
	[tilespmem:s24], [sflag:$0x3] =	stream.linear.gather [hbm4b:s30+s28], $0x200, $0x38;
	[tilespmem:$0x1AE00] =	vst v63  }
0x25: {  	vm15 =	veq.s32 v1, $0x3;
	v2 =	vsel vm14, $0x41C80000, v2;
	s31 =	rddreg [dreg:$0xa]  }
0x26: {  	vm4 =	veq.s32 v1, $0x4;
	v2 =	vsel vm15, $0x42000000, v2;
	[tilespmem:s25], [sflag:$0x3] =	stream.linear.gather [hbm4b:s31+s28], $0x200, $0x38;
	[tilespmem:$0x1AE00] =	vst v63  }
0x27: {  	vm5 =	veq.s32 v1, $0x5;
	v2 =	vsel vm4, $0x42200000, v2;
	_ =	swait.ge [sflag:s26], $0x200  }
0x28: {  	vm6 =	veq.s32 v1, $0x6;
	v2 =	vsel vm5, $0x42480000, v2;
	[sflag:s26] =	ssyncset.done $0x0  }
0x29: {  	vm7 =	veq.s32 v1, $0x7;
	v2 =	vsel vm6, $0x42800000, v2;
	[sflag:s26] =	ssyncadd.s32 $0xFFFFFE00  }
0x2a: {  	vm8 =	veq.s32 v1, $0x8;
	v2 =	vsel vm7, $0x42A00000, v2;
	_ =	swait.ge [sflag:s26], $0x200  }
0x2b: {  	vm9 =	veq.s32 v1, $0x9;
	v2 =	vsel vm8, $0x42CA0000, v2;
	[sflag:s26] =	ssyncset.done $0x0  }
0x2c: {  	vm10 =	veq.s32 v1, $0xA;
	v2 =	vsel vm9, $0x43000000, v2;
	[sflag:s26] =	ssyncadd.s32 $0xFFFFFE00  }
0x2d: {  	vm11 =	veq.s32 v1, $0xB;
	v2 =	vsel vm10, $0x43210000, v2;
	_ =	swait.ge [sflag:s26], $0x200  }
0x2e: {  	vm12 =	veq.s32 v1, $0xC;
	v2 =	vsel vm11, $0x434B0000, v2;
	[sflag:s26] =	ssyncset.done $0x0  }
0x2f: {  	vm13 =	veq.s32 v1, $0xD;
	s22 =	simm.s32 $0x0;
	v2 =	vsel vm12, $0x43800000, v2;
	[sflag:s26] =	ssyncadd.s32 $0xFFFFFE00  }
0x30: {  	vm14 =	veq.s32 v1, $0xE;
	v2 =	vsel vm13, $0x43A10000, v2;
	v3 =	vld [tilespmem:s22+$0x200]  }
0x31: {  	vm15 =	veq.s32 v1, $0xF;
	v2 =	vsel vm14, $0x43CB0000, v2;
	v4 =	vld [tilespmem:s22+$0x0]  }
0x32: {  	v1 =	vsel vm15, $0x44000000, v2;
	v2 =	vld [tilespmem:s22+$0x400];
	_ =	sdelay $0x2  }
0x33: {  	v3 =	vmul.f32 v3, v1  }
0x34: {  	v4 =	vmul.f32 v4, v1  }
0x35: {  	v2 =	vmul.f32 v2, v1;
	v5 =	vtrunc.f32 v3  }
0x36: {  	v6 =	vtrunc.f32 v4;
	v5 =	vcvt.f32.s32 v5  }
0x37: {  	v6 =	vcvt.f32.s32 v6  }
0x38: {  	v8 =	vtrunc.f32 v2;
	v7 =	vcvt.s32.f32 v5;
	v5 =	vmul.u32 $0x132DAF, v5  }
0x39: {  	v8 =	vcvt.f32.s32 v8;
	v9 =	vcvt.s32.f32 v6;
	v6 =	vmul.u32 $0x1782FF, v6  }
0x3a: {  	v3 =	vsub.f32 v3, v7;
	v7 =	vadd.s32 $0x132DAF, v5  }
0x3b: {  	v4 =	vsub.f32 v4, v9;
	v9 =	vcvt.s32.f32 v8;
	v12 =	vadd.s32 $0x1782FF, v6  }
0x3c: {  	v8 =	vmul.u32 $0x1DDD03, v8;
	v11 =	vxor.u32 v6, v7;
	v15 =	vxor.u32 v5, v12  }
0x3d: {  	v7 =	vxor.u32 v12, v7;
	v5 =	vxor.u32 v6, v5;
	v10 =	vsub.f32 $1.000000000e+00, v3  }
0x3e: {  	v2 =	vsub.f32 v2, v9;
	v9 =	vsub.f32 $1.000000000e+00, v4;
	v14 =	vadd.s32 $0x1DDD03, v8  }
0x3f: {  	v16 =	vxor.u32 v8, v15;
	v17 =	vxor.u32 v8, v7;
	v15 =	vxor.u32 v15, v14  }
0x40: {  	v7 =	vxor.u32 v14, v7;
	v13 =	vmul.f32 v10, v4;
	v6 =	vmul.f32 v10, v9  }
0x41: {  	v12 =	vsub.f32 $1.000000000e+00, v2;
	v9 =	vmul.f32 v3, v9;
	v3 =	vmul.f32 v3, v4  }
0x42: {  	v4 =	vxor.u32 v8, v11;
	v11 =	vxor.u32 v14, v11;
	v10 =	vmul.f32 v13, v2  }
0x43: {  	v8 =	vxor.u32 v8, v5;
	v5 =	vxor.u32 v5, v14;
	v14 =	vshll.u32 v15, $0x1  }
0x44: {  	s21 =	simm.s32 $0x10;
	v7 =	vshll.u32 v7, $0x1;
	v4 =	vshll.u32 v4, $0x1;
	v8 =	vshll.u32 v8, $0x1;
	[tilespmem:s22+$0x5000] =	vst v10  }
0x45: {  	v5 =	vshll.u32 v5, $0x1;
	v20 =	vand.u32 $0xFFFFE, v14;
	v10 =	vshll.u32 v11, $0x1;
	v15 =	vld [tilespmem:s21+$0x200]  }
0x46: {  	v11 =	vshll.u32 v16, $0x1;
	v16 =	vshll.u32 v17, $0x1;
	v17 =	vmul.f32 v12, v6  }
0x47: {  	v19 =	vand.u32 $0xFFFFE, v4;
	v4 =	vmul.f32 v12, v9;
	v6 =	vmul.f32 v6, v2;
	v18 =	vld [tilespmem:s21+$0x0]  }
0x48: {  	v9 =	vmul.f32 v2, v9;
	v11 =	vand.u32 $0xFFFFE, v11;
	v21 =	vand.u32 $0xFFFFE, v16;
	[tilespmem:s22+$0x4600] =	vst v17  }
0x49: {  	v17 =	vand.u32 $0xFFFFE, v10;
	v10 =	vmul.f32 v12, v13;
	v13 =	vld [tilespmem:s21+$0x400];
	[tilespmem:s22+$0x4800] =	vst v6;
	v6 =	vmul.f32 v12, v3  }
0x4a: {  	[tilespmem:s22+$0x4A00] =	vst v4;
	v4 =	vand.u32 $0xFFFFE, v7;
	v7 =	vmul.f32 v2, v3;
	v12 =	vmul.f32 v15, v1  }
0x4b: {  	v3 =	vand.u32 $0xFFFFE, v8;
	v2 =	vand.u32 $0xFFFFE, v5;
	v5 =	vor.u32 $0x1, v19;
	[tilespmem:s22+$0x4C00] =	vst v9  }
0x4c: {  	v14 =	vor.u32 $0x1, v17;
	[tilespmem:s22+$0x4E00] =	vst v10;
	v8 =	vmul.f32 v18, v1;
	v9 =	vtrunc.f32 v12  }
0x4d: {  	[tilespmem:s22+$0x1000] =	vst v5;
	v5 =	vor.u32 $0x1, v11;
	v10 =	vor.u32 $0x1, v20;
	v9 =	vcvt.f32.s32 v9  }
0x4e: {  	[tilespmem:s22+$0x1400] =	vst v14;
	v14 =	vor.u32 $0x1, v21;
	v13 =	vmul.f32 v13, v1;
	v15 =	vtrunc.f32 v8  }
0x4f: {  	[tilespmem:s22+$0x1C00] =	vst v10;
	v10 =	vor.u32 $0x1, v4;
	v15 =	vcvt.f32.s32 v15;
	v16 =	vcvt.s32.f32 v9  }
0x50: {  	[tilespmem:s22+$0x1800] =	vst v5;
	v18 =	vor.u32 $0x1, v3;
	v5 =	vtrunc.f32 v13;
	v9 =	vmul.u32 $0x132DAF, v9  }
0x51: {  	[tilespmem:s22+$0x2000] =	vst v14;
	v5 =	vcvt.f32.s32 v5;
	v22 =	vcvt.s32.f32 v15;
	v12 =	vsub.f32 v12, v16  }
0x52: {  	[tilespmem:s22+$0x5200] =	vst v6;
	v14 =	vmul.u32 $0x1782FF, v15;
	v15 =	vadd.s32 $0x132DAF, v9;
	v16 =	vor.u32 $0x1, v2  }
0x53: {  	[tilespmem:s22+$0x5400] =	vst v7;
	v6 =	vsub.f32 v8, v22;
	v8 =	vcvt.s32.f32 v5;
	v62 =	vsub.f32 $1.000000000e+00, v12  }
0x54: {  	[tilespmem:s22+$0x2400] =	vst v10;
	v23 =	vmul.u32 $0x1DDD03, v5;
	v10 =	vadd.s32 $0x1782FF, v14;
	v24 =	vxor.u32 v14, v15  }
0x55: {  	[tilespmem:s22+$0x800] =	vst v18;
	v18 =	vxor.u32 v9, v10;
	v5 =	vsub.f32 v13, v8;
	v7 =	vmul.f32 v62, v6  }
0x56: {  	[tilespmem:s22+$0xE00] =	vst v19;
	v26 =	vxor.u32 v10, v15;
	v14 =	vxor.u32 v14, v9;
	v13 =	vsub.f32 $1.000000000e+00, v6  }
0x57: {  	[tilespmem:s22+$0x1200] =	vst v17;
	v25 =	vadd.s32 $0x1DDD03, v23;
	v19 =	vxor.u32 v23, v18;
	v15 =	vmul.f32 v7, v5  }
0x58: {  	[tilespmem:s22+$0xC00] =	vst v16;
	v63 =	vxor.u32 v18, v25;
	v16 =	vxor.u32 v25, v26;
	v18 =	vxor.u32 v23, v14  }
0x59: {  	v17 =	vxor.u32 v14, v25;
	v10 =	vmul.f32 v62, v13;
	v9 =	vmul.f32 v12, v13;
	[tilespmem:s21+$0x5000] =	vst v15  }
0x5a: {  	v6 =	vmul.f32 v12, v6;
	v12 =	vxor.u32 v23, v24;
	v13 =	vxor.u32 v25, v24;
	[tilespmem:s22+$0x1600] =	vst v11  }
0x5b: {  	v8 =	vsub.f32 $1.000000000e+00, v5;
	v14 =	vshll.u32 v12, $0x1;
	v13 =	vshll.u32 v13, $0x1;
	[tilespmem:s22+$0x1A00] =	vst v20  }
0x5c: {  	s0 =	simm.s32 $0xC0;
	s23 =	simm.s32 $0x20;
	v12 =	vshll.u32 v19, $0x1;
	v15 =	vxor.u32 v23, v26;
	v11 =	vshll.u32 v63, $0x1;
	[tilespmem:s22+$0x1E00] =	vst v21  }
.LBB2_3:
0x5d: {  	p0 =	sne.s32 s0, $0x7C0;
	v19 =	vld [tilespmem:s23+$0x200];
	v18 =	vshll.u32 v18, $0x1;
	v15 =	vshll.u32 v15, $0x1;
	v16 =	vshll.u32 v16, $0x1;
	[tilespmem:s22+$0x2200] =	vst v4  }
0x5e: {  	v4 =	vmul.f32 v8, v10;
	v17 =	vshll.u32 v17, $0x1;
	v10 =	vmul.f32 v10, v5;
	[tilespmem:s22+$0x600] =	vst v3  }
0x5f: {  	v14 =	vand.u32 $0xFFFFE, v14;
	v3 =	vmul.f32 v8, v9;
	v9 =	vmul.f32 v5, v9;
	v20 =	vld [tilespmem:s23+$0x0];
	[tilespmem:s22+$0xA00] =	vst v2;
	s22 =	smov.u32 s21;
	s21 =	smov.u32 s23  }
0x60: {  	v13 =	vand.u32 $0xFFFFE, v13;
	v12 =	vand.u32 $0xFFFFE, v12;
	v7 =	vmul.f32 v8, v7;
	[tilespmem:s22+$0x4600] =	vst v4  }
0x61: {  	v11 =	vand.u32 $0xFFFFE, v11;
	v22 =	vand.u32 $0xFFFFE, v15;
	v8 =	vmul.f32 v8, v6;
	v21 =	vld [tilespmem:s21+$0x400];
	[tilespmem:s22+$0x4800] =	vst v10  }
0x62: {  	v5 =	vmul.f32 v5, v6;
	v4 =	vand.u32 $0xFFFFE, v16;
	v10 =	vmul.f32 v19, v1;
	[tilespmem:s22+$0x4A00] =	vst v3  }
0x63: {  	v6 =	vor.u32 $0x1, v14;
	v2 =	vand.u32 $0xFFFFE, v17;
	v3 =	vand.u32 $0xFFFFE, v18;
	[tilespmem:s22+$0x4C00] =	vst v9  }
0x64: {  	v16 =	vor.u32 $0x1, v13;
	v9 =	vmul.f32 v20, v1;
	v15 =	vtrunc.f32 v10;
	[tilespmem:s22+$0x4E00] =	vst v7  }
0x65: {  	v7 =	vcvt.f32.s32 v15;
	[tilespmem:s22+$0x1000] =	vst v6;
	v6 =	vor.u32 $0x1, v12;
	v15 =	vor.u32 $0x1, v11  }
0x66: {  	v17 =	vmul.f32 v21, v1;
	v18 =	vtrunc.f32 v9;
	[tilespmem:s22+$0x1400] =	vst v16;
	v16 =	vor.u32 $0x1, v22  }
0x67: {  	v18 =	vcvt.f32.s32 v18;
	v19 =	vcvt.s32.f32 v7;
	v20 =	vmul.u32 $0x132DAF, v7;
	[tilespmem:s22+$0x1800] =	vst v6  }
0x68: {  	v21 =	vor.u32 $0x1, v3;
	v7 =	vor.u32 $0x1, v4;
	v6 =	vtrunc.f32 v17;
	[tilespmem:s22+$0x1C00] =	vst v15  }
0x69: {  	v6 =	vcvt.f32.s32 v6;
	v15 =	vcvt.s32.f32 v18;
	v19 =	vsub.f32 v10, v19;
	[tilespmem:s22+$0x2000] =	vst v16  }
0x6a: {  	v10 =	vmul.u32 $0x1782FF, v18;
	v16 =	vadd.s32 $0x132DAF, v20;
	v18 =	vor.u32 $0x1, v2;
	[tilespmem:s22+$0x5200] =	vst v8  }
0x6b: {  	v15 =	vsub.f32 v9, v15;
	v8 =	vcvt.s32.f32 v6;
	v9 =	vsub.f32 $1.000000000e+00, v19;
	[tilespmem:s22+$0x2400] =	vst v7  }
0x6c: {  	v23 =	vmul.u32 $0x1DDD03, v6;
	v24 =	vxor.u32 v10, v16;
	v6 =	vadd.s32 $0x1782FF, v10;
	[tilespmem:s22+$0x5400] =	vst v5  }
0x6d: {  	v5 =	vsub.f32 v17, v8;
	v17 =	vsub.f32 $1.000000000e+00, v15;
	v7 =	vmul.f32 v9, v15;
	[tilespmem:s22+$0x800] =	vst v21  }
0x6e: {  	v25 =	vxor.u32 v20, v6;
	v16 =	vxor.u32 v6, v16;
	v21 =	vadd.s32 $0x1DDD03, v23;
	[tilespmem:s22+$0xC00] =	vst v18  }
0x6f: {  	v20 =	vxor.u32 v10, v20;
	v10 =	vmul.f32 v9, v17;
	v18 =	vmul.f32 v7, v5;
	[tilespmem:s22+$0xE00] =	vst v14  }
.Ltmp0:
0x70: {  	v6 =	vmul.f32 v19, v15;
	v8 =	vsub.f32 $1.000000000e+00, v5;
	v9 =	vmul.f32 v19, v17;
	[tilespmem:s22+$0x1200] =	vst v13;
	(pc) =	sbr.rel @p0 .LBB2_3-.Ltmp0, $4  }
0x71: {  	v19 =	vxor.u32 v21, v24;
	v13 =	vxor.u32 v23, v24;
	v24 =	vxor.u32 v23, v25;
	[tilespmem:s21+$0x5000] =	vst v18  }
0x72: {  	v15 =	vxor.u32 v23, v16;
	v16 =	vxor.u32 v21, v16;
	v25 =	vxor.u32 v25, v21;
	[tilespmem:s22+$0x1600] =	vst v12  }
0x73: {  	v17 =	vxor.u32 v20, v21;
	v18 =	vxor.u32 v23, v20;
	v14 =	vshll.u32 v13, $0x1;
	[tilespmem:s22+$0x1A00] =	vst v11  }
0x74: {  	s23 =	sshra.s32 s0, $0x2;
	s0 =	sadd.s32 $0x40, s0;
	v13 =	vshll.u32 v19, $0x1;
	v12 =	vshll.u32 v24, $0x1;
	v11 =	vshll.u32 v25, $0x1;
	[tilespmem:s22+$0x1E00] =	vst v22  }
0x75: {  	v19 =	vld [tilespmem:s23+$0x200];
	[tilespmem:s22+$0x2200] =	vst v4  }
0x76: {  	[tilespmem:s22+$0x600] =	vst v3;
	v3 =	vmul.f32 v8, v10  }
0x77: {  	v50 =	vmul.f32 v10, v5;
	v51 =	vshll.u32 v16, $0x1;
	v4 =	vld [tilespmem:s23+$0x0];
	[tilespmem:s22+$0xA00] =	vst v2  }
0x78: {  	v52 =	vmul.f32 v8, v9;
	v17 =	vshll.u32 v17, $0x1;
	v14 =	vand.u32 $0xFFFFE, v14;
	[tilespmem:s21+$0x4600] =	vst v3  }
0x79: {  	v54 =	vmul.f32 v5, v9;
	v55 =	vand.u32 $0xFFFFE, v13;
	v7 =	vmul.f32 v8, v7;
	v53 =	vld [tilespmem:s23+$0x400];
	[tilespmem:s21+$0x4800] =	vst v50  }
0x7a: {  	v12 =	vand.u32 $0xFFFFE, v12;
	v11 =	vand.u32 $0xFFFFE, v11;
	[tilespmem:s21+$0x4A00] =	vst v52;
	v56 =	vmul.f32 v19, v1  }
0x7b: {  	v59 =	vmul.f32 v8, v6;
	v28 =	vmul.f32 v5, v6;
	v2 =	vshll.u32 v18, $0x1;
	[tilespmem:s21+$0x4C00] =	vst v54  }
0x7c: {  	v57 =	vor.u32 $0x1, v14;
	[tilespmem:s21+$0x4E00] =	vst v7;
	v4 =	vmul.f32 v4, v1;
	v58 =	vtrunc.f32 v56  }
0x7d: {  	v60 =	vor.u32 $0x1, v55;
	v61 =	vor.u32 $0x1, v12;
	[tilespmem:s21+$0x1000] =	vst v57;
	v16 =	vcvt.f32.s32 v58  }
0x7e: {  	v63 =	vor.u32 $0x1, v11;
	[tilespmem:s21+$0x1400] =	vst v60;
	v18 =	vmul.f32 v53, v1;
	v62 =	vtrunc.f32 v4  }
0x7f: {  	v24 =	vand.u32 $0xFFFFE, v51;
	[tilespmem:s21+$0x1800] =	vst v61;
	v19 =	vcvt.f32.s32 v62;
	v20 =	vcvt.s32.f32 v16  }
0x80: {  	v32 =	vand.u32 $0xFFFFE, v17;
	v29 =	vor.u32 $0x1, v24;
	[tilespmem:s21+$0x1C00] =	vst v63;
	v21 =	vtrunc.f32 v18  }
0x81: {  	[tilespmem:s21+$0x5200] =	vst v59;
	v26 =	vcvt.f32.s32 v21;
	v27 =	vcvt.s32.f32 v19;
	v13 =	vsub.f32 v56, v20  }
0x82: {  	v34 =	vor.u32 $0x1, v32;
	[tilespmem:s21+$0x2400] =	vst v29  }
0x83: {  	[tilespmem:s21+$0x5400] =	vst v28;
	v4 =	vsub.f32 v4, v27;
	v30 =	vcvt.s32.f32 v26;
	v31 =	vsub.f32 $1.000000000e+00, v13  }
0x84: {  	v3 =	vshll.u32 v15, $0x1;
	[tilespmem:s21+$0xC00] =	vst v34  }
0x85: {  	v2 =	vand.u32 $0xFFFFE, v2;
	[tilespmem:s21+$0xE00] =	vst v14;
	v7 =	vsub.f32 v18, v30;
	v35 =	vmul.f32 v31, v4  }
0x86: {  	v3 =	vand.u32 $0xFFFFE, v3;
	v33 =	vor.u32 $0x1, v2;
	[tilespmem:s21+$0x1200] =	vst v55  }
0x87: {  	v25 =	vor.u32 $0x1, v3;
	[tilespmem:s21+$0x800] =	vst v33;
	v36 =	vmul.f32 v35, v7  }
0x88: {  	[tilespmem:s21+$0x2000] =	vst v25  }
0x89: {  	[tilespmem:s23+$0x5000] =	vst v36  }
0x8a: {  	v38 =	vsub.f32 $1.000000000e+00, v4;
	[tilespmem:s21+$0x1600] =	vst v12  }
0x8b: {  	[tilespmem:s21+$0x1A00] =	vst v11  }
0x8c: {  	v41 =	vmul.f32 v31, v38;
	v42 =	vsub.f32 $1.000000000e+00, v7;
	[tilespmem:s21+$0x1E00] =	vst v3  }
0x8d: {  	v37 =	vmul.u32 $0x132DAF, v16;
	v39 =	vmul.u32 $0x1782FF, v19;
	[tilespmem:s21+$0x2200] =	vst v24  }
0x8e: {  	v8 =	vmul.u32 $0x1DDD03, v26;
	v10 =	vmul.f32 v13, v38;
	v46 =	vmul.f32 v42, v41;
	[tilespmem:s21+$0x600] =	vst v2  }
0x8f: {  	v43 =	vadd.s32 $0x1782FF, v39;
	v47 =	vmul.f32 v41, v7;
	[tilespmem:s21+$0xA00] =	vst v32  }
0x90: {  	v45 =	vxor.u32 v37, v43;
	v44 =	vadd.s32 $0x1DDD03, v8;
	v49 =	vmul.f32 v42, v10;
	[tilespmem:s23+$0x4600] =	vst v46  }
0x91: {  	v9 =	vxor.u32 v45, v44;
	v10 =	vmul.f32 v7, v10;
	[tilespmem:s23+$0x4800] =	vst v47  }
0x92: {  	v4 =	vmul.f32 v13, v4;
	v9 =	vshll.u32 v9, $0x1;
	v51 =	vmul.f32 v42, v35;
	[tilespmem:s23+$0x4A00] =	vst v49  }
0x93: {  	v9 =	vand.u32 $0xFFFFE, v9;
	[tilespmem:s23+$0x4C00] =	vst v10  }
0x94: {  	v58 =	vor.u32 $0x1, v9;
	v59 =	vmul.f32 v42, v4;
	[tilespmem:s23+$0x4E00] =	vst v51  }
0x95: {  	v4 =	vmul.f32 v7, v4;
	[tilespmem:s23+$0x1C00] =	vst v58  }
0x96: {  	v40 =	vadd.s32 $0x132DAF, v37;
	v50 =	vxor.u32 v8, v45;
	[tilespmem:s23+$0x5200] =	vst v59  }
0x97: {  	v5 =	vxor.u32 v39, v37;
	v53 =	vshll.u32 v50, $0x1;
	v3 =	vxor.u32 v39, v40;
	[tilespmem:s23+$0x5400] =	vst v4  }
0x98: {  	v2 =	vxor.u32 v43, v40;
	v48 =	vxor.u32 v8, v3;
	v10 =	vand.u32 $0xFFFFE, v53;
	[tilespmem:s23+$0x1A00] =	vst v9  }
0x99: {  	v3 =	vxor.u32 v44, v3;
	v6 =	vshll.u32 v48, $0x1;
	v56 =	vor.u32 $0x1, v10;
	[tilespmem:s23+$0x1600] =	vst v10  }
0x9a: {  	v52 =	vxor.u32 v8, v2;
	v3 =	vshll.u32 v3, $0x1;
	v6 =	vand.u32 $0xFFFFE, v6;
	[tilespmem:s23+$0x1800] =	vst v56  }
0x9b: {  	v2 =	vxor.u32 v44, v2;
	v12 =	vshll.u32 v52, $0x1;
	v3 =	vand.u32 $0xFFFFE, v3;
	[tilespmem:s23+$0xE00] =	vst v6  }
0x9c: {  	v8 =	vxor.u32 v8, v5;
	v2 =	vshll.u32 v2, $0x1;
	v57 =	vand.u32 $0xFFFFE, v12;
	[tilespmem:s23+$0x1200] =	vst v3  }
0x9d: {  	v5 =	vxor.u32 v5, v44;
	v8 =	vshll.u32 v8, $0x1;
	v2 =	vand.u32 $0xFFFFE, v2;
	[tilespmem:s23+$0x1E00] =	vst v57  }
0x9e: {  	v5 =	vshll.u32 v5, $0x1;
	v8 =	vand.u32 $0xFFFFE, v8;
	[tilespmem:s23+$0x2200] =	vst v2  }
0x9f: {  	v5 =	vand.u32 $0xFFFFE, v5;
	[tilespmem:s23+$0x600] =	vst v8  }
0xa0: {  	v54 =	vor.u32 $0x1, v6;
	[tilespmem:s23+$0xA00] =	vst v5  }
0xa1: {  	v55 =	vor.u32 $0x1, v3;
	[tilespmem:s23+$0x1000] =	vst v54  }
0xa2: {  	v60 =	vor.u32 $0x1, v57;
	[tilespmem:s23+$0x1400] =	vst v55  }
0xa3: {  	v61 =	vor.u32 $0x1, v2;
	[tilespmem:s23+$0x2000] =	vst v60  }
0xa4: {  	v62 =	vor.u32 $0x1, v8;
	[tilespmem:s23+$0x2400] =	vst v61  }
0xa5: {  	v63 =	vor.u32 $0x1, v5;
	[tilespmem:s23+$0x800] =	vst v62  }
0xa6: {  	s0 =	simm.s32 $0x600;
	s5 =	simm.s32 $0x6600;
	[tilespmem:s23+$0xC00] =	vst v63  }
0xa7: {  	[tilespmem:s5], [sflag:$0x1] =	stream.indirect.gather [spmem:s2], $0x1, s0, s25, $0xb8;
	[tilespmem:$0x1AE00] =	vst v63  }
0xa8: {  	s21 =	simm.s32 $0x6A00;
	s5 =	simm.s32 $0xA00  }
0xa9: {  	[tilespmem:s21], [sflag:$0x1] =	stream.indirect.gather [spmem:s2], $0x1, s5, s25, $0xb8;
	[tilespmem:$0x1AE00] =	vst v63  }
0xaa: {  	s22 =	simm.s32 $0xE00;
	s23 =	simm.s32 $0x6E00  }
0xab: {  	[tilespmem:s23], [sflag:$0x1] =	stream.indirect.gather [spmem:s2], $0x1, s22, s25, $0xb8;
	[tilespmem:$0x1AE00] =	vst v63  }
0xac: {  	s28 =	simm.s32 $0x1200;
	s29 =	simm.s32 $0x7200  }
0xad: {  	[tilespmem:s29], [sflag:$0x1] =	stream.indirect.gather [spmem:s2], $0x1, s28, s25, $0xb8;
	[tilespmem:$0x1AE00] =	vst v63  }
0xae: {  	s30 =	simm.s32 $0x1600;
	s31 =	simm.s32 $0x7600;
	s21 =	simm.s32 $0x1A00  }
0xaf: {  	[tilespmem:s31], [sflag:$0x1] =	stream.indirect.gather [spmem:s2], $0x1, s30, s25, $0xb8;
	[tilespmem:$0x1AE00] =	vst v63  }
0xb0: {  	s22 =	simm.s32 $0x7A00;
	s23 =	simm.s32 $0x1E00;
	s28 =	simm.s32 $0x7E00  }
0xb1: {  	[tilespmem:s22], [sflag:$0x1] =	stream.indirect.gather [spmem:s2], $0x1, s21, s25, $0xb8;
	[tilespmem:$0x1AE00] =	vst v63  }
0xb2: {  	s29 =	simm.s32 $0x2200;
	s30 =	simm.s32 $0x8200;
	s31 =	rddreg [dreg:$0x6]  }
0xb3: {  	[tilespmem:s28], [sflag:$0x1] =	stream.indirect.gather [spmem:s2], $0x1, s23, s25, $0xb8;
	[tilespmem:$0x1AE00] =	vst v63  }
0xb4: {  	s21 =	sor.u32 s31, s18;
	s22 =	simm.s32 $0x0;
	s23 =	simm.s32 $0x0  }
0xb5: {  	[tilespmem:s30], [sflag:$0x1] =	stream.indirect.gather [spmem:s2], $0x1, s29, s25, $0xb8;
	[tilespmem:$0x1AE00] =	vst v63  }
.LBB2_5:
0xb6: {  	s29 =	sshll.u32 s23, $0xA  }
0xb7: {  	s28 =	sor.u32 s20, s29  }
0xb8: {  	s0 =	sshrl.u32 s28, $0x3  }
0xb9: {  	s5 =	sadd.s32 s4, s0  }
0xba: {  	[tilespmem:s22], [sflag:$0x3] =	stream.linear.gather [hbm4b:s5+s22], $0x200, $0x38;
	[tilespmem:$0x1AE00] =	vst v63  }
0xbb: {  	s5 =	sadd.s32 s6, s0  }
0xbc: {  	[tilespmem:s24], [sflag:$0x3] =	stream.linear.gather [hbm4b:s5+s22], $0x200, $0x38;
	[tilespmem:$0x1AE00] =	vst v63  }
0xbd: {  	s0 =	sadd.s32 s7, s0  }
0xbe: {  	[tilespmem:s25], [sflag:$0x3] =	stream.linear.gather [hbm4b:s0+s22], $0x200, $0x38;
	[tilespmem:$0x1AE00] =	vst v63  }
0xbf: {  	_ =	swait.ge [sflag:s26], $0x200  }
0xc0: {  	[sflag:s26] =	ssyncset.done $0x0  }
0xc1: {  	[sflag:s26] =	ssyncadd.s32 $0xFFFFFE00  }
0xc2: {  	_ =	swait.ge [sflag:s26], $0x200  }
0xc3: {  	[sflag:s26] =	ssyncset.done $0x0  }
0xc4: {  	[sflag:s26] =	ssyncadd.s32 $0xFFFFFE00  }
0xc5: {  	_ =	swait.ge [sflag:s26], $0x200  }
0xc6: {  	[sflag:s26] =	ssyncset.done $0x0  }
0xc7: {  	s31 =	simm.s32 $0x0;
	[sflag:s26] =	ssyncadd.s32 $0xFFFFFE00  }
0xc8: {  	v2 =	vld [tilespmem:s31+$0x200]  }
0xc9: {  	v3 =	vld [tilespmem:s31+$0x0]  }
0xca: {  	v4 =	vld [tilespmem:s31+$0x400];
	_ =	sdelay $0x2  }
0xcb: {  	v2 =	vmul.f32 v2, v1  }
0xcc: {  	v3 =	vmul.f32 v3, v1  }
0xcd: {  	v4 =	vmul.f32 v4, v1;
	v5 =	vtrunc.f32 v2  }
0xce: {  	v6 =	vtrunc.f32 v3;
	v5 =	vcvt.f32.s32 v5  }
0xcf: {  	v6 =	vcvt.f32.s32 v6  }
0xd0: {  	v8 =	vtrunc.f32 v4;
	v7 =	vcvt.s32.f32 v5;
	v5 =	vmul.u32 $0x132DAF, v5  }
0xd1: {  	v8 =	vcvt.f32.s32 v8;
	v9 =	vcvt.s32.f32 v6;
	v6 =	vmul.u32 $0x1782FF, v6  }
0xd2: {  	v2 =	vsub.f32 v2, v7;
	v7 =	vadd.s32 $0x132DAF, v5  }
0xd3: {  	v3 =	vsub.f32 v3, v9;
	v9 =	vcvt.s32.f32 v8;
	v12 =	vadd.s32 $0x1782FF, v6  }
0xd4: {  	v8 =	vmul.u32 $0x1DDD03, v8;
	v11 =	vxor.u32 v6, v7;
	v15 =	vxor.u32 v5, v12  }
0xd5: {  	v7 =	vxor.u32 v12, v7;
	v5 =	vxor.u32 v6, v5;
	v10 =	vsub.f32 $1.000000000e+00, v2  }
0xd6: {  	v9 =	vsub.f32 v4, v9;
	v4 =	vsub.f32 $1.000000000e+00, v3;
	v14 =	vadd.s32 $0x1DDD03, v8  }
0xd7: {  	v16 =	vxor.u32 v8, v15;
	v17 =	vxor.u32 v8, v7;
	v15 =	vxor.u32 v15, v14  }
0xd8: {  	v7 =	vxor.u32 v14, v7;
	v13 =	vmul.f32 v10, v3;
	v6 =	vmul.f32 v10, v4  }
0xd9: {  	v12 =	vsub.f32 $1.000000000e+00, v9;
	v4 =	vmul.f32 v2, v4;
	v2 =	vmul.f32 v2, v3  }
0xda: {  	v3 =	vxor.u32 v8, v11;
	v11 =	vxor.u32 v14, v11;
	v10 =	vmul.f32 v13, v9  }
0xdb: {  	v8 =	vxor.u32 v8, v5;
	v5 =	vxor.u32 v5, v14;
	v14 =	vshll.u32 v15, $0x1  }
0xdc: {  	s30 =	simm.s32 $0x10;
	v7 =	vshll.u32 v7, $0x1;
	v3 =	vshll.u32 v3, $0x1;
	v8 =	vshll.u32 v8, $0x1;
	[tilespmem:s31+$0x6000] =	vst v10  }
0xdd: {  	v5 =	vshll.u32 v5, $0x1;
	v21 =	vand.u32 $0xFFFFE, v14;
	v10 =	vshll.u32 v11, $0x1;
	v15 =	vld [tilespmem:s30+$0x200]  }
0xde: {  	v11 =	vshll.u32 v16, $0x1;
	v16 =	vshll.u32 v17, $0x1;
	v17 =	vmul.f32 v12, v6  }
0xdf: {  	v19 =	vand.u32 $0xFFFFE, v3;
	v3 =	vmul.f32 v12, v4;
	v6 =	vmul.f32 v6, v9;
	v18 =	vld [tilespmem:s30+$0x0]  }
0xe0: {  	v20 =	vmul.f32 v9, v4;
	v4 =	vand.u32 $0xFFFFE, v7;
	v7 =	vmul.f32 v9, v2;
	[tilespmem:s31+$0x5600] =	vst v17  }
0xe1: {  	v11 =	vand.u32 $0xFFFFE, v11;
	v17 =	vand.u32 $0xFFFFE, v10;
	v10 =	vmul.f32 v12, v13;
	v13 =	vld [tilespmem:s30+$0x400];
	[tilespmem:s31+$0x5800] =	vst v6  }
0xe2: {  	v22 =	vand.u32 $0xFFFFE, v16;
	v6 =	vmul.f32 v12, v2;
	[tilespmem:s31+$0x5A00] =	vst v3;
	v12 =	vmul.f32 v15, v1  }
0xe3: {  	v3 =	vand.u32 $0xFFFFE, v8;
	v2 =	vand.u32 $0xFFFFE, v5;
	v5 =	vor.u32 $0x1, v19;
	[tilespmem:s31+$0x5C00] =	vst v20  }
0xe4: {  	v14 =	vor.u32 $0x1, v17;
	[tilespmem:s31+$0x5E00] =	vst v10;
	v8 =	vmul.f32 v18, v1;
	v9 =	vtrunc.f32 v12  }
0xe5: {  	[tilespmem:s31+$0x3000] =	vst v5;
	v5 =	vor.u32 $0x1, v11;
	v10 =	vor.u32 $0x1, v21;
	v9 =	vcvt.f32.s32 v9  }
0xe6: {  	[tilespmem:s31+$0x3400] =	vst v14;
	v14 =	vor.u32 $0x1, v22;
	v13 =	vmul.f32 v13, v1;
	v15 =	vtrunc.f32 v8  }
0xe7: {  	[tilespmem:s31+$0x3C00] =	vst v10;
	v10 =	vor.u32 $0x1, v4;
	v15 =	vcvt.f32.s32 v15;
	v16 =	vcvt.s32.f32 v9  }
0xe8: {  	[tilespmem:s31+$0x3800] =	vst v5;
	v18 =	vor.u32 $0x1, v3;
	v5 =	vtrunc.f32 v13;
	v9 =	vmul.u32 $0x132DAF, v9  }
0xe9: {  	[tilespmem:s31+$0x6400] =	vst v7;
	v5 =	vcvt.f32.s32 v5;
	v20 =	vcvt.s32.f32 v15;
	v12 =	vsub.f32 v12, v16  }
0xea: {  	[tilespmem:s31+$0x4000] =	vst v14;
	v14 =	vmul.u32 $0x1782FF, v15;
	v15 =	vadd.s32 $0x132DAF, v9;
	v16 =	vor.u32 $0x1, v2  }
0xeb: {  	[tilespmem:s31+$0x6200] =	vst v6;
	v6 =	vsub.f32 v8, v20;
	v8 =	vcvt.s32.f32 v5;
	v20 =	vsub.f32 $1.000000000e+00, v12  }
0xec: {  	[tilespmem:s31+$0x4400] =	vst v10;
	v23 =	vmul.u32 $0x1DDD03, v5;
	v10 =	vadd.s32 $0x1782FF, v14;
	v24 =	vxor.u32 v14, v15  }
0xed: {  	[tilespmem:s31+$0x2800] =	vst v18;
	v18 =	vxor.u32 v9, v10;
	v5 =	vsub.f32 v13, v8;
	v7 =	vmul.f32 v20, v6  }
0xee: {  	[tilespmem:s31+$0x2E00] =	vst v19;
	v26 =	vxor.u32 v10, v15;
	v14 =	vxor.u32 v14, v9;
	v13 =	vsub.f32 $1.000000000e+00, v6  }
0xef: {  	[tilespmem:s31+$0x3200] =	vst v17;
	v25 =	vadd.s32 $0x1DDD03, v23;
	v19 =	vxor.u32 v23, v18;
	v15 =	vmul.f32 v7, v5  }
0xf0: {  	[tilespmem:s31+$0x2C00] =	vst v16;
	v16 =	vxor.u32 v25, v26;
	v17 =	vxor.u32 v14, v25;
	v10 =	vmul.f32 v20, v13  }
0xf1: {  	v8 =	vsub.f32 $1.000000000e+00, v5;
	v9 =	vmul.f32 v12, v13;
	v6 =	vmul.f32 v12, v6;
	[tilespmem:s30+$0x6000] =	vst v15  }
0xf2: {  	v12 =	vxor.u32 v23, v24;
	v13 =	vxor.u32 v25, v24;
	v20 =	vxor.u32 v18, v25;
	[tilespmem:s31+$0x3600] =	vst v11  }
0xf3: {  	v18 =	vxor.u32 v23, v14;
	v14 =	vshll.u32 v12, $0x1;
	v13 =	vshll.u32 v13, $0x1;
	[tilespmem:s31+$0x3A00] =	vst v21  }
0xf4: {  	s5 =	simm.s32 $0xC0;
	s0 =	simm.s32 $0x20;
	v12 =	vshll.u32 v19, $0x1;
	v15 =	vxor.u32 v23, v26;
	v11 =	vshll.u32 v20, $0x1;
	[tilespmem:s31+$0x3E00] =	vst v22  }
.LBB2_6:
0xf5: {  	p0 =	sne.s32 s5, $0x7C0;
	v19 =	vld [tilespmem:s0+$0x200];
	v18 =	vshll.u32 v18, $0x1;
	v15 =	vshll.u32 v15, $0x1;
	v16 =	vshll.u32 v16, $0x1;
	[tilespmem:s31+$0x4200] =	vst v4  }
0xf6: {  	v4 =	vmul.f32 v8, v10;
	v17 =	vshll.u32 v17, $0x1;
	v10 =	vmul.f32 v10, v5;
	[tilespmem:s31+$0x2600] =	vst v3  }
0xf7: {  	v14 =	vand.u32 $0xFFFFE, v14;
	v3 =	vmul.f32 v8, v9;
	v9 =	vmul.f32 v5, v9;
	v20 =	vld [tilespmem:s0+$0x0];
	[tilespmem:s31+$0x2A00] =	vst v2;
	s31 =	smov.u32 s30;
	s30 =	smov.u32 s0  }
0xf8: {  	v13 =	vand.u32 $0xFFFFE, v13;
	v12 =	vand.u32 $0xFFFFE, v12;
	v7 =	vmul.f32 v8, v7;
	[tilespmem:s31+$0x5600] =	vst v4  }
0xf9: {  	v11 =	vand.u32 $0xFFFFE, v11;
	v22 =	vand.u32 $0xFFFFE, v15;
	v8 =	vmul.f32 v8, v6;
	v21 =	vld [tilespmem:s30+$0x400];
	[tilespmem:s31+$0x5800] =	vst v10  }
0xfa: {  	v5 =	vmul.f32 v5, v6;
	v4 =	vand.u32 $0xFFFFE, v16;
	v10 =	vmul.f32 v19, v1;
	[tilespmem:s31+$0x5A00] =	vst v3  }
0xfb: {  	v6 =	vor.u32 $0x1, v14;
	v2 =	vand.u32 $0xFFFFE, v17;
	v3 =	vand.u32 $0xFFFFE, v18;
	[tilespmem:s31+$0x5C00] =	vst v9  }
0xfc: {  	v16 =	vor.u32 $0x1, v13;
	v9 =	vmul.f32 v20, v1;
	v15 =	vtrunc.f32 v10;
	[tilespmem:s31+$0x5E00] =	vst v7  }
0xfd: {  	v7 =	vcvt.f32.s32 v15;
	[tilespmem:s31+$0x3000] =	vst v6;
	v6 =	vor.u32 $0x1, v12;
	v15 =	vor.u32 $0x1, v11  }
0xfe: {  	v17 =	vmul.f32 v21, v1;
	v18 =	vtrunc.f32 v9;
	[tilespmem:s31+$0x3400] =	vst v16;
	v16 =	vor.u32 $0x1, v22  }
0xff: {  	v18 =	vcvt.f32.s32 v18;
	v19 =	vcvt.s32.f32 v7;
	v20 =	vmul.u32 $0x132DAF, v7;
	[tilespmem:s31+$0x3800] =	vst v6  }
0x100: {  	v21 =	vor.u32 $0x1, v3;
	v7 =	vor.u32 $0x1, v4;
	v6 =	vtrunc.f32 v17;
	[tilespmem:s31+$0x3C00] =	vst v15  }
0x101: {  	v6 =	vcvt.f32.s32 v6;
	v15 =	vcvt.s32.f32 v18;
	v19 =	vsub.f32 v10, v19;
	[tilespmem:s31+$0x4000] =	vst v16  }
0x102: {  	v10 =	vmul.u32 $0x1782FF, v18;
	v16 =	vadd.s32 $0x132DAF, v20;
	v18 =	vor.u32 $0x1, v2;
	[tilespmem:s31+$0x6200] =	vst v8  }
0x103: {  	v15 =	vsub.f32 v9, v15;
	v8 =	vcvt.s32.f32 v6;
	v9 =	vsub.f32 $1.000000000e+00, v19;
	[tilespmem:s31+$0x4400] =	vst v7  }
0x104: {  	v23 =	vmul.u32 $0x1DDD03, v6;
	v24 =	vxor.u32 v10, v16;
	v6 =	vadd.s32 $0x1782FF, v10;
	[tilespmem:s31+$0x6400] =	vst v5  }
0x105: {  	v5 =	vsub.f32 v17, v8;
	v17 =	vsub.f32 $1.000000000e+00, v15;
	v7 =	vmul.f32 v9, v15;
	[tilespmem:s31+$0x2800] =	vst v21  }
0x106: {  	v25 =	vxor.u32 v20, v6;
	v16 =	vxor.u32 v6, v16;
	v21 =	vadd.s32 $0x1DDD03, v23;
	[tilespmem:s31+$0x2C00] =	vst v18  }
0x107: {  	v20 =	vxor.u32 v10, v20;
	v10 =	vmul.f32 v9, v17;
	v18 =	vmul.f32 v7, v5;
	[tilespmem:s31+$0x2E00] =	vst v14  }
.Ltmp1:
0x108: {  	v6 =	vmul.f32 v19, v15;
	v8 =	vsub.f32 $1.000000000e+00, v5;
	v9 =	vmul.f32 v19, v17;
	[tilespmem:s31+$0x3200] =	vst v13;
	(pc) =	sbr.rel @p0 .LBB2_6-.Ltmp1, $4  }
0x109: {  	v19 =	vxor.u32 v21, v24;
	v13 =	vxor.u32 v23, v24;
	v24 =	vxor.u32 v23, v25;
	[tilespmem:s30+$0x6000] =	vst v18  }
0x10a: {  	v15 =	vxor.u32 v23, v16;
	v16 =	vxor.u32 v21, v16;
	v25 =	vxor.u32 v25, v21;
	[tilespmem:s31+$0x3600] =	vst v12  }
0x10b: {  	v17 =	vxor.u32 v20, v21;
	v18 =	vxor.u32 v23, v20;
	v14 =	vshll.u32 v13, $0x1;
	[tilespmem:s31+$0x3A00] =	vst v11  }
0x10c: {  	s0 =	sshra.s32 s5, $0x2;
	s5 =	sadd.s32 $0x40, s5;
	v13 =	vshll.u32 v19, $0x1;
	v12 =	vshll.u32 v24, $0x1;
	v11 =	vshll.u32 v25, $0x1;
	[tilespmem:s31+$0x3E00] =	vst v22  }
0x10d: {  	v19 =	vld [tilespmem:s0+$0x200];
	[tilespmem:s31+$0x4200] =	vst v4  }
0x10e: {  	[tilespmem:s31+$0x2600] =	vst v3;
	v3 =	vmul.f32 v8, v10  }
0x10f: {  	v10 =	vmul.f32 v10, v5;
	v4 =	vld [tilespmem:s0+$0x0];
	[tilespmem:s31+$0x2A00] =	vst v2  }
0x110: {  	v50 =	vmul.f32 v8, v9;
	v14 =	vand.u32 $0xFFFFE, v14;
	[tilespmem:s30+$0x5600] =	vst v3  }
0x111: {  	v9 =	vmul.f32 v5, v9;
	v7 =	vmul.f32 v8, v7;
	v12 =	vand.u32 $0xFFFFE, v12;
	v51 =	vld [tilespmem:s0+$0x400];
	[tilespmem:s30+$0x5800] =	vst v10  }
0x112: {  	v11 =	vand.u32 $0xFFFFE, v11;
	v10 =	vand.u32 $0xFFFFE, v13;
	[tilespmem:s30+$0x5A00] =	vst v50;
	v13 =	vmul.f32 v19, v1  }
0x113: {  	v5 =	vmul.f32 v5, v6;
	v2 =	vshll.u32 v18, $0x1;
	v3 =	vshll.u32 v15, $0x1;
	[tilespmem:s30+$0x5C00] =	vst v9  }
0x114: {  	v15 =	vshll.u32 v16, $0x1;
	[tilespmem:s30+$0x5E00] =	vst v7;
	v4 =	vmul.f32 v4, v1;
	v52 =	vtrunc.f32 v13  }
0x115: {  	v9 =	vor.u32 $0x1, v14;
	v7 =	vmul.f32 v8, v6;
	[tilespmem:s30+$0x6400] =	vst v5;
	v16 =	vcvt.f32.s32 v52  }
0x116: {  	v8 =	vor.u32 $0x1, v10;
	[tilespmem:s30+$0x3000] =	vst v9;
	v18 =	vmul.f32 v51, v1;
	v53 =	vtrunc.f32 v4  }
0x117: {  	v9 =	vor.u32 $0x1, v12;
	[tilespmem:s30+$0x3400] =	vst v8;
	v19 =	vcvt.f32.s32 v53;
	v20 =	vcvt.s32.f32 v16  }
0x118: {  	v3 =	vand.u32 $0xFFFFE, v3;
	v8 =	vor.u32 $0x1, v11;
	[tilespmem:s30+$0x3800] =	vst v9;
	v21 =	vtrunc.f32 v18  }
0x119: {  	[tilespmem:s30+$0x3C00] =	vst v8;
	v8 =	vcvt.f32.s32 v21;
	v54 =	vcvt.s32.f32 v19;
	v13 =	vsub.f32 v13, v20  }
0x11a: {  	v2 =	vand.u32 $0xFFFFE, v2;
	v9 =	vand.u32 $0xFFFFE, v15;
	v15 =	vor.u32 $0x1, v3;
	[tilespmem:s30+$0x6200] =	vst v7  }
0x11b: {  	[tilespmem:s30+$0x4000] =	vst v15;
	v4 =	vsub.f32 v4, v54;
	v7 =	vcvt.s32.f32 v8;
	v15 =	vsub.f32 $1.000000000e+00, v13  }
0x11c: {  	v17 =	vshll.u32 v17, $0x1;
	v55 =	vor.u32 $0x1, v2;
	[tilespmem:s30+$0x2E00] =	vst v14;
	v6 =	vor.u32 $0x1, v9  }
0x11d: {  	[tilespmem:s30+$0x4400] =	vst v6;
	v6 =	vand.u32 $0xFFFFE, v17;
	v7 =	vsub.f32 v18, v7;
	v56 =	vmul.f32 v15, v4  }
0x11e: {  	[tilespmem:s30+$0x2800] =	vst v55;
	v5 =	vor.u32 $0x1, v6  }
0x11f: {  	[tilespmem:s30+$0x2C00] =	vst v5;
	v5 =	vmul.f32 v56, v7  }
0x120: {  	[tilespmem:s30+$0x3200] =	vst v10  }
0x121: {  	v10 =	vsub.f32 $1.000000000e+00, v4;
	[tilespmem:s0+$0x6000] =	vst v5  }
0x122: {  	[tilespmem:s30+$0x3600] =	vst v12  }
0x123: {  	v14 =	vmul.f32 v15, v10;
	[tilespmem:s30+$0x3A00] =	vst v11  }
0x124: {  	v15 =	vsub.f32 $1.000000000e+00, v7;
	v5 =	vmul.u32 $0x132DAF, v16;
	v12 =	vmul.u32 $0x1782FF, v19;
	[tilespmem:s30+$0x3E00] =	vst v3  }
0x125: {  	v8 =	vmul.u32 $0x1DDD03, v8;
	v10 =	vmul.f32 v13, v10;
	[tilespmem:s30+$0x4200] =	vst v9  }
0x126: {  	v59 =	vmul.f32 v15, v14;
	[tilespmem:s30+$0x2600] =	vst v2;
	v11 =	vadd.s32 $0x132DAF, v5;
	v57 =	vadd.s32 $0x1782FF, v12  }
0x127: {  	[tilespmem:s30+$0x2A00] =	vst v6;
	v3 =	vxor.u32 v12, v11;
	v2 =	vxor.u32 v57, v11;
	v11 =	vmul.f32 v14, v7  }
0x128: {  	[tilespmem:s0+$0x5600] =	vst v59;
	v9 =	vxor.u32 v5, v57;
	v5 =	vxor.u32 v12, v5;
	v12 =	vmul.f32 v15, v10  }
0x129: {  	v58 =	vadd.s32 $0x1DDD03, v8;
	v6 =	vxor.u32 v8, v3;
	v10 =	vmul.f32 v7, v10;
	[tilespmem:s0+$0x5800] =	vst v11  }
0x12a: {  	v3 =	vxor.u32 v58, v3;
	v6 =	vshll.u32 v6, $0x1;
	[tilespmem:s0+$0x5A00] =	vst v12  }
0x12b: {  	v3 =	vshll.u32 v3, $0x1;
	v6 =	vand.u32 $0xFFFFE, v6;
	[tilespmem:s0+$0x5C00] =	vst v10  }
0x12c: {  	v11 =	vmul.f32 v15, v56;
	v3 =	vand.u32 $0xFFFFE, v3;
	[tilespmem:s0+$0x2E00] =	vst v6  }
0x12d: {  	v4 =	vmul.f32 v13, v4;
	v13 =	vxor.u32 v8, v9;
	[tilespmem:s0+$0x3200] =	vst v3  }
0x12e: {  	v9 =	vxor.u32 v9, v58;
	v10 =	vshll.u32 v13, $0x1;
	v13 =	vor.u32 $0x1, v6;
	[tilespmem:s0+$0x5E00] =	vst v11  }
0x12f: {  	v9 =	vshll.u32 v9, $0x1;
	v10 =	vand.u32 $0xFFFFE, v10;
	[tilespmem:s0+$0x3000] =	vst v13  }
0x130: {  	v9 =	vand.u32 $0xFFFFE, v9;
	[tilespmem:s0+$0x3600] =	vst v10  }
0x131: {  	v12 =	vxor.u32 v8, v2;
	v2 =	vxor.u32 v58, v2;
	v11 =	vor.u32 $0x1, v3;
	[tilespmem:s0+$0x3A00] =	vst v9  }
0x132: {  	v8 =	vxor.u32 v8, v5;
	v2 =	vshll.u32 v2, $0x1;
	v13 =	vor.u32 $0x1, v10;
	[tilespmem:s0+$0x3400] =	vst v11  }
0x133: {  	v5 =	vxor.u32 v5, v58;
	v8 =	vshll.u32 v8, $0x1;
	v2 =	vand.u32 $0xFFFFE, v2;
	[tilespmem:s0+$0x3800] =	vst v13  }
0x134: {  	v5 =	vshll.u32 v5, $0x1;
	v8 =	vand.u32 $0xFFFFE, v8;
	[tilespmem:s0+$0x4200] =	vst v2  }
0x135: {  	v12 =	vshll.u32 v12, $0x1;
	v5 =	vand.u32 $0xFFFFE, v5;
	[tilespmem:s0+$0x2600] =	vst v8  }
0x136: {  	v11 =	vand.u32 $0xFFFFE, v12;
	v12 =	vor.u32 $0x1, v9;
	[tilespmem:s0+$0x2A00] =	vst v5  }
0x137: {  	v13 =	vmul.f32 v15, v4;
	v4 =	vmul.f32 v7, v4;
	v7 =	vor.u32 $0x1, v2;
	[tilespmem:s0+$0x3C00] =	vst v12  }
0x138: {  	[tilespmem:s0+$0x4400] =	vst v7  }
0x139: {  	v14 =	vor.u32 $0x1, v11;
	[tilespmem:s0+$0x3E00] =	vst v11  }
0x13a: {  	[tilespmem:s0+$0x4000] =	vst v14  }
0x13b: {  	[tilespmem:s0+$0x6200] =	vst v13  }
0x13c: {  	v7 =	vor.u32 $0x1, v8;
	[tilespmem:s0+$0x6400] =	vst v4  }
0x13d: {  	v4 =	vor.u32 $0x1, v5;
	[tilespmem:s0+$0x2800] =	vst v7  }
0x13e: {  	[tilespmem:s0+$0x2C00] =	vst v4  }
0x13f: {  	_ =	swait.ge [sflag:s10], $0x400  }
0x140: {  	[sflag:s10] =	ssyncset.done $0x0  }
0x141: {  	[sflag:s10] =	ssyncadd.s32 $0xFFFFFC00  }
0x142: {  	_ =	swait.ge [sflag:s10], $0x400  }
0x143: {  	[sflag:s10] =	ssyncset.done $0x0  }
0x144: {  	[sflag:s10] =	ssyncadd.s32 $0xFFFFFC00  }
0x145: {  	_ =	swait.ge [sflag:s10], $0x400  }
0x146: {  	[sflag:s10] =	ssyncset.done $0x0  }
0x147: {  	[sflag:s10] =	ssyncadd.s32 $0xFFFFFC00  }
0x148: {  	_ =	swait.ge [sflag:s10], $0x400  }
0x149: {  	[sflag:s10] =	ssyncset.done $0x0  }
0x14a: {  	[sflag:s10] =	ssyncadd.s32 $0xFFFFFC00  }
0x14b: {  	_ =	swait.ge [sflag:s10], $0x400  }
0x14c: {  	[sflag:s10] =	ssyncset.done $0x0  }
0x14d: {  	[sflag:s10] =	ssyncadd.s32 $0xFFFFFC00  }
0x14e: {  	_ =	swait.ge [sflag:s10], $0x400  }
0x14f: {  	[sflag:s10] =	ssyncset.done $0x0  }
0x150: {  	[sflag:s10] =	ssyncadd.s32 $0xFFFFFC00  }
0x151: {  	_ =	swait.ge [sflag:s10], $0x400  }
0x152: {  	[sflag:s10] =	ssyncset.done $0x0  }
0x153: {  	[sflag:s10] =	ssyncadd.s32 $0xFFFFFC00  }
0x154: {  	_ =	swait.ge [sflag:s10], $0x400  }
0x155: {  	[sflag:s10] =	ssyncset.done $0x0  }
0x156: {  	s5 =	simm.s32 $0x8600;
	s31 =	simm.s32 $0x2600;
	[sflag:s10] =	ssyncadd.s32 $0xFFFFFC00  }
0x157: {  	[tilespmem:s5], [sflag:$0x2] =	stream.indirect.gather [spmem:s2], $0x1, s31, s25, $0xb8;
	[tilespmem:$0x1AE00] =	vst v63  }
0x158: {  	s5 =	simm.s32 $0x2A00;
	s31 =	simm.s32 $0x8A00  }
0x159: {  	[tilespmem:s31], [sflag:$0x2] =	stream.indirect.gather [spmem:s2], $0x1, s5, s25, $0xb8;
	[tilespmem:$0x1AE00] =	vst v63  }
0x15a: {  	s5 =	simm.s32 $0x2E00;
	s31 =	simm.s32 $0x8E00  }
0x15b: {  	[tilespmem:s31], [sflag:$0x2] =	stream.indirect.gather [spmem:s2], $0x1, s5, s25, $0xb8;
	[tilespmem:$0x1AE00] =	vst v63  }
0x15c: {  	s5 =	simm.s32 $0x3200;
	s31 =	simm.s32 $0x9200  }
0x15d: {  	[tilespmem:s31], [sflag:$0x2] =	stream.indirect.gather [spmem:s2], $0x1, s5, s25, $0xb8;
	[tilespmem:$0x1AE00] =	vst v63  }
0x15e: {  	s5 =	simm.s32 $0x3600;
	s31 =	simm.s32 $0x9600  }
0x15f: {  	[tilespmem:s31], [sflag:$0x2] =	stream.indirect.gather [spmem:s2], $0x1, s5, s25, $0xb8;
	[tilespmem:$0x1AE00] =	vst v63  }
0x160: {  	_ = 	snop  }
0x161: {  	[tilespmem:s3], [sflag:$0x2] =	stream.indirect.gather [spmem:s2], $0x1, s19, s25, $0xb8;
	[tilespmem:$0x1AE00] =	vst v63  }
0x162: {  	p0 =	seq.s32 s23, $0x0  }
0x163: {  	[tilespmem:s9], [sflag:$0x2] =	stream.indirect.gather [spmem:s2], $0x1, s1, s25, $0xb8;
	[tilespmem:$0x1AE00] =	vst v63  }
0x164: {  	s0 =	simm.s32 @!p0 $0x4  }
0x165: {  	[tilespmem:s12], [sflag:$0x2] =	stream.indirect.gather [spmem:s2], $0x1, s11, s25, $0xb8;
	[tilespmem:$0x1AE00] =	vst v63  }
0x166: {  	_ =	swait.ge @!p0 [sflag:s0], $0x400  }
0x167: {  	[sflag:s0] =	ssyncset.done @!p0 $0x0  }
0x168: {  	[sflag:s0] =	ssyncadd.s32 @!p0 $0xFFFFFC00;
	s0 =	simm.s32 $0x0  }
0x169: {  	v2 =	vld [tilespmem:s0+$0x4600]  }
0x16a: {  	v3 =	vld [tilespmem:s0+$0x6800]  }
0x16b: {  	v11 =	vld [tilespmem:s0+$0x4800]  }
0x16c: {  	v4 =	vld [tilespmem:s0+$0x6C00]  }
0x16d: {  	v12 =	vld [tilespmem:s0+$0x4A00]  }
0x16e: {  	v5 =	vld [tilespmem:s0+$0x7000]  }
0x16f: {  	v15 =	vld [tilespmem:s0+$0x4C00];
	v6 =	vmul.f32 v3, v2  }
0x170: {  	v7 =	vld [tilespmem:s0+$0x7400]  }
0x171: {  	v9 =	vld [tilespmem:s0+$0x7800];
	v8 =	vmul.f32 v4, v11;
	v6 =	vadd.f32 $0.0e+00, v6  }
0x172: {  	v3 =	vld [tilespmem:s0+$0x4E00]  }
0x173: {  	v10 =	vld [tilespmem:s0+$0x7C00];
	v6 =	vadd.f32 v8, v6;
	v8 =	vmul.f32 v5, v12  }
0x174: {  	v4 =	vld [tilespmem:s0+$0x5000]  }
0x175: {  	v13 =	vld [tilespmem:s0+$0x8000];
	v7 =	vmul.f32 v7, v15;
	v8 =	vadd.f32 v8, v6  }
0x176: {  	v5 =	vld [tilespmem:s0+$0x5200]  }
0x177: {  	v6 =	vld [tilespmem:s0+$0x5400];
	v7 =	vadd.f32 v7, v8;
	v8 =	vmul.f32 v9, v3  }
0x178: {  	v9 =	vld [tilespmem:s0+$0x8400]  }
0x179: {  	v14 =	vld [tilespmem:s0+$0x6600];
	v7 =	vadd.f32 v8, v7;
	v8 =	vmul.f32 v10, v4  }
0x17a: {  	v60 =	vld [tilespmem:s0+$0x6A00]  }
0x17b: {  	v61 =	vld [tilespmem:s0+$0x6E00];
	v10 =	vmul.f32 v13, v5;
	v7 =	vadd.f32 v8, v7  }
0x17c: {  	v62 =	vld [tilespmem:s0+$0x7200]  }
0x17d: {  	v8 =	vld [tilespmem:s0+$0x7600];
	v9 =	vmul.f32 v9, v6;
	v13 =	vadd.f32 v10, v7  }
0x17e: {  	v14 =	vmul.f32 v14, v2;
	v10 =	vld [tilespmem:s0+$0x7A00]  }
0x17f: {  	v7 =	vld [tilespmem:s0+$0x7E00];
	v63 =	vadd.f32 v9, v13  }
0x180: {  	s30 =	simm.s32 $0x10;
	v14 =	vadd.f32 $0.0e+00, v14;
	v9 =	vld [tilespmem:s0+$0x8200];
	v13 =	vmul.f32 v60, v11  }
0x181: {  	s5 =	simm.s32 $0x80;
	v2 =	vld [tilespmem:s30+$0x4600];
	v12 =	vmul.f32 v61, v12;
	v11 =	vmul.f32 v62, v15;
	[tilespmem:s0+$0xA800] =	vst v63  }
.LBB2_8:
0x182: {  	p1 =	sne.s32 s5, $0x7C0;
	v15 =	vld [tilespmem:s30+$0x6800];
	v13 =	vadd.f32 v13, v14;
	v3 =	vmul.f32 v8, v3  }
0x183: {  	v14 =	vld [tilespmem:s30+$0x4800];
	v4 =	vmul.f32 v10, v4  }
0x184: {  	v8 =	vld [tilespmem:s30+$0x6C00];
	v10 =	vadd.f32 v12, v13;
	v5 =	vmul.f32 v7, v5  }
0x185: {  	v12 =	vld [tilespmem:s30+$0x4A00];
	v6 =	vmul.f32 v9, v6  }
0x186: {  	v7 =	vld [tilespmem:s30+$0x7000];
	v9 =	vadd.f32 v11, v10  }
0x187: {  	v10 =	vmul.f32 v15, v2;
	v11 =	vld [tilespmem:s30+$0x4C00]  }
0x188: {  	v13 =	vld [tilespmem:s30+$0x7400];
	v9 =	vadd.f32 v3, v9  }
0x189: {  	v10 =	vadd.f32 $0.0e+00, v10;
	v8 =	vmul.f32 v8, v14;
	v3 =	vld [tilespmem:s30+$0x4E00]  }
0x18a: {  	v15 =	vld [tilespmem:s30+$0x7800];
	v9 =	vadd.f32 v4, v9  }
0x18b: {  	v8 =	vadd.f32 v8, v10;
	v7 =	vmul.f32 v7, v12;
	v4 =	vld [tilespmem:s30+$0x5000]  }
0x18c: {  	v10 =	vld [tilespmem:s30+$0x7C00];
	v9 =	vadd.f32 v5, v9  }
0x18d: {  	v7 =	vadd.f32 v7, v8;
	v8 =	vmul.f32 v13, v11;
	v5 =	vld [tilespmem:s30+$0x5200]  }
0x18e: {  	v13 =	vld [tilespmem:s30+$0x8000];
	v9 =	vadd.f32 v6, v9  }
0x18f: {  	v7 =	vadd.f32 v8, v7;
	v8 =	vmul.f32 v15, v3;
	v6 =	vld [tilespmem:s30+$0x5400]  }
0x190: {  	v15 =	vld [tilespmem:s30+$0x8400];
	[tilespmem:s0+$0xA600] =	vst v9;
	s0 =	smov.u32 s30  }
0x191: {  	v9 =	vld [tilespmem:s0+$0x6600];
	v7 =	vadd.f32 v8, v7;
	v8 =	vmul.f32 v10, v4  }
0x192: {  	v16 =	vld [tilespmem:s0+$0x6A00]  }
0x193: {  	v17 =	vld [tilespmem:s0+$0x6E00];
	v7 =	vadd.f32 v8, v7;
	v10 =	vmul.f32 v13, v5  }
0x194: {  	v18 =	vld [tilespmem:s0+$0x7200]  }
.Ltmp2:
0x195: {  	v8 =	vld [tilespmem:s0+$0x7600];
	v19 =	vadd.f32 v10, v7;
	v15 =	vmul.f32 v15, v6;
	(pc) =	sbr.rel @p1 .LBB2_8-.Ltmp2, $4  }
0x196: {  	v2 =	vmul.f32 v9, v2;
	v10 =	vld [tilespmem:s0+$0x7A00]  }
0x197: {  	v13 =	vmul.f32 v16, v14;
	v7 =	vld [tilespmem:s0+$0x7E00];
	v15 =	vadd.f32 v15, v19  }
0x198: {  	s30 =	sshra.s32 s5, $0x2;
	v14 =	vadd.f32 $0.0e+00, v2;
	v12 =	vmul.f32 v17, v12;
	v9 =	vld [tilespmem:s0+$0x8200]  }
0x199: {  	s5 =	sadd.s32 $0x40, s5;
	v2 =	vld [tilespmem:s30+$0x4600];
	v11 =	vmul.f32 v18, v11;
	[tilespmem:s0+$0xA800] =	vst v15  }
0x19a: {  	v15 =	vld [tilespmem:s30+$0x6800];
	v13 =	vadd.f32 v13, v14  }
0x19b: {  	v14 =	vld [tilespmem:s30+$0x4800]  }
0x19c: {  	v16 =	vld [tilespmem:s30+$0x6C00];
	v12 =	vadd.f32 v12, v13  }
0x19d: {  	v17 =	vld [tilespmem:s30+$0x7000]  }
0x19e: {  	v3 =	vmul.f32 v8, v3;
	v18 =	vld [tilespmem:s30+$0x8400];
	v8 =	vadd.f32 v11, v12  }
0x19f: {  	v4 =	vmul.f32 v10, v4;
	v10 =	vld [tilespmem:s30+$0x7800]  }
0x1a0: {  	v13 =	vld [tilespmem:s30+$0x4A00];
	v3 =	vadd.f32 v3, v8  }
0x1a1: {  	v5 =	vmul.f32 v7, v5;
	v7 =	vld [tilespmem:s30+$0x7C00]  }
0x1a2: {  	v6 =	vmul.f32 v9, v6;
	v9 =	vld [tilespmem:s30+$0x8000];
	v3 =	vadd.f32 v4, v3  }
0x1a3: {  	v11 =	vld [tilespmem:s30+$0x4C00]  }
0x1a4: {  	v12 =	vld [tilespmem:s30+$0x7400];
	v3 =	vadd.f32 v5, v3  }
0x1a5: {  	v8 =	vld [tilespmem:s30+$0x4E00]  }
0x1a6: {  	v4 =	vld [tilespmem:s30+$0x5000];
	v3 =	vadd.f32 v6, v3  }
0x1a7: {  	v5 =	vld [tilespmem:s30+$0x5200]  }
0x1a8: {  	v6 =	vld [tilespmem:s30+$0x5400];
	[tilespmem:s0+$0xA600] =	vst v3  }
0x1a9: {  	v3 =	vld [tilespmem:s30+$0x6600];
	_ =	sdelay $0x1  }
0x1aa: {  	v19 =	vld [tilespmem:s30+$0x6A00];
	_ =	sdelay $0x1  }
0x1ab: {  	v15 =	vmul.f32 v15, v2;
	v20 =	vld [tilespmem:s30+$0x6E00]  }
0x1ac: {  	v2 =	vmul.f32 v3, v2  }
0x1ad: {  	v3 =	vadd.f32 $0.0e+00, v15;
	v15 =	vmul.f32 v16, v14;
	v16 =	vld [tilespmem:s30+$0x7200]  }
0x1ae: {  	v14 =	vmul.f32 v19, v14;
	v2 =	vadd.f32 $0.0e+00, v2  }
0x1af: {  	v3 =	vadd.f32 v15, v3;
	v15 =	vmul.f32 v17, v13;
	v17 =	vld [tilespmem:s30+$0x7600]  }
0x1b0: {  	v13 =	vmul.f32 v20, v13;
	v2 =	vadd.f32 v14, v2  }
0x1b1: {  	v12 =	vmul.f32 v12, v11;
	v3 =	vadd.f32 v15, v3;
	v14 =	vld [tilespmem:s30+$0x7A00]  }
0x1b2: {  	v11 =	vmul.f32 v16, v11;
	v2 =	vadd.f32 v13, v2  }
0x1b3: {  	v10 =	vmul.f32 v10, v8;
	v3 =	vadd.f32 v12, v3;
	v12 =	vld [tilespmem:s30+$0x7E00]  }
0x1b4: {  	v8 =	vmul.f32 v17, v8;
	v2 =	vadd.f32 v11, v2  }
0x1b5: {  	v7 =	vmul.f32 v7, v4;
	v3 =	vadd.f32 v10, v3;
	v10 =	vld [tilespmem:s30+$0x8200]  }
0x1b6: {  	v4 =	vmul.f32 v14, v4;
	v2 =	vadd.f32 v8, v2  }
0x1b7: {  	v3 =	vadd.f32 v7, v3;
	v7 =	vmul.f32 v9, v5  }
0x1b8: {  	v5 =	vmul.f32 v12, v5;
	v2 =	vadd.f32 v4, v2  }
0x1b9: {  	v3 =	vadd.f32 v7, v3;
	v4 =	vmul.f32 v18, v6  }
0x1ba: {  	v6 =	vmul.f32 v10, v6;
	v2 =	vadd.f32 v5, v2  }
0x1bb: {  	v3 =	vadd.f32 v4, v3  }
0x1bc: {  	s31 =	sor.u32 s29, s21;
	v2 =	vadd.f32 v6, v2  }
0x1bd: {  	s0 =	sshrl.u32 s31, $0x3;
	[tilespmem:s30+$0xA800] =	vst v3  }
0x1be: {  	s5 =	sadd.s32 s29, s15;
	s0 =	sadd.s32 s8, s0;
	[tilespmem:s30+$0xA600] =	vst v2  }
0x1bf: {  	[hbm4b:s0+s24] =	stream.strided.scatter [tilespmem:s13], [sflag:$0x4], $0x400, s14, s24, $0x38;
	[tilespmem:$0x1AE00] =	vst v63  }
0x1c0: {  	s0 =	sshrl.u32 s5, $0x3  }
0x1c1: {  	s29 =	simm.s32 $0x0;
	s5 =	sadd.s32 s4, s0  }
0x1c2: {  	[tilespmem:s29], [sflag:$0x3] =	stream.linear.gather [hbm4b:s5+s29], $0x200, $0x38;
	[tilespmem:$0x1AE00] =	vst v63  }
0x1c3: {  	s31 =	sadd.s32 s6, s0  }
0x1c4: {  	[tilespmem:s24], [sflag:$0x3] =	stream.linear.gather [hbm4b:s31+s29], $0x200, $0x38;
	[tilespmem:$0x1AE00] =	vst v63  }
0x1c5: {  	s0 =	sadd.s32 s7, s0  }
0x1c6: {  	[tilespmem:s25], [sflag:$0x3] =	stream.linear.gather [hbm4b:s0+s29], $0x200, $0x38;
	[tilespmem:$0x1AE00] =	vst v63  }
0x1c7: {  	_ =	swait.ge [sflag:s26], $0x200  }
0x1c8: {  	[sflag:s26] =	ssyncset.done $0x0  }
0x1c9: {  	[sflag:s26] =	ssyncadd.s32 $0xFFFFFE00  }
0x1ca: {  	_ =	swait.ge [sflag:s26], $0x200  }
0x1cb: {  	[sflag:s26] =	ssyncset.done $0x0  }
0x1cc: {  	[sflag:s26] =	ssyncadd.s32 $0xFFFFFE00  }
0x1cd: {  	_ =	swait.ge [sflag:s26], $0x200  }
0x1ce: {  	[sflag:s26] =	ssyncset.done $0x0  }
0x1cf: {  	s30 =	simm.s32 $0x0;
	[sflag:s26] =	ssyncadd.s32 $0xFFFFFE00  }
0x1d0: {  	v2 =	vld [tilespmem:s30+$0x200]  }
0x1d1: {  	v3 =	vld [tilespmem:s30+$0x0]  }
0x1d2: {  	v4 =	vld [tilespmem:s30+$0x400];
	_ =	sdelay $0x2  }
0x1d3: {  	v2 =	vmul.f32 v2, v1  }
0x1d4: {  	v3 =	vmul.f32 v3, v1  }
0x1d5: {  	v4 =	vmul.f32 v4, v1;
	v5 =	vtrunc.f32 v2  }
0x1d6: {  	v6 =	vtrunc.f32 v3;
	v5 =	vcvt.f32.s32 v5  }
0x1d7: {  	v6 =	vcvt.f32.s32 v6  }
0x1d8: {  	v8 =	vtrunc.f32 v4;
	v7 =	vcvt.s32.f32 v5;
	v5 =	vmul.u32 $0x132DAF, v5  }
0x1d9: {  	v8 =	vcvt.f32.s32 v8;
	v9 =	vcvt.s32.f32 v6;
	v6 =	vmul.u32 $0x1782FF, v6  }
0x1da: {  	v2 =	vsub.f32 v2, v7;
	v7 =	vadd.s32 $0x132DAF, v5  }
0x1db: {  	v3 =	vsub.f32 v3, v9;
	v9 =	vcvt.s32.f32 v8;
	v12 =	vadd.s32 $0x1782FF, v6  }
0x1dc: {  	v8 =	vmul.u32 $0x1DDD03, v8;
	v11 =	vxor.u32 v6, v7;
	v15 =	vxor.u32 v5, v12  }
0x1dd: {  	v7 =	vxor.u32 v12, v7;
	v5 =	vxor.u32 v6, v5;
	v10 =	vsub.f32 $1.000000000e+00, v2  }
0x1de: {  	v9 =	vsub.f32 v4, v9;
	v4 =	vsub.f32 $1.000000000e+00, v3;
	v14 =	vadd.s32 $0x1DDD03, v8  }
0x1df: {  	v16 =	vxor.u32 v8, v15;
	v17 =	vxor.u32 v8, v7;
	v15 =	vxor.u32 v15, v14  }
0x1e0: {  	v7 =	vxor.u32 v14, v7;
	v13 =	vmul.f32 v10, v3;
	v6 =	vmul.f32 v10, v4  }
0x1e1: {  	v12 =	vsub.f32 $1.000000000e+00, v9;
	v4 =	vmul.f32 v2, v4;
	v2 =	vmul.f32 v2, v3  }
0x1e2: {  	v3 =	vxor.u32 v8, v11;
	v11 =	vxor.u32 v14, v11;
	v10 =	vmul.f32 v13, v9  }
0x1e3: {  	v8 =	vxor.u32 v8, v5;
	v5 =	vxor.u32 v5, v14;
	v14 =	vshll.u32 v15, $0x1  }
0x1e4: {  	s29 =	simm.s32 $0x10;
	v7 =	vshll.u32 v7, $0x1;
	v3 =	vshll.u32 v3, $0x1;
	v8 =	vshll.u32 v8, $0x1;
	[tilespmem:s30+$0x5000] =	vst v10  }
0x1e5: {  	v5 =	vshll.u32 v5, $0x1;
	v21 =	vand.u32 $0xFFFFE, v14;
	v10 =	vshll.u32 v11, $0x1;
	v15 =	vld [tilespmem:s29+$0x200]  }
0x1e6: {  	v11 =	vshll.u32 v16, $0x1;
	v16 =	vshll.u32 v17, $0x1;
	v17 =	vmul.f32 v12, v6  }
0x1e7: {  	v19 =	vand.u32 $0xFFFFE, v3;
	v3 =	vmul.f32 v12, v4;
	v6 =	vmul.f32 v6, v9;
	v18 =	vld [tilespmem:s29+$0x0]  }
0x1e8: {  	v20 =	vmul.f32 v9, v4;
	v4 =	vand.u32 $0xFFFFE, v7;
	v7 =	vmul.f32 v9, v2;
	[tilespmem:s30+$0x4600] =	vst v17  }
0x1e9: {  	v11 =	vand.u32 $0xFFFFE, v11;
	v17 =	vand.u32 $0xFFFFE, v10;
	v10 =	vmul.f32 v12, v13;
	v13 =	vld [tilespmem:s29+$0x400];
	[tilespmem:s30+$0x4800] =	vst v6  }
0x1ea: {  	v22 =	vand.u32 $0xFFFFE, v16;
	v6 =	vmul.f32 v12, v2;
	[tilespmem:s30+$0x4A00] =	vst v3;
	v12 =	vmul.f32 v15, v1  }
0x1eb: {  	v3 =	vand.u32 $0xFFFFE, v8;
	v2 =	vand.u32 $0xFFFFE, v5;
	v5 =	vor.u32 $0x1, v19;
	[tilespmem:s30+$0x4C00] =	vst v20  }
0x1ec: {  	v14 =	vor.u32 $0x1, v17;
	[tilespmem:s30+$0x4E00] =	vst v10;
	v8 =	vmul.f32 v18, v1;
	v9 =	vtrunc.f32 v12  }
0x1ed: {  	[tilespmem:s30+$0x1000] =	vst v5;
	v5 =	vor.u32 $0x1, v11;
	v10 =	vor.u32 $0x1, v21;
	v9 =	vcvt.f32.s32 v9  }
0x1ee: {  	[tilespmem:s30+$0x1400] =	vst v14;
	v14 =	vor.u32 $0x1, v22;
	v13 =	vmul.f32 v13, v1;
	v15 =	vtrunc.f32 v8  }
0x1ef: {  	[tilespmem:s30+$0x1C00] =	vst v10;
	v10 =	vor.u32 $0x1, v4;
	v15 =	vcvt.f32.s32 v15;
	v16 =	vcvt.s32.f32 v9  }
0x1f0: {  	[tilespmem:s30+$0x1800] =	vst v5;
	v18 =	vor.u32 $0x1, v3;
	v5 =	vtrunc.f32 v13;
	v9 =	vmul.u32 $0x132DAF, v9  }
0x1f1: {  	[tilespmem:s30+$0x5400] =	vst v7;
	v5 =	vcvt.f32.s32 v5;
	v20 =	vcvt.s32.f32 v15;
	v12 =	vsub.f32 v12, v16  }
0x1f2: {  	[tilespmem:s30+$0x2000] =	vst v14;
	v14 =	vmul.u32 $0x1782FF, v15;
	v15 =	vadd.s32 $0x132DAF, v9;
	v16 =	vor.u32 $0x1, v2  }
0x1f3: {  	[tilespmem:s30+$0x5200] =	vst v6;
	v6 =	vsub.f32 v8, v20;
	v8 =	vcvt.s32.f32 v5;
	v20 =	vsub.f32 $1.000000000e+00, v12  }
0x1f4: {  	[tilespmem:s30+$0x2400] =	vst v10;
	v23 =	vmul.u32 $0x1DDD03, v5;
	v10 =	vadd.s32 $0x1782FF, v14;
	v24 =	vxor.u32 v14, v15  }
0x1f5: {  	[tilespmem:s30+$0x800] =	vst v18;
	v18 =	vxor.u32 v9, v10;
	v5 =	vsub.f32 v13, v8;
	v7 =	vmul.f32 v20, v6  }
0x1f6: {  	[tilespmem:s30+$0xE00] =	vst v19;
	v26 =	vxor.u32 v10, v15;
	v14 =	vxor.u32 v14, v9;
	v13 =	vsub.f32 $1.000000000e+00, v6  }
0x1f7: {  	[tilespmem:s30+$0x1200] =	vst v17;
	v25 =	vadd.s32 $0x1DDD03, v23;
	v19 =	vxor.u32 v23, v18;
	v15 =	vmul.f32 v7, v5  }
0x1f8: {  	[tilespmem:s30+$0xC00] =	vst v16;
	v16 =	vxor.u32 v25, v26;
	v17 =	vxor.u32 v14, v25;
	v10 =	vmul.f32 v20, v13  }
0x1f9: {  	v8 =	vsub.f32 $1.000000000e+00, v5;
	v9 =	vmul.f32 v12, v13;
	v6 =	vmul.f32 v12, v6;
	[tilespmem:s29+$0x5000] =	vst v15  }
0x1fa: {  	v12 =	vxor.u32 v23, v24;
	v13 =	vxor.u32 v25, v24;
	v20 =	vxor.u32 v18, v25;
	[tilespmem:s30+$0x1600] =	vst v11  }
0x1fb: {  	v18 =	vxor.u32 v23, v14;
	v14 =	vshll.u32 v12, $0x1;
	v13 =	vshll.u32 v13, $0x1;
	[tilespmem:s30+$0x1A00] =	vst v21  }
0x1fc: {  	s5 =	simm.s32 $0xC0;
	s0 =	simm.s32 $0x20;
	v12 =	vshll.u32 v19, $0x1;
	v15 =	vxor.u32 v23, v26;
	v11 =	vshll.u32 v20, $0x1;
	[tilespmem:s30+$0x1E00] =	vst v22  }
.LBB2_10:
0x1fd: {  	p1 =	sne.s32 s5, $0x7C0;
	v19 =	vld [tilespmem:s0+$0x200];
	v18 =	vshll.u32 v18, $0x1;
	v15 =	vshll.u32 v15, $0x1;
	v16 =	vshll.u32 v16, $0x1;
	[tilespmem:s30+$0x2200] =	vst v4  }
0x1fe: {  	v4 =	vmul.f32 v8, v10;
	v17 =	vshll.u32 v17, $0x1;
	v10 =	vmul.f32 v10, v5;
	[tilespmem:s30+$0x600] =	vst v3  }
0x1ff: {  	v14 =	vand.u32 $0xFFFFE, v14;
	v3 =	vmul.f32 v8, v9;
	v9 =	vmul.f32 v5, v9;
	v20 =	vld [tilespmem:s0+$0x0];
	[tilespmem:s30+$0xA00] =	vst v2;
	s30 =	smov.u32 s29;
	s29 =	smov.u32 s0  }
0x200: {  	v13 =	vand.u32 $0xFFFFE, v13;
	v12 =	vand.u32 $0xFFFFE, v12;
	v7 =	vmul.f32 v8, v7;
	[tilespmem:s30+$0x4600] =	vst v4  }
0x201: {  	v11 =	vand.u32 $0xFFFFE, v11;
	v22 =	vand.u32 $0xFFFFE, v15;
	v8 =	vmul.f32 v8, v6;
	v21 =	vld [tilespmem:s29+$0x400];
	[tilespmem:s30+$0x4800] =	vst v10  }
0x202: {  	v5 =	vmul.f32 v5, v6;
	v4 =	vand.u32 $0xFFFFE, v16;
	v10 =	vmul.f32 v19, v1;
	[tilespmem:s30+$0x4A00] =	vst v3  }
0x203: {  	v6 =	vor.u32 $0x1, v14;
	v2 =	vand.u32 $0xFFFFE, v17;
	v3 =	vand.u32 $0xFFFFE, v18;
	[tilespmem:s30+$0x4C00] =	vst v9  }
0x204: {  	v16 =	vor.u32 $0x1, v13;
	v9 =	vmul.f32 v20, v1;
	v15 =	vtrunc.f32 v10;
	[tilespmem:s30+$0x4E00] =	vst v7  }
0x205: {  	v7 =	vcvt.f32.s32 v15;
	[tilespmem:s30+$0x1000] =	vst v6;
	v6 =	vor.u32 $0x1, v12;
	v15 =	vor.u32 $0x1, v11  }
0x206: {  	v17 =	vmul.f32 v21, v1;
	v18 =	vtrunc.f32 v9;
	[tilespmem:s30+$0x1400] =	vst v16;
	v16 =	vor.u32 $0x1, v22  }
0x207: {  	v18 =	vcvt.f32.s32 v18;
	v19 =	vcvt.s32.f32 v7;
	v20 =	vmul.u32 $0x132DAF, v7;
	[tilespmem:s30+$0x1800] =	vst v6  }
0x208: {  	v21 =	vor.u32 $0x1, v3;
	v7 =	vor.u32 $0x1, v4;
	v6 =	vtrunc.f32 v17;
	[tilespmem:s30+$0x1C00] =	vst v15  }
0x209: {  	v6 =	vcvt.f32.s32 v6;
	v15 =	vcvt.s32.f32 v18;
	v19 =	vsub.f32 v10, v19;
	[tilespmem:s30+$0x2000] =	vst v16  }
0x20a: {  	v10 =	vmul.u32 $0x1782FF, v18;
	v16 =	vadd.s32 $0x132DAF, v20;
	v18 =	vor.u32 $0x1, v2;
	[tilespmem:s30+$0x5200] =	vst v8  }
0x20b: {  	v15 =	vsub.f32 v9, v15;
	v8 =	vcvt.s32.f32 v6;
	v9 =	vsub.f32 $1.000000000e+00, v19;
	[tilespmem:s30+$0x2400] =	vst v7  }
0x20c: {  	v23 =	vmul.u32 $0x1DDD03, v6;
	v24 =	vxor.u32 v10, v16;
	v6 =	vadd.s32 $0x1782FF, v10;
	[tilespmem:s30+$0x5400] =	vst v5  }
0x20d: {  	v5 =	vsub.f32 v17, v8;
	v17 =	vsub.f32 $1.000000000e+00, v15;
	v7 =	vmul.f32 v9, v15;
	[tilespmem:s30+$0x800] =	vst v21  }
0x20e: {  	v25 =	vxor.u32 v20, v6;
	v16 =	vxor.u32 v6, v16;
	v21 =	vadd.s32 $0x1DDD03, v23;
	[tilespmem:s30+$0xC00] =	vst v18  }
0x20f: {  	v20 =	vxor.u32 v10, v20;
	v10 =	vmul.f32 v9, v17;
	v18 =	vmul.f32 v7, v5;
	[tilespmem:s30+$0xE00] =	vst v14  }
.Ltmp3:
0x210: {  	v6 =	vmul.f32 v19, v15;
	v8 =	vsub.f32 $1.000000000e+00, v5;
	v9 =	vmul.f32 v19, v17;
	[tilespmem:s30+$0x1200] =	vst v13;
	(pc) =	sbr.rel @p1 .LBB2_10-.Ltmp3, $4  }
0x211: {  	v19 =	vxor.u32 v21, v24;
	v13 =	vxor.u32 v23, v24;
	v24 =	vxor.u32 v23, v25;
	[tilespmem:s29+$0x5000] =	vst v18  }
0x212: {  	v15 =	vxor.u32 v23, v16;
	v16 =	vxor.u32 v21, v16;
	v25 =	vxor.u32 v25, v21;
	[tilespmem:s30+$0x1600] =	vst v12  }
0x213: {  	v17 =	vxor.u32 v20, v21;
	v18 =	vxor.u32 v23, v20;
	v14 =	vshll.u32 v13, $0x1;
	[tilespmem:s30+$0x1A00] =	vst v11  }
0x214: {  	s0 =	sshra.s32 s5, $0x2;
	s5 =	sadd.s32 $0x40, s5;
	v13 =	vshll.u32 v19, $0x1;
	v12 =	vshll.u32 v24, $0x1;
	v11 =	vshll.u32 v25, $0x1;
	[tilespmem:s30+$0x1E00] =	vst v22  }
0x215: {  	v19 =	vld [tilespmem:s0+$0x200];
	[tilespmem:s30+$0x2200] =	vst v4  }
0x216: {  	[tilespmem:s30+$0x600] =	vst v3;
	v3 =	vmul.f32 v8, v10  }
0x217: {  	v10 =	vmul.f32 v10, v5;
	v4 =	vld [tilespmem:s0+$0x0];
	[tilespmem:s30+$0xA00] =	vst v2  }
0x218: {  	v50 =	vmul.f32 v8, v9;
	v14 =	vand.u32 $0xFFFFE, v14;
	[tilespmem:s29+$0x4600] =	vst v3  }
0x219: {  	v9 =	vmul.f32 v5, v9;
	v7 =	vmul.f32 v8, v7;
	v12 =	vand.u32 $0xFFFFE, v12;
	v51 =	vld [tilespmem:s0+$0x400];
	[tilespmem:s29+$0x4800] =	vst v10  }
0x21a: {  	v11 =	vand.u32 $0xFFFFE, v11;
	v10 =	vand.u32 $0xFFFFE, v13;
	[tilespmem:s29+$0x4A00] =	vst v50;
	v13 =	vmul.f32 v19, v1  }
0x21b: {  	v5 =	vmul.f32 v5, v6;
	v2 =	vshll.u32 v18, $0x1;
	v3 =	vshll.u32 v15, $0x1;
	[tilespmem:s29+$0x4C00] =	vst v9  }
0x21c: {  	v15 =	vshll.u32 v16, $0x1;
	[tilespmem:s29+$0x4E00] =	vst v7;
	v4 =	vmul.f32 v4, v1;
	v52 =	vtrunc.f32 v13  }
0x21d: {  	v9 =	vor.u32 $0x1, v14;
	v7 =	vmul.f32 v8, v6;
	[tilespmem:s29+$0x5400] =	vst v5;
	v16 =	vcvt.f32.s32 v52  }
0x21e: {  	v8 =	vor.u32 $0x1, v10;
	[tilespmem:s29+$0x1000] =	vst v9;
	v18 =	vmul.f32 v51, v1;
	v53 =	vtrunc.f32 v4  }
0x21f: {  	v9 =	vor.u32 $0x1, v12;
	[tilespmem:s29+$0x1400] =	vst v8;
	v19 =	vcvt.f32.s32 v53;
	v20 =	vcvt.s32.f32 v16  }
0x220: {  	v3 =	vand.u32 $0xFFFFE, v3;
	v8 =	vor.u32 $0x1, v11;
	[tilespmem:s29+$0x1800] =	vst v9;
	v21 =	vtrunc.f32 v18  }
0x221: {  	[tilespmem:s29+$0x1C00] =	vst v8;
	v8 =	vcvt.f32.s32 v21;
	v54 =	vcvt.s32.f32 v19;
	v13 =	vsub.f32 v13, v20  }
0x222: {  	v2 =	vand.u32 $0xFFFFE, v2;
	v9 =	vand.u32 $0xFFFFE, v15;
	v15 =	vor.u32 $0x1, v3;
	[tilespmem:s29+$0x5200] =	vst v7  }
0x223: {  	[tilespmem:s29+$0x2000] =	vst v15;
	v4 =	vsub.f32 v4, v54;
	v7 =	vcvt.s32.f32 v8;
	v15 =	vsub.f32 $1.000000000e+00, v13  }
0x224: {  	v17 =	vshll.u32 v17, $0x1;
	v55 =	vor.u32 $0x1, v2;
	[tilespmem:s29+$0xE00] =	vst v14;
	v6 =	vor.u32 $0x1, v9  }
0x225: {  	[tilespmem:s29+$0x2400] =	vst v6;
	v6 =	vand.u32 $0xFFFFE, v17;
	v7 =	vsub.f32 v18, v7;
	v56 =	vmul.f32 v15, v4  }
0x226: {  	[tilespmem:s29+$0x800] =	vst v55;
	v5 =	vor.u32 $0x1, v6  }
0x227: {  	[tilespmem:s29+$0xC00] =	vst v5;
	v5 =	vmul.f32 v56, v7  }
0x228: {  	[tilespmem:s29+$0x1200] =	vst v10  }
0x229: {  	v10 =	vsub.f32 $1.000000000e+00, v4;
	[tilespmem:s0+$0x5000] =	vst v5  }
0x22a: {  	[tilespmem:s29+$0x1600] =	vst v12  }
0x22b: {  	v14 =	vmul.f32 v15, v10;
	[tilespmem:s29+$0x1A00] =	vst v11  }
0x22c: {  	v15 =	vsub.f32 $1.000000000e+00, v7;
	v5 =	vmul.u32 $0x132DAF, v16;
	v12 =	vmul.u32 $0x1782FF, v19;
	[tilespmem:s29+$0x1E00] =	vst v3  }
0x22d: {  	v8 =	vmul.u32 $0x1DDD03, v8;
	v10 =	vmul.f32 v13, v10;
	[tilespmem:s29+$0x2200] =	vst v9  }
0x22e: {  	v59 =	vmul.f32 v15, v14;
	[tilespmem:s29+$0x600] =	vst v2;
	v11 =	vadd.s32 $0x132DAF, v5;
	v57 =	vadd.s32 $0x1782FF, v12  }
0x22f: {  	[tilespmem:s29+$0xA00] =	vst v6;
	v3 =	vxor.u32 v12, v11;
	v2 =	vxor.u32 v57, v11;
	v11 =	vmul.f32 v14, v7  }
0x230: {  	[tilespmem:s0+$0x4600] =	vst v59;
	v9 =	vxor.u32 v5, v57;
	v5 =	vxor.u32 v12, v5;
	v12 =	vmul.f32 v15, v10  }
0x231: {  	v58 =	vadd.s32 $0x1DDD03, v8;
	v6 =	vxor.u32 v8, v3;
	v10 =	vmul.f32 v7, v10;
	[tilespmem:s0+$0x4800] =	vst v11  }
0x232: {  	v3 =	vxor.u32 v58, v3;
	v6 =	vshll.u32 v6, $0x1;
	[tilespmem:s0+$0x4A00] =	vst v12  }
0x233: {  	v3 =	vshll.u32 v3, $0x1;
	v6 =	vand.u32 $0xFFFFE, v6;
	[tilespmem:s0+$0x4C00] =	vst v10  }
0x234: {  	v11 =	vmul.f32 v15, v56;
	v3 =	vand.u32 $0xFFFFE, v3;
	[tilespmem:s0+$0xE00] =	vst v6  }
0x235: {  	v4 =	vmul.f32 v13, v4;
	v13 =	vxor.u32 v8, v9;
	[tilespmem:s0+$0x1200] =	vst v3  }
0x236: {  	v9 =	vxor.u32 v9, v58;
	v10 =	vshll.u32 v13, $0x1;
	v13 =	vor.u32 $0x1, v6;
	[tilespmem:s0+$0x4E00] =	vst v11  }
0x237: {  	v9 =	vshll.u32 v9, $0x1;
	v10 =	vand.u32 $0xFFFFE, v10;
	[tilespmem:s0+$0x1000] =	vst v13  }
0x238: {  	v9 =	vand.u32 $0xFFFFE, v9;
	[tilespmem:s0+$0x1600] =	vst v10  }
0x239: {  	v12 =	vxor.u32 v8, v2;
	v2 =	vxor.u32 v58, v2;
	v11 =	vor.u32 $0x1, v3;
	[tilespmem:s0+$0x1A00] =	vst v9  }
0x23a: {  	v8 =	vxor.u32 v8, v5;
	v2 =	vshll.u32 v2, $0x1;
	v13 =	vor.u32 $0x1, v10;
	[tilespmem:s0+$0x1400] =	vst v11  }
0x23b: {  	v5 =	vxor.u32 v5, v58;
	v8 =	vshll.u32 v8, $0x1;
	v2 =	vand.u32 $0xFFFFE, v2;
	[tilespmem:s0+$0x1800] =	vst v13  }
0x23c: {  	v5 =	vshll.u32 v5, $0x1;
	v8 =	vand.u32 $0xFFFFE, v8;
	[tilespmem:s0+$0x2200] =	vst v2  }
0x23d: {  	v12 =	vshll.u32 v12, $0x1;
	v5 =	vand.u32 $0xFFFFE, v5;
	[tilespmem:s0+$0x600] =	vst v8  }
0x23e: {  	v11 =	vand.u32 $0xFFFFE, v12;
	v12 =	vor.u32 $0x1, v9;
	[tilespmem:s0+$0xA00] =	vst v5  }
0x23f: {  	v13 =	vmul.f32 v15, v4;
	v4 =	vmul.f32 v7, v4;
	v7 =	vor.u32 $0x1, v2;
	[tilespmem:s0+$0x1C00] =	vst v12  }
0x240: {  	[tilespmem:s0+$0x2400] =	vst v7  }
0x241: {  	v14 =	vor.u32 $0x1, v11;
	[tilespmem:s0+$0x1E00] =	vst v11  }
0x242: {  	[tilespmem:s0+$0x2000] =	vst v14  }
0x243: {  	[tilespmem:s0+$0x5200] =	vst v13  }
0x244: {  	v7 =	vor.u32 $0x1, v8;
	[tilespmem:s0+$0x5400] =	vst v4  }
0x245: {  	v4 =	vor.u32 $0x1, v5;
	[tilespmem:s0+$0x800] =	vst v7  }
0x246: {  	[tilespmem:s0+$0xC00] =	vst v4  }
0x247: {  	_ =	swait.ge [sflag:s16], $0x400  }
0x248: {  	[sflag:s16] =	ssyncset.done $0x0  }
0x249: {  	[sflag:s16] =	ssyncadd.s32 $0xFFFFFC00  }
0x24a: {  	_ =	swait.ge [sflag:s16], $0x400  }
0x24b: {  	[sflag:s16] =	ssyncset.done $0x0  }
0x24c: {  	[sflag:s16] =	ssyncadd.s32 $0xFFFFFC00  }
0x24d: {  	_ =	swait.ge [sflag:s16], $0x400  }
0x24e: {  	[sflag:s16] =	ssyncset.done $0x0  }
0x24f: {  	[sflag:s16] =	ssyncadd.s32 $0xFFFFFC00  }
0x250: {  	_ =	swait.ge [sflag:s16], $0x400  }
0x251: {  	[sflag:s16] =	ssyncset.done $0x0  }
0x252: {  	[sflag:s16] =	ssyncadd.s32 $0xFFFFFC00  }
0x253: {  	_ =	swait.ge [sflag:s16], $0x400  }
0x254: {  	[sflag:s16] =	ssyncset.done $0x0  }
0x255: {  	[sflag:s16] =	ssyncadd.s32 $0xFFFFFC00  }
0x256: {  	_ =	swait.ge [sflag:s16], $0x400  }
0x257: {  	[sflag:s16] =	ssyncset.done $0x0  }
0x258: {  	[sflag:s16] =	ssyncadd.s32 $0xFFFFFC00  }
0x259: {  	_ =	swait.ge [sflag:s16], $0x400  }
0x25a: {  	[sflag:s16] =	ssyncset.done $0x0  }
0x25b: {  	[sflag:s16] =	ssyncadd.s32 $0xFFFFFC00  }
0x25c: {  	_ =	swait.ge [sflag:s16], $0x400  }
0x25d: {  	[sflag:s16] =	ssyncset.done $0x0  }
0x25e: {  	s31 =	simm.s32 $0x600;
	s5 =	simm.s32 $0x6600;
	[sflag:s16] =	ssyncadd.s32 $0xFFFFFC00  }
0x25f: {  	[tilespmem:s5], [sflag:$0x1] =	stream.indirect.gather [spmem:s2], $0x1, s31, s25, $0xb8;
	[tilespmem:$0x1AE00] =	vst v63  }
0x260: {  	s30 =	simm.s32 $0xA00;
	s31 =	simm.s32 $0x6A00  }
0x261: {  	[tilespmem:s31], [sflag:$0x1] =	stream.indirect.gather [spmem:s2], $0x1, s30, s25, $0xb8;
	[tilespmem:$0x1AE00] =	vst v63  }
0x262: {  	s30 =	simm.s32 $0xE00;
	s31 =	simm.s32 $0x6E00  }
0x263: {  	[tilespmem:s31], [sflag:$0x1] =	stream.indirect.gather [spmem:s2], $0x1, s30, s25, $0xb8;
	[tilespmem:$0x1AE00] =	vst v63  }
0x264: {  	s30 =	simm.s32 $0x1200;
	s31 =	simm.s32 $0x7200  }
0x265: {  	[tilespmem:s31], [sflag:$0x1] =	stream.indirect.gather [spmem:s2], $0x1, s30, s25, $0xb8;
	[tilespmem:$0x1AE00] =	vst v63  }
0x266: {  	s30 =	simm.s32 $0x1600;
	s31 =	simm.s32 $0x7600  }
0x267: {  	[tilespmem:s31], [sflag:$0x1] =	stream.indirect.gather [spmem:s2], $0x1, s30, s25, $0xb8;
	[tilespmem:$0x1AE00] =	vst v63  }
0x268: {  	s30 =	simm.s32 $0x1A00;
	s31 =	simm.s32 $0x7A00  }
0x269: {  	[tilespmem:s31], [sflag:$0x1] =	stream.indirect.gather [spmem:s2], $0x1, s30, s25, $0xb8;
	[tilespmem:$0x1AE00] =	vst v63  }
0x26a: {  	s30 =	simm.s32 $0x1E00;
	s31 =	simm.s32 $0x7E00  }
0x26b: {  	[tilespmem:s31], [sflag:$0x1] =	stream.indirect.gather [spmem:s2], $0x1, s30, s25, $0xb8;
	[tilespmem:$0x1AE00] =	vst v63  }
0x26c: {  	s0 =	simm.s32 @!p0 $0x5;
	s30 =	simm.s32 $0x2200;
	s31 =	simm.s32 $0x8200  }
0x26d: {  	[tilespmem:s31], [sflag:$0x1] =	stream.indirect.gather [spmem:s2], $0x1, s30, s25, $0xb8;
	[tilespmem:$0x1AE00] =	vst v63  }
0x26e: {  	_ =	swait.ge @!p0 [sflag:s0], $0x400  }
0x26f: {  	[sflag:s0] =	ssyncset.done @!p0 $0x0  }
0x270: {  	[sflag:s0] =	ssyncadd.s32 @!p0 $0xFFFFFC00;
	s0 =	simm.s32 $0x0  }
0x271: {  	v2 =	vld [tilespmem:s0+$0x5600]  }
0x272: {  	v3 =	vld [tilespmem:s0+$0x8800]  }
0x273: {  	v11 =	vld [tilespmem:s0+$0x5800]  }
0x274: {  	v4 =	vld [tilespmem:s0+$0x8C00]  }
0x275: {  	v12 =	vld [tilespmem:s0+$0x5A00]  }
0x276: {  	v5 =	vld [tilespmem:s0+$0x9000]  }
0x277: {  	v15 =	vld [tilespmem:s0+$0x5C00];
	v6 =	vmul.f32 v3, v2  }
0x278: {  	v7 =	vld [tilespmem:s0+$0x9400]  }
0x279: {  	v9 =	vld [tilespmem:s0+$0x9800];
	v8 =	vmul.f32 v4, v11;
	v6 =	vadd.f32 $0.0e+00, v6  }
0x27a: {  	v3 =	vld [tilespmem:s0+$0x5E00]  }
0x27b: {  	v10 =	vld [tilespmem:s0+$0x9C00];
	v6 =	vadd.f32 v8, v6;
	v8 =	vmul.f32 v5, v12  }
0x27c: {  	v4 =	vld [tilespmem:s0+$0x6000]  }
0x27d: {  	v13 =	vld [tilespmem:s0+$0xA000];
	v7 =	vmul.f32 v7, v15;
	v8 =	vadd.f32 v8, v6  }
0x27e: {  	v5 =	vld [tilespmem:s0+$0x6200]  }
0x27f: {  	v6 =	vld [tilespmem:s0+$0x6400];
	v7 =	vadd.f32 v7, v8;
	v8 =	vmul.f32 v9, v3  }
0x280: {  	v9 =	vld [tilespmem:s0+$0xA400]  }
0x281: {  	v14 =	vld [tilespmem:s0+$0x8600];
	v7 =	vadd.f32 v8, v7;
	v8 =	vmul.f32 v10, v4  }
0x282: {  	v60 =	vld [tilespmem:s0+$0x8A00]  }
0x283: {  	v61 =	vld [tilespmem:s0+$0x8E00];
	v10 =	vmul.f32 v13, v5;
	v7 =	vadd.f32 v8, v7  }
0x284: {  	v62 =	vld [tilespmem:s0+$0x9200]  }
0x285: {  	v8 =	vld [tilespmem:s0+$0x9600];
	v9 =	vmul.f32 v9, v6;
	v13 =	vadd.f32 v10, v7  }
0x286: {  	v14 =	vmul.f32 v14, v2;
	v10 =	vld [tilespmem:s0+$0x9A00]  }
0x287: {  	v7 =	vld [tilespmem:s0+$0x9E00];
	v63 =	vadd.f32 v9, v13  }
0x288: {  	s29 =	simm.s32 $0x10;
	v14 =	vadd.f32 $0.0e+00, v14;
	v9 =	vld [tilespmem:s0+$0xA200];
	v13 =	vmul.f32 v60, v11  }
0x289: {  	s5 =	simm.s32 $0x80;
	v2 =	vld [tilespmem:s29+$0x5600];
	v12 =	vmul.f32 v61, v12;
	v11 =	vmul.f32 v62, v15;
	[tilespmem:s0+$0xAC00] =	vst v63  }
.LBB2_12:
0x28a: {  	p0 =	sne.s32 s5, $0x7C0;
	v15 =	vld [tilespmem:s29+$0x8800];
	v13 =	vadd.f32 v13, v14;
	v3 =	vmul.f32 v8, v3  }
0x28b: {  	v14 =	vld [tilespmem:s29+$0x5800];
	v4 =	vmul.f32 v10, v4  }
0x28c: {  	v8 =	vld [tilespmem:s29+$0x8C00];
	v10 =	vadd.f32 v12, v13;
	v5 =	vmul.f32 v7, v5  }
0x28d: {  	v12 =	vld [tilespmem:s29+$0x5A00];
	v6 =	vmul.f32 v9, v6  }
0x28e: {  	v7 =	vld [tilespmem:s29+$0x9000];
	v9 =	vadd.f32 v11, v10  }
0x28f: {  	v10 =	vmul.f32 v15, v2;
	v11 =	vld [tilespmem:s29+$0x5C00]  }
0x290: {  	v13 =	vld [tilespmem:s29+$0x9400];
	v9 =	vadd.f32 v3, v9  }
0x291: {  	v10 =	vadd.f32 $0.0e+00, v10;
	v8 =	vmul.f32 v8, v14;
	v3 =	vld [tilespmem:s29+$0x5E00]  }
0x292: {  	v15 =	vld [tilespmem:s29+$0x9800];
	v9 =	vadd.f32 v4, v9  }
0x293: {  	v8 =	vadd.f32 v8, v10;
	v7 =	vmul.f32 v7, v12;
	v4 =	vld [tilespmem:s29+$0x6000]  }
0x294: {  	v10 =	vld [tilespmem:s29+$0x9C00];
	v9 =	vadd.f32 v5, v9  }
0x295: {  	v7 =	vadd.f32 v7, v8;
	v8 =	vmul.f32 v13, v11;
	v5 =	vld [tilespmem:s29+$0x6200]  }
0x296: {  	v13 =	vld [tilespmem:s29+$0xA000];
	v9 =	vadd.f32 v6, v9  }
0x297: {  	v7 =	vadd.f32 v8, v7;
	v8 =	vmul.f32 v15, v3;
	v6 =	vld [tilespmem:s29+$0x6400]  }
0x298: {  	v15 =	vld [tilespmem:s29+$0xA400];
	[tilespmem:s0+$0xAA00] =	vst v9;
	s0 =	smov.u32 s29  }
0x299: {  	v9 =	vld [tilespmem:s0+$0x8600];
	v7 =	vadd.f32 v8, v7;
	v8 =	vmul.f32 v10, v4  }
0x29a: {  	v16 =	vld [tilespmem:s0+$0x8A00]  }
0x29b: {  	v17 =	vld [tilespmem:s0+$0x8E00];
	v7 =	vadd.f32 v8, v7;
	v10 =	vmul.f32 v13, v5  }
0x29c: {  	v18 =	vld [tilespmem:s0+$0x9200]  }
.Ltmp4:
0x29d: {  	v8 =	vld [tilespmem:s0+$0x9600];
	v19 =	vadd.f32 v10, v7;
	v15 =	vmul.f32 v15, v6;
	(pc) =	sbr.rel @p0 .LBB2_12-.Ltmp4, $4  }
0x29e: {  	v2 =	vmul.f32 v9, v2;
	v10 =	vld [tilespmem:s0+$0x9A00]  }
0x29f: {  	v13 =	vmul.f32 v16, v14;
	v7 =	vld [tilespmem:s0+$0x9E00];
	v15 =	vadd.f32 v15, v19  }
0x2a0: {  	s29 =	sshra.s32 s5, $0x2;
	v14 =	vadd.f32 $0.0e+00, v2;
	v12 =	vmul.f32 v17, v12;
	v9 =	vld [tilespmem:s0+$0xA200]  }
0x2a1: {  	s5 =	sadd.s32 $0x40, s5;
	v2 =	vld [tilespmem:s29+$0x5600];
	v11 =	vmul.f32 v18, v11;
	[tilespmem:s0+$0xAC00] =	vst v15  }
0x2a2: {  	v15 =	vld [tilespmem:s29+$0x8800];
	v13 =	vadd.f32 v13, v14  }
0x2a3: {  	v43 =	vld [tilespmem:s29+$0x5800]  }
0x2a4: {  	v16 =	vld [tilespmem:s29+$0x8C00];
	v12 =	vadd.f32 v12, v13  }
0x2a5: {  	v44 =	vld [tilespmem:s29+$0x5A00]  }
0x2a6: {  	v17 =	vld [tilespmem:s29+$0x9000];
	v3 =	vmul.f32 v8, v3;
	v45 =	vadd.f32 v11, v12  }
0x2a7: {  	v46 =	vld [tilespmem:s29+$0x5C00]  }
0x2a8: {  	v47 =	vld [tilespmem:s29+$0x9400];
	v4 =	vmul.f32 v10, v4;
	v3 =	vadd.f32 v3, v45  }
0x2a9: {  	v48 =	vld [tilespmem:s29+$0x5E00]  }
0x2aa: {  	v49 =	vld [tilespmem:s29+$0x9800];
	v5 =	vmul.f32 v7, v5;
	v3 =	vadd.f32 v4, v3  }
0x2ab: {  	v50 =	vld [tilespmem:s29+$0x6000]  }
0x2ac: {  	v51 =	vld [tilespmem:s29+$0x9C00];
	v6 =	vmul.f32 v9, v6;
	v3 =	vadd.f32 v5, v3  }
0x2ad: {  	v52 =	vld [tilespmem:s29+$0x6200]  }
0x2ae: {  	v53 =	vld [tilespmem:s29+$0xA000];
	v3 =	vadd.f32 v6, v3  }
0x2af: {  	v54 =	vld [tilespmem:s29+$0x6400]  }
0x2b0: {  	v18 =	vld [tilespmem:s29+$0xA400];
	[tilespmem:s0+$0xAA00] =	vst v3  }
0x2b1: {  	v3 =	vld [tilespmem:s29+$0x8600];
	_ =	sdelay $0x1  }
0x2b2: {  	v19 =	vld [tilespmem:s29+$0x8A00];
	_ =	sdelay $0x1  }
0x2b3: {  	v15 =	vmul.f32 v15, v2;
	v20 =	vld [tilespmem:s29+$0x8E00]  }
0x2b4: {  	v2 =	vmul.f32 v3, v2  }
0x2b5: {  	v55 =	vmul.f32 v16, v43;
	v56 =	vld [tilespmem:s29+$0x9200];
	v3 =	vadd.f32 $0.0e+00, v15  }
0x2b6: {  	v14 =	vmul.f32 v19, v43;
	v2 =	vadd.f32 $0.0e+00, v2  }
0x2b7: {  	v57 =	vmul.f32 v17, v44;
	v58 =	vld [tilespmem:s29+$0x9600];
	v3 =	vadd.f32 v55, v3  }
0x2b8: {  	v13 =	vmul.f32 v20, v44;
	v2 =	vadd.f32 v14, v2  }
0x2b9: {  	v12 =	vmul.f32 v47, v46;
	v59 =	vld [tilespmem:s29+$0x9A00];
	v3 =	vadd.f32 v57, v3  }
0x2ba: {  	v11 =	vmul.f32 v56, v46;
	v2 =	vadd.f32 v13, v2  }
0x2bb: {  	v10 =	vmul.f32 v49, v48;
	v60 =	vld [tilespmem:s29+$0x9E00];
	v3 =	vadd.f32 v12, v3  }
0x2bc: {  	v8 =	vmul.f32 v58, v48;
	v2 =	vadd.f32 v11, v2  }
0x2bd: {  	v7 =	vmul.f32 v51, v50;
	v61 =	vld [tilespmem:s29+$0xA200];
	v3 =	vadd.f32 v10, v3  }
0x2be: {  	v4 =	vmul.f32 v59, v50;
	v2 =	vadd.f32 v8, v2  }
0x2bf: {  	v62 =	vmul.f32 v53, v52;
	v3 =	vadd.f32 v7, v3  }
0x2c0: {  	v5 =	vmul.f32 v60, v52;
	v2 =	vadd.f32 v4, v2  }
0x2c1: {  	s23 =	sadd.s32 $0x1, s23;
	v63 =	vmul.f32 v18, v54;
	v3 =	vadd.f32 v62, v3  }
0x2c2: {  	p0 =	sne.s32 s23, $0xF;
	v6 =	vmul.f32 v61, v54;
	v2 =	vadd.f32 v5, v2  }
.Ltmp5:
0x2c3: {  	v3 =	vadd.f32 v63, v3;
	(pc) =	sbr.rel @p0 .LBB2_5-.Ltmp5, $4  }
0x2c4: {  	s31 =	sor.u32 s18, s28;
	v2 =	vadd.f32 v6, v2  }
0x2c5: {  	s0 =	sshrl.u32 s31, $0x3;
	[tilespmem:s29+$0xAC00] =	vst v3  }
0x2c6: {  	s0 =	sadd.s32 s8, s0;
	[tilespmem:s29+$0xAA00] =	vst v2  }
0x2c7: {  	[hbm4b:s0+s24] =	stream.strided.scatter [tilespmem:s17], [sflag:$0x5], $0x400, s14, s24, $0x38;
	[tilespmem:$0x1AE00] =	vst v63  }
0x2c8: {  	s0 =	simm.s32 $0x0;
	s5 =	rddreg [dreg:$0xb]  }
0x2c9: {  	[tilespmem:s0], [sflag:$0x3] =	stream.linear.gather [hbm4b:s5+s0], $0x200, $0x38;
	[tilespmem:$0x1AE00] =	vst v63  }
0x2ca: {  	s30 =	rddreg [dreg:$0xc]  }
0x2cb: {  	[tilespmem:s24], [sflag:$0x3] =	stream.linear.gather [hbm4b:s30+s0], $0x200, $0x38;
	[tilespmem:$0x1AE00] =	vst v63  }
0x2cc: {  	s31 =	rddreg [dreg:$0xd]  }
0x2cd: {  	[tilespmem:s25], [sflag:$0x3] =	stream.linear.gather [hbm4b:s31+s0], $0x200, $0x38;
	[tilespmem:$0x1AE00] =	vst v63  }
0x2ce: {  	_ =	swait.ge [sflag:s26], $0x200  }
0x2cf: {  	[sflag:s26] =	ssyncset.done $0x0  }
0x2d0: {  	[sflag:s26] =	ssyncadd.s32 $0xFFFFFE00  }
0x2d1: {  	_ =	swait.ge [sflag:s26], $0x200  }
0x2d2: {  	[sflag:s26] =	ssyncset.done $0x0  }
0x2d3: {  	[sflag:s26] =	ssyncadd.s32 $0xFFFFFE00  }
0x2d4: {  	_ =	swait.ge [sflag:s26], $0x200  }
0x2d5: {  	[sflag:s26] =	ssyncset.done $0x0  }
0x2d6: {  	s23 =	simm.s32 $0x0;
	[sflag:s26] =	ssyncadd.s32 $0xFFFFFE00  }
0x2d7: {  	v2 =	vld [tilespmem:s23+$0x200]  }
0x2d8: {  	v3 =	vld [tilespmem:s23+$0x0]  }
0x2d9: {  	v4 =	vld [tilespmem:s23+$0x400];
	_ =	sdelay $0x2  }
0x2da: {  	v2 =	vmul.f32 v2, v1  }
0x2db: {  	v3 =	vmul.f32 v3, v1  }
0x2dc: {  	v4 =	vmul.f32 v4, v1;
	v5 =	vtrunc.f32 v2  }
0x2dd: {  	v6 =	vtrunc.f32 v3;
	v5 =	vcvt.f32.s32 v5  }
0x2de: {  	v6 =	vcvt.f32.s32 v6  }
0x2df: {  	v8 =	vtrunc.f32 v4;
	v7 =	vcvt.s32.f32 v5;
	v5 =	vmul.u32 $0x132DAF, v5  }
0x2e0: {  	v8 =	vcvt.f32.s32 v8;
	v9 =	vcvt.s32.f32 v6;
	v6 =	vmul.u32 $0x1782FF, v6  }
0x2e1: {  	v2 =	vsub.f32 v2, v7;
	v7 =	vadd.s32 $0x132DAF, v5  }
0x2e2: {  	v3 =	vsub.f32 v3, v9;
	v9 =	vcvt.s32.f32 v8;
	v12 =	vadd.s32 $0x1782FF, v6  }
0x2e3: {  	v8 =	vmul.u32 $0x1DDD03, v8;
	v11 =	vxor.u32 v6, v7;
	v15 =	vxor.u32 v5, v12  }
0x2e4: {  	v7 =	vxor.u32 v12, v7;
	v5 =	vxor.u32 v6, v5;
	v10 =	vsub.f32 $1.000000000e+00, v2  }
0x2e5: {  	v9 =	vsub.f32 v4, v9;
	v4 =	vsub.f32 $1.000000000e+00, v3;
	v14 =	vadd.s32 $0x1DDD03, v8  }
0x2e6: {  	v16 =	vxor.u32 v8, v15;
	v17 =	vxor.u32 v8, v7;
	v15 =	vxor.u32 v15, v14  }
0x2e7: {  	v7 =	vxor.u32 v14, v7;
	v13 =	vmul.f32 v10, v3;
	v6 =	vmul.f32 v10, v4  }
0x2e8: {  	v12 =	vsub.f32 $1.000000000e+00, v9;
	v4 =	vmul.f32 v2, v4;
	v2 =	vmul.f32 v2, v3  }
0x2e9: {  	v3 =	vxor.u32 v8, v11;
	v11 =	vxor.u32 v14, v11;
	v10 =	vmul.f32 v13, v9  }
0x2ea: {  	v8 =	vxor.u32 v8, v5;
	v5 =	vxor.u32 v5, v14;
	v14 =	vshll.u32 v15, $0x1  }
0x2eb: {  	s22 =	simm.s32 $0x10;
	v7 =	vshll.u32 v7, $0x1;
	v3 =	vshll.u32 v3, $0x1;
	v8 =	vshll.u32 v8, $0x1;
	[tilespmem:s23+$0x6000] =	vst v10  }
0x2ec: {  	v5 =	vshll.u32 v5, $0x1;
	v21 =	vand.u32 $0xFFFFE, v14;
	v10 =	vshll.u32 v11, $0x1;
	v15 =	vld [tilespmem:s22+$0x200]  }
0x2ed: {  	v11 =	vshll.u32 v16, $0x1;
	v16 =	vshll.u32 v17, $0x1;
	v17 =	vmul.f32 v12, v6  }
0x2ee: {  	v19 =	vand.u32 $0xFFFFE, v3;
	v3 =	vmul.f32 v12, v4;
	v6 =	vmul.f32 v6, v9;
	v18 =	vld [tilespmem:s22+$0x0]  }
0x2ef: {  	v20 =	vmul.f32 v9, v4;
	v4 =	vand.u32 $0xFFFFE, v7;
	v7 =	vmul.f32 v9, v2;
	[tilespmem:s23+$0x5600] =	vst v17  }
0x2f0: {  	v11 =	vand.u32 $0xFFFFE, v11;
	v17 =	vand.u32 $0xFFFFE, v10;
	v10 =	vmul.f32 v12, v13;
	v13 =	vld [tilespmem:s22+$0x400];
	[tilespmem:s23+$0x5800] =	vst v6  }
0x2f1: {  	v22 =	vand.u32 $0xFFFFE, v16;
	v6 =	vmul.f32 v12, v2;
	[tilespmem:s23+$0x5A00] =	vst v3;
	v12 =	vmul.f32 v15, v1  }
0x2f2: {  	v3 =	vand.u32 $0xFFFFE, v8;
	v2 =	vand.u32 $0xFFFFE, v5;
	v5 =	vor.u32 $0x1, v19;
	[tilespmem:s23+$0x5C00] =	vst v20  }
0x2f3: {  	v14 =	vor.u32 $0x1, v17;
	[tilespmem:s23+$0x5E00] =	vst v10;
	v8 =	vmul.f32 v18, v1;
	v9 =	vtrunc.f32 v12  }
0x2f4: {  	[tilespmem:s23+$0x3000] =	vst v5;
	v5 =	vor.u32 $0x1, v11;
	v10 =	vor.u32 $0x1, v21;
	v9 =	vcvt.f32.s32 v9  }
0x2f5: {  	[tilespmem:s23+$0x3400] =	vst v14;
	v14 =	vor.u32 $0x1, v22;
	v13 =	vmul.f32 v13, v1;
	v15 =	vtrunc.f32 v8  }
0x2f6: {  	[tilespmem:s23+$0x3C00] =	vst v10;
	v10 =	vor.u32 $0x1, v4;
	v15 =	vcvt.f32.s32 v15;
	v16 =	vcvt.s32.f32 v9  }
0x2f7: {  	[tilespmem:s23+$0x3800] =	vst v5;
	v18 =	vor.u32 $0x1, v3;
	v5 =	vtrunc.f32 v13;
	v9 =	vmul.u32 $0x132DAF, v9  }
0x2f8: {  	[tilespmem:s23+$0x6400] =	vst v7;
	v5 =	vcvt.f32.s32 v5;
	v20 =	vcvt.s32.f32 v15;
	v12 =	vsub.f32 v12, v16  }
0x2f9: {  	[tilespmem:s23+$0x4000] =	vst v14;
	v14 =	vmul.u32 $0x1782FF, v15;
	v15 =	vadd.s32 $0x132DAF, v9;
	v16 =	vor.u32 $0x1, v2  }
0x2fa: {  	[tilespmem:s23+$0x6200] =	vst v6;
	v6 =	vsub.f32 v8, v20;
	v8 =	vcvt.s32.f32 v5;
	v20 =	vsub.f32 $1.000000000e+00, v12  }
0x2fb: {  	[tilespmem:s23+$0x4400] =	vst v10;
	v23 =	vmul.u32 $0x1DDD03, v5;
	v10 =	vadd.s32 $0x1782FF, v14;
	v24 =	vxor.u32 v14, v15  }
0x2fc: {  	[tilespmem:s23+$0x2800] =	vst v18;
	v18 =	vxor.u32 v9, v10;
	v5 =	vsub.f32 v13, v8;
	v7 =	vmul.f32 v20, v6  }
0x2fd: {  	[tilespmem:s23+$0x2E00] =	vst v19;
	v26 =	vxor.u32 v10, v15;
	v14 =	vxor.u32 v14, v9;
	v13 =	vsub.f32 $1.000000000e+00, v6  }
0x2fe: {  	[tilespmem:s23+$0x3200] =	vst v17;
	v25 =	vadd.s32 $0x1DDD03, v23;
	v19 =	vxor.u32 v23, v18;
	v15 =	vmul.f32 v7, v5  }
0x2ff: {  	[tilespmem:s23+$0x2C00] =	vst v16;
	v16 =	vxor.u32 v25, v26;
	v17 =	vxor.u32 v14, v25;
	v10 =	vmul.f32 v20, v13  }
0x300: {  	v8 =	vsub.f32 $1.000000000e+00, v5;
	v9 =	vmul.f32 v12, v13;
	v6 =	vmul.f32 v12, v6;
	[tilespmem:s22+$0x6000] =	vst v15  }
0x301: {  	v12 =	vxor.u32 v23, v24;
	v13 =	vxor.u32 v25, v24;
	v20 =	vxor.u32 v18, v25;
	[tilespmem:s23+$0x3600] =	vst v11  }
0x302: {  	v18 =	vxor.u32 v23, v14;
	v14 =	vshll.u32 v12, $0x1;
	v13 =	vshll.u32 v13, $0x1;
	[tilespmem:s23+$0x3A00] =	vst v21  }
0x303: {  	s5 =	simm.s32 $0xC0;
	s0 =	simm.s32 $0x20;
	v12 =	vshll.u32 v19, $0x1;
	v15 =	vxor.u32 v23, v26;
	v11 =	vshll.u32 v20, $0x1;
	[tilespmem:s23+$0x3E00] =	vst v22  }
.LBB2_15:
0x304: {  	p0 =	sne.s32 s5, $0x7C0;
	v19 =	vld [tilespmem:s0+$0x200];
	v18 =	vshll.u32 v18, $0x1;
	v15 =	vshll.u32 v15, $0x1;
	v16 =	vshll.u32 v16, $0x1;
	[tilespmem:s23+$0x4200] =	vst v4  }
0x305: {  	v4 =	vmul.f32 v8, v10;
	v17 =	vshll.u32 v17, $0x1;
	v10 =	vmul.f32 v10, v5;
	[tilespmem:s23+$0x2600] =	vst v3  }
0x306: {  	v14 =	vand.u32 $0xFFFFE, v14;
	v3 =	vmul.f32 v8, v9;
	v9 =	vmul.f32 v5, v9;
	v20 =	vld [tilespmem:s0+$0x0];
	[tilespmem:s23+$0x2A00] =	vst v2;
	s23 =	smov.u32 s22;
	s22 =	smov.u32 s0  }
0x307: {  	v13 =	vand.u32 $0xFFFFE, v13;
	v12 =	vand.u32 $0xFFFFE, v12;
	v7 =	vmul.f32 v8, v7;
	[tilespmem:s23+$0x5600] =	vst v4  }
0x308: {  	v11 =	vand.u32 $0xFFFFE, v11;
	v22 =	vand.u32 $0xFFFFE, v15;
	v8 =	vmul.f32 v8, v6;
	v21 =	vld [tilespmem:s22+$0x400];
	[tilespmem:s23+$0x5800] =	vst v10  }
0x309: {  	v5 =	vmul.f32 v5, v6;
	v4 =	vand.u32 $0xFFFFE, v16;
	v10 =	vmul.f32 v19, v1;
	[tilespmem:s23+$0x5A00] =	vst v3  }
0x30a: {  	v6 =	vor.u32 $0x1, v14;
	v2 =	vand.u32 $0xFFFFE, v17;
	v3 =	vand.u32 $0xFFFFE, v18;
	[tilespmem:s23+$0x5C00] =	vst v9  }
0x30b: {  	v16 =	vor.u32 $0x1, v13;
	v9 =	vmul.f32 v20, v1;
	v15 =	vtrunc.f32 v10;
	[tilespmem:s23+$0x5E00] =	vst v7  }
0x30c: {  	v7 =	vcvt.f32.s32 v15;
	[tilespmem:s23+$0x3000] =	vst v6;
	v6 =	vor.u32 $0x1, v12;
	v15 =	vor.u32 $0x1, v11  }
0x30d: {  	v17 =	vmul.f32 v21, v1;
	v18 =	vtrunc.f32 v9;
	[tilespmem:s23+$0x3400] =	vst v16;
	v16 =	vor.u32 $0x1, v22  }
0x30e: {  	v18 =	vcvt.f32.s32 v18;
	v19 =	vcvt.s32.f32 v7;
	v20 =	vmul.u32 $0x132DAF, v7;
	[tilespmem:s23+$0x3800] =	vst v6  }
0x30f: {  	v21 =	vor.u32 $0x1, v3;
	v7 =	vor.u32 $0x1, v4;
	v6 =	vtrunc.f32 v17;
	[tilespmem:s23+$0x3C00] =	vst v15  }
0x310: {  	v6 =	vcvt.f32.s32 v6;
	v15 =	vcvt.s32.f32 v18;
	v19 =	vsub.f32 v10, v19;
	[tilespmem:s23+$0x4000] =	vst v16  }
0x311: {  	v10 =	vmul.u32 $0x1782FF, v18;
	v16 =	vadd.s32 $0x132DAF, v20;
	v18 =	vor.u32 $0x1, v2;
	[tilespmem:s23+$0x6200] =	vst v8  }
0x312: {  	v15 =	vsub.f32 v9, v15;
	v8 =	vcvt.s32.f32 v6;
	v9 =	vsub.f32 $1.000000000e+00, v19;
	[tilespmem:s23+$0x4400] =	vst v7  }
0x313: {  	v23 =	vmul.u32 $0x1DDD03, v6;
	v24 =	vxor.u32 v10, v16;
	v6 =	vadd.s32 $0x1782FF, v10;
	[tilespmem:s23+$0x6400] =	vst v5  }
0x314: {  	v5 =	vsub.f32 v17, v8;
	v17 =	vsub.f32 $1.000000000e+00, v15;
	v7 =	vmul.f32 v9, v15;
	[tilespmem:s23+$0x2800] =	vst v21  }
0x315: {  	v25 =	vxor.u32 v20, v6;
	v16 =	vxor.u32 v6, v16;
	v21 =	vadd.s32 $0x1DDD03, v23;
	[tilespmem:s23+$0x2C00] =	vst v18  }
0x316: {  	v20 =	vxor.u32 v10, v20;
	v10 =	vmul.f32 v9, v17;
	v18 =	vmul.f32 v7, v5;
	[tilespmem:s23+$0x2E00] =	vst v14  }
.Ltmp6:
0x317: {  	v6 =	vmul.f32 v19, v15;
	v8 =	vsub.f32 $1.000000000e+00, v5;
	v9 =	vmul.f32 v19, v17;
	[tilespmem:s23+$0x3200] =	vst v13;
	(pc) =	sbr.rel @p0 .LBB2_15-.Ltmp6, $4  }
0x318: {  	v19 =	vxor.u32 v21, v24;
	v13 =	vxor.u32 v23, v24;
	v24 =	vxor.u32 v23, v25;
	[tilespmem:s22+$0x6000] =	vst v18  }
0x319: {  	v15 =	vxor.u32 v23, v16;
	v16 =	vxor.u32 v21, v16;
	v25 =	vxor.u32 v25, v21;
	[tilespmem:s23+$0x3600] =	vst v12  }
0x31a: {  	v17 =	vxor.u32 v20, v21;
	v18 =	vxor.u32 v23, v20;
	v14 =	vshll.u32 v13, $0x1;
	[tilespmem:s23+$0x3A00] =	vst v11  }
0x31b: {  	s0 =	sshra.s32 s5, $0x2;
	s5 =	sadd.s32 $0x40, s5;
	v13 =	vshll.u32 v19, $0x1;
	v12 =	vshll.u32 v24, $0x1;
	v11 =	vshll.u32 v25, $0x1;
	[tilespmem:s23+$0x3E00] =	vst v22  }
0x31c: {  	v19 =	vld [tilespmem:s0+$0x200];
	[tilespmem:s23+$0x4200] =	vst v4  }
0x31d: {  	[tilespmem:s23+$0x2600] =	vst v3;
	v3 =	vmul.f32 v8, v10  }
0x31e: {  	v10 =	vmul.f32 v10, v5;
	v4 =	vld [tilespmem:s0+$0x0];
	[tilespmem:s23+$0x2A00] =	vst v2  }
0x31f: {  	v51 =	vmul.f32 v8, v9;
	v14 =	vand.u32 $0xFFFFE, v14;
	[tilespmem:s22+$0x5600] =	vst v3  }
0x320: {  	v9 =	vmul.f32 v5, v9;
	v7 =	vmul.f32 v8, v7;
	v12 =	vand.u32 $0xFFFFE, v12;
	v52 =	vld [tilespmem:s0+$0x400];
	[tilespmem:s22+$0x5800] =	vst v10  }
0x321: {  	v11 =	vand.u32 $0xFFFFE, v11;
	v10 =	vand.u32 $0xFFFFE, v13;
	[tilespmem:s22+$0x5A00] =	vst v51;
	v13 =	vmul.f32 v19, v1  }
0x322: {  	v5 =	vmul.f32 v5, v6;
	v2 =	vshll.u32 v18, $0x1;
	v3 =	vshll.u32 v15, $0x1;
	[tilespmem:s22+$0x5C00] =	vst v9  }
0x323: {  	v15 =	vshll.u32 v16, $0x1;
	[tilespmem:s22+$0x5E00] =	vst v7;
	v4 =	vmul.f32 v4, v1;
	v53 =	vtrunc.f32 v13  }
0x324: {  	v9 =	vor.u32 $0x1, v14;
	v7 =	vmul.f32 v8, v6;
	[tilespmem:s22+$0x6400] =	vst v5;
	v16 =	vcvt.f32.s32 v53  }
0x325: {  	v8 =	vor.u32 $0x1, v10;
	[tilespmem:s22+$0x3000] =	vst v9;
	v1 =	vmul.f32 v52, v1;
	v54 =	vtrunc.f32 v4  }
0x326: {  	v9 =	vor.u32 $0x1, v12;
	[tilespmem:s22+$0x3400] =	vst v8;
	v18 =	vcvt.f32.s32 v54;
	v55 =	vcvt.s32.f32 v16  }
0x327: {  	v3 =	vand.u32 $0xFFFFE, v3;
	v8 =	vor.u32 $0x1, v11;
	[tilespmem:s22+$0x3800] =	vst v9;
	v20 =	vtrunc.f32 v1  }
0x328: {  	[tilespmem:s22+$0x3C00] =	vst v8;
	v8 =	vcvt.f32.s32 v20;
	v56 =	vcvt.s32.f32 v18;
	v13 =	vsub.f32 v13, v55  }
0x329: {  	v2 =	vand.u32 $0xFFFFE, v2;
	v9 =	vand.u32 $0xFFFFE, v15;
	v15 =	vor.u32 $0x1, v3;
	[tilespmem:s22+$0x6200] =	vst v7  }
0x32a: {  	[tilespmem:s22+$0x4000] =	vst v15;
	v4 =	vsub.f32 v4, v56;
	v7 =	vcvt.s32.f32 v8;
	v15 =	vsub.f32 $1.000000000e+00, v13  }
0x32b: {  	v17 =	vshll.u32 v17, $0x1;
	v57 =	vor.u32 $0x1, v2;
	[tilespmem:s22+$0x2E00] =	vst v14;
	v6 =	vor.u32 $0x1, v9  }
0x32c: {  	[tilespmem:s22+$0x4400] =	vst v6;
	v6 =	vand.u32 $0xFFFFE, v17;
	v1 =	vsub.f32 v1, v7;
	v7 =	vmul.f32 v15, v4  }
0x32d: {  	[tilespmem:s22+$0x2800] =	vst v57;
	v5 =	vor.u32 $0x1, v6  }
0x32e: {  	[tilespmem:s22+$0x2C00] =	vst v5;
	v5 =	vmul.f32 v7, v1  }
0x32f: {  	[tilespmem:s22+$0x3200] =	vst v10  }
0x330: {  	[tilespmem:s0+$0x6000] =	vst v5  }
0x331: {  	v10 =	vsub.f32 $1.000000000e+00, v4;
	[tilespmem:s22+$0x3600] =	vst v12  }
0x332: {  	[tilespmem:s22+$0x3A00] =	vst v11  }
0x333: {  	v14 =	vmul.f32 v15, v10;
	v15 =	vsub.f32 $1.000000000e+00, v1;
	[tilespmem:s22+$0x3E00] =	vst v3  }
0x334: {  	v4 =	vmul.f32 v13, v4;
	v5 =	vmul.u32 $0x132DAF, v16;
	v12 =	vmul.u32 $0x1782FF, v18;
	[tilespmem:s22+$0x4200] =	vst v9  }
0x335: {  	v8 =	vmul.u32 $0x1DDD03, v8;
	v10 =	vmul.f32 v13, v10;
	v60 =	vmul.f32 v15, v14;
	[tilespmem:s22+$0x2600] =	vst v2  }
0x336: {  	v7 =	vmul.f32 v15, v7;
	[tilespmem:s22+$0x2A00] =	vst v6;
	v11 =	vadd.s32 $0x132DAF, v5;
	v58 =	vadd.s32 $0x1782FF, v12  }
0x337: {  	[tilespmem:s0+$0x5600] =	vst v60;
	v3 =	vxor.u32 v12, v11;
	v2 =	vxor.u32 v58, v11;
	v11 =	vmul.f32 v14, v1  }
0x338: {  	[tilespmem:s0+$0x5E00] =	vst v7;
	v9 =	vxor.u32 v5, v58;
	v5 =	vxor.u32 v12, v5;
	v12 =	vmul.f32 v15, v10  }
0x339: {  	v10 =	vmul.f32 v1, v10;
	[tilespmem:s0+$0x5800] =	vst v11  }
0x33a: {  	v59 =	vadd.s32 $0x1DDD03, v8;
	v6 =	vxor.u32 v8, v3;
	v1 =	vmul.f32 v1, v4;
	[tilespmem:s0+$0x5A00] =	vst v12  }
0x33b: {  	v3 =	vxor.u32 v59, v3;
	v6 =	vshll.u32 v6, $0x1;
	[tilespmem:s0+$0x5C00] =	vst v10  }
0x33c: {  	v3 =	vshll.u32 v3, $0x1;
	v6 =	vand.u32 $0xFFFFE, v6;
	[tilespmem:s0+$0x6400] =	vst v1  }
0x33d: {  	v13 =	vxor.u32 v8, v9;
	v3 =	vand.u32 $0xFFFFE, v3;
	[tilespmem:s0+$0x2E00] =	vst v6  }
0x33e: {  	v9 =	vxor.u32 v9, v59;
	v10 =	vshll.u32 v13, $0x1;
	v12 =	vor.u32 $0x1, v6;
	[tilespmem:s0+$0x3200] =	vst v3  }
0x33f: {  	v7 =	vshll.u32 v9, $0x1;
	v9 =	vand.u32 $0xFFFFE, v10;
	v10 =	vor.u32 $0x1, v3;
	[tilespmem:s0+$0x3000] =	vst v12  }
0x340: {  	[tilespmem:s0+$0x3400] =	vst v10  }
0x341: {  	v11 =	vxor.u32 v8, v2;
	v7 =	vand.u32 $0xFFFFE, v7;
	[tilespmem:s0+$0x3600] =	vst v9  }
0x342: {  	v11 =	vshll.u32 v11, $0x1;
	v12 =	vor.u32 $0x1, v9;
	[tilespmem:s0+$0x3A00] =	vst v7  }
0x343: {  	v2 =	vxor.u32 v59, v2;
	v10 =	vand.u32 $0xFFFFE, v11;
	v11 =	vor.u32 $0x1, v7;
	[tilespmem:s0+$0x3800] =	vst v12  }
0x344: {  	v8 =	vxor.u32 v8, v5;
	v2 =	vshll.u32 v2, $0x1;
	[tilespmem:s0+$0x3C00] =	vst v11  }
0x345: {  	v8 =	vshll.u32 v8, $0x1;
	v2 =	vand.u32 $0xFFFFE, v2;
	[tilespmem:s0+$0x3E00] =	vst v10  }
0x346: {  	v8 =	vand.u32 $0xFFFFE, v8;
	[tilespmem:s0+$0x4200] =	vst v2  }
0x347: {  	v13 =	vor.u32 $0x1, v10;
	[tilespmem:s0+$0x2600] =	vst v8  }
0x348: {  	v5 =	vxor.u32 v5, v59;
	v12 =	vmul.f32 v15, v4;
	v4 =	vor.u32 $0x1, v2;
	[tilespmem:s0+$0x4000] =	vst v13  }
0x349: {  	v5 =	vshll.u32 v5, $0x1;
	[tilespmem:s0+$0x4400] =	vst v4  }
0x34a: {  	v4 =	vand.u32 $0xFFFFE, v5;
	v5 =	vor.u32 $0x1, v8;
	[tilespmem:s0+$0x6200] =	vst v12  }
0x34b: {  	[tilespmem:s0+$0x2800] =	vst v5  }
0x34c: {  	v1 =	vor.u32 $0x1, v4;
	[tilespmem:s0+$0x2A00] =	vst v4  }
0x34d: {  	[tilespmem:s0+$0x2C00] =	vst v1  }
0x34e: {  	_ =	swait.ge [sflag:s10], $0x400  }
0x34f: {  	[sflag:s10] =	ssyncset.done $0x0  }
0x350: {  	[sflag:s10] =	ssyncadd.s32 $0xFFFFFC00  }
0x351: {  	_ =	swait.ge [sflag:s10], $0x400  }
0x352: {  	[sflag:s10] =	ssyncset.done $0x0  }
0x353: {  	[sflag:s10] =	ssyncadd.s32 $0xFFFFFC00  }
0x354: {  	_ =	swait.ge [sflag:s10], $0x400  }
0x355: {  	[sflag:s10] =	ssyncset.done $0x0  }
0x356: {  	[sflag:s10] =	ssyncadd.s32 $0xFFFFFC00  }
0x357: {  	_ =	swait.ge [sflag:s10], $0x400  }
0x358: {  	[sflag:s10] =	ssyncset.done $0x0  }
0x359: {  	[sflag:s10] =	ssyncadd.s32 $0xFFFFFC00  }
0x35a: {  	_ =	swait.ge [sflag:s10], $0x400  }
0x35b: {  	[sflag:s10] =	ssyncset.done $0x0  }
0x35c: {  	[sflag:s10] =	ssyncadd.s32 $0xFFFFFC00  }
0x35d: {  	_ =	swait.ge [sflag:s10], $0x400  }
0x35e: {  	[sflag:s10] =	ssyncset.done $0x0  }
0x35f: {  	[sflag:s10] =	ssyncadd.s32 $0xFFFFFC00  }
0x360: {  	_ =	swait.ge [sflag:s10], $0x400  }
0x361: {  	[sflag:s10] =	ssyncset.done $0x0  }
0x362: {  	[sflag:s10] =	ssyncadd.s32 $0xFFFFFC00  }
0x363: {  	_ =	swait.ge [sflag:s10], $0x400  }
0x364: {  	[sflag:s10] =	ssyncset.done $0x0  }
0x365: {  	s29 =	simm.s32 $0x2600;
	s5 =	simm.s32 $0x8600;
	[sflag:s10] =	ssyncadd.s32 $0xFFFFFC00  }
0x366: {  	[tilespmem:s5], [sflag:$0x2] =	stream.indirect.gather [spmem:s2], $0x1, s29, s25, $0xb8;
	[tilespmem:$0x1AE00] =	vst v63  }
0x367: {  	s30 =	simm.s32 $0x2A00;
	s31 =	simm.s32 $0x8A00  }
0x368: {  	[tilespmem:s31], [sflag:$0x2] =	stream.indirect.gather [spmem:s2], $0x1, s30, s25, $0xb8;
	[tilespmem:$0x1AE00] =	vst v63  }
0x369: {  	s23 =	simm.s32 $0x8E00;
	s22 =	simm.s32 $0x2E00  }
0x36a: {  	[tilespmem:s23], [sflag:$0x2] =	stream.indirect.gather [spmem:s2], $0x1, s22, s25, $0xb8;
	[tilespmem:$0x1AE00] =	vst v63  }
0x36b: {  	s28 =	simm.s32 $0x3200;
	s29 =	simm.s32 $0x9200  }
0x36c: {  	[tilespmem:s29], [sflag:$0x2] =	stream.indirect.gather [spmem:s2], $0x1, s28, s25, $0xb8;
	[tilespmem:$0x1AE00] =	vst v63  }
0x36d: {  	s30 =	simm.s32 $0x3600;
	s31 =	simm.s32 $0x9600  }
0x36e: {  	[tilespmem:s31], [sflag:$0x2] =	stream.indirect.gather [spmem:s2], $0x1, s30, s25, $0xb8;
	[tilespmem:$0x1AE00] =	vst v63  }
0x36f: {  	_ = 	snop  }
0x370: {  	[tilespmem:s3], [sflag:$0x2] =	stream.indirect.gather [spmem:s2], $0x1, s19, s25, $0xb8;
	[tilespmem:$0x1AE00] =	vst v63  }
0x371: {  	_ = 	snop  }
0x372: {  	[tilespmem:s9], [sflag:$0x2] =	stream.indirect.gather [spmem:s2], $0x1, s1, s25, $0xb8;
	[tilespmem:$0x1AE00] =	vst v63  }
0x373: {  	s23 =	simm.s32 $0x4  }
0x374: {  	[tilespmem:s12], [sflag:$0x2] =	stream.indirect.gather [spmem:s2], $0x1, s11, s25, $0xb8;
	[tilespmem:$0x1AE00] =	vst v63  }
0x375: {  	_ =	swait.ge [sflag:s23], $0x400  }
0x376: {  	[sflag:s23] =	ssyncset.done $0x0  }
0x377: {  	s0 =	simm.s32 $0x0;
	[sflag:s23] =	ssyncadd.s32 $0xFFFFFC00  }
0x378: {  	v1 =	vld [tilespmem:s0+$0x4600]  }
0x379: {  	v2 =	vld [tilespmem:s0+$0x6800]  }
0x37a: {  	v10 =	vld [tilespmem:s0+$0x4800]  }
0x37b: {  	v3 =	vld [tilespmem:s0+$0x6C00]  }
0x37c: {  	v11 =	vld [tilespmem:s0+$0x4A00]  }
0x37d: {  	v4 =	vld [tilespmem:s0+$0x7000]  }
0x37e: {  	v14 =	vld [tilespmem:s0+$0x4C00];
	v5 =	vmul.f32 v2, v1  }
0x37f: {  	v6 =	vld [tilespmem:s0+$0x7400]  }
0x380: {  	v8 =	vld [tilespmem:s0+$0x7800];
	v7 =	vmul.f32 v3, v10;
	v5 =	vadd.f32 $0.0e+00, v5  }
0x381: {  	v2 =	vld [tilespmem:s0+$0x4E00]  }
0x382: {  	v9 =	vld [tilespmem:s0+$0x7C00];
	v5 =	vadd.f32 v7, v5;
	v7 =	vmul.f32 v4, v11  }
0x383: {  	v3 =	vld [tilespmem:s0+$0x5000]  }
0x384: {  	v12 =	vld [tilespmem:s0+$0x8000];
	v6 =	vmul.f32 v6, v14;
	v7 =	vadd.f32 v7, v5  }
0x385: {  	v4 =	vld [tilespmem:s0+$0x5200]  }
0x386: {  	v5 =	vld [tilespmem:s0+$0x5400];
	v6 =	vadd.f32 v6, v7;
	v7 =	vmul.f32 v8, v2  }
0x387: {  	v8 =	vld [tilespmem:s0+$0x8400]  }
0x388: {  	v13 =	vld [tilespmem:s0+$0x6600];
	v6 =	vadd.f32 v7, v6;
	v7 =	vmul.f32 v9, v3  }
0x389: {  	v15 =	vld [tilespmem:s0+$0x6A00]  }
0x38a: {  	v61 =	vld [tilespmem:s0+$0x6E00];
	v9 =	vmul.f32 v12, v4;
	v6 =	vadd.f32 v7, v6  }
0x38b: {  	v62 =	vld [tilespmem:s0+$0x7200]  }
0x38c: {  	v7 =	vld [tilespmem:s0+$0x7600];
	v8 =	vmul.f32 v8, v5;
	v12 =	vadd.f32 v9, v6  }
0x38d: {  	v13 =	vmul.f32 v13, v1;
	v9 =	vld [tilespmem:s0+$0x7A00]  }
0x38e: {  	v6 =	vld [tilespmem:s0+$0x7E00];
	v63 =	vadd.f32 v8, v12  }
0x38f: {  	s22 =	simm.s32 $0x10;
	v13 =	vadd.f32 $0.0e+00, v13;
	v8 =	vld [tilespmem:s0+$0x8200];
	v12 =	vmul.f32 v15, v10  }
0x390: {  	s5 =	simm.s32 $0x80;
	v1 =	vld [tilespmem:s22+$0x4600];
	v11 =	vmul.f32 v61, v11;
	v10 =	vmul.f32 v62, v14;
	[tilespmem:s0+$0xA800] =	vst v63  }
.LBB2_17:
0x391: {  	p0 =	sne.s32 s5, $0x7C0;
	v14 =	vld [tilespmem:s22+$0x6800];
	v12 =	vadd.f32 v12, v13;
	v2 =	vmul.f32 v7, v2  }
0x392: {  	v13 =	vld [tilespmem:s22+$0x4800];
	v3 =	vmul.f32 v9, v3  }
0x393: {  	v7 =	vld [tilespmem:s22+$0x6C00];
	v9 =	vadd.f32 v11, v12;
	v4 =	vmul.f32 v6, v4  }
0x394: {  	v11 =	vld [tilespmem:s22+$0x4A00];
	v5 =	vmul.f32 v8, v5  }
0x395: {  	v6 =	vld [tilespmem:s22+$0x7000];
	v8 =	vadd.f32 v10, v9  }
0x396: {  	v9 =	vmul.f32 v14, v1;
	v10 =	vld [tilespmem:s22+$0x4C00]  }
0x397: {  	v12 =	vld [tilespmem:s22+$0x7400];
	v8 =	vadd.f32 v2, v8  }
0x398: {  	v9 =	vadd.f32 $0.0e+00, v9;
	v7 =	vmul.f32 v7, v13;
	v2 =	vld [tilespmem:s22+$0x4E00]  }
0x399: {  	v14 =	vld [tilespmem:s22+$0x7800];
	v8 =	vadd.f32 v3, v8  }
0x39a: {  	v7 =	vadd.f32 v7, v9;
	v6 =	vmul.f32 v6, v11;
	v3 =	vld [tilespmem:s22+$0x5000]  }
0x39b: {  	v9 =	vld [tilespmem:s22+$0x7C00];
	v8 =	vadd.f32 v4, v8  }
0x39c: {  	v6 =	vadd.f32 v6, v7;
	v7 =	vmul.f32 v12, v10;
	v4 =	vld [tilespmem:s22+$0x5200]  }
0x39d: {  	v12 =	vld [tilespmem:s22+$0x8000];
	v8 =	vadd.f32 v5, v8  }
0x39e: {  	v6 =	vadd.f32 v7, v6;
	v7 =	vmul.f32 v14, v2;
	v5 =	vld [tilespmem:s22+$0x5400]  }
0x39f: {  	v14 =	vld [tilespmem:s22+$0x8400];
	[tilespmem:s0+$0xA600] =	vst v8;
	s0 =	smov.u32 s22  }
0x3a0: {  	v8 =	vld [tilespmem:s0+$0x6600];
	v6 =	vadd.f32 v7, v6;
	v7 =	vmul.f32 v9, v3  }
0x3a1: {  	v15 =	vld [tilespmem:s0+$0x6A00]  }
0x3a2: {  	v16 =	vld [tilespmem:s0+$0x6E00];
	v6 =	vadd.f32 v7, v6;
	v9 =	vmul.f32 v12, v4  }
0x3a3: {  	v17 =	vld [tilespmem:s0+$0x7200]  }
.Ltmp7:
0x3a4: {  	v7 =	vld [tilespmem:s0+$0x7600];
	v18 =	vadd.f32 v9, v6;
	v14 =	vmul.f32 v14, v5;
	(pc) =	sbr.rel @p0 .LBB2_17-.Ltmp7, $4  }
0x3a5: {  	v1 =	vmul.f32 v8, v1;
	v9 =	vld [tilespmem:s0+$0x7A00]  }
0x3a6: {  	v12 =	vmul.f32 v15, v13;
	v6 =	vld [tilespmem:s0+$0x7E00];
	v14 =	vadd.f32 v14, v18  }
0x3a7: {  	s22 =	sshra.s32 s5, $0x2;
	v13 =	vadd.f32 $0.0e+00, v1;
	v11 =	vmul.f32 v16, v11;
	v8 =	vld [tilespmem:s0+$0x8200]  }
0x3a8: {  	s5 =	sadd.s32 $0x40, s5;
	v1 =	vld [tilespmem:s22+$0x4600];
	v10 =	vmul.f32 v17, v10;
	[tilespmem:s0+$0xA800] =	vst v14  }
0x3a9: {  	v14 =	vld [tilespmem:s22+$0x6800];
	v12 =	vadd.f32 v12, v13  }
0x3aa: {  	v13 =	vld [tilespmem:s22+$0x4800]  }
0x3ab: {  	v15 =	vld [tilespmem:s22+$0x6C00];
	v11 =	vadd.f32 v11, v12  }
0x3ac: {  	v16 =	vld [tilespmem:s22+$0x7000]  }
0x3ad: {  	v2 =	vmul.f32 v7, v2;
	v17 =	vld [tilespmem:s22+$0x8400];
	v7 =	vadd.f32 v10, v11  }
0x3ae: {  	v3 =	vmul.f32 v9, v3;
	v9 =	vld [tilespmem:s22+$0x7800]  }
0x3af: {  	v12 =	vld [tilespmem:s22+$0x4A00];
	v2 =	vadd.f32 v2, v7  }
0x3b0: {  	v4 =	vmul.f32 v6, v4;
	v6 =	vld [tilespmem:s22+$0x7C00]  }
0x3b1: {  	v5 =	vmul.f32 v8, v5;
	v8 =	vld [tilespmem:s22+$0x8000];
	v2 =	vadd.f32 v3, v2  }
0x3b2: {  	v10 =	vld [tilespmem:s22+$0x4C00]  }
0x3b3: {  	v11 =	vld [tilespmem:s22+$0x7400];
	v2 =	vadd.f32 v4, v2  }
0x3b4: {  	v7 =	vld [tilespmem:s22+$0x4E00]  }
0x3b5: {  	v3 =	vld [tilespmem:s22+$0x5000];
	v2 =	vadd.f32 v5, v2  }
0x3b6: {  	v4 =	vld [tilespmem:s22+$0x5200]  }
0x3b7: {  	v5 =	vld [tilespmem:s22+$0x5400];
	[tilespmem:s0+$0xA600] =	vst v2  }
0x3b8: {  	v2 =	vld [tilespmem:s22+$0x6600];
	_ =	sdelay $0x1  }
0x3b9: {  	v18 =	vld [tilespmem:s22+$0x6A00];
	_ =	sdelay $0x1  }
0x3ba: {  	v14 =	vmul.f32 v14, v1;
	v19 =	vld [tilespmem:s22+$0x6E00]  }
0x3bb: {  	v1 =	vmul.f32 v2, v1  }
0x3bc: {  	v2 =	vadd.f32 $0.0e+00, v14;
	v14 =	vmul.f32 v15, v13;
	v15 =	vld [tilespmem:s22+$0x7200]  }
0x3bd: {  	v13 =	vmul.f32 v18, v13;
	v1 =	vadd.f32 $0.0e+00, v1  }
0x3be: {  	v60 =	vld [tilespmem:s22+$0x7600];
	v2 =	vadd.f32 v14, v2;
	v14 =	vmul.f32 v16, v12  }
0x3bf: {  	v12 =	vmul.f32 v19, v12;
	v1 =	vadd.f32 v13, v1  }
0x3c0: {  	v11 =	vmul.f32 v11, v10;
	v2 =	vadd.f32 v14, v2;
	v13 =	vld [tilespmem:s22+$0x7A00]  }
0x3c1: {  	v10 =	vmul.f32 v15, v10;
	v1 =	vadd.f32 v12, v1  }
0x3c2: {  	v9 =	vmul.f32 v9, v7;
	v2 =	vadd.f32 v11, v2;
	v11 =	vld [tilespmem:s22+$0x7E00]  }
0x3c3: {  	v7 =	vmul.f32 v60, v7;
	v1 =	vadd.f32 v10, v1  }
0x3c4: {  	v6 =	vmul.f32 v6, v3;
	v2 =	vadd.f32 v9, v2;
	v9 =	vld [tilespmem:s22+$0x8200]  }
0x3c5: {  	v3 =	vmul.f32 v13, v3;
	v1 =	vadd.f32 v7, v1  }
0x3c6: {  	v2 =	vadd.f32 v6, v2;
	v6 =	vmul.f32 v8, v4  }
0x3c7: {  	v4 =	vmul.f32 v11, v4;
	v1 =	vadd.f32 v3, v1  }
0x3c8: {  	v2 =	vadd.f32 v6, v2;
	v3 =	vmul.f32 v17, v5  }
0x3c9: {  	v5 =	vmul.f32 v9, v5;
	v1 =	vadd.f32 v4, v1  }
0x3ca: {  	v2 =	vadd.f32 v3, v2  }
0x3cb: {  	s31 =	sshrl.u32 s21, $0x3;
	v1 =	vadd.f32 v5, v1  }
0x3cc: {  	s0 =	sadd.s32 s31, s8;
	[tilespmem:s22+$0xA800] =	vst v2  }
0x3cd: {  	s0 =	sadd.s32 $0x780, s0;
	[tilespmem:s22+$0xA600] =	vst v1  }
0x3ce: {  	[hbm4b:s0+s24] =	stream.strided.scatter [tilespmem:s13], [sflag:$0x4], $0x400, s14, s24, $0x38;
	[tilespmem:$0x1AE00] =	vst v63  }
0x3cf: {  	_ =	swait.ge [sflag:s16], $0x400  }
0x3d0: {  	[sflag:s16] =	ssyncset.done $0x0  }
0x3d1: {  	[sflag:s16] =	ssyncadd.s32 $0xFFFFFC00  }
0x3d2: {  	_ =	swait.ge [sflag:s16], $0x400  }
0x3d3: {  	[sflag:s16] =	ssyncset.done $0x0  }
0x3d4: {  	[sflag:s16] =	ssyncadd.s32 $0xFFFFFC00  }
0x3d5: {  	_ =	swait.ge [sflag:s16], $0x400  }
0x3d6: {  	[sflag:s16] =	ssyncset.done $0x0  }
0x3d7: {  	[sflag:s16] =	ssyncadd.s32 $0xFFFFFC00  }
0x3d8: {  	_ =	swait.ge [sflag:s16], $0x400  }
0x3d9: {  	[sflag:s16] =	ssyncset.done $0x0  }
0x3da: {  	[sflag:s16] =	ssyncadd.s32 $0xFFFFFC00  }
0x3db: {  	_ =	swait.ge [sflag:s16], $0x400  }
0x3dc: {  	[sflag:s16] =	ssyncset.done $0x0  }
0x3dd: {  	[sflag:s16] =	ssyncadd.s32 $0xFFFFFC00  }
0x3de: {  	_ =	swait.ge [sflag:s16], $0x400  }
0x3df: {  	[sflag:s16] =	ssyncset.done $0x0  }
0x3e0: {  	[sflag:s16] =	ssyncadd.s32 $0xFFFFFC00  }
0x3e1: {  	_ =	swait.ge [sflag:s16], $0x400  }
0x3e2: {  	[sflag:s16] =	ssyncset.done $0x0  }
0x3e3: {  	[sflag:s16] =	ssyncadd.s32 $0xFFFFFC00  }
0x3e4: {  	_ =	swait.ge [sflag:s16], $0x400  }
0x3e5: {  	[sflag:s16] =	ssyncset.done $0x0  }
0x3e6: {  	s22 =	simm.s32 $0x5;
	[sflag:s16] =	ssyncadd.s32 $0xFFFFFC00  }
0x3e7: {  	_ =	swait.ge [sflag:s22], $0x400  }
0x3e8: {  	[sflag:s22] =	ssyncset.done $0x0  }
0x3e9: {  	s0 =	simm.s32 $0x0;
	[sflag:s22] =	ssyncadd.s32 $0xFFFFFC00  }
0x3ea: {  	v1 =	vld [tilespmem:s0+$0x5600]  }
0x3eb: {  	v2 =	vld [tilespmem:s0+$0x8800]  }
0x3ec: {  	v10 =	vld [tilespmem:s0+$0x5800]  }
0x3ed: {  	v3 =	vld [tilespmem:s0+$0x8C00]  }
0x3ee: {  	v11 =	vld [tilespmem:s0+$0x5A00]  }
0x3ef: {  	v4 =	vld [tilespmem:s0+$0x9000]  }
0x3f0: {  	v14 =	vld [tilespmem:s0+$0x5C00];
	v5 =	vmul.f32 v2, v1  }
0x3f1: {  	v6 =	vld [tilespmem:s0+$0x9400]  }
0x3f2: {  	v8 =	vld [tilespmem:s0+$0x9800];
	v7 =	vmul.f32 v3, v10;
	v5 =	vadd.f32 $0.0e+00, v5  }
0x3f3: {  	v2 =	vld [tilespmem:s0+$0x5E00]  }
0x3f4: {  	v9 =	vld [tilespmem:s0+$0x9C00];
	v5 =	vadd.f32 v7, v5;
	v7 =	vmul.f32 v4, v11  }
0x3f5: {  	v3 =	vld [tilespmem:s0+$0x6000]  }
0x3f6: {  	v12 =	vld [tilespmem:s0+$0xA000];
	v6 =	vmul.f32 v6, v14;
	v7 =	vadd.f32 v7, v5  }
0x3f7: {  	v4 =	vld [tilespmem:s0+$0x6200]  }
0x3f8: {  	v5 =	vld [tilespmem:s0+$0x6400];
	v6 =	vadd.f32 v6, v7;
	v7 =	vmul.f32 v8, v2  }
0x3f9: {  	v8 =	vld [tilespmem:s0+$0xA400]  }
0x3fa: {  	v13 =	vld [tilespmem:s0+$0x8600];
	v6 =	vadd.f32 v7, v6;
	v7 =	vmul.f32 v9, v3  }
0x3fb: {  	v15 =	vld [tilespmem:s0+$0x8A00]  }
0x3fc: {  	v61 =	vld [tilespmem:s0+$0x8E00];
	v9 =	vmul.f32 v12, v4;
	v6 =	vadd.f32 v7, v6  }
0x3fd: {  	v62 =	vld [tilespmem:s0+$0x9200]  }
0x3fe: {  	v7 =	vld [tilespmem:s0+$0x9600];
	v8 =	vmul.f32 v8, v5;
	v12 =	vadd.f32 v9, v6  }
0x3ff: {  	v13 =	vmul.f32 v13, v1;
	v9 =	vld [tilespmem:s0+$0x9A00]  }
0x400: {  	v6 =	vld [tilespmem:s0+$0x9E00];
	v63 =	vadd.f32 v8, v12  }
0x401: {  	s21 =	simm.s32 $0x10;
	v13 =	vadd.f32 $0.0e+00, v13;
	v8 =	vld [tilespmem:s0+$0xA200];
	v12 =	vmul.f32 v15, v10  }
0x402: {  	s5 =	simm.s32 $0x80;
	v1 =	vld [tilespmem:s21+$0x5600];
	v11 =	vmul.f32 v61, v11;
	v10 =	vmul.f32 v62, v14;
	[tilespmem:s0+$0xAC00] =	vst v63  }
.LBB2_19:
0x403: {  	p0 =	sne.s32 s5, $0x7C0;
	v14 =	vld [tilespmem:s21+$0x8800];
	v12 =	vadd.f32 v12, v13;
	v2 =	vmul.f32 v7, v2  }
0x404: {  	v13 =	vld [tilespmem:s21+$0x5800];
	v3 =	vmul.f32 v9, v3  }
0x405: {  	v7 =	vld [tilespmem:s21+$0x8C00];
	v9 =	vadd.f32 v11, v12;
	v4 =	vmul.f32 v6, v4  }
0x406: {  	v11 =	vld [tilespmem:s21+$0x5A00];
	v5 =	vmul.f32 v8, v5  }
0x407: {  	v6 =	vld [tilespmem:s21+$0x9000];
	v8 =	vadd.f32 v10, v9  }
0x408: {  	v9 =	vmul.f32 v14, v1;
	v10 =	vld [tilespmem:s21+$0x5C00]  }
0x409: {  	v12 =	vld [tilespmem:s21+$0x9400];
	v8 =	vadd.f32 v2, v8  }
0x40a: {  	v9 =	vadd.f32 $0.0e+00, v9;
	v7 =	vmul.f32 v7, v13;
	v2 =	vld [tilespmem:s21+$0x5E00]  }
0x40b: {  	v14 =	vld [tilespmem:s21+$0x9800];
	v8 =	vadd.f32 v3, v8  }
0x40c: {  	v7 =	vadd.f32 v7, v9;
	v6 =	vmul.f32 v6, v11;
	v3 =	vld [tilespmem:s21+$0x6000]  }
0x40d: {  	v9 =	vld [tilespmem:s21+$0x9C00];
	v8 =	vadd.f32 v4, v8  }
0x40e: {  	v6 =	vadd.f32 v6, v7;
	v7 =	vmul.f32 v12, v10;
	v4 =	vld [tilespmem:s21+$0x6200]  }
0x40f: {  	v12 =	vld [tilespmem:s21+$0xA000];
	v8 =	vadd.f32 v5, v8  }
0x410: {  	v6 =	vadd.f32 v7, v6;
	v7 =	vmul.f32 v14, v2;
	v5 =	vld [tilespmem:s21+$0x6400]  }
0x411: {  	v14 =	vld [tilespmem:s21+$0xA400];
	[tilespmem:s0+$0xAA00] =	vst v8;
	s0 =	smov.u32 s21  }
0x412: {  	v8 =	vld [tilespmem:s0+$0x8600];
	v6 =	vadd.f32 v7, v6;
	v7 =	vmul.f32 v9, v3  }
0x413: {  	v15 =	vld [tilespmem:s0+$0x8A00]  }
0x414: {  	v16 =	vld [tilespmem:s0+$0x8E00];
	v6 =	vadd.f32 v7, v6;
	v9 =	vmul.f32 v12, v4  }
0x415: {  	v17 =	vld [tilespmem:s0+$0x9200]  }
.Ltmp8:
0x416: {  	v7 =	vld [tilespmem:s0+$0x9600];
	v18 =	vadd.f32 v9, v6;
	v14 =	vmul.f32 v14, v5;
	(pc) =	sbr.rel @p0 .LBB2_19-.Ltmp8, $4  }
0x417: {  	v1 =	vmul.f32 v8, v1;
	v9 =	vld [tilespmem:s0+$0x9A00]  }
0x418: {  	v12 =	vmul.f32 v15, v13;
	v6 =	vld [tilespmem:s0+$0x9E00];
	v14 =	vadd.f32 v14, v18  }
0x419: {  	s21 =	sshra.s32 s5, $0x2;
	v13 =	vadd.f32 $0.0e+00, v1;
	v11 =	vmul.f32 v16, v11;
	v8 =	vld [tilespmem:s0+$0xA200]  }
0x41a: {  	s5 =	sadd.s32 $0x40, s5;
	v1 =	vld [tilespmem:s21+$0x5600];
	v10 =	vmul.f32 v17, v10;
	[tilespmem:s0+$0xAC00] =	vst v14  }
0x41b: {  	v14 =	vld [tilespmem:s21+$0x8800];
	v12 =	vadd.f32 v12, v13  }
0x41c: {  	v45 =	vld [tilespmem:s21+$0x5800]  }
0x41d: {  	v15 =	vld [tilespmem:s21+$0x8C00];
	v11 =	vadd.f32 v11, v12  }
0x41e: {  	v46 =	vld [tilespmem:s21+$0x5A00]  }
0x41f: {  	v16 =	vld [tilespmem:s21+$0x9000];
	v2 =	vmul.f32 v7, v2;
	v47 =	vadd.f32 v10, v11  }
0x420: {  	v48 =	vld [tilespmem:s21+$0x5C00]  }
0x421: {  	v49 =	vld [tilespmem:s21+$0x9400];
	v3 =	vmul.f32 v9, v3;
	v2 =	vadd.f32 v2, v47  }
0x422: {  	v50 =	vld [tilespmem:s21+$0x5E00]  }
0x423: {  	v51 =	vld [tilespmem:s21+$0x9800];
	v4 =	vmul.f32 v6, v4;
	v2 =	vadd.f32 v3, v2  }
0x424: {  	v52 =	vld [tilespmem:s21+$0x9C00]  }
0x425: {  	v53 =	vld [tilespmem:s21+$0x6200];
	v5 =	vmul.f32 v8, v5;
	v2 =	vadd.f32 v4, v2  }
0x426: {  	v54 =	vld [tilespmem:s21+$0xA000]  }
0x427: {  	v55 =	vld [tilespmem:s21+$0x6400];
	v2 =	vadd.f32 v5, v2  }
0x428: {  	v17 =	vld [tilespmem:s21+$0xA400]  }
0x429: {  	v3 =	vld [tilespmem:s21+$0x6000];
	[tilespmem:s0+$0xAA00] =	vst v2  }
0x42a: {  	v2 =	vld [tilespmem:s21+$0x8600];
	_ =	sdelay $0x1  }
0x42b: {  	v18 =	vld [tilespmem:s21+$0x8A00];
	_ =	sdelay $0x1  }
0x42c: {  	v14 =	vmul.f32 v14, v1;
	v19 =	vld [tilespmem:s21+$0x8E00]  }
0x42d: {  	v1 =	vmul.f32 v2, v1  }
0x42e: {  	v56 =	vmul.f32 v15, v45;
	v57 =	vld [tilespmem:s21+$0x9200];
	v2 =	vadd.f32 $0.0e+00, v14  }
0x42f: {  	v13 =	vmul.f32 v18, v45;
	v1 =	vadd.f32 $0.0e+00, v1  }
0x430: {  	v58 =	vmul.f32 v16, v46;
	v59 =	vld [tilespmem:s21+$0x9600];
	v2 =	vadd.f32 v56, v2  }
0x431: {  	v12 =	vmul.f32 v19, v46;
	v1 =	vadd.f32 v13, v1  }
0x432: {  	v11 =	vmul.f32 v49, v48;
	v60 =	vld [tilespmem:s21+$0x9A00];
	v2 =	vadd.f32 v58, v2  }
0x433: {  	v10 =	vmul.f32 v57, v48;
	v1 =	vadd.f32 v12, v1  }
0x434: {  	v9 =	vmul.f32 v51, v50;
	v61 =	vld [tilespmem:s21+$0x9E00];
	v2 =	vadd.f32 v11, v2  }
0x435: {  	v7 =	vmul.f32 v59, v50;
	v1 =	vadd.f32 v10, v1  }
0x436: {  	v6 =	vmul.f32 v52, v3;
	v62 =	vld [tilespmem:s21+$0xA200];
	v2 =	vadd.f32 v9, v2  }
0x437: {  	v3 =	vmul.f32 v60, v3;
	v1 =	vadd.f32 v7, v1  }
0x438: {  	v63 =	vmul.f32 v54, v53;
	v2 =	vadd.f32 v6, v2  }
0x439: {  	v4 =	vmul.f32 v61, v53;
	v1 =	vadd.f32 v3, v1  }
0x43a: {  	v2 =	vadd.f32 v63, v2;
	v3 =	vmul.f32 v17, v55  }
0x43b: {  	v5 =	vmul.f32 v62, v55;
	v1 =	vadd.f32 v4, v1  }
0x43c: {  	s30 =	rddreg [dreg:$0x9];
	v2 =	vadd.f32 v3, v2  }
0x43d: {  	s0 =	sor.u32 s30, s18;
	v1 =	vadd.f32 v5, v1  }
0x43e: {  	s0 =	sshrl.u32 s0, $0x3;
	[tilespmem:s21+$0xAC00] =	vst v2  }
0x43f: {  	s0 =	sadd.s32 s8, s0;
	[tilespmem:s21+$0xAA00] =	vst v1  }
0x440: {  	[hbm4b:s0+s24] =	stream.strided.scatter [tilespmem:s17], [sflag:$0x5], $0x400, s14, s24, $0x38;
	[tilespmem:$0x1AE00] =	vst v63  }
0x441: {  	_ =	swait.ge [sflag:s23], $0x400  }
0x442: {  	[sflag:s23] =	ssyncset.done $0x0  }
0x443: {  	[sflag:s23] =	ssyncadd.s32 $0xFFFFFC00  }
0x444: {  	_ =	swait.ge [sflag:s22], $0x400  }
0x445: {  	s31 =	rddreg [dreg:$0x11]  }
0x446: {  	s23 =	sadd.s32 $0x1, s31  }
0x447: {  	p0 =	sne.s32 s23, $0x10  }
.Ltmp9:
0x448: {  	_ = 	snop;
	(pc) =	sbr.rel @p0 .LBB2_2-.Ltmp9, $3  }
0x449: {  	_ =	sdelay $0x1  }
0x44a: {  	[sflag:s22] =	ssyncset.done $0x0  }
0x44b: {  	[sflag:s22] =	ssyncadd.s32 $0xFFFFFC00  }
0x44c: {  	s18 =	rddreg [dreg:$0x4]  }
0x44d: {  	s0 =	rddreg [dreg:$0xe];
	s18 =	sadd.s32 $0x1, s18  }
0x44e: {  	p0 =	sne.s32 s18, s0  }
.Ltmp10:
0x44f: {  	_ = 	snop;
	(pc) =	sbr.rel @p0 .LBB2_1-.Ltmp10, $1  }
0x450: {  	_ =	sdelay $0x3  }
0x451: {  	_ =	sfence.sel $0x180000  }
0x452: {  	[bflag:$0x0] =	sbarrier.arrive $0xFFFF  }
0x453: {  	_ =	strace $0x9000004D  }
0x454: {  	s0 =	stileid.u32;
	[bflag:$0x2] =	sbarrier.arrive $0xFFFF  }
0x455: {  	p0 =	sne.s32 s0, $0x0;
	s0 =	rddreg [dreg:$0x3]  }
0x456: {  	s0 =	sadd.s32 @!p0 $0x100000, s0  }
0x457: {  	[sflag:s0] =	ssyncadd.tile.s32 @!p0 $0x1;
	_ =	shalt  }
.Lfunc_end2:
_tile_overlayer_lowered:
.L_overlay_start_2:
0x458: {  	(tag) =	ssettag $0x2  }
0x459: {  	s0 =	rddreg [dreg:$0x0];
	s2 =	stileid.u32  }
0x45a: {  	s1 =	rddreg [dreg:$0x1];
	p0 =	sne.s32 s2, $0x0  }
0x45b: {  	s3 =	rddreg [dreg:$0x2];
	[bflag:$0x3] =	sbarrier.arrive $0xFFFF;
	s2 =	simm.s32 @!p0 $0x1C06  }
0x45c: {  	[timem:s3], [sflag:s2] =	dma.local @!p0 [hbm:s0], s1  }
0x45d: {  	s0 =	simm.s32 @!p0 $0x6  }
0x45e: {  	_ =	swait.ge @!p0 [sflag:s0], s1  }
0x45f: {  	s1 =	ssub.s32 @!p0 $0x0, s1;
	[sflag:s0] =	ssyncset.done @!p0 $0x0  }
0x460: {  	[sflag:s0] =	ssyncadd.s32 @!p0 s1  }
0x461: {  	[bflag:$0x3] =	sbarrier.arrive $0xFFFF  }
0x462: {  	_ =	shalt  }

// kernel: sparse-core-data-format-call.1.cloned.1.call-start
scs
called_computation.1_lowered:
.L_overlay_start_0:
0x0: {  	s1 =	sld [smem:$0x3FD9]  }
0x1: {  	s2 =	sld [smem:$0x3FFE];
	_ =	sdelay $0x1  }
0x2: {  	s3 =	srdreg.scid  }
0x3: {  	s0 =	sand.u32 $0x1, s3  }
0x4: {  	s17 =	sshll.u32 s0, $0xA;
	s1 =	sadd.s32 s2, s1  }
0x5: {  	s1 =	sadd.s32 s1, s17  }
0x6: {  	[smem:$0x3FC6] =	sst s1  }
0x7: {  	_ = 	snop  }
0x8: {  	(tm) =	ssettm $0x1  }
0x9: {  	s18 =	sld [smem:$0x3FFB];
	_ =	sdelay $0x3  }
0xa: {  	_ =	strace s18  }
0xb: {  	s1 =	sld [smem:$0x3FFC];
	_ =	sdelay $0x3  }
0xc: {  	_ =	strace s1  }
0xd: {  	s1 =	sld [smem:$0x3FFD];
	_ =	sdelay $0x3  }
0xe: {  	_ =	strace s1  }
0xf: {  	_ =	strace $0x8FFFFFFF  }
0x10: {  	s19 =	sld [smem:$0x3FDB];
	_ =	sdelay $0x1  }
0x11: {  	s20 =	simm.s32 $_scs_section_size  }
0x12: {  	s4 =	simm.s32 $_size__tile_overlayer_lowered;
	s5 =	simm.s32 $_tile_overlayer_lowered  }
0x13: {  	s23 =	simm.s32 $0x1BFF;
	s22 =	sshll.u32 s5, $0x1;
	s1 =	sadd.s32 s20, s19  }
0x14: {  	s6 =	simm.s32 $0x0;
	s21 =	sshll.u32 s4, $0x1;
	s4 =	sadd.s32 s22, s1  }
0x15: {  	[timem:s6], [sflag:s23] =	dma.local [hbm:s4], s21  }
0x16: {  	_ =	swait.ge [sflag:s23], s21  }
0x17: {  	s2 =	ssub.s32 $0x0, s21;
	[sflag:s23] =	ssyncset.done $0x0  }
0x18: {  	[sflag:s23] =	ssyncadd.s32 s2;
	_ =	sdelay $0x1  }
0x19: {  	s24 =	simm.s32 $0x1B8B  }
0x1a: {  	_ =	swait.ge [sflag:s24], $0x1  }
0x1b: {  	[sflag:s24] =	ssyncset.done $0x0  }
0x1c: {  	s26 =	simm.s32 $0x1B8E;
	s25 =	sld [smem:$0x3FFE];
	[sflag:s24] =	ssyncadd.s32 $0xFFFFFFFF  }
0x1d: {  	s27 =	simm.s32 $execute0_lowered;
	[smem:$0x3FD2] =	sst s26  }
0x1e: {  	s4 =	sshll.u32 s27, $0x1;
	_ =	strace $0x80000046;
	[dreg:$0x1] =	wrdreg $0xFFFFFFFF  }
0x1f: {  	s28 =	simm.s32 $_size_execute0_lowered;
	s1 =	sadd.s32 s1, s4;
	[dreg:$0x0] =	wrdreg $0x0  }
0x20: {  	s4 =	sshll.u32 s28, $0x1;
	[dreg:$0x2] =	wrdreg s1  }
0x21: {  	[dreg:$0x3] =	wrdreg s4  }
0x22: {  	[dreg:$0x4] =	wrdreg $0xC0  }
0x23: {  	_ =	task [dreg:s6], $0x5FFFF  }
0x24: {  	[dreg:$0x1] =	wrdreg $0xFFFFFFFF  }
0x25: {  	[dreg:$0x0] =	wrdreg $0x60  }
0x26: {  	[dreg:$0x2] =	wrdreg s25  }
0x27: {  	[dreg:$0x3] =	wrdreg $0x9  }
0x28: {  	_ =	task.clear_ibuf [dreg:s6], $0x4FFFF;
	_ =	strace $0x90000046  }
0x29: {  	s29 =	simm.s32 $0x9;
	_ =	strace $0x80000048  }
0x2a: {  	_ =	swait.ge [sflag:s29], $0x1  }
0x2b: {  	[sflag:s29] =	ssyncadd.s32 $0xFFFFFFFF  }
0x2c: {  	_ =	strace $0x90000048  }
0x2d: {  	_ =	sfence  }
0x2e: {  	s30 =	sld [smem:$0x0];
	_ =	sdelay $0x2  }
0x2f: {  	s31 =	sshll.u32 s3, $0xD;
	s3 =	sshrl.u32 s3, $0x2  }
0x30: {  	s2 =	sand.u32 $0x4000, s31;
	s1 =	sadd.s32 s3, s30  }
0x31: {  	s0 =	sor.u32 s2, s0;
	s1 =	sshll.u32 s1, $0x11  }
0x32: {  	s0 =	sor.u32 s1, s0  }
0x33: {  	s0 =	sadd.s32 $0x8F2B, s0  }
0x34: {  	[sflag:s0] =	ssyncadd.remote.s32 $0x1  }
0x35: {  	_ =	sfence.sel $0xFFFF  }
0x36: {  	[dreg:$0x0] =	wrdreg $0xFFFFFFFF;
	(pc) =	sbr.abs _section_cstart, $3  }
0x37: {  	[dreg:$0x1] =	wrdreg $0xFFFFFFFF  }
0x38: {  	_ =	task.clear_ibuf [dreg:s6], $0x2FFFF;
	_ =	strace $0x9FFFFFFF  }
0x39: {  	(tm) =	ssettm $0x7FFFFFFF  }
tec
execute0_lowered:
.L_overlay_start_1:
0x0: {  	(tag) =	ssettag $0x1  }
0x1: {  	s0 =	srdreg.scid  }
0x2: {  	s1 =	sshll.u32 s0, $0x4  }
0x3: {  	s4 =	rddreg [dreg:$0x0];
	s0 =	stileid.u32;
	s1 =	sand.u32 $0x10, s1  }
0x4: {  	s7 =	simm.s32 $0x1;
	s8 =	simm.s32 $0x2;
	s1 =	sor.u32 s0, s1  }
0x5: {  	s11 =	simm.s32 $0x0;
	s10 =	simm.s32 $0x0;
	s2 =	sshll.u32 s1, $0x7  }
0x6: {  	s3 =	sadd.s32 $0x1000, s4;
	s4 =	sadd.s32 $0x1001000, s4;
	s6 =	ssub.s32 $0x100000, s2  }
.Ltmp0:
0x7: {  	s1 =	rddreg [dreg:$0x1];
	s5 =	sand.u32 $0xF80, s6;
	(pc) =	sbr.rel .LBB1_1-.Ltmp0, $4  }
0x8: {  	_ =	strace $0x80000047;
	s9 =	smov.u32 s2;
	p0 =	sne.s32 s5, $0x0  }
0x9: {  	s6 =	sshrl.u32 s6, $0xC;
	s5 =	simm.s32 $0x1;
	s7 =	simm.s32 @!p0 $0x0  }
0xa: {  	[sflag:s5] =	ssyncpa.u1 $0x0;
	p0 =	por $0x0, $0x0;
	s6 =	sadd.s32 s7, s6  }
0xb: {  	[sflag:s8] =	ssyncpa.u1 $0x0;
	s8 =	simm.s32 $0x800000;
	s7 =	sadd.s32 $0x1, s6  }
.LBB1_4:
0xc: {  	[tilespmem:s12+$0xFFFFFFFC ss:$0x81] =	vst.msk $0xffff, v2;
	s14 =	sshll.u32 s11, $0x3  }
0xd: {  	[tilespmem:s12+$0xFFFFFFFD ss:$0x81] =	vst.msk $0xffff, v3;
	s15 =	sand.u32 $0x78, s11;
	s14 =	sand.u32 $0xFFC00, s14  }
0xe: {  	[tilespmem:s12+$0xFFFFFFFE ss:$0x81] =	vst.msk $0xffff, v1;
	s29 =	sand.u32 $0x1E0000, s11;
	s30 =	sand.u32 $0x7, s11;
	s14 =	sor.u32 s15, s14  }
0xf: {  	[tilespmem:s12+$0xFFFFFFFF ss:$0x81] =	vst.msk $0xffff, v4;
	s11 =	sshll.u32 s30, $0x12;
	s15 =	sadd.s32 s4, s29;
	s14 =	sshrl.u32 s14, $0x3  }
0x10: {  	[tilespmem:s12+$0xFFFFFFF9 ss:$0x81] =	vst.msk $0xffff, v0;
	s11 =	sor.u32 $0x400, s11;
	s31 =	sadd.s32 s14, s15  }
0x11: {  	[hbm4b:s31+s11] =	stream.strided.scatter [tilespmem:s13], [sflag:$0x2], $0x800, s8, s11, $0x20;
	[tilespmem:$0x2020] =	vst v63  }
.LBB1_5:
0x12: {  	s13 =	sadd.s32 $0x1000, s9  }
0x13: {  	p2 =	sgt.s32 s13, $0xFFFFF  }
0x14: {  	s13 =	smov.u32 @p2 s2;
	p2 =	sne.s32 s10, s7  }
.Ltmp1:
0x15: {  	p1 =	slt.u32 s10, $0x2;
	(pc) =	sbr.rel @!p2 .LBB1_6-.Ltmp1, $4  }
0x16: {  	s12 =	simm.s32 @!p1 $0x2  }
0x17: {  	s14 =	sadd.s32 $0x1, s10;
	_ =	swait.ge @!p1 [sflag:s12], $0x800  }
0x18: {  	s11 =	smov.u32 s9;
	p0 =	por !p0, !p0;
	[sflag:s12] =	ssyncset.done @!p1 $0x0  }
0x19: {  	s10 =	smov.u32 s14;
	s9 =	smov.u32 s13;
	[sflag:s12] =	ssyncadd.s32 @!p1 $0xFFFFF800  }
.LBB1_1:
0x1a: {  	p1 =	sge.u32 s10, s6  }
0x1b: {  	s31 =	sadd.s32 $0xFFFFFFFF, s10;
	s12 =	sxor.u32 @!p1 $0xFFFFFFFF, s10;
	s13 =	sshll.u32 @!p1 s9, $0x4  }
0x1c: {  	s14 =	simm.s32 @!p1 $0x10;
	s12 =	sshll.u32 @!p1 s12, $0xB;
	s13 =	sand.u32 @!p1 $0xFFFFF0, s13  }
0x1d: {  	s15 =	simm.s32 @!p1 $0x80;
	s12 =	sand.u32 @!p1 $0x800, s12;
	s13 =	sadd.s32 @!p1 s3, s13  }
0x1e: {  	[tilespmem:s12], [sflag:$0x1] =	stream.strided.gather @!p1 [hbm4b:s13+s14], $0x800, s15, s14, $0x38;
	[tilespmem:$0x2020] =	vst v63  }
0x1f: {  	p1 =	sge.u32 s31, s6  }
.Ltmp2:
0x20: {  	_ = 	snop;
	(pc) =	sbr.rel @p1 .LBB1_5-.Ltmp2, $1  }
0x21: {  	_ =	sdelay $0x3  }
0x22: {  	s12 =	simm.s32 $0x1  }
0x23: {  	_ =	swait.ge [sflag:s5], $0x800;
	s12 =	simm.s32 @!p0 $0x0  }
0x24: {  	[sflag:s5] =	ssyncset.done $0x0;
	s13 =	sshll.u32 s12, $0xB  }
0x25: {  	[sflag:s5] =	ssyncadd.s32 $0xFFFFF800;
	s15 =	sor.u32 $0x40, s13  }
0x26: {  	v0 =	vld [tilespmem:s15+$0x30]  }
0x27: {  	s12 =	smul.u32 $0x2040, s12;
	v4 =	vld [tilespmem:s15+$0xFFFFFFD0]  }
0x28: {  	v5 =	vld [tilespmem:s15+$0xFFFFFFE0]  }
0x29: {  	s31 =	sand.u32 $0x1, s10;
	s12 =	sshrl.u32 s12, $0x2;
	v2 =	vld [tilespmem:s15+$0xFFFFFFF0]  }
0x2a: {  	s13 =	smul.u32 $0x2040, s31;
	v3 =	vld [tilespmem:s15+$0x0];
	s12 =	sor.u32 $0x1007, s12  }
0x2b: {  	v1 =	vld [tilespmem:s15+$0x10];
	[tilespmem:s12+$0x0 ss:$0x81] =	vst.msk $0xffff, v0  }
0x2c: {  	s13 =	sshrl.u32 s13, $0x2;
	[tilespmem:s12+$0xFFFFFFFA ss:$0x81] =	vst.msk $0xffff, v4;
	v4 =	vld [tilespmem:s15+$0x20]  }
0x2d: {  	s14 =	simm.s32 $0x0;
	s13 =	sor.u32 $0x1000, s13;
	v0 =	vld [tilespmem:s15+$0xFFFFFFC0];
	[tilespmem:s12+$0xFFFFFFFB ss:$0x81] =	vst.msk $0xffff, v5;
	s15 =	sadd.s32 $0x80, s15  }
.LBB1_3:
0x2e: {  	v5 =	vld [tilespmem:s15+$0x30];
	s14 =	sadd.s32 $0x8, s14;
	[tilespmem:s12+$0xFFFFFFFC ss:$0x81] =	vst.msk $0xffff, v2  }
0x2f: {  	v6 =	vld [tilespmem:s15+$0xFFFFFFD0];
	p1 =	slt.u32 s14, $0x78;
	[tilespmem:s12+$0xFFFFFFFD ss:$0x81] =	vst.msk $0xffff, v3  }
0x30: {  	v7 =	vld [tilespmem:s15+$0xFFFFFFE0];
	[tilespmem:s12+$0xFFFFFFFE ss:$0x81] =	vst.msk $0xffff, v1  }
.Ltmp3:
0x31: {  	v2 =	vld [tilespmem:s15+$0xFFFFFFF0];
	[tilespmem:s12+$0xFFFFFFFF ss:$0x81] =	vst.msk $0xffff, v4;
	(pc) =	sbr.rel @p1 .LBB1_3-.Ltmp3, $4  }
0x32: {  	v3 =	vld [tilespmem:s15+$0x0];
	[tilespmem:s12+$0xFFFFFFF9 ss:$0x81] =	vst.msk $0xffff, v0;
	s12 =	sadd.s32 $0x8, s12  }
0x33: {  	v1 =	vld [tilespmem:s15+$0x10];
	[tilespmem:s12+$0x0 ss:$0x81] =	vst.msk $0xffff, v5  }
0x34: {  	[tilespmem:s12+$0xFFFFFFFA ss:$0x81] =	vst.msk $0xffff, v6;
	v4 =	vld [tilespmem:s15+$0x20]  }
0x35: {  	v0 =	vld [tilespmem:s15+$0xFFFFFFC0];
	[tilespmem:s12+$0xFFFFFFFB ss:$0x81] =	vst.msk $0xffff, v7;
	s15 =	sadd.s32 $0x80, s15  }
.Ltmp4:
0x36: {  	_ = 	snop;
	(pc) =	sbr.rel .LBB1_4-.Ltmp4, $1  }
0x37: {  	_ =	sdelay $0x3  }
.LBB1_6:
0x38: {  	_ =	sfence.sel $0x180000  }
0x39: {  	s2 =	simm.s32 $0x1;
	[bflag:$0x0] =	sbarrier.arrive $0xFFFF  }
0x3a: {  	s31 =	simm.s32 $0x2;
	[sflag:s2] =	ssyncpa.u1 $0x1  }
0x3b: {  	[sflag:s31] =	ssyncpa.u1 $0x1  }
0x3c: {  	p0 =	sne.s32 s0, $0x0;
	_ =	strace $0x90000047  }
0x3d: {  	s0 =	sadd.s32 @!p0 $0x100000, s1;
	[bflag:$0x2] =	sbarrier.arrive $0xFFFF  }
0x3e: {  	[sflag:s0] =	ssyncadd.tile.s32 @!p0 $0x1;
	_ =	shalt  }
.Lfunc_end1:
_tile_overlayer_lowered:
.L_overlay_start_2:
0x3f: {  	(tag) =	ssettag $0x2  }
0x40: {  	s0 =	rddreg [dreg:$0x0];
	s2 =	stileid.u32  }
0x41: {  	s1 =	rddreg [dreg:$0x1];
	p0 =	sne.s32 s2, $0x0  }
0x42: {  	s3 =	rddreg [dreg:$0x2];
	[bflag:$0x3] =	sbarrier.arrive $0xFFFF;
	s2 =	simm.s32 @!p0 $0x1C01  }
0x43: {  	[timem:s3], [sflag:s2] =	dma.local @!p0 [hbm:s0], s1  }
0x44: {  	s0 =	simm.s32 @!p0 $0x1  }
0x45: {  	_ =	swait.ge @!p0 [sflag:s0], s1  }
0x46: {  	s1 =	ssub.s32 @!p0 $0x0, s1;
	[sflag:s0] =	ssyncset.done @!p0 $0x0  }
0x47: {  	[sflag:s0] =	ssyncadd.s32 @!p0 s1  }
0x48: {  	[bflag:$0x3] =	sbarrier.arrive $0xFFFF  }
0x49: {  	_ =	shalt  }

// kernel: sparse-core-data-format-call.cloned.1.call-start
scs
called_computation_lowered:
.L_overlay_start_0:
0x0: {  	s2 =	sld [smem:$0x3FD9]  }
0x1: {  	s3 =	sld [smem:$0x3FFE];
	_ =	sdelay $0x1  }
0x2: {  	s1 =	srdreg.scid  }
0x3: {  	s0 =	sand.u32 $0x1, s1  }
0x4: {  	s18 =	sshll.u32 s0, $0xA;
	s2 =	sadd.s32 s3, s2  }
0x5: {  	s2 =	sadd.s32 s2, s18  }
0x6: {  	[smem:$0x3FC6] =	sst s2  }
0x7: {  	_ = 	snop  }
0x8: {  	s2 =	sld [smem:$0x3FD0];
	(tm) =	ssettm $0x1  }
0x9: {  	s19 =	sld [smem:$0x3FFB];
	_ =	sdelay $0x3  }
0xa: {  	_ =	strace s19  }
0xb: {  	s3 =	sld [smem:$0x3FFC];
	_ =	sdelay $0x3  }
0xc: {  	_ =	strace s3  }
0xd: {  	s3 =	sld [smem:$0x3FFD];
	_ =	sdelay $0x3  }
0xe: {  	_ =	strace s3  }
0xf: {  	_ =	strace $0x8FFFFFFF  }
0x10: {  	s20 =	sld [smem:$0x3FDB];
	_ =	sdelay $0x1  }
0x11: {  	s4 =	simm.s32 $_scs_section_size  }
0x12: {  	s5 =	simm.s32 $_size__tile_overlayer_lowered;
	s6 =	simm.s32 $_tile_overlayer_lowered  }
0x13: {  	s23 =	simm.s32 $0x1BFF;
	s22 =	sshll.u32 s6, $0x1;
	s3 =	sadd.s32 s4, s20  }
0x14: {  	s7 =	simm.s32 $0x0;
	s21 =	sshll.u32 s5, $0x1;
	s5 =	sadd.s32 s22, s3  }
0x15: {  	[timem:s7], [sflag:s23] =	dma.local [hbm:s5], s21  }
0x16: {  	_ =	swait.ge [sflag:s23], s21  }
0x17: {  	s4 =	ssub.s32 $0x0, s21;
	[sflag:s23] =	ssyncset.done $0x0  }
0x18: {  	[sflag:s23] =	ssyncadd.s32 s4;
	_ =	sdelay $0x1  }
0x19: {  	s24 =	simm.s32 $0x1B8B  }
0x1a: {  	_ =	swait.ge [sflag:s24], $0x1  }
0x1b: {  	[sflag:s24] =	ssyncset.done $0x0  }
0x1c: {  	s26 =	simm.s32 $0x1B8E;
	s25 =	sld [smem:$0x3FFE];
	[sflag:s24] =	ssyncadd.s32 $0xFFFFFFFF  }
0x1d: {  	s27 =	simm.s32 $execute0_lowered;
	[smem:$0x3FD2] =	sst s26  }
0x1e: {  	s5 =	sshll.u32 s27, $0x1;
	_ =	strace $0x80000049;
	[dreg:$0x1] =	wrdreg $0xFFFFFFFF  }
0x1f: {  	s28 =	simm.s32 $_size_execute0_lowered;
	s3 =	sadd.s32 s3, s5;
	[dreg:$0x0] =	wrdreg $0x0  }
0x20: {  	s5 =	sshll.u32 s28, $0x1;
	[dreg:$0x2] =	wrdreg s3  }
0x21: {  	[dreg:$0x3] =	wrdreg s5  }
0x22: {  	[dreg:$0x4] =	wrdreg $0xC0  }
0x23: {  	_ =	task [dreg:s7], $0x5FFFF  }
0x24: {  	[dreg:$0x1] =	wrdreg $0xFFFFFFFF  }
0x25: {  	[dreg:$0x0] =	wrdreg $0x60  }
0x26: {  	[dreg:$0x2] =	wrdreg s25  }
0x27: {  	[dreg:$0x3] =	wrdreg s2  }
0x28: {  	[dreg:$0x4] =	wrdreg $0x9  }
0x29: {  	_ =	task.clear_ibuf [dreg:s7], $0x5FFFF;
	_ =	strace $0x90000049  }
0x2a: {  	s29 =	simm.s32 $0x9;
	_ =	strace $0x8000004B  }
0x2b: {  	_ =	swait.ge [sflag:s29], $0x1  }
0x2c: {  	[sflag:s29] =	ssyncadd.s32 $0xFFFFFFFF  }
0x2d: {  	_ =	strace $0x9000004B  }
0x2e: {  	_ =	sfence  }
0x2f: {  	s30 =	sld [smem:$0x0];
	_ =	sdelay $0x2  }
0x30: {  	s31 =	sshll.u32 s1, $0xD;
	s1 =	sshrl.u32 s1, $0x2  }
0x31: {  	s3 =	sand.u32 $0x4000, s31;
	s1 =	sadd.s32 s1, s30  }
0x32: {  	s0 =	sor.u32 s3, s0;
	s1 =	sshll.u32 s1, $0x11  }
0x33: {  	s0 =	sor.u32 s1, s0  }
0x34: {  	s0 =	sadd.s32 $0x8F2B, s0  }
0x35: {  	[sflag:s0] =	ssyncadd.remote.s32 $0x1  }
0x36: {  	_ =	sfence.sel $0xFFFF  }
0x37: {  	[dreg:$0x0] =	wrdreg $0xFFFFFFFF;
	(pc) =	sbr.abs _section_cstart, $3  }
0x38: {  	[dreg:$0x1] =	wrdreg $0xFFFFFFFF  }
0x39: {  	_ =	task.clear_ibuf [dreg:s7], $0x2FFFF;
	_ =	strace $0x9FFFFFFF  }
0x3a: {  	(tm) =	ssettm $0x7FFFFFFF  }
0x3b: {  	_ =	shalt  }
tec
execute0_lowered:
.L_overlay_start_1:
0x0: {  	(tag) =	ssettag $0x1  }
0x1: {  	s0 =	stileid.u32;
	s7 =	rddreg [dreg:$0x0]  }
0x2: {  	s1 =	srdreg.scid;
	s4 =	rddreg [dreg:$0x1];
	s31 =	simm.s32 $0x2  }
0x3: {  	s15 =	simm.s32 $0x0;
	s2 =	sshll.u32 s0, $0x3;
	s1 =	sshll.u32 s1, $0x7  }
0x4: {  	s10 =	simm.s32 $0x100000;
	s11 =	simm.s32 $0x0;
	s1 =	sor.u32 s2, s1  }
0x5: {  	s16 =	simm.s32 $0x0;
	s2 =	sand.u32 $0x1, s0;
	s1 =	sand.u32 $0xF0, s1  }
0x6: {  	s14 =	simm.s32 $0x0;
	s5 =	ssub.s32 $0x2, s2;
	s3 =	ssub.s32 $0x2000, s1  }
0x7: {  	s7 =	sadd.s32 $0x1001000, s7;
	s8 =	sshrl.u32 s5, $0x1;
	s6 =	sand.u32 $0xF0, s3  }
0x8: {  	s5 =	sand.u32 $0x1, s5;
	p0 =	sne.s32 s6, $0x0;
	s6 =	simm.s32 $0x1  }
.Ltmp0:
0x9: {  	s9 =	sshrl.u32 s3, $0x8;
	s6 =	simm.s32 @!p0 $0x0;
	(pc) =	sbr.rel .LBB1_1-.Ltmp0, $4  }
0xa: {  	s3 =	rddreg [dreg:$0x2];
	s8 =	sadd.s32 s5, s8;
	s6 =	sadd.s32 s6, s9  }
0xb: {  	_ =	strace $0x8000004A;
	s5 =	simm.s32 $0x1;
	s6 =	smul.u32 s8, s6  }
0xc: {  	s13 =	smov.u32 s2;
	s12 =	smov.u32 s1;
	[sflag:s5] =	ssyncpa.u1 $0x0  }
0xd: {  	[sflag:s31] =	ssyncpa.u1 $0x0;
	s9 =	simm.s32 $0x800;
	s8 =	sadd.s32 $0x1, s6  }
.LBB1_7:
0xe: {  	s17 =	sadd.s32 $0x100, s12  }
0xf: {  	s15 =	sadd.s32 $0x2, s13;
	s19 =	smov.u32 s13;
	p1 =	sgt.s32 s17, $0x1FFF  }
0x10: {  	s19 =	smov.u32 @p1 s15  }
0x11: {  	s17 =	smov.u32 @p1 s1;
	p1 =	sgt.s32 s19, $0x1  }
0x12: {  	s19 =	smov.u32 @p1 s2;
	p1 =	sne.s32 s14, s8  }
.Ltmp1:
0x13: {  	p0 =	slt.u32 s14, $0x2;
	(pc) =	sbr.rel @!p1 .LBB1_8-.Ltmp1, $4  }
0x14: {  	s18 =	simm.s32 @!p0 $0x2  }
0x15: {  	s16 =	smov.u32 s13;
	s11 =	sadd.s32 $0x4000, s11;
	_ =	swait.ge @!p0 [sflag:s18], $0x4000  }
0x16: {  	s15 =	smov.u32 s12;
	[sflag:s18] =	ssyncset.done @!p0 $0x0;
	s12 =	smov.u32 s17  }
0x17: {  	s14 =	sadd.s32 $0x1, s14;
	[sflag:s18] =	ssyncadd.s32 @!p0 $0xFFFFC000;
	s13 =	smov.u32 s19  }
.LBB1_1:
0x18: {  	p0 =	sge.u32 s14, s6  }
0x19: {  	s31 =	sadd.s32 $0xFFFFFFFF, s14;
	s17 =	sxor.u32 @!p0 $0xFFFFFFFF, s14;
	s18 =	sshll.u32 @!p0 s13, $0x14  }
0x1a: {  	s19 =	sshll.u32 @!p0 s12, $0x7;
	s17 =	sshll.u32 @!p0 s17, $0xE;
	s18 =	sadd.s32 @!p0 s7, s18  }
0x1b: {  	s17 =	sand.u32 @!p0 $0x4000, s17;
	s18 =	sadd.s32 @!p0 s19, s18;
	s19 =	simm.s32 @!p0 $0x0  }
0x1c: {  	[tilespmem:s17], [sflag:$0x1] =	stream.linear.gather @!p0 [hbm4b:s18+s19], $0x4000, $0x38;
	[tilespmem:$0x10000] =	vst v63  }
0x1d: {  	p0 =	sge.u32 s31, s6  }
.Ltmp2:
0x1e: {  	_ = 	snop;
	(pc) =	sbr.rel @p0 .LBB1_7-.Ltmp2, $1  }
0x1f: {  	_ =	sdelay $0x3  }
0x20: {  	s18 =	sand.u32 $0x4000, s11  }
0x21: {  	_ =	swait.ge [sflag:s5], $0x4000;
	s20 =	sshll.u32 s14, $0xE;
	s17 =	sor.u32 $0x8040, s18  }
0x22: {  	s19 =	sor.u32 $0x40, s18;
	[sflag:s5] =	ssyncset.done $0x0;
	s31 =	sand.u32 $0x4000, s20  }
0x23: {  	s20 =	simm.s32 $0x0;
	[sflag:s5] =	ssyncadd.s32 $0xFFFFC000;
	s18 =	sor.u32 $0x8000, s31  }
.LBB1_3:
0x24: {  	v0 =	vmov s19;
	_ =	sdelay $0x3  }
0x25: {  	s22 =	simm.s32 $0x0  }
0x26: {  	v6 =	vld.idx.msk [tilespmem:v0+s22+$0x30 ss:$0x1], $0xffff  }
0x27: {  	v7 =	vld.idx.msk [tilespmem:v0+s22+$0xFFFFFFC0 ss:$0x1], $0xffff  }
0x28: {  	v5 =	vld.idx.msk [tilespmem:v0+s22+$0xFFFFFFD0 ss:$0x1], $0xffff  }
0x29: {  	v4 =	vld.idx.msk [tilespmem:v0+s22+$0xFFFFFFE0 ss:$0x1], $0xffff  }
0x2a: {  	v3 =	vld.idx.msk [tilespmem:v0+s22+$0xFFFFFFF0 ss:$0x1], $0xffff  }
0x2b: {  	v1 =	vld.idx.msk [tilespmem:v0+s22+$0x0 ss:$0x1], $0xffff  }
0x2c: {  	v2 =	vld.idx.msk [tilespmem:v0+s22+$0x10 ss:$0x1], $0xffff;
	[tilespmem:s17+$0x30] =	vst v6  }
0x2d: {  	s21 =	simm.s32 $0x80;
	s23 =	simm.s32 $0x400;
	[tilespmem:s17+$0xFFFFFFC0] =	vst v7;
	v6 =	vld.idx.msk [tilespmem:v0+s22+$0x20 ss:$0x1], $0xffff;
	s22 =	smov.u32 s17  }
.LBB1_4:
0x2e: {  	p0 =	sne.s32 s23, $0xE00;
	v7 =	vld.idx.msk [tilespmem:v0+s21+$0x30 ss:$0x1], $0xffff;
	[tilespmem:s22+$0xFFFFFFD0] =	vst v5  }
0x2f: {  	v8 =	vld.idx.msk [tilespmem:v0+s21+$0xFFFFFFC0 ss:$0x1], $0xffff;
	[tilespmem:s22+$0xFFFFFFE0] =	vst v4  }
0x30: {  	v5 =	vld.idx.msk [tilespmem:v0+s21+$0xFFFFFFD0 ss:$0x1], $0xffff;
	[tilespmem:s22+$0xFFFFFFF0] =	vst v3  }
.Ltmp3:
0x31: {  	v4 =	vld.idx.msk [tilespmem:v0+s21+$0xFFFFFFE0 ss:$0x1], $0xffff;
	[tilespmem:s22+$0x0] =	vst v1;
	(pc) =	sbr.rel @p0 .LBB1_4-.Ltmp3, $4  }
0x32: {  	v3 =	vld.idx.msk [tilespmem:v0+s21+$0xFFFFFFF0 ss:$0x1], $0xffff;
	[tilespmem:s22+$0x10] =	vst v2  }
0x33: {  	v1 =	vld.idx.msk [tilespmem:v0+s21+$0x0 ss:$0x1], $0xffff;
	[tilespmem:s22+$0x20] =	vst v6;
	s22 =	sadd.s32 $0x800, s22  }
0x34: {  	v2 =	vld.idx.msk [tilespmem:v0+s21+$0x10 ss:$0x1], $0xffff;
	[tilespmem:s22+$0x30] =	vst v7  }
0x35: {  	[tilespmem:s22+$0xFFFFFFC0] =	vst v8;
	v6 =	vld.idx.msk [tilespmem:v0+s21+$0x20 ss:$0x1], $0xffff;
	s21 =	sshra.s32 s23, $0x2;
	s23 =	sadd.s32 $0x200, s23  }
0x36: {  	_ =	sdelay $0x2  }
0x37: {  	[tilespmem:s22+$0xFFFFFFD0] =	vst v5  }
0x38: {  	v56 =	vld.idx.msk [tilespmem:v0+s21+$0x30 ss:$0x1], $0xffff;
	[tilespmem:s22+$0xFFFFFFE0] =	vst v4  }
0x39: {  	v57 =	vld.idx.msk [tilespmem:v0+s21+$0xFFFFFFC0 ss:$0x1], $0xffff;
	[tilespmem:s22+$0xFFFFFFF0] =	vst v3  }
0x3a: {  	v58 =	vld.idx.msk [tilespmem:v0+s21+$0xFFFFFFD0 ss:$0x1], $0xffff;
	[tilespmem:s22+$0x0] =	vst v1  }
0x3b: {  	v59 =	vld.idx.msk [tilespmem:v0+s21+$0xFFFFFFE0 ss:$0x1], $0xffff;
	[tilespmem:s22+$0x10] =	vst v2  }
0x3c: {  	v60 =	vld.idx.msk [tilespmem:v0+s21+$0xFFFFFFF0 ss:$0x1], $0xffff;
	s31 =	sadd.s32 $0x800, s22;
	[tilespmem:s22+$0x20] =	vst v6  }
0x3d: {  	v61 =	vld.idx.msk [tilespmem:v0+s21+$0x0 ss:$0x1], $0xffff;
	[tilespmem:s31+$0x30] =	vst v56  }
0x3e: {  	v62 =	vld.idx.msk [tilespmem:v0+s21+$0x10 ss:$0x1], $0xffff;
	s20 =	sadd.s32 $0x1, s20;
	[tilespmem:s31+$0xFFFFFFC0] =	vst v57  }
0x3f: {  	v63 =	vld.idx.msk [tilespmem:v0+s21+$0x20 ss:$0x1], $0xffff;
	p0 =	sne.s32 s20, $0x10;
	[tilespmem:s31+$0xFFFFFFD0] =	vst v58  }
.Ltmp4:
0x40: {  	[tilespmem:s31+$0xFFFFFFE0] =	vst v59;
	(pc) =	sbr.rel @p0 .LBB1_3-.Ltmp4, $4  }
0x41: {  	[tilespmem:s31+$0xFFFFFFF0] =	vst v60  }
0x42: {  	[tilespmem:s31+$0x0] =	vst v61  }
0x43: {  	[tilespmem:s31+$0x10] =	vst v62  }
0x44: {  	s17 =	sadd.s32 $0x80, s17;
	s19 =	sadd.s32 $0x400, s19;
	[tilespmem:s31+$0x20] =	vst v63  }
.Ltmp5:
0x45: {  	(pc) =	sbr.rel .LBB1_7-.Ltmp5, $4  }
0x46: {  	s16 =	sshll.u32 s16, $0x14;
	s15 =	sshll.u32 s15, $0x4  }
0x47: {  	s15 =	sand.u32 $0x1FFF0, s15;
	s16 =	sadd.s32 s4, s16  }
0x48: {  	s15 =	sadd.s32 s15, s16  }
0x49: {  	[hbm4b:s15+s9] =	stream.strided.scatter [tilespmem:s18], [sflag:$0x2], $0x4000, s10, s9, $0x38;
	[tilespmem:$0x10000] =	vst v63  }
.LBB1_8:
0x4a: {  	_ =	sfence.sel $0x180000  }
0x4b: {  	s1 =	simm.s32 $0x1;
	[bflag:$0x0] =	sbarrier.arrive $0xFFFF  }
0x4c: {  	s31 =	simm.s32 $0x2;
	[sflag:s1] =	ssyncpa.u1 $0x1  }
0x4d: {  	[sflag:s31] =	ssyncpa.u1 $0x1  }
0x4e: {  	p0 =	sne.s32 s0, $0x0;
	_ =	strace $0x9000004A  }
0x4f: {  	s0 =	sadd.s32 @!p0 $0x100000, s3;
	[bflag:$0x2] =	sbarrier.arrive $0xFFFF  }
0x50: {  	[sflag:s0] =	ssyncadd.tile.s32 @!p0 $0x1;
	_ =	shalt  }
.Lfunc_end1:
_tile_overlayer_lowered:
.L_overlay_start_2:
0x51: {  	(tag) =	ssettag $0x2  }
0x52: {  	s0 =	rddreg [dreg:$0x0];
	s2 =	stileid.u32  }
0x53: {  	s1 =	rddreg [dreg:$0x1];
	p0 =	sne.s32 s2, $0x0  }
0x54: {  	s3 =	rddreg [dreg:$0x2];
	[bflag:$0x3] =	sbarrier.arrive $0xFFFF;
	s2 =	simm.s32 @!p0 $0x1C01  }
0x55: {  	[timem:s3], [sflag:s2] =	dma.local @!p0 [hbm:s0], s1  }
0x56: {  	s0 =	simm.s32 @!p0 $0x1  }
0x57: {  	_ =	swait.ge @!p0 [sflag:s0], s1  }
0x58: {  	s1 =	ssub.s32 @!p0 $0x0, s1;
	[sflag:s0] =	ssyncset.done @!p0 $0x0  }
0x59: {  	[sflag:s0] =	ssyncadd.s32 @!p0 s1  }
0x5a: {  	[bflag:$0x3] =	sbarrier.arrive $0xFFFF  }
0x5b: {  	_ =	shalt  }

</sc_bundles>
